<compile_context>
chip_gen: v7x
topology: tpu7x:2x2x1
jax: 0.10.2.dev20260603
libtpu: 0.0.44.dev20260713+nightly
codegen_flags: <defaults>
</compile_context>

<pallas_src>
import functools

import jax
import jax.numpy as jnp
from jax import lax
from jax.experimental import pallas as pl
from jax.experimental.pallas import tpu as pltpu
from jax.experimental.pallas import tpu_sc as plsc

N = 10000
N_SPLIT = 2
NH = N // N_SPLIT
KN = 32
K = 15
KP = 16
CIN = 128
C1 = 64
CB = 32
COUT = 128
A = 16
H = 256

NC = 2
NS = 16
NW = NC * NS
PER_W = (NH * KN) // NW
CHUNK = 400
N_CHUNKS = PER_W // CHUNK

BLK = 200
GRID = NH // BLK
SB = 8
NSB = BLK // SB
SROW = SB * KP
SCOL = SB * KN


def _sc_gather_feat_pts(nbr_hbm, feat_hbm, px_hbm, py_hbm, pz_hbm,
                        nf_out, nx_out, ny_out, nz_out,
                        idx_a, idx_b, rows_a, rows_b, cx_a, cx_b,
                        cy_a, cy_b, cz_a, cz_b, gs_a, gs_b, ws_a, ws_b):
    wid = lax.axis_index("s") * NC + lax.axis_index("c")
    base = wid * PER_W

    def fire(off, idx_v, rows_v, cx_v, cy_v, cz_v, gs):
        pltpu.sync_copy(nbr_hbm.at[pl.ds(off, CHUNK)], idx_v)
        return (pltpu.async_copy(feat_hbm.at[idx_v], rows_v, gs),
                pltpu.async_copy(px_hbm.at[idx_v], cx_v, gs),
                pltpu.async_copy(py_hbm.at[idx_v], cy_v, gs),
                pltpu.async_copy(pz_hbm.at[idx_v], cz_v, gs))

    def writeback(off, rows_v, cx_v, cy_v, cz_v, ws):
        return (pltpu.async_copy(rows_v, nf_out.at[pl.ds(off, CHUNK)], ws),
                pltpu.async_copy(cx_v, nx_out.at[pl.ds(off, CHUNK)], ws),
                pltpu.async_copy(cy_v, ny_out.at[pl.ds(off, CHUNK)], ws),
                pltpu.async_copy(cz_v, nz_out.at[pl.ds(off, CHUNK)], ws))

    def pair(off0, off1):
        cps_a = fire(off0, idx_a, rows_a, cx_a, cy_a, cz_a, gs_a)
        cps_b = fire(off1, idx_b, rows_b, cx_b, cy_b, cz_b, gs_b)
        for c in cps_a:
            c.wait()
        wb_a = writeback(off0, rows_a, cx_a, cy_a, cz_a, ws_a)
        for c in cps_b:
            c.wait()
        wb_b = writeback(off1, rows_b, cx_b, cy_b, cz_b, ws_b)
        for c in wb_a:
            c.wait()
        for c in wb_b:
            c.wait()

    def body(j, carry):
        off0 = base + (2 * j) * CHUNK
        pair(off0, off0 + CHUNK)
        return carry

    lax.fori_loop(0, N_CHUNKS // 2, body, 0)
    if N_CHUNKS % 2:
        off = base + (N_CHUNKS - 1) * CHUNK
        cps = fire(off, idx_a, rows_a, cx_a, cy_a, cz_a, gs_a)
        for c in cps:
            c.wait()
        for c in writeback(off, rows_a, cx_a, cy_a, cz_a, ws_a):
            c.wait()


def _sc_gather_y(nbr_hbm, y_hbm, ny_out, idx_a, idx_b, rows_a, rows_b,
                 gs_a, gs_b, ws_a, ws_b):
    wid = lax.axis_index("s") * NC + lax.axis_index("c")
    base = wid * PER_W

    def pair(off0, off1):
        pltpu.sync_copy(nbr_hbm.at[pl.ds(off0, CHUNK)], idx_a)
        cp_a = pltpu.async_copy(y_hbm.at[idx_a], rows_a, gs_a)
        pltpu.sync_copy(nbr_hbm.at[pl.ds(off1, CHUNK)], idx_b)
        cp_b = pltpu.async_copy(y_hbm.at[idx_b], rows_b, gs_b)
        cp_a.wait()
        wb_a = pltpu.async_copy(rows_a, ny_out.at[pl.ds(off0, CHUNK)], ws_a)
        cp_b.wait()
        wb_b = pltpu.async_copy(rows_b, ny_out.at[pl.ds(off1, CHUNK)], ws_b)
        wb_a.wait()
        wb_b.wait()

    def body(j, carry):
        off0 = base + (2 * j) * CHUNK
        pair(off0, off0 + CHUNK)
        return carry

    lax.fori_loop(0, N_CHUNKS // 2, body, 0)
    if N_CHUNKS % 2:
        off = base + (N_CHUNKS - 1) * CHUNK
        pltpu.sync_copy(nbr_hbm.at[pl.ds(off, CHUNK)], idx_a)
        pltpu.async_copy(y_hbm.at[idx_a], rows_a, gs_a).wait()
        pltpu.async_copy(rows_a, ny_out.at[pl.ds(off, CHUNK)], ws_a).wait()


def _leaky(v):
    return jnp.where(v >= 0, v, 0.1 * v)


def _influence(nx, ny, nz, qx, qy, qz, kp):
    dx = (nx - qx)[:, None, :] - kp[0][None, :, :]
    dy = (ny - qy)[:, None, :] - kp[1][None, :, :]
    dz = (nz - qz)[:, None, :] - kp[2][None, :, :]
    d2 = dx * dx + dy * dy + dz * dz
    dist = jnp.sqrt(d2 + 1e-12)
    return jnp.maximum(0.0, 1.0 - dist)


def _weighted(infl, rows, mask, cdim):
    tiles = infl.reshape(NSB, SROW, KN)
    tiles = jnp.concatenate([tiles] * SB, axis=-1)
    s_all = tiles * mask[None]
    rows_sb = rows.reshape(NSB, SCOL, cdim)
    outs = [jnp.dot(s_all[j], rows_sb[j], preferred_element_type=jnp.float32)
            for j in range(NSB)]
    wcat = jnp.concatenate(outs, axis=0)
    return wcat.reshape(BLK, KP, cdim)


def _tc1_body(nf_ref, nx_ref, ny_ref, nz_ref, qx_ref, qy_ref, qz_ref,
              kp_ref, mask_ref, ws_ref, wra_ref, x_ref, y1_ref):
    infl = _influence(nx_ref[...], ny_ref[...], nz_ref[...],
                      qx_ref[...], qy_ref[...], qz_ref[...], kp_ref[...])
    w = _weighted(infl, nf_ref[...], mask_ref[...], CIN)
    acc = jnp.zeros((BLK, C1), dtype=jnp.float32)
    for p in range(K):
        acc = acc + jnp.dot(w[:, p, :], ws_ref[p],
                            preferred_element_type=jnp.float32)
    x = _leaky(acc)
    x_ref[...] = x
    y1_ref[...] = _leaky(jnp.dot(x, wra_ref[...],
                                 preferred_element_type=jnp.float32))


def _tc2_body(is_last, nyr_ref, nx_ref, ny_ref, nz_ref, qx_ref, qy_ref,
              qz_ref, kp_ref, mask_ref, x_ref, wrk_ref, wrb_ref,
              wsc_ref, gprev_ref, ba_ref, wh1_ref, bh1_ref, wh2_ref,
              bh2_ref, wq_ref, bq_ref, out_ref, acc_ref):
    i = pl.program_id(0)
    infl = _influence(nx_ref[...], ny_ref[...], nz_ref[...],
                      qx_ref[...], qy_ref[...], qz_ref[...], kp_ref[...])
    w = _weighted(infl, nyr_ref[...], mask_ref[...], CB)
    yacc = jnp.zeros((BLK, CB), dtype=jnp.float32)
    for p in range(K):
        yacc = yacc + jnp.dot(w[:, p, :], wrk_ref[p],
                              preferred_element_type=jnp.float32)
    y = _leaky(yacc)
    y = jnp.dot(y, wrb_ref[...], preferred_element_type=jnp.float32)
    x = x_ref[...]
    x2 = _leaky(y + jnp.dot(x, wsc_ref[...],
                            preferred_element_type=jnp.float32))
    partial = jnp.sum(x2, axis=0, keepdims=True)

    @pl.when(i == 0)
    def _():
        acc_ref[...] = gprev_ref[...] + partial

    @pl.when(i > 0)
    def _():
        acc_ref[...] = acc_ref[...] + partial

    if not is_last:
        @pl.when(i == GRID - 1)
        def _():
            out_ref[...] = acc_ref[...]
    else:
        @pl.when(i == GRID - 1)
        def _():
            g = acc_ref[...] * (1.0 / N)
            h = jnp.concatenate([g, ba_ref[...]], axis=1)
            h = jnp.maximum(0.0, jnp.dot(h, wh1_ref[...],
                                         preferred_element_type=jnp.float32)
                            + bh1_ref[...])
            h = jnp.maximum(0.0, jnp.dot(h, wh2_ref[...],
                                         preferred_element_type=jnp.float32)
                            + bh2_ref[...])
            out_ref[...] = jnp.dot(h, wq_ref[...],
                                   preferred_element_type=jnp.float32) \
                + bq_ref[...]


def _make_sc_gather_feat_pts():
    mesh = plsc.VectorSubcoreMesh(core_axis_name="c", subcore_axis_name="s",
                                  num_cores=NC, num_subcores=NS)
    return pl.kernel(
        _sc_gather_feat_pts,
        out_type=(
            jax.ShapeDtypeStruct((NH * KN, CIN), jnp.float32),
            jax.ShapeDtypeStruct((NH * KN,), jnp.float32),
            jax.ShapeDtypeStruct((NH * KN,), jnp.float32),
            jax.ShapeDtypeStruct((NH * KN,), jnp.float32),
        ),
        mesh=mesh,
        compiler_params=pltpu.CompilerParams(use_tc_tiling_on_sc=False),
        scratch_types=[
            pltpu.VMEM((CHUNK,), jnp.int32),
            pltpu.VMEM((CHUNK,), jnp.int32),
            pltpu.VMEM((CHUNK, CIN), jnp.float32),
            pltpu.VMEM((CHUNK, CIN), jnp.float32),
            pltpu.VMEM((CHUNK,), jnp.float32),
            pltpu.VMEM((CHUNK,), jnp.float32),
            pltpu.VMEM((CHUNK,), jnp.float32),
            pltpu.VMEM((CHUNK,), jnp.float32),
            pltpu.VMEM((CHUNK,), jnp.float32),
            pltpu.VMEM((CHUNK,), jnp.float32),
            pltpu.SemaphoreType.DMA,
            pltpu.SemaphoreType.DMA,
            pltpu.SemaphoreType.DMA,
            pltpu.SemaphoreType.DMA,
        ],
    )


def _make_sc_gather_y():
    mesh = plsc.VectorSubcoreMesh(core_axis_name="c", subcore_axis_name="s",
                                  num_cores=NC, num_subcores=NS)
    return pl.kernel(
        _sc_gather_y,
        out_type=jax.ShapeDtypeStruct((NH * KN, CB), jnp.float32),
        mesh=mesh,
        compiler_params=pltpu.CompilerParams(use_tc_tiling_on_sc=False),
        scratch_types=[
            pltpu.VMEM((CHUNK,), jnp.int32),
            pltpu.VMEM((CHUNK,), jnp.int32),
            pltpu.VMEM((CHUNK, CB), jnp.float32),
            pltpu.VMEM((CHUNK, CB), jnp.float32),
            pltpu.SemaphoreType.DMA,
            pltpu.SemaphoreType.DMA,
            pltpu.SemaphoreType.DMA,
            pltpu.SemaphoreType.DMA,
        ],
    )


def _plane_specs():
    return [
        pl.BlockSpec((BLK, KN), lambda i: (i, 0)),
        pl.BlockSpec((BLK, KN), lambda i: (i, 0)),
        pl.BlockSpec((BLK, KN), lambda i: (i, 0)),
        pl.BlockSpec((BLK, 1), lambda i: (i, 0)),
        pl.BlockSpec((BLK, 1), lambda i: (i, 0)),
        pl.BlockSpec((BLK, 1), lambda i: (i, 0)),
        pl.BlockSpec((3, KP, 1), lambda i: (0, 0, 0)),
        pl.BlockSpec((SROW, SCOL), lambda i: (0, 0)),
    ]


def _make_tc1():
    return pl.pallas_call(
        _tc1_body,
        grid=(GRID,),
        in_specs=[pl.BlockSpec((BLK * KN, CIN), lambda i: (i, 0))]
        + _plane_specs()
        + [
            pl.BlockSpec((K, CIN, C1), lambda i: (0, 0, 0)),
            pl.BlockSpec((C1, CB), lambda i: (0, 0)),
        ],
        out_specs=[
            pl.BlockSpec((BLK, C1), lambda i: (i, 0)),
            pl.BlockSpec((BLK, CB), lambda i: (i, 0)),
        ],
        out_shape=[
            jax.ShapeDtypeStruct((NH, C1), jnp.float32),
            jax.ShapeDtypeStruct((NH, CB), jnp.float32),
        ],
    )


def _make_tc2(is_last):
    return pl.pallas_call(
        functools.partial(_tc2_body, is_last),
        grid=(GRID,),
        in_specs=[pl.BlockSpec((BLK * KN, CB), lambda i: (i, 0))]
        + _plane_specs()
        + [
            pl.BlockSpec((BLK, C1), lambda i: (i, 0)),
            pl.BlockSpec((K, CB, CB), lambda i: (0, 0, 0)),
            pl.BlockSpec((CB, COUT), lambda i: (0, 0)),
            pl.BlockSpec((C1, COUT), lambda i: (0, 0)),
            pl.BlockSpec((1, COUT), lambda i: (0, 0)),
            pl.BlockSpec((1, A), lambda i: (0, 0)),
            pl.BlockSpec((COUT + A, H), lambda i: (0, 0)),
            pl.BlockSpec((1, H), lambda i: (0, 0)),
            pl.BlockSpec((H, H), lambda i: (0, 0)),
            pl.BlockSpec((1, H), lambda i: (0, 0)),
            pl.BlockSpec((H, 1), lambda i: (0, 0)),
            pl.BlockSpec((1, 1), lambda i: (0, 0)),
        ],
        out_specs=pl.BlockSpec(
            (1, 1) if is_last else (1, COUT), lambda i: (0, 0)),
        out_shape=jax.ShapeDtypeStruct(
            (1, 1) if is_last else (1, COUT), jnp.float32),
        scratch_shapes=[pltpu.VMEM((1, COUT), jnp.float32)],
    )


def _block_diag_mask():
    r = jnp.arange(SROW)[:, None] // KP
    c = jnp.arange(SCOL)[None, :] // KN
    return (r == c).astype(jnp.float32)


def kernel(features, points, neighbors, batch_action, kernel_points,
           W_simple, W_ra, W_rk, W_rb, W_sc, Wh1, bh1, Wh2, bh2, Wq, bq):
    nbr = neighbors.reshape(-1).astype(jnp.int32)
    pts = points.astype(jnp.float32)
    px, py, pz = pts[:, 0], pts[:, 1], pts[:, 2]
    kp = jnp.pad(kernel_points.astype(jnp.float32).T, ((0, 0), (0, 1)),
                 constant_values=1e3).reshape(3, KP, 1)
    mask = _block_diag_mask()

    sc1 = _make_sc_gather_feat_pts()
    tc1 = _make_tc1()
    scy = _make_sc_gather_y()

    halves = []
    for h_i in range(N_SPLIT):
        nbr_h = lax.slice_in_dim(nbr, h_i * NH * KN, (h_i + 1) * NH * KN)
        nf_flat, nx_f, ny_f, nz_f = sc1(nbr_h, features, px, py, pz)
        halves.append((
            nbr_h, nf_flat,
            nx_f.reshape(NH, KN), ny_f.reshape(NH, KN), nz_f.reshape(NH, KN),
            lax.slice_in_dim(px, h_i * NH, (h_i + 1) * NH).reshape(NH, 1),
            lax.slice_in_dim(py, h_i * NH, (h_i + 1) * NH).reshape(NH, 1),
            lax.slice_in_dim(pz, h_i * NH, (h_i + 1) * NH).reshape(NH, 1),
        ))

    xs, y1s = [], []
    for (nbr_h, nf_flat, nx, nyc, nz, qx, qy, qz) in halves:
        x_h, y1_h = tc1(nf_flat, nx, nyc, nz, qx, qy, qz, kp, mask,
                        W_simple, W_ra)
        xs.append(x_h)
        y1s.append(y1_h)
    y1 = jnp.concatenate(y1s, axis=0)

    nys = [scy(h[0], y1) for h in halves]

    gprev = jnp.zeros((1, COUT), jnp.float32)
    out = None
    for h_i in range(N_SPLIT):
        (nbr_h, nf_flat, nx, nyc, nz, qx, qy, qz) = halves[h_i]
        out = _make_tc2(h_i == N_SPLIT - 1)(
            nys[h_i], nx, nyc, nz, qx, qy, qz, kp, mask, xs[h_i],
            W_rk, W_rb, W_sc, gprev, batch_action, Wh1, bh1.reshape(1, H),
            Wh2, bh2.reshape(1, H), Wq, bq.reshape(1, 1))
        gprev = out
    return out

# --- scband reference (transcript-rebuilt; emitter-appended) ---
"""Pipeline reference for scband-kpcnn-qfunction-80582176408033 (READ-ONLY COPY).

The authoritative reference and input builder live on the scoring server;
editing this copy changes nothing except your own understanding.
"""

import jax, jax.numpy as jnp
import numpy as np


def setup_inputs(seed: int = 0) -> dict:
    key = jax.random.key(seed)
    ks = jax.random.split(key, 16)
    N, Kn, K = 10000, 32, 15
    Cin, C1, Cb, Cout, A, H = 128, 64, 32, 128, 16, 256
    inp = {}
    inp["features"] = jax.random.normal(ks[0], (N, Cin), dtype=jnp.float32)
    inp["points"] = jax.random.uniform(ks[1], (N, 3), dtype=jnp.float32)
    inp["neighbors"] = jax.random.randint(ks[2], (N, Kn), 0, N)
    inp["batch_action"] = jax.random.normal(ks[3], (1, A), dtype=jnp.float32)
    inp["kernel_points"] = jax.random.normal(ks[4], (K, 3), dtype=jnp.float32) * 0.5
    inp["W_simple"] = jax.random.normal(ks[5], (K, Cin, C1), dtype=jnp.float32) * 0.05
    inp["W_ra"] = jax.random.normal(ks[6], (C1, Cb), dtype=jnp.float32) * 0.1
    inp["W_rk"] = jax.random.normal(ks[7], (K, Cb, Cb), dtype=jnp.float32) * 0.05
    inp["W_rb"] = jax.random.normal(ks[8], (Cb, Cout), dtype=jnp.float32) * 0.1
    inp["W_sc"] = jax.random.normal(ks[9], (C1, Cout), dtype=jnp.float32) * 0.1
    inp["Wh1"] = jax.random.normal(ks[10], (Cout + A, H), dtype=jnp.float32) * 0.1
    inp["bh1"] = jnp.zeros((H,), dtype=jnp.float32)
    inp["Wh2"] = jax.random.normal(ks[11], (H, H), dtype=jnp.float32) * 0.1
    inp["bh2"] = jnp.zeros((H,), dtype=jnp.float32)
    inp["Wq"] = jax.random.normal(ks[12], (H, 1), dtype=jnp.float32) * 0.1
    inp["bq"] = jnp.zeros((1,), dtype=jnp.float32)
    return inp


def reference(features, points, neighbors, batch_action, kernel_points, W_simple, W_ra, W_rk, W_rb, W_sc, Wh1, bh1, Wh2, bh2, Wq, bq):
    sigma = 1.0

    def kpconv(feats, W):
        # gather neighbor coordinates and features (memory-bound gathers)
        neighb_pts = points[neighbors] - points[:, None, :]        # [N, Kn, 3]
        diffs = neighb_pts[:, :, None, :] - kernel_points[None, None, :, :]  # [N, Kn, K, 3]
        dist = jnp.sqrt(jnp.sum(diffs * diffs, axis=-1) + 1e-12)    # [N, Kn, K]
        infl = jnp.maximum(0.0, 1.0 - dist / sigma)                 # linear kernel influence
        nf = feats[neighbors]                                       # [N, Kn, Cin]
        weighted = jnp.einsum('nkp,nkc->npc', infl, nf)             # [N, K, Cin]
        return jnp.einsum('npc,pcd->nd', weighted, W)               # [N, Cout]

    lrelu = lambda v: jax.nn.leaky_relu(v, 0.1)
    # 'simple' block: KPConv(in_dim=128 -> first_features_dim//2=64)
    x = lrelu(kpconv(features, W_simple))
    # 'resnetb' block: unary -> KPConv -> unary + shortcut (64 -> 128)
    y = lrelu(x @ W_ra)
    y = lrelu(kpconv(y, W_rk))
    y = y @ W_rb
    x = lrelu(y + x @ W_sc)
    # 'global_average' block
    g = jnp.mean(x, axis=0, keepdims=True)                          # [1, 128]
    # q-head: concat action, MLP, scalar q
    h = jnp.concatenate([g, batch_action], axis=1)                  # [1, 144]
    h = jax.nn.relu(h @ Wh1 + bh1)
    h = jax.nn.relu(h @ Wh2 + bh2)
    q = h @ Wq + bq
    return q

if __name__ == "__main__":
    import jax
    _d = setup_inputs()
    print(jax.jit(kernel)(*tuple(_d.values())))

</pallas_src>

<mosaic_0001>
#map = affine_map<(d0, d1) -> (0)>
#map1 = affine_map<(d0, d1) -> (0, 0)>
module attributes {stable_mosaic.version = 14 : i64} {
  func.func @_sc_gather_feat_pts(%arg0: i32, %arg1: i32, %arg2: memref<160000xi32, #tpu.memory_space<hbm>>, %arg3: memref<10000x128xf32, #tpu.memory_space<hbm>>, %arg4: memref<10000xf32, #tpu.memory_space<hbm>>, %arg5: memref<10000xf32, #tpu.memory_space<hbm>>, %arg6: memref<10000xf32, #tpu.memory_space<hbm>>, %arg7: memref<160000x128xf32, #tpu.memory_space<hbm>>, %arg8: memref<160000xf32, #tpu.memory_space<hbm>>, %arg9: memref<160000xf32, #tpu.memory_space<hbm>>, %arg10: memref<160000xf32, #tpu.memory_space<hbm>>, %arg11: memref<400xi32, #tpu.memory_space<vmem>>, %arg12: memref<400xi32, #tpu.memory_space<vmem>>, %arg13: memref<400x128xf32, #tpu.memory_space<vmem>>, %arg14: memref<400x128xf32, #tpu.memory_space<vmem>>, %arg15: memref<400xf32, #tpu.memory_space<vmem>>, %arg16: memref<400xf32, #tpu.memory_space<vmem>>, %arg17: memref<400xf32, #tpu.memory_space<vmem>>, %arg18: memref<400xf32, #tpu.memory_space<vmem>>, %arg19: memref<400xf32, #tpu.memory_space<vmem>>, %arg20: memref<400xf32, #tpu.memory_space<vmem>>, %arg21: memref<!tpu.dma_semaphore, #tpu.memory_space<semaphore_mem>>, %arg22: memref<!tpu.dma_semaphore, #tpu.memory_space<semaphore_mem>>, %arg23: memref<!tpu.dma_semaphore, #tpu.memory_space<semaphore_mem>>, %arg24: memref<!tpu.dma_semaphore, #tpu.memory_space<semaphore_mem>>) attributes {dimension_semantics = [#tpu.dimension_semantics<core_parallel>, #tpu.dimension_semantics<subcore_parallel>], iteration_bounds = array<i64: 2, 16>, scalar_prefetch = 0 : i64, scratch_operands = 14 : i64, tpu.core_type = #tpu.core_type<sc_vector_subcore>, window_params = [{transform_indices = #map}, {transform_indices = #map1}, {transform_indices = #map}, {transform_indices = #map}, {transform_indices = #map}, {transform_indices = #map1}, {transform_indices = #map}, {transform_indices = #map}, {transform_indices = #map}]} {
    %mul3A = arith.constant 2 : i32
    %mul3A_0 = arith.muli %arg1, %mul3A : i32
    %add3A = arith.addi %mul3A_0, %arg0 : i32
    %mul3A_1 = arith.constant 5000 : i32
    %mul3A_2 = arith.muli %add3A, %mul3A_1 : i32
    %scan3A = arith.constant 0 : i32
    %scan3A_3 = arith.constant 0 : i32
    %scan3A_4 = arith.constant 6 : i32
    %scan3A_5 = arith.addi %scan3A_3, %scan3A_4 : i32
    %scan3A_6 = arith.constant 1 : i32
    scf.for %scan3A_8 = %scan3A_3 to %scan3A_5 step %scan3A_6  : i32 {
      %mul3A_9 = arith.constant 2 : i32
      %mul3A_10 = arith.muli %mul3A_9, %scan3A_8 : i32
      %mul3A_11 = arith.constant 400 : i32
      %mul3A_12 = arith.muli %mul3A_10, %mul3A_11 : i32
      %add3A_13 = arith.addi %mul3A_2, %mul3A_12 : i32
      %add3A_14 = arith.constant 400 : i32
      %add3A_15 = arith.addi %add3A_13, %add3A_14 : i32
      "tpu.region"() ({
        %run_scoped3A = tpu.sem_alloc : memref<!tpu.dma_semaphore, #tpu.memory_space<semaphore_mem>>
        %dma_start3A_90 = tpu.memref_slice %arg2[%add3A_13] : memref<160000xi32, #tpu.memory_space<hbm>> -> memref<400xi32, #tpu.memory_space<hbm>>
        %dma_start3A_91 = tpu.memref_slice %arg2[%add3A_13] : memref<160000xi32, #tpu.memory_space<hbm>> -> memref<400xi32, #tpu.memory_space<hbm>>
        tpu.enqueue_dma source(%dma_start3A_91 : memref<400xi32, #tpu.memory_space<hbm>>) target(%arg11 : memref<400xi32, #tpu.memory_space<vmem>>) target_semaphore(%run_scoped3A : memref<!tpu.dma_semaphore, #tpu.memory_space<semaphore_mem>>)
        %dma_wait3A_92 = tpu.memref_slice %arg2[%add3A_13] : memref<160000xi32, #tpu.memory_space<hbm>> -> memref<400xi32, #tpu.memory_space<hbm>>
        %dma_wait3A_93 = tpu.memref_slice %arg2[%add3A_13] : memref<160000xi32, #tpu.memory_space<hbm>> -> memref<400xi32, #tpu.memory_space<hbm>>
        tpu.wait_dma2 semaphore(%run_scoped3A : memref<!tpu.dma_semaphore, #tpu.memory_space<semaphore_mem>>) src(%dma_wait3A_93 : memref<400xi32, #tpu.memory_space<hbm>>) dst(%arg11 : memref<400xi32, #tpu.memory_space<vmem>>)
        tpu.yield
      }) : () -> ()
      %dma_start3A = arith.constant 0 : i32
      %dma_start3A_16 = arith.constant 0 : i32
      %dma_start3A_17 = tpu.memref_slice %arg3[%dma_start3A, %dma_start3A_16] : memref<10000x128xf32, #tpu.memory_space<hbm>> -> memref<10000x128xf32, #tpu.memory_space<hbm>>
      tpu.enqueue_indirect_dma source(%dma_start3A_17 : memref<10000x128xf32, #tpu.memory_space<hbm>>) target(%arg13 : memref<400x128xf32, #tpu.memory_space<vmem>>) offsets(%arg11 : memref<400xi32, #tpu.memory_space<vmem>>) semaphore(%arg21 : memref<!tpu.dma_semaphore, #tpu.memory_space<semaphore_mem>>)
      %dma_start3A_18 = arith.constant 0 : i32
      %dma_start3A_19 = tpu.memref_slice %arg4[%dma_start3A_18] : memref<10000xf32, #tpu.memory_space<hbm>> -> memref<10000xf32, #tpu.memory_space<hbm>>
      tpu.enqueue_indirect_dma source(%dma_start3A_19 : memref<10000xf32, #tpu.memory_space<hbm>>) target(%arg15 : memref<400xf32, #tpu.memory_space<vmem>>) offsets(%arg11 : memref<400xi32, #tpu.memory_space<vmem>>) semaphore(%arg21 : memref<!tpu.dma_semaphore, #tpu.memory_space<semaphore_mem>>)
      %dma_start3A_20 = arith.constant 0 : i32
      %dma_start3A_21 = tpu.memref_slice %arg5[%dma_start3A_20] : memref<10000xf32, #tpu.memory_space<hbm>> -> memref<10000xf32, #tpu.memory_space<hbm>>
      tpu.enqueue_indirect_dma source(%dma_start3A_21 : memref<10000xf32, #tpu.memory_space<hbm>>) target(%arg17 : memref<400xf32, #tpu.memory_space<vmem>>) offsets(%arg11 : memref<400xi32, #tpu.memory_space<vmem>>) semaphore(%arg21 : memref<!tpu.dma_semaphore, #tpu.memory_space<semaphore_mem>>)
      %dma_start3A_22 = arith.constant 0 : i32
      %dma_start3A_23 = tpu.memref_slice %arg6[%dma_start3A_22] : memref<10000xf32, #tpu.memory_space<hbm>> -> memref<10000xf32, #tpu.memory_space<hbm>>
      tpu.enqueue_indirect_dma source(%dma_start3A_23 : memref<10000xf32, #tpu.memory_space<hbm>>) target(%arg19 : memref<400xf32, #tpu.memory_space<vmem>>) offsets(%arg11 : memref<400xi32, #tpu.memory_space<vmem>>) semaphore(%arg21 : memref<!tpu.dma_semaphore, #tpu.memory_space<semaphore_mem>>)
      "tpu.region"() ({
        %run_scoped3A = tpu.sem_alloc : memref<!tpu.dma_semaphore, #tpu.memory_space<semaphore_mem>>
        %dma_start3A_90 = tpu.memref_slice %arg2[%add3A_15] : memref<160000xi32, #tpu.memory_space<hbm>> -> memref<400xi32, #tpu.memory_space<hbm>>
        %dma_start3A_91 = tpu.memref_slice %arg2[%add3A_15] : memref<160000xi32, #tpu.memory_space<hbm>> -> memref<400xi32, #tpu.memory_space<hbm>>
        tpu.enqueue_dma source(%dma_start3A_91 : memref<400xi32, #tpu.memory_space<hbm>>) target(%arg12 : memref<400xi32, #tpu.memory_space<vmem>>) target_semaphore(%run_scoped3A : memref<!tpu.dma_semaphore, #tpu.memory_space<semaphore_mem>>)
        %dma_wait3A_92 = tpu.memref_slice %arg2[%add3A_15] : memref<160000xi32, #tpu.memory_space<hbm>> -> memref<400xi32, #tpu.memory_space<hbm>>
        %dma_wait3A_93 = tpu.memref_slice %arg2[%add3A_15] : memref<160000xi32, #tpu.memory_space<hbm>> -> memref<400xi32, #tpu.memory_space<hbm>>
        tpu.wait_dma2 semaphore(%run_scoped3A : memref<!tpu.dma_semaphore, #tpu.memory_space<semaphore_mem>>) src(%dma_wait3A_93 : memref<400xi32, #tpu.memory_space<hbm>>) dst(%arg12 : memref<400xi32, #tpu.memory_space<vmem>>)
        tpu.yield
      }) : () -> ()
      %dma_start3A_24 = arith.constant 0 : i32
      %dma_start3A_25 = arith.constant 0 : i32
      %dma_start3A_26 = tpu.memref_slice %arg3[%dma_start3A_24, %dma_start3A_25] : memref<10000x128xf32, #tpu.memory_space<hbm>> -> memref<10000x128xf32, #tpu.memory_space<hbm>>
      tpu.enqueue_indirect_dma source(%dma_start3A_26 : memref<10000x128xf32, #tpu.memory_space<hbm>>) target(%arg14 : memref<400x128xf32, #tpu.memory_space<vmem>>) offsets(%arg12 : memref<400xi32, #tpu.memory_space<vmem>>) semaphore(%arg22 : memref<!tpu.dma_semaphore, #tpu.memory_space<semaphore_mem>>)
      %dma_start3A_27 = arith.constant 0 : i32
      %dma_start3A_28 = tpu.memref_slice %arg4[%dma_start3A_27] : memref<10000xf32, #tpu.memory_space<hbm>> -> memref<10000xf32, #tpu.memory_space<hbm>>
      tpu.enqueue_indirect_dma source(%dma_start3A_28 : memref<10000xf32, #tpu.memory_space<hbm>>) target(%arg16 : memref<400xf32, #tpu.memory_space<vmem>>) offsets(%arg12 : memref<400xi32, #tpu.memory_space<vmem>>) semaphore(%arg22 : memref<!tpu.dma_semaphore, #tpu.memory_space<semaphore_mem>>)
      %dma_start3A_29 = arith.constant 0 : i32
      %dma_start3A_30 = tpu.memref_slice %arg5[%dma_start3A_29] : memref<10000xf32, #tpu.memory_space<hbm>> -> memref<10000xf32, #tpu.memory_space<hbm>>
      tpu.enqueue_indirect_dma source(%dma_start3A_30 : memref<10000xf32, #tpu.memory_space<hbm>>) target(%arg18 : memref<400xf32, #tpu.memory_space<vmem>>) offsets(%arg12 : memref<400xi32, #tpu.memory_space<vmem>>) semaphore(%arg22 : memref<!tpu.dma_semaphore, #tpu.memory_space<semaphore_mem>>)
      %dma_start3A_31 = arith.constant 0 : i32
      %dma_start3A_32 = tpu.memref_slice %arg6[%dma_start3A_31] : memref<10000xf32, #tpu.memory_space<hbm>> -> memref<10000xf32, #tpu.memory_space<hbm>>
      tpu.enqueue_indirect_dma source(%dma_start3A_32 : memref<10000xf32, #tpu.memory_space<hbm>>) target(%arg20 : memref<400xf32, #tpu.memory_space<vmem>>) offsets(%arg12 : memref<400xi32, #tpu.memory_space<vmem>>) semaphore(%arg22 : memref<!tpu.dma_semaphore, #tpu.memory_space<semaphore_mem>>)
      %dma_wait3A = arith.constant 0 : i32
      %dma_wait3A_33 = arith.constant 0 : i32
      %dma_wait3A_34 = tpu.memref_slice %arg3[%dma_wait3A, %dma_wait3A_33] : memref<10000x128xf32, #tpu.memory_space<hbm>> -> memref<10000x128xf32, #tpu.memory_space<hbm>>
      tpu.wait_indirect_dma semaphore(%arg21 : memref<!tpu.dma_semaphore, #tpu.memory_space<semaphore_mem>>) src(%dma_wait3A_34 : memref<10000x128xf32, #tpu.memory_space<hbm>>) dst(%arg13 : memref<400x128xf32, #tpu.memory_space<vmem>>)
      %dma_wait3A_35 = arith.constant 0 : i32
      %dma_wait3A_36 = tpu.memref_slice %arg4[%dma_wait3A_35] : memref<10000xf32, #tpu.memory_space<hbm>> -> memref<10000xf32, #tpu.memory_space<hbm>>
      tpu.wait_indirect_dma semaphore(%arg21 : memref<!tpu.dma_semaphore, #tpu.memory_space<semaphore_mem>>) src(%dma_wait3A_36 : memref<10000xf32, #tpu.memory_space<hbm>>) dst(%arg15 : memref<400xf32, #tpu.memory_space<vmem>>)
      %dma_wait3A_37 = arith.constant 0 : i32
      %dma_wait3A_38 = tpu.memref_slice %arg5[%dma_wait3A_37] : memref<10000xf32, #tpu.memory_space<hbm>> -> memref<10000xf32, #tpu.memory_space<hbm>>
      tpu.wait_indirect_dma semaphore(%arg21 : memref<!tpu.dma_semaphore, #tpu.memory_space<semaphore_mem>>) src(%dma_wait3A_38 : memref<10000xf32, #tpu.memory_space<hbm>>) dst(%arg17 : memref<400xf32, #tpu.memory_space<vmem>>)
      %dma_wait3A_39 = arith.constant 0 : i32
      %dma_wait3A_40 = tpu.memref_slice %arg6[%dma_wait3A_39] : memref<10000xf32, #tpu.memory_space<hbm>> -> memref<10000xf32, #tpu.memory_space<hbm>>
      tpu.wait_indirect_dma semaphore(%arg21 : memref<!tpu.dma_semaphore, #tpu.memory_space<semaphore_mem>>) src(%dma_wait3A_40 : memref<10000xf32, #tpu.memory_space<hbm>>) dst(%arg19 : memref<400xf32, #tpu.memory_space<vmem>>)
      %dma_start3A_41 = arith.constant 0 : i32
      %dma_start3A_42 = tpu.memref_slice %arg7[%add3A_13, %dma_start3A_41] : memref<160000x128xf32, #tpu.memory_space<hbm>> -> memref<400x128xf32, #tpu.memory_space<hbm>>
      %dma_start3A_43 = arith.constant 0 : i32
      %dma_start3A_44 = tpu.memref_slice %arg7[%add3A_13, %dma_start3A_43] : memref<160000x128xf32, #tpu.memory_space<hbm>> -> memref<400x128xf32, #tpu.memory_space<hbm>>
      tpu.enqueue_dma source(%arg13 : memref<400x128xf32, #tpu.memory_space<vmem>>) target(%dma_start3A_44 : memref<400x128xf32, #tpu.memory_space<hbm>>) target_semaphore(%arg23 : memref<!tpu.dma_semaphore, #tpu.memory_space<semaphore_mem>>)
      %dma_start3A_45 = tpu.memref_slice %arg8[%add3A_13] : memref<160000xf32, #tpu.memory_space<hbm>> -> memref<400xf32, #tpu.memory_space<hbm>>
      %dma_start3A_46 = tpu.memref_slice %arg8[%add3A_13] : memref<160000xf32, #tpu.memory_space<hbm>> -> memref<400xf32, #tpu.memory_space<hbm>>
      tpu.enqueue_dma source(%arg15 : memref<400xf32, #tpu.memory_space<vmem>>) target(%dma_start3A_46 : memref<400xf32, #tpu.memory_space<hbm>>) target_semaphore(%arg23 : memref<!tpu.dma_semaphore, #tpu.memory_space<semaphore_mem>>)
      %dma_start3A_47 = tpu.memref_slice %arg9[%add3A_13] : memref<160000xf32, #tpu.memory_space<hbm>> -> memref<400xf32, #tpu.memory_space<hbm>>
      %dma_start3A_48 = tpu.memref_slice %arg9[%add3A_13] : memref<160000xf32, #tpu.memory_space<hbm>> -> memref<400xf32, #tpu.memory_space<hbm>>
      tpu.enqueue_dma source(%arg17 : memref<400xf32, #tpu.memory_space<vmem>>) target(%dma_start3A_48 : memref<400xf32, #tpu.memory_space<hbm>>) target_semaphore(%arg23 : memref<!tpu.dma_semaphore, #tpu.memory_space<semaphore_mem>>)
      %dma_start3A_49 = tpu.memref_slice %arg10[%add3A_13] : memref<160000xf32, #tpu.memory_space<hbm>> -> memref<400xf32, #tpu.memory_space<hbm>>
      %dma_start3A_50 = tpu.memref_slice %arg10[%add3A_13] : memref<160000xf32, #tpu.memory_space<hbm>> -> memref<400xf32, #tpu.memory_space<hbm>>
      tpu.enqueue_dma source(%arg19 : memref<400xf32, #tpu.memory_space<vmem>>) target(%dma_start3A_50 : memref<400xf32, #tpu.memory_space<hbm>>) target_semaphore(%arg23 : memref<!tpu.dma_semaphore, #tpu.memory_space<semaphore_mem>>)
      %dma_wait3A_51 = arith.constant 0 : i32
      %dma_wait3A_52 = arith.constant 0 : i32
      %dma_wait3A_53 = tpu.memref_slice %arg3[%dma_wait3A_51, %dma_wait3A_52] : memref<10000x128xf32, #tpu.memory_space<hbm>> -> memref<10000x128xf32, #tpu.memory_space<hbm>>
      tpu.wait_indirect_dma semaphore(%arg22 : memref<!tpu.dma_semaphore, #tpu.memory_space<semaphore_mem>>) src(%dma_wait3A_53 : memref<10000x128xf32, #tpu.memory_space<hbm>>) dst(%arg14 : memref<400x128xf32, #tpu.memory_space<vmem>>)
      %dma_wait3A_54 = arith.constant 0 : i32
      %dma_wait3A_55 = tpu.memref_slice %arg4[%dma_wait3A_54] : memref<10000xf32, #tpu.memory_space<hbm>> -> memref<10000xf32, #tpu.memory_space<hbm>>
      tpu.wait_indirect_dma semaphore(%arg22 : memref<!tpu.dma_semaphore, #tpu.memory_space<semaphore_mem>>) src(%dma_wait3A_55 : memref<10000xf32, #tpu.memory_space<hbm>>) dst(%arg16 : memref<400xf32, #tpu.memory_space<vmem>>)
      %dma_wait3A_56 = arith.constant 0 : i32
      %dma_wait3A_57 = tpu.memref_slice %arg5[%dma_wait3A_56] : memref<10000xf32, #tpu.memory_space<hbm>> -> memref<10000xf32, #tpu.memory_space<hbm>>
      tpu.wait_indirect_dma semaphore(%arg22 : memref<!tpu.dma_semaphore, #tpu.memory_space<semaphore_mem>>) src(%dma_wait3A_57 : memref<10000xf32, #tpu.memory_space<hbm>>) dst(%arg18 : memref<400xf32, #tpu.memory_space<vmem>>)
      %dma_wait3A_58 = arith.constant 0 : i32
      %dma_wait3A_59 = tpu.memref_slice %arg6[%dma_wait3A_58] : memref<10000xf32, #tpu.memory_space<hbm>> -> memref<10000xf32, #tpu.memory_space<hbm>>
      tpu.wait_indirect_dma semaphore(%arg22 : memref<!tpu.dma_semaphore, #tpu.memory_space<semaphore_mem>>) src(%dma_wait3A_59 : memref<10000xf32, #tpu.memory_space<hbm>>) dst(%arg20 : memref<400xf32, #tpu.memory_space<vmem>>)
      %dma_start3A_60 = arith.constant 0 : i32
      %dma_start3A_61 = tpu.memref_slice %arg7[%add3A_15, %dma_start3A_60] : memref<160000x128xf32, #tpu.memory_space<hbm>> -> memref<400x128xf32, #tpu.memory_space<hbm>>
      %dma_start3A_62 = arith.constant 0 : i32
      %dma_start3A_63 = tpu.memref_slice %arg7[%add3A_15, %dma_start3A_62] : memref<160000x128xf32, #tpu.memory_space<hbm>> -> memref<400x128xf32, #tpu.memory_space<hbm>>
      tpu.enqueue_dma source(%arg14 : memref<400x128xf32, #tpu.memory_space<vmem>>) target(%dma_start3A_63 : memref<400x128xf32, #tpu.memory_space<hbm>>) target_semaphore(%arg24 : memref<!tpu.dma_semaphore, #tpu.memory_space<semaphore_mem>>)
      %dma_start3A_64 = tpu.memref_slice %arg8[%add3A_15] : memref<160000xf32, #tpu.memory_space<hbm>> -> memref<400xf32, #tpu.memory_space<hbm>>
      %dma_start3A_65 = tpu.memref_slice %arg8[%add3A_15] : memref<160000xf32, #tpu.memory_space<hbm>> -> memref<400xf32, #tpu.memory_space<hbm>>
      tpu.enqueue_dma source(%arg16 : memref<400xf32, #tpu.memory_space<vmem>>) target(%dma_start3A_65 : memref<400xf32, #tpu.memory_space<hbm>>) target_semaphore(%arg24 : memref<!tpu.dma_semaphore, #tpu.memory_space<semaphore_mem>>)
      %dma_start3A_66 = tpu.memref_slice %arg9[%add3A_15] : memref<160000xf32, #tpu.memory_space<hbm>> -> memref<400xf32, #tpu.memory_space<hbm>>
      %dma_start3A_67 = tpu.memref_slice %arg9[%add3A_15] : memref<160000xf32, #tpu.memory_space<hbm>> -> memref<400xf32, #tpu.memory_space<hbm>>
      tpu.enqueue_dma source(%arg18 : memref<400xf32, #tpu.memory_space<vmem>>) target(%dma_start3A_67 : memref<400xf32, #tpu.memory_space<hbm>>) target_semaphore(%arg24 : memref<!tpu.dma_semaphore, #tpu.memory_space<semaphore_mem>>)
      %dma_start3A_68 = tpu.memref_slice %arg10[%add3A_15] : memref<160000xf32, #tpu.memory_space<hbm>> -> memref<400xf32, #tpu.memory_space<hbm>>
      %dma_start3A_69 = tpu.memref_slice %arg10[%add3A_15] : memref<160000xf32, #tpu.memory_space<hbm>> -> memref<400xf32, #tpu.memory_space<hbm>>
      tpu.enqueue_dma source(%arg20 : memref<400xf32, #tpu.memory_space<vmem>>) target(%dma_start3A_69 : memref<400xf32, #tpu.memory_space<hbm>>) target_semaphore(%arg24 : memref<!tpu.dma_semaphore, #tpu.memory_space<semaphore_mem>>)
      %dma_wait3A_70 = arith.constant 0 : i32
      %dma_wait3A_71 = tpu.memref_slice %arg7[%add3A_13, %dma_wait3A_70] : memref<160000x128xf32, #tpu.memory_space<hbm>> -> memref<400x128xf32, #tpu.memory_space<hbm>>
      %dma_wait3A_72 = arith.constant 0 : i32
      %dma_wait3A_73 = tpu.memref_slice %arg7[%add3A_13, %dma_wait3A_72] : memref<160000x128xf32, #tpu.memory_space<hbm>> -> memref<400x128xf32, #tpu.memory_space<hbm>>
      tpu.wait_dma2 semaphore(%arg23 : memref<!tpu.dma_semaphore, #tpu.memory_space<semaphore_mem>>) src(%arg13 : memref<400x128xf32, #tpu.memory_space<vmem>>) dst(%dma_wait3A_73 : memref<400x128xf32, #tpu.memory_space<hbm>>)
      %dma_wait3A_74 = tpu.memref_slice %arg8[%add3A_13] : memref<160000xf32, #tpu.memory_space<hbm>> -> memref<400xf32, #tpu.memory_space<hbm>>
      %dma_wait3A_75 = tpu.memref_slice %arg8[%add3A_13] : memref<160000xf32, #tpu.memory_space<hbm>> -> memref<400xf32, #tpu.memory_space<hbm>>
      tpu.wait_dma2 semaphore(%arg23 : memref<!tpu.dma_semaphore, #tpu.memory_space<semaphore_mem>>) src(%arg15 : memref<400xf32, #tpu.memory_space<vmem>>) dst(%dma_wait3A_75 : memref<400xf32, #tpu.memory_space<hbm>>)
      %dma_wait3A_76 = tpu.memref_slice %arg9[%add3A_13] : memref<160000xf32, #tpu.memory_space<hbm>> -> memref<400xf32, #tpu.memory_space<hbm>>
      %dma_wait3A_77 = tpu.memref_slice %arg9[%add3A_13] : memref<160000xf32, #tpu.memory_space<hbm>> -> memref<400xf32, #tpu.memory_space<hbm>>
      tpu.wait_dma2 semaphore(%arg23 : memref<!tpu.dma_semaphore, #tpu.memory_space<semaphore_mem>>) src(%arg17 : memref<400xf32, #tpu.memory_space<vmem>>) dst(%dma_wait3A_77 : memref<400xf32, #tpu.memory_space<hbm>>)
      %dma_wait3A_78 = tpu.memref_slice %arg10[%add3A_13] : memref<160000xf32, #tpu.memory_space<hbm>> -> memref<400xf32, #tpu.memory_space<hbm>>
      %dma_wait3A_79 = tpu.memref_slice %arg10[%add3A_13] : memref<160000xf32, #tpu.memory_space<hbm>> -> memref<400xf32, #tpu.memory_space<hbm>>
      tpu.wait_dma2 semaphore(%arg23 : memref<!tpu.dma_semaphore, #tpu.memory_space<semaphore_mem>>) src(%arg19 : memref<400xf32, #tpu.memory_space<vmem>>) dst(%dma_wait3A_79 : memref<400xf32, #tpu.memory_space<hbm>>)
      %dma_wait3A_80 = arith.constant 0 : i32
      %dma_wait3A_81 = tpu.memref_slice %arg7[%add3A_15, %dma_wait3A_80] : memref<160000x128xf32, #tpu.memory_space<hbm>> -> memref<400x128xf32, #tpu.memory_space<hbm>>
      %dma_wait3A_82 = arith.constant 0 : i32
      %dma_wait3A_83 = tpu.memref_slice %arg7[%add3A_15, %dma_wait3A_82] : memref<160000x128xf32, #tpu.memory_space<hbm>> -> memref<400x128xf32, #tpu.memory_space<hbm>>
      tpu.wait_dma2 semaphore(%arg24 : memref<!tpu.dma_semaphore, #tpu.memory_space<semaphore_mem>>) src(%arg14 : memref<400x128xf32, #tpu.memory_space<vmem>>) dst(%dma_wait3A_83 : memref<400x128xf32, #tpu.memory_space<hbm>>)
      %dma_wait3A_84 = tpu.memref_slice %arg8[%add3A_15] : memref<160000xf32, #tpu.memory_space<hbm>> -> memref<400xf32, #tpu.memory_space<hbm>>
      %dma_wait3A_85 = tpu.memref_slice %arg8[%add3A_15] : memref<160000xf32, #tpu.memory_space<hbm>> -> memref<400xf32, #tpu.memory_space<hbm>>
      tpu.wait_dma2 semaphore(%arg24 : memref<!tpu.dma_semaphore, #tpu.memory_space<semaphore_mem>>) src(%arg16 : memref<400xf32, #tpu.memory_space<vmem>>) dst(%dma_wait3A_85 : memref<400xf32, #tpu.memory_space<hbm>>)
      %dma_wait3A_86 = tpu.memref_slice %arg9[%add3A_15] : memref<160000xf32, #tpu.memory_space<hbm>> -> memref<400xf32, #tpu.memory_space<hbm>>
      %dma_wait3A_87 = tpu.memref_slice %arg9[%add3A_15] : memref<160000xf32, #tpu.memory_space<hbm>> -> memref<400xf32, #tpu.memory_space<hbm>>
      tpu.wait_dma2 semaphore(%arg24 : memref<!tpu.dma_semaphore, #tpu.memory_space<semaphore_mem>>) src(%arg18 : memref<400xf32, #tpu.memory_space<vmem>>) dst(%dma_wait3A_87 : memref<400xf32, #tpu.memory_space<hbm>>)
      %dma_wait3A_88 = tpu.memref_slice %arg10[%add3A_15] : memref<160000xf32, #tpu.memory_space<hbm>> -> memref<400xf32, #tpu.memory_space<hbm>>
      %dma_wait3A_89 = tpu.memref_slice %arg10[%add3A_15] : memref<160000xf32, #tpu.memory_space<hbm>> -> memref<400xf32, #tpu.memory_space<hbm>>
      tpu.wait_dma2 semaphore(%arg24 : memref<!tpu.dma_semaphore, #tpu.memory_space<semaphore_mem>>) src(%arg20 : memref<400xf32, #tpu.memory_space<vmem>>) dst(%dma_wait3A_89 : memref<400xf32, #tpu.memory_space<hbm>>)
    }
    %scan3A_7 = arith.constant 6 : i32
    return
  }
}

#map = affine_map<(d0, d1) -> (0)>
#map1 = affine_map<(d0, d1) -> (0, 0)>
module attributes {stable_mosaic.version = 14 : i64} {
  func.func @_sc_gather_feat_pts(%arg0: i32, %arg1: i32, %arg2: memref<160000xi32, #tpu.memory_space<hbm>>, %arg3: memref<10000x128xf32, #tpu.memory_space<hbm>>, %arg4: memref<10000xf32, #tpu.memory_space<hbm>>, %arg5: memref<10000xf32, #tpu.memory_space<hbm>>, %arg6: memref<10000xf32, #tpu.memory_space<hbm>>, %arg7: memref<160000x128xf32, #tpu.memory_space<hbm>>, %arg8: memref<160000xf32, #tpu.memory_space<hbm>>, %arg9: memref<160000xf32, #tpu.memory_space<hbm>>, %arg10: memref<160000xf32, #tpu.memory_space<hbm>>, %arg11: memref<400xi32, #tpu.memory_space<vmem>>, %arg12: memref<400xi32, #tpu.memory_space<vmem>>, %arg13: memref<400x128xf32, #tpu.memory_space<vmem>>, %arg14: memref<400x128xf32, #tpu.memory_space<vmem>>, %arg15: memref<400xf32, #tpu.memory_space<vmem>>, %arg16: memref<400xf32, #tpu.memory_space<vmem>>, %arg17: memref<400xf32, #tpu.memory_space<vmem>>, %arg18: memref<400xf32, #tpu.memory_space<vmem>>, %arg19: memref<400xf32, #tpu.memory_space<vmem>>, %arg20: memref<400xf32, #tpu.memory_space<vmem>>, %arg21: memref<!tpu.dma_semaphore, #tpu.memory_space<semaphore_mem>>, %arg22: memref<!tpu.dma_semaphore, #tpu.memory_space<semaphore_mem>>, %arg23: memref<!tpu.dma_semaphore, #tpu.memory_space<semaphore_mem>>, %arg24: memref<!tpu.dma_semaphore, #tpu.memory_space<semaphore_mem>>) attributes {dimension_semantics = [#tpu.dimension_semantics<core_parallel>, #tpu.dimension_semantics<subcore_parallel>], iteration_bounds = array<i64: 2, 16>, scalar_prefetch = 0 : i64, scratch_operands = 14 : i64, tpu.core_type = #tpu.core_type<sc_vector_subcore>, window_params = [{transform_indices = #map}, {transform_indices = #map1}, {transform_indices = #map}, {transform_indices = #map}, {transform_indices = #map}, {transform_indices = #map1}, {transform_indices = #map}, {transform_indices = #map}, {transform_indices = #map}]} {
    %mul3A = arith.constant 2 : i32
    %mul3A_0 = arith.muli %arg1, %mul3A : i32
    %add3A = arith.addi %mul3A_0, %arg0 : i32
    %mul3A_1 = arith.constant 5000 : i32
    %mul3A_2 = arith.muli %add3A, %mul3A_1 : i32
    %scan3A = arith.constant 0 : i32
    %scan3A_3 = arith.constant 0 : i32
    %scan3A_4 = arith.constant 6 : i32
    %scan3A_5 = arith.addi %scan3A_3, %scan3A_4 : i32
    %scan3A_6 = arith.constant 1 : i32
    scf.for %scan3A_8 = %scan3A_3 to %scan3A_5 step %scan3A_6  : i32 {
      %mul3A_9 = arith.constant 2 : i32
      %mul3A_10 = arith.muli %mul3A_9, %scan3A_8 : i32
      %mul3A_11 = arith.constant 400 : i32
      %mul3A_12 = arith.muli %mul3A_10, %mul3A_11 : i32
      %add3A_13 = arith.addi %mul3A_2, %mul3A_12 : i32
      %add3A_14 = arith.constant 400 : i32
      %add3A_15 = arith.addi %add3A_13, %add3A_14 : i32
      "tpu.region"() ({
        %run_scoped3A = tpu.sem_alloc : memref<!tpu.dma_semaphore, #tpu.memory_space<semaphore_mem>>
        %dma_start3A_90 = tpu.memref_slice %arg2[%add3A_13] : memref<160000xi32, #tpu.memory_space<hbm>> -> memref<400xi32, #tpu.memory_space<hbm>>
        %dma_start3A_91 = tpu.memref_slice %arg2[%add3A_13] : memref<160000xi32, #tpu.memory_space<hbm>> -> memref<400xi32, #tpu.memory_space<hbm>>
        tpu.enqueue_dma source(%dma_start3A_91 : memref<400xi32, #tpu.memory_space<hbm>>) target(%arg11 : memref<400xi32, #tpu.memory_space<vmem>>) target_semaphore(%run_scoped3A : memref<!tpu.dma_semaphore, #tpu.memory_space<semaphore_mem>>)
        %dma_wait3A_92 = tpu.memref_slice %arg2[%add3A_13] : memref<160000xi32, #tpu.memory_space<hbm>> -> memref<400xi32, #tpu.memory_space<hbm>>
        %dma_wait3A_93 = tpu.memref_slice %arg2[%add3A_13] : memref<160000xi32, #tpu.memory_space<hbm>> -> memref<400xi32, #tpu.memory_space<hbm>>
        tpu.wait_dma2 semaphore(%run_scoped3A : memref<!tpu.dma_semaphore, #tpu.memory_space<semaphore_mem>>) src(%dma_wait3A_93 : memref<400xi32, #tpu.memory_space<hbm>>) dst(%arg11 : memref<400xi32, #tpu.memory_space<vmem>>)
        tpu.yield
      }) : () -> ()
      %dma_start3A = arith.constant 0 : i32
      %dma_start3A_16 = arith.constant 0 : i32
      %dma_start3A_17 = tpu.memref_slice %arg3[%dma_start3A, %dma_start3A_16] : memref<10000x128xf32, #tpu.memory_space<hbm>> -> memref<10000x128xf32, #tpu.memory_space<hbm>>
      tpu.enqueue_indirect_dma source(%dma_start3A_17 : memref<10000x128xf32, #tpu.memory_space<hbm>>) target(%arg13 : memref<400x128xf32, #tpu.memory_space<vmem>>) offsets(%arg11 : memref<400xi32, #tpu.memory_space<vmem>>) semaphore(%arg21 : memref<!tpu.dma_semaphore, #tpu.memory_space<semaphore_mem>>)
      %dma_start3A_18 = arith.constant 0 : i32
      %dma_start3A_19 = tpu.memref_slice %arg4[%dma_start3A_18] : memref<10000xf32, #tpu.memory_space<hbm>> -> memref<10000xf32, #tpu.memory_space<hbm>>
      tpu.enqueue_indirect_dma source(%dma_start3A_19 : memref<10000xf32, #tpu.memory_space<hbm>>) target(%arg15 : memref<400xf32, #tpu.memory_space<vmem>>) offsets(%arg11 : memref<400xi32, #tpu.memory_space<vmem>>) semaphore(%arg21 : memref<!tpu.dma_semaphore, #tpu.memory_space<semaphore_mem>>)
      %dma_start3A_20 = arith.constant 0 : i32
      %dma_start3A_21 = tpu.memref_slice %arg5[%dma_start3A_20] : memref<10000xf32, #tpu.memory_space<hbm>> -> memref<10000xf32, #tpu.memory_space<hbm>>
      tpu.enqueue_indirect_dma source(%dma_start3A_21 : memref<10000xf32, #tpu.memory_space<hbm>>) target(%arg17 : memref<400xf32, #tpu.memory_space<vmem>>) offsets(%arg11 : memref<400xi32, #tpu.memory_space<vmem>>) semaphore(%arg21 : memref<!tpu.dma_semaphore, #tpu.memory_space<semaphore_mem>>)
      %dma_start3A_22 = arith.constant 0 : i32
      %dma_start3A_23 = tpu.memref_slice %arg6[%dma_start3A_22] : memref<10000xf32, #tpu.memory_space<hbm>> -> memref<10000xf32, #tpu.memory_space<hbm>>
      tpu.enqueue_indirect_dma source(%dma_start3A_23 : memref<10000xf32, #tpu.memory_space<hbm>>) target(%arg19 : memref<400xf32, #tpu.memory_space<vmem>>) offsets(%arg11 : memref<400xi32, #tpu.memory_space<vmem>>) semaphore(%arg21 : memref<!tpu.dma_semaphore, #tpu.memory_space<semaphore_mem>>)
      "tpu.region"() ({
        %run_scoped3A = tpu.sem_alloc : memref<!tpu.dma_semaphore, #tpu.memory_space<semaphore_mem>>
        %dma_start3A_90 = tpu.memref_slice %arg2[%add3A_15] : memref<160000xi32, #tpu.memory_space<hbm>> -> memref<400xi32, #tpu.memory_space<hbm>>
        %dma_start3A_91 = tpu.memref_slice %arg2[%add3A_15] : memref<160000xi32, #tpu.memory_space<hbm>> -> memref<400xi32, #tpu.memory_space<hbm>>
        tpu.enqueue_dma source(%dma_start3A_91 : memref<400xi32, #tpu.memory_space<hbm>>) target(%arg12 : memref<400xi32, #tpu.memory_space<vmem>>) target_semaphore(%run_scoped3A : memref<!tpu.dma_semaphore, #tpu.memory_space<semaphore_mem>>)
        %dma_wait3A_92 = tpu.memref_slice %arg2[%add3A_15] : memref<160000xi32, #tpu.memory_space<hbm>> -> memref<400xi32, #tpu.memory_space<hbm>>
        %dma_wait3A_93 = tpu.memref_slice %arg2[%add3A_15] : memref<160000xi32, #tpu.memory_space<hbm>> -> memref<400xi32, #tpu.memory_space<hbm>>
        tpu.wait_dma2 semaphore(%run_scoped3A : memref<!tpu.dma_semaphore, #tpu.memory_space<semaphore_mem>>) src(%dma_wait3A_93 : memref<400xi32, #tpu.memory_space<hbm>>) dst(%arg12 : memref<400xi32, #tpu.memory_space<vmem>>)
        tpu.yield
      }) : () -> ()
      %dma_start3A_24 = arith.constant 0 : i32
      %dma_start3A_25 = arith.constant 0 : i32
      %dma_start3A_26 = tpu.memref_slice %arg3[%dma_start3A_24, %dma_start3A_25] : memref<10000x128xf32, #tpu.memory_space<hbm>> -> memref<10000x128xf32, #tpu.memory_space<hbm>>
      tpu.enqueue_indirect_dma source(%dma_start3A_26 : memref<10000x128xf32, #tpu.memory_space<hbm>>) target(%arg14 : memref<400x128xf32, #tpu.memory_space<vmem>>) offsets(%arg12 : memref<400xi32, #tpu.memory_space<vmem>>) semaphore(%arg22 : memref<!tpu.dma_semaphore, #tpu.memory_space<semaphore_mem>>)
      %dma_start3A_27 = arith.constant 0 : i32
      %dma_start3A_28 = tpu.memref_slice %arg4[%dma_start3A_27] : memref<10000xf32, #tpu.memory_space<hbm>> -> memref<10000xf32, #tpu.memory_space<hbm>>
      tpu.enqueue_indirect_dma source(%dma_start3A_28 : memref<10000xf32, #tpu.memory_space<hbm>>) target(%arg16 : memref<400xf32, #tpu.memory_space<vmem>>) offsets(%arg12 : memref<400xi32, #tpu.memory_space<vmem>>) semaphore(%arg22 : memref<!tpu.dma_semaphore, #tpu.memory_space<semaphore_mem>>)
      %dma_start3A_29 = arith.constant 0 : i32
      %dma_start3A_30 = tpu.memref_slice %arg5[%dma_start3A_29] : memref<10000xf32, #tpu.memory_space<hbm>> -> memref<10000xf32, #tpu.memory_space<hbm>>
      tpu.enqueue_indirect_dma source(%dma_start3A_30 : memref<10000xf32, #tpu.memory_space<hbm>>) target(%arg18 : memref<400xf32, #tpu.memory_space<vmem>>) offsets(%arg12 : memref<400xi32, #tpu.memory_space<vmem>>) semaphore(%arg22 : memref<!tpu.dma_semaphore, #tpu.memory_space<semaphore_mem>>)
      %dma_start3A_31 = arith.constant 0 : i32
      %dma_start3A_32 = tpu.memref_slice %arg6[%dma_start3A_31] : memref<10000xf32, #tpu.memory_space<hbm>> -> memref<10000xf32, #tpu.memory_space<hbm>>
      tpu.enqueue_indirect_dma source(%dma_start3A_32 : memref<10000xf32, #tpu.memory_space<hbm>>) target(%arg20 : memref<400xf32, #tpu.memory_space<vmem>>) offsets(%arg12 : memref<400xi32, #tpu.memory_space<vmem>>) semaphore(%arg22 : memref<!tpu.dma_semaphore, #tpu.memory_space<semaphore_mem>>)
      %dma_wait3A = arith.constant 0 : i32
      %dma_wait3A_33 = arith.constant 0 : i32
      %dma_wait3A_34 = tpu.memref_slice %arg3[%dma_wait3A, %dma_wait3A_33] : memref<10000x128xf32, #tpu.memory_space<hbm>> -> memref<10000x128xf32, #tpu.memory_space<hbm>>
      tpu.wait_indirect_dma semaphore(%arg21 : memref<!tpu.dma_semaphore, #tpu.memory_space<semaphore_mem>>) src(%dma_wait3A_34 : memref<10000x128xf32, #tpu.memory_space<hbm>>) dst(%arg13 : memref<400x128xf32, #tpu.memory_space<vmem>>)
      %dma_wait3A_35 = arith.constant 0 : i32
      %dma_wait3A_36 = tpu.memref_slice %arg4[%dma_wait3A_35] : memref<10000xf32, #tpu.memory_space<hbm>> -> memref<10000xf32, #tpu.memory_space<hbm>>
      tpu.wait_indirect_dma semaphore(%arg21 : memref<!tpu.dma_semaphore, #tpu.memory_space<semaphore_mem>>) src(%dma_wait3A_36 : memref<10000xf32, #tpu.memory_space<hbm>>) dst(%arg15 : memref<400xf32, #tpu.memory_space<vmem>>)
      %dma_wait3A_37 = arith.constant 0 : i32
      %dma_wait3A_38 = tpu.memref_slice %arg5[%dma_wait3A_37] : memref<10000xf32, #tpu.memory_space<hbm>> -> memref<10000xf32, #tpu.memory_space<hbm>>
      tpu.wait_indirect_dma semaphore(%arg21 : memref<!tpu.dma_semaphore, #tpu.memory_space<semaphore_mem>>) src(%dma_wait3A_38 : memref<10000xf32, #tpu.memory_space<hbm>>) dst(%arg17 : memref<400xf32, #tpu.memory_space<vmem>>)
      %dma_wait3A_39 = arith.constant 0 : i32
      %dma_wait3A_40 = tpu.memref_slice %arg6[%dma_wait3A_39] : memref<10000xf32, #tpu.memory_space<hbm>> -> memref<10000xf32, #tpu.memory_space<hbm>>
      tpu.wait_indirect_dma semaphore(%arg21 : memref<!tpu.dma_semaphore, #tpu.memory_space<semaphore_mem>>) src(%dma_wait3A_40 : memref<10000xf32, #tpu.memory_space<hbm>>) dst(%arg19 : memref<400xf32, #tpu.memory_space<vmem>>)
      %dma_start3A_41 = arith.constant 0 : i32
      %dma_start3A_42 = tpu.memref_slice %arg7[%add3A_13, %dma_start3A_41] : memref<160000x128xf32, #tpu.memory_space<hbm>> -> memref<400x128xf32, #tpu.memory_space<hbm>>
      %dma_start3A_43 = arith.constant 0 : i32
      %dma_start3A_44 = tpu.memref_slice %arg7[%add3A_13, %dma_start3A_43] : memref<160000x128xf32, #tpu.memory_space<hbm>> -> memref<400x128xf32, #tpu.memory_space<hbm>>
      tpu.enqueue_dma source(%arg13 : memref<400x128xf32, #tpu.memory_space<vmem>>) target(%dma_start3A_44 : memref<400x128xf32, #tpu.memory_space<hbm>>) target_semaphore(%arg23 : memref<!tpu.dma_semaphore, #tpu.memory_space<semaphore_mem>>)
      %dma_start3A_45 = tpu.memref_slice %arg8[%add3A_13] : memref<160000xf32, #tpu.memory_space<hbm>> -> memref<400xf32, #tpu.memory_space<hbm>>
      %dma_start3A_46 = tpu.memref_slice %arg8[%add3A_13] : memref<160000xf32, #tpu.memory_space<hbm>> -> memref<400xf32, #tpu.memory_space<hbm>>
      tpu.enqueue_dma source(%arg15 : memref<400xf32, #tpu.memory_space<vmem>>) target(%dma_start3A_46 : memref<400xf32, #tpu.memory_space<hbm>>) target_semaphore(%arg23 : memref<!tpu.dma_semaphore, #tpu.memory_space<semaphore_mem>>)
      %dma_start3A_47 = tpu.memref_slice %arg9[%add3A_13] : memref<160000xf32, #tpu.memory_space<hbm>> -> memref<400xf32, #tpu.memory_space<hbm>>
      %dma_start3A_48 = tpu.memref_slice %arg9[%add3A_13] : memref<160000xf32, #tpu.memory_space<hbm>> -> memref<400xf32, #tpu.memory_space<hbm>>
      tpu.enqueue_dma source(%arg17 : memref<400xf32, #tpu.memory_space<vmem>>) target(%dma_start3A_48 : memref<400xf32, #tpu.memory_space<hbm>>) target_semaphore(%arg23 : memref<!tpu.dma_semaphore, #tpu.memory_space<semaphore_mem>>)
      %dma_start3A_49 = tpu.memref_slice %arg10[%add3A_13] : memref<160000xf32, #tpu.memory_space<hbm>> -> memref<400xf32, #tpu.memory_space<hbm>>
      %dma_start3A_50 = tpu.memref_slice %arg10[%add3A_13] : memref<160000xf32, #tpu.memory_space<hbm>> -> memref<400xf32, #tpu.memory_space<hbm>>
      tpu.enqueue_dma source(%arg19 : memref<400xf32, #tpu.memory_space<vmem>>) target(%dma_start3A_50 : memref<400xf32, #tpu.memory_space<hbm>>) target_semaphore(%arg23 : memref<!tpu.dma_semaphore, #tpu.memory_space<semaphore_mem>>)
      %dma_wait3A_51 = arith.constant 0 : i32
      %dma_wait3A_52 = arith.constant 0 : i32
      %dma_wait3A_53 = tpu.memref_slice %arg3[%dma_wait3A_51, %dma_wait3A_52] : memref<10000x128xf32, #tpu.memory_space<hbm>> -> memref<10000x128xf32, #tpu.memory_space<hbm>>
      tpu.wait_indirect_dma semaphore(%arg22 : memref<!tpu.dma_semaphore, #tpu.memory_space<semaphore_mem>>) src(%dma_wait3A_53 : memref<10000x128xf32, #tpu.memory_space<hbm>>) dst(%arg14 : memref<400x128xf32, #tpu.memory_space<vmem>>)
      %dma_wait3A_54 = arith.constant 0 : i32
      %dma_wait3A_55 = tpu.memref_slice %arg4[%dma_wait3A_54] : memref<10000xf32, #tpu.memory_space<hbm>> -> memref<10000xf32, #tpu.memory_space<hbm>>
      tpu.wait_indirect_dma semaphore(%arg22 : memref<!tpu.dma_semaphore, #tpu.memory_space<semaphore_mem>>) src(%dma_wait3A_55 : memref<10000xf32, #tpu.memory_space<hbm>>) dst(%arg16 : memref<400xf32, #tpu.memory_space<vmem>>)
      %dma_wait3A_56 = arith.constant 0 : i32
      %dma_wait3A_57 = tpu.memref_slice %arg5[%dma_wait3A_56] : memref<10000xf32, #tpu.memory_space<hbm>> -> memref<10000xf32, #tpu.memory_space<hbm>>
      tpu.wait_indirect_dma semaphore(%arg22 : memref<!tpu.dma_semaphore, #tpu.memory_space<semaphore_mem>>) src(%dma_wait3A_57 : memref<10000xf32, #tpu.memory_space<hbm>>) dst(%arg18 : memref<400xf32, #tpu.memory_space<vmem>>)
      %dma_wait3A_58 = arith.constant 0 : i32
      %dma_wait3A_59 = tpu.memref_slice %arg6[%dma_wait3A_58] : memref<10000xf32, #tpu.memory_space<hbm>> -> memref<10000xf32, #tpu.memory_space<hbm>>
      tpu.wait_indirect_dma semaphore(%arg22 : memref<!tpu.dma_semaphore, #tpu.memory_space<semaphore_mem>>) src(%dma_wait3A_59 : memref<10000xf32, #tpu.memory_space<hbm>>) dst(%arg20 : memref<400xf32, #tpu.memory_space<vmem>>)
      %dma_start3A_60 = arith.constant 0 : i32
      %dma_start3A_61 = tpu.memref_slice %arg7[%add3A_15, %dma_start3A_60] : memref<160000x128xf32, #tpu.memory_space<hbm>> -> memref<400x128xf32, #tpu.memory_space<hbm>>
      %dma_start3A_62 = arith.constant 0 : i32
      %dma_start3A_63 = tpu.memref_slice %arg7[%add3A_15, %dma_start3A_62] : memref<160000x128xf32, #tpu.memory_space<hbm>> -> memref<400x128xf32, #tpu.memory_space<hbm>>
      tpu.enqueue_dma source(%arg14 : memref<400x128xf32, #tpu.memory_space<vmem>>) target(%dma_start3A_63 : memref<400x128xf32, #tpu.memory_space<hbm>>) target_semaphore(%arg24 : memref<!tpu.dma_semaphore, #tpu.memory_space<semaphore_mem>>)
      %dma_start3A_64 = tpu.memref_slice %arg8[%add3A_15] : memref<160000xf32, #tpu.memory_space<hbm>> -> memref<400xf32, #tpu.memory_space<hbm>>
      %dma_start3A_65 = tpu.memref_slice %arg8[%add3A_15] : memref<160000xf32, #tpu.memory_space<hbm>> -> memref<400xf32, #tpu.memory_space<hbm>>
      tpu.enqueue_dma source(%arg16 : memref<400xf32, #tpu.memory_space<vmem>>) target(%dma_start3A_65 : memref<400xf32, #tpu.memory_space<hbm>>) target_semaphore(%arg24 : memref<!tpu.dma_semaphore, #tpu.memory_space<semaphore_mem>>)
      %dma_start3A_66 = tpu.memref_slice %arg9[%add3A_15] : memref<160000xf32, #tpu.memory_space<hbm>> -> memref<400xf32, #tpu.memory_space<hbm>>
      %dma_start3A_67 = tpu.memref_slice %arg9[%add3A_15] : memref<160000xf32, #tpu.memory_space<hbm>> -> memref<400xf32, #tpu.memory_space<hbm>>
      tpu.enqueue_dma source(%arg18 : memref<400xf32, #tpu.memory_space<vmem>>) target(%dma_start3A_67 : memref<400xf32, #tpu.memory_space<hbm>>) target_semaphore(%arg24 : memref<!tpu.dma_semaphore, #tpu.memory_space<semaphore_mem>>)
      %dma_start3A_68 = tpu.memref_slice %arg10[%add3A_15] : memref<160000xf32, #tpu.memory_space<hbm>> -> memref<400xf32, #tpu.memory_space<hbm>>
      %dma_start3A_69 = tpu.memref_slice %arg10[%add3A_15] : memref<160000xf32, #tpu.memory_space<hbm>> -> memref<400xf32, #tpu.memory_space<hbm>>
      tpu.enqueue_dma source(%arg20 : memref<400xf32, #tpu.memory_space<vmem>>) target(%dma_start3A_69 : memref<400xf32, #tpu.memory_space<hbm>>) target_semaphore(%arg24 : memref<!tpu.dma_semaphore, #tpu.memory_space<semaphore_mem>>)
      %dma_wait3A_70 = arith.constant 0 : i32
      %dma_wait3A_71 = tpu.memref_slice %arg7[%add3A_13, %dma_wait3A_70] : memref<160000x128xf32, #tpu.memory_space<hbm>> -> memref<400x128xf32, #tpu.memory_space<hbm>>
      %dma_wait3A_72 = arith.constant 0 : i32
      %dma_wait3A_73 = tpu.memref_slice %arg7[%add3A_13, %dma_wait3A_72] : memref<160000x128xf32, #tpu.memory_space<hbm>> -> memref<400x128xf32, #tpu.memory_space<hbm>>
      tpu.wait_dma2 semaphore(%arg23 : memref<!tpu.dma_semaphore, #tpu.memory_space<semaphore_mem>>) src(%arg13 : memref<400x128xf32, #tpu.memory_space<vmem>>) dst(%dma_wait3A_73 : memref<400x128xf32, #tpu.memory_space<hbm>>)
      %dma_wait3A_74 = tpu.memref_slice %arg8[%add3A_13] : memref<160000xf32, #tpu.memory_space<hbm>> -> memref<400xf32, #tpu.memory_space<hbm>>
      %dma_wait3A_75 = tpu.memref_slice %arg8[%add3A_13] : memref<160000xf32, #tpu.memory_space<hbm>> -> memref<400xf32, #tpu.memory_space<hbm>>
      tpu.wait_dma2 semaphore(%arg23 : memref<!tpu.dma_semaphore, #tpu.memory_space<semaphore_mem>>) src(%arg15 : memref<400xf32, #tpu.memory_space<vmem>>) dst(%dma_wait3A_75 : memref<400xf32, #tpu.memory_space<hbm>>)
      %dma_wait3A_76 = tpu.memref_slice %arg9[%add3A_13] : memref<160000xf32, #tpu.memory_space<hbm>> -> memref<400xf32, #tpu.memory_space<hbm>>
      %dma_wait3A_77 = tpu.memref_slice %arg9[%add3A_13] : memref<160000xf32, #tpu.memory_space<hbm>> -> memref<400xf32, #tpu.memory_space<hbm>>
      tpu.wait_dma2 semaphore(%arg23 : memref<!tpu.dma_semaphore, #tpu.memory_space<semaphore_mem>>) src(%arg17 : memref<400xf32, #tpu.memory_space<vmem>>) dst(%dma_wait3A_77 : memref<400xf32, #tpu.memory_space<hbm>>)
      %dma_wait3A_78 = tpu.memref_slice %arg10[%add3A_13] : memref<160000xf32, #tpu.memory_space<hbm>> -> memref<400xf32, #tpu.memory_space<hbm>>
      %dma_wait3A_79 = tpu.memref_slice %arg10[%add3A_13] : memref<160000xf32, #tpu.memory_space<hbm>> -> memref<400xf32, #tpu.memory_space<hbm>>
      tpu.wait_dma2 semaphore(%arg23 : memref<!tpu.dma_semaphore, #tpu.memory_space<semaphore_mem>>) src(%arg19 : memref<400xf32, #tpu.memory_space<vmem>>) dst(%dma_wait3A_79 : memref<400xf32, #tpu.memory_space<hbm>>)
      %dma_wait3A_80 = arith.constant 0 : i32
      %dma_wait3A_81 = tpu.memref_slice %arg7[%add3A_15, %dma_wait3A_80] : memref<160000x128xf32, #tpu.memory_space<hbm>> -> memref<400x128xf32, #tpu.memory_space<hbm>>
      %dma_wait3A_82 = arith.constant 0 : i32
      %dma_wait3A_83 = tpu.memref_slice %arg7[%add3A_15, %dma_wait3A_82] : memref<160000x128xf32, #tpu.memory_space<hbm>> -> memref<400x128xf32, #tpu.memory_space<hbm>>
      tpu.wait_dma2 semaphore(%arg24 : memref<!tpu.dma_semaphore, #tpu.memory_space<semaphore_mem>>) src(%arg14 : memref<400x128xf32, #tpu.memory_space<vmem>>) dst(%dma_wait3A_83 : memref<400x128xf32, #tpu.memory_space<hbm>>)
      %dma_wait3A_84 = tpu.memref_slice %arg8[%add3A_15] : memref<160000xf32, #tpu.memory_space<hbm>> -> memref<400xf32, #tpu.memory_space<hbm>>
      %dma_wait3A_85 = tpu.memref_slice %arg8[%add3A_15] : memref<160000xf32, #tpu.memory_space<hbm>> -> memref<400xf32, #tpu.memory_space<hbm>>
      tpu.wait_dma2 semaphore(%arg24 : memref<!tpu.dma_semaphore, #tpu.memory_space<semaphore_mem>>) src(%arg16 : memref<400xf32, #tpu.memory_space<vmem>>) dst(%dma_wait3A_85 : memref<400xf32, #tpu.memory_space<hbm>>)
      %dma_wait3A_86 = tpu.memref_slice %arg9[%add3A_15] : memref<160000xf32, #tpu.memory_space<hbm>> -> memref<400xf32, #tpu.memory_space<hbm>>
      %dma_wait3A_87 = tpu.memref_slice %arg9[%add3A_15] : memref<160000xf32, #tpu.memory_space<hbm>> -> memref<400xf32, #tpu.memory_space<hbm>>
      tpu.wait_dma2 semaphore(%arg24 : memref<!tpu.dma_semaphore, #tpu.memory_space<semaphore_mem>>) src(%arg18 : memref<400xf32, #tpu.memory_space<vmem>>) dst(%dma_wait3A_87 : memref<400xf32, #tpu.memory_space<hbm>>)
      %dma_wait3A_88 = tpu.memref_slice %arg10[%add3A_15] : memref<160000xf32, #tpu.memory_space<hbm>> -> memref<400xf32, #tpu.memory_space<hbm>>
      %dma_wait3A_89 = tpu.memref_slice %arg10[%add3A_15] : memref<160000xf32, #tpu.memory_space<hbm>> -> memref<400xf32, #tpu.memory_space<hbm>>
      tpu.wait_dma2 semaphore(%arg24 : memref<!tpu.dma_semaphore, #tpu.memory_space<semaphore_mem>>) src(%arg20 : memref<400xf32, #tpu.memory_space<vmem>>) dst(%dma_wait3A_89 : memref<400xf32, #tpu.memory_space<hbm>>)
    }
    %scan3A_7 = arith.constant 6 : i32
    return
  }
}

#map = affine_map<(d0, d1) -> (0)>
#map1 = affine_map<(d0, d1) -> (0, 0)>
module attributes {stable_mosaic.version = 14 : i64} {
  func.func @_sc_gather_y(%arg0: i32, %arg1: i32, %arg2: memref<160000xi32, #tpu.memory_space<hbm>>, %arg3: memref<10000x32xf32, #tpu.memory_space<hbm>>, %arg4: memref<160000x32xf32, #tpu.memory_space<hbm>>, %arg5: memref<400xi32, #tpu.memory_space<vmem>>, %arg6: memref<400xi32, #tpu.memory_space<vmem>>, %arg7: memref<400x32xf32, #tpu.memory_space<vmem>>, %arg8: memref<400x32xf32, #tpu.memory_space<vmem>>, %arg9: memref<!tpu.dma_semaphore, #tpu.memory_space<semaphore_mem>>, %arg10: memref<!tpu.dma_semaphore, #tpu.memory_space<semaphore_mem>>, %arg11: memref<!tpu.dma_semaphore, #tpu.memory_space<semaphore_mem>>, %arg12: memref<!tpu.dma_semaphore, #tpu.memory_space<semaphore_mem>>) attributes {dimension_semantics = [#tpu.dimension_semantics<core_parallel>, #tpu.dimension_semantics<subcore_parallel>], iteration_bounds = array<i64: 2, 16>, scalar_prefetch = 0 : i64, scratch_operands = 8 : i64, tpu.core_type = #tpu.core_type<sc_vector_subcore>, window_params = [{transform_indices = #map}, {transform_indices = #map1}, {transform_indices = #map1}]} {
    %mul3A = arith.constant 2 : i32
    %mul3A_0 = arith.muli %arg1, %mul3A : i32
    %add3A = arith.addi %mul3A_0, %arg0 : i32
    %mul3A_1 = arith.constant 5000 : i32
    %mul3A_2 = arith.muli %add3A, %mul3A_1 : i32
    %scan3A = arith.constant 0 : i32
    %scan3A_3 = arith.constant 0 : i32
    %scan3A_4 = arith.constant 6 : i32
    %scan3A_5 = arith.addi %scan3A_3, %scan3A_4 : i32
    %scan3A_6 = arith.constant 1 : i32
    scf.for %scan3A_8 = %scan3A_3 to %scan3A_5 step %scan3A_6  : i32 {
      %mul3A_9 = arith.constant 2 : i32
      %mul3A_10 = arith.muli %mul3A_9, %scan3A_8 : i32
      %mul3A_11 = arith.constant 400 : i32
      %mul3A_12 = arith.muli %mul3A_10, %mul3A_11 : i32
      %add3A_13 = arith.addi %mul3A_2, %mul3A_12 : i32
      %add3A_14 = arith.constant 400 : i32
      %add3A_15 = arith.addi %add3A_13, %add3A_14 : i32
      "tpu.region"() ({
        %run_scoped3A = tpu.sem_alloc : memref<!tpu.dma_semaphore, #tpu.memory_space<semaphore_mem>>
        %dma_start3A_42 = tpu.memref_slice %arg2[%add3A_13] : memref<160000xi32, #tpu.memory_space<hbm>> -> memref<400xi32, #tpu.memory_space<hbm>>
        %dma_start3A_43 = tpu.memref_slice %arg2[%add3A_13] : memref<160000xi32, #tpu.memory_space<hbm>> -> memref<400xi32, #tpu.memory_space<hbm>>
        tpu.enqueue_dma source(%dma_start3A_43 : memref<400xi32, #tpu.memory_space<hbm>>) target(%arg5 : memref<400xi32, #tpu.memory_space<vmem>>) target_semaphore(%run_scoped3A : memref<!tpu.dma_semaphore, #tpu.memory_space<semaphore_mem>>)
        %dma_wait3A_44 = tpu.memref_slice %arg2[%add3A_13] : memref<160000xi32, #tpu.memory_space<hbm>> -> memref<400xi32, #tpu.memory_space<hbm>>
        %dma_wait3A_45 = tpu.memref_slice %arg2[%add3A_13] : memref<160000xi32, #tpu.memory_space<hbm>> -> memref<400xi32, #tpu.memory_space<hbm>>
        tpu.wait_dma2 semaphore(%run_scoped3A : memref<!tpu.dma_semaphore, #tpu.memory_space<semaphore_mem>>) src(%dma_wait3A_45 : memref<400xi32, #tpu.memory_space<hbm>>) dst(%arg5 : memref<400xi32, #tpu.memory_space<vmem>>)
        tpu.yield
      }) : () -> ()
      %dma_start3A = arith.constant 0 : i32
      %dma_start3A_16 = arith.constant 0 : i32
      %dma_start3A_17 = tpu.memref_slice %arg3[%dma_start3A, %dma_start3A_16] : memref<10000x32xf32, #tpu.memory_space<hbm>> -> memref<10000x32xf32, #tpu.memory_space<hbm>>
      tpu.enqueue_indirect_dma source(%dma_start3A_17 : memref<10000x32xf32, #tpu.memory_space<hbm>>) target(%arg7 : memref<400x32xf32, #tpu.memory_space<vmem>>) offsets(%arg5 : memref<400xi32, #tpu.memory_space<vmem>>) semaphore(%arg9 : memref<!tpu.dma_semaphore, #tpu.memory_space<semaphore_mem>>)
      "tpu.region"() ({
        %run_scoped3A = tpu.sem_alloc : memref<!tpu.dma_semaphore, #tpu.memory_space<semaphore_mem>>
        %dma_start3A_42 = tpu.memref_slice %arg2[%add3A_15] : memref<160000xi32, #tpu.memory_space<hbm>> -> memref<400xi32, #tpu.memory_space<hbm>>
        %dma_start3A_43 = tpu.memref_slice %arg2[%add3A_15] : memref<160000xi32, #tpu.memory_space<hbm>> -> memref<400xi32, #tpu.memory_space<hbm>>
        tpu.enqueue_dma source(%dma_start3A_43 : memref<400xi32, #tpu.memory_space<hbm>>) target(%arg6 : memref<400xi32, #tpu.memory_space<vmem>>) target_semaphore(%run_scoped3A : memref<!tpu.dma_semaphore, #tpu.memory_space<semaphore_mem>>)
        %dma_wait3A_44 = tpu.memref_slice %arg2[%add3A_15] : memref<160000xi32, #tpu.memory_space<hbm>> -> memref<400xi32, #tpu.memory_space<hbm>>
        %dma_wait3A_45 = tpu.memref_slice %arg2[%add3A_15] : memref<160000xi32, #tpu.memory_space<hbm>> -> memref<400xi32, #tpu.memory_space<hbm>>
        tpu.wait_dma2 semaphore(%run_scoped3A : memref<!tpu.dma_semaphore, #tpu.memory_space<semaphore_mem>>) src(%dma_wait3A_45 : memref<400xi32, #tpu.memory_space<hbm>>) dst(%arg6 : memref<400xi32, #tpu.memory_space<vmem>>)
        tpu.yield
      }) : () -> ()
      %dma_start3A_18 = arith.constant 0 : i32
      %dma_start3A_19 = arith.constant 0 : i32
      %dma_start3A_20 = tpu.memref_slice %arg3[%dma_start3A_18, %dma_start3A_19] : memref<10000x32xf32, #tpu.memory_space<hbm>> -> memref<10000x32xf32, #tpu.memory_space<hbm>>
      tpu.enqueue_indirect_dma source(%dma_start3A_20 : memref<10000x32xf32, #tpu.memory_space<hbm>>) target(%arg8 : memref<400x32xf32, #tpu.memory_space<vmem>>) offsets(%arg6 : memref<400xi32, #tpu.memory_space<vmem>>) semaphore(%arg10 : memref<!tpu.dma_semaphore, #tpu.memory_space<semaphore_mem>>)
      %dma_wait3A = arith.constant 0 : i32
      %dma_wait3A_21 = arith.constant 0 : i32
      %dma_wait3A_22 = tpu.memref_slice %arg3[%dma_wait3A, %dma_wait3A_21] : memref<10000x32xf32, #tpu.memory_space<hbm>> -> memref<10000x32xf32, #tpu.memory_space<hbm>>
      tpu.wait_indirect_dma semaphore(%arg9 : memref<!tpu.dma_semaphore, #tpu.memory_space<semaphore_mem>>) src(%dma_wait3A_22 : memref<10000x32xf32, #tpu.memory_space<hbm>>) dst(%arg7 : memref<400x32xf32, #tpu.memory_space<vmem>>)
      %dma_start3A_23 = arith.constant 0 : i32
      %dma_start3A_24 = tpu.memref_slice %arg4[%add3A_13, %dma_start3A_23] : memref<160000x32xf32, #tpu.memory_space<hbm>> -> memref<400x32xf32, #tpu.memory_space<hbm>>
      %dma_start3A_25 = arith.constant 0 : i32
      %dma_start3A_26 = tpu.memref_slice %arg4[%add3A_13, %dma_start3A_25] : memref<160000x32xf32, #tpu.memory_space<hbm>> -> memref<400x32xf32, #tpu.memory_space<hbm>>
      tpu.enqueue_dma source(%arg7 : memref<400x32xf32, #tpu.memory_space<vmem>>) target(%dma_start3A_26 : memref<400x32xf32, #tpu.memory_space<hbm>>) target_semaphore(%arg11 : memref<!tpu.dma_semaphore, #tpu.memory_space<semaphore_mem>>)
      %dma_wait3A_27 = arith.constant 0 : i32
      %dma_wait3A_28 = arith.constant 0 : i32
      %dma_wait3A_29 = tpu.memref_slice %arg3[%dma_wait3A_27, %dma_wait3A_28] : memref<10000x32xf32, #tpu.memory_space<hbm>> -> memref<10000x32xf32, #tpu.memory_space<hbm>>
      tpu.wait_indirect_dma semaphore(%arg10 : memref<!tpu.dma_semaphore, #tpu.memory_space<semaphore_mem>>) src(%dma_wait3A_29 : memref<10000x32xf32, #tpu.memory_space<hbm>>) dst(%arg8 : memref<400x32xf32, #tpu.memory_space<vmem>>)
      %dma_start3A_30 = arith.constant 0 : i32
      %dma_start3A_31 = tpu.memref_slice %arg4[%add3A_15, %dma_start3A_30] : memref<160000x32xf32, #tpu.memory_space<hbm>> -> memref<400x32xf32, #tpu.memory_space<hbm>>
      %dma_start3A_32 = arith.constant 0 : i32
      %dma_start3A_33 = tpu.memref_slice %arg4[%add3A_15, %dma_start3A_32] : memref<160000x32xf32, #tpu.memory_space<hbm>> -> memref<400x32xf32, #tpu.memory_space<hbm>>
      tpu.enqueue_dma source(%arg8 : memref<400x32xf32, #tpu.memory_space<vmem>>) target(%dma_start3A_33 : memref<400x32xf32, #tpu.memory_space<hbm>>) target_semaphore(%arg12 : memref<!tpu.dma_semaphore, #tpu.memory_space<semaphore_mem>>)
      %dma_wait3A_34 = arith.constant 0 : i32
      %dma_wait3A_35 = tpu.memref_slice %arg4[%add3A_13, %dma_wait3A_34] : memref<160000x32xf32, #tpu.memory_space<hbm>> -> memref<400x32xf32, #tpu.memory_space<hbm>>
      %dma_wait3A_36 = arith.constant 0 : i32
      %dma_wait3A_37 = tpu.memref_slice %arg4[%add3A_13, %dma_wait3A_36] : memref<160000x32xf32, #tpu.memory_space<hbm>> -> memref<400x32xf32, #tpu.memory_space<hbm>>
      tpu.wait_dma2 semaphore(%arg11 : memref<!tpu.dma_semaphore, #tpu.memory_space<semaphore_mem>>) src(%arg7 : memref<400x32xf32, #tpu.memory_space<vmem>>) dst(%dma_wait3A_37 : memref<400x32xf32, #tpu.memory_space<hbm>>)
      %dma_wait3A_38 = arith.constant 0 : i32
      %dma_wait3A_39 = tpu.memref_slice %arg4[%add3A_15, %dma_wait3A_38] : memref<160000x32xf32, #tpu.memory_space<hbm>> -> memref<400x32xf32, #tpu.memory_space<hbm>>
      %dma_wait3A_40 = arith.constant 0 : i32
      %dma_wait3A_41 = tpu.memref_slice %arg4[%add3A_15, %dma_wait3A_40] : memref<160000x32xf32, #tpu.memory_space<hbm>> -> memref<400x32xf32, #tpu.memory_space<hbm>>
      tpu.wait_dma2 semaphore(%arg12 : memref<!tpu.dma_semaphore, #tpu.memory_space<semaphore_mem>>) src(%arg8 : memref<400x32xf32, #tpu.memory_space<vmem>>) dst(%dma_wait3A_41 : memref<400x32xf32, #tpu.memory_space<hbm>>)
    }
    %scan3A_7 = arith.constant 6 : i32
    return
  }
}

#map = affine_map<(d0, d1) -> (0)>
#map1 = affine_map<(d0, d1) -> (0, 0)>
module attributes {stable_mosaic.version = 14 : i64} {
  func.func @_sc_gather_y(%arg0: i32, %arg1: i32, %arg2: memref<160000xi32, #tpu.memory_space<hbm>>, %arg3: memref<10000x32xf32, #tpu.memory_space<hbm>>, %arg4: memref<160000x32xf32, #tpu.memory_space<hbm>>, %arg5: memref<400xi32, #tpu.memory_space<vmem>>, %arg6: memref<400xi32, #tpu.memory_space<vmem>>, %arg7: memref<400x32xf32, #tpu.memory_space<vmem>>, %arg8: memref<400x32xf32, #tpu.memory_space<vmem>>, %arg9: memref<!tpu.dma_semaphore, #tpu.memory_space<semaphore_mem>>, %arg10: memref<!tpu.dma_semaphore, #tpu.memory_space<semaphore_mem>>, %arg11: memref<!tpu.dma_semaphore, #tpu.memory_space<semaphore_mem>>, %arg12: memref<!tpu.dma_semaphore, #tpu.memory_space<semaphore_mem>>) attributes {dimension_semantics = [#tpu.dimension_semantics<core_parallel>, #tpu.dimension_semantics<subcore_parallel>], iteration_bounds = array<i64: 2, 16>, scalar_prefetch = 0 : i64, scratch_operands = 8 : i64, tpu.core_type = #tpu.core_type<sc_vector_subcore>, window_params = [{transform_indices = #map}, {transform_indices = #map1}, {transform_indices = #map1}]} {
    %mul3A = arith.constant 2 : i32
    %mul3A_0 = arith.muli %arg1, %mul3A : i32
    %add3A = arith.addi %mul3A_0, %arg0 : i32
    %mul3A_1 = arith.constant 5000 : i32
    %mul3A_2 = arith.muli %add3A, %mul3A_1 : i32
    %scan3A = arith.constant 0 : i32
    %scan3A_3 = arith.constant 0 : i32
    %scan3A_4 = arith.constant 6 : i32
    %scan3A_5 = arith.addi %scan3A_3, %scan3A_4 : i32
    %scan3A_6 = arith.constant 1 : i32
    scf.for %scan3A_8 = %scan3A_3 to %scan3A_5 step %scan3A_6  : i32 {
      %mul3A_9 = arith.constant 2 : i32
      %mul3A_10 = arith.muli %mul3A_9, %scan3A_8 : i32
      %mul3A_11 = arith.constant 400 : i32
      %mul3A_12 = arith.muli %mul3A_10, %mul3A_11 : i32
      %add3A_13 = arith.addi %mul3A_2, %mul3A_12 : i32
      %add3A_14 = arith.constant 400 : i32
      %add3A_15 = arith.addi %add3A_13, %add3A_14 : i32
      "tpu.region"() ({
        %run_scoped3A = tpu.sem_alloc : memref<!tpu.dma_semaphore, #tpu.memory_space<semaphore_mem>>
        %dma_start3A_42 = tpu.memref_slice %arg2[%add3A_13] : memref<160000xi32, #tpu.memory_space<hbm>> -> memref<400xi32, #tpu.memory_space<hbm>>
        %dma_start3A_43 = tpu.memref_slice %arg2[%add3A_13] : memref<160000xi32, #tpu.memory_space<hbm>> -> memref<400xi32, #tpu.memory_space<hbm>>
        tpu.enqueue_dma source(%dma_start3A_43 : memref<400xi32, #tpu.memory_space<hbm>>) target(%arg5 : memref<400xi32, #tpu.memory_space<vmem>>) target_semaphore(%run_scoped3A : memref<!tpu.dma_semaphore, #tpu.memory_space<semaphore_mem>>)
        %dma_wait3A_44 = tpu.memref_slice %arg2[%add3A_13] : memref<160000xi32, #tpu.memory_space<hbm>> -> memref<400xi32, #tpu.memory_space<hbm>>
        %dma_wait3A_45 = tpu.memref_slice %arg2[%add3A_13] : memref<160000xi32, #tpu.memory_space<hbm>> -> memref<400xi32, #tpu.memory_space<hbm>>
        tpu.wait_dma2 semaphore(%run_scoped3A : memref<!tpu.dma_semaphore, #tpu.memory_space<semaphore_mem>>) src(%dma_wait3A_45 : memref<400xi32, #tpu.memory_space<hbm>>) dst(%arg5 : memref<400xi32, #tpu.memory_space<vmem>>)
        tpu.yield
      }) : () -> ()
      %dma_start3A = arith.constant 0 : i32
      %dma_start3A_16 = arith.constant 0 : i32
      %dma_start3A_17 = tpu.memref_slice %arg3[%dma_start3A, %dma_start3A_16] : memref<10000x32xf32, #tpu.memory_space<hbm>> -> memref<10000x32xf32, #tpu.memory_space<hbm>>
      tpu.enqueue_indirect_dma source(%dma_start3A_17 : memref<10000x32xf32, #tpu.memory_space<hbm>>) target(%arg7 : memref<400x32xf32, #tpu.memory_space<vmem>>) offsets(%arg5 : memref<400xi32, #tpu.memory_space<vmem>>) semaphore(%arg9 : memref<!tpu.dma_semaphore, #tpu.memory_space<semaphore_mem>>)
      "tpu.region"() ({
        %run_scoped3A = tpu.sem_alloc : memref<!tpu.dma_semaphore, #tpu.memory_space<semaphore_mem>>
        %dma_start3A_42 = tpu.memref_slice %arg2[%add3A_15] : memref<160000xi32, #tpu.memory_space<hbm>> -> memref<400xi32, #tpu.memory_space<hbm>>
        %dma_start3A_43 = tpu.memref_slice %arg2[%add3A_15] : memref<160000xi32, #tpu.memory_space<hbm>> -> memref<400xi32, #tpu.memory_space<hbm>>
        tpu.enqueue_dma source(%dma_start3A_43 : memref<400xi32, #tpu.memory_space<hbm>>) target(%arg6 : memref<400xi32, #tpu.memory_space<vmem>>) target_semaphore(%run_scoped3A : memref<!tpu.dma_semaphore, #tpu.memory_space<semaphore_mem>>)
        %dma_wait3A_44 = tpu.memref_slice %arg2[%add3A_15] : memref<160000xi32, #tpu.memory_space<hbm>> -> memref<400xi32, #tpu.memory_space<hbm>>
        %dma_wait3A_45 = tpu.memref_slice %arg2[%add3A_15] : memref<160000xi32, #tpu.memory_space<hbm>> -> memref<400xi32, #tpu.memory_space<hbm>>
        tpu.wait_dma2 semaphore(%run_scoped3A : memref<!tpu.dma_semaphore, #tpu.memory_space<semaphore_mem>>) src(%dma_wait3A_45 : memref<400xi32, #tpu.memory_space<hbm>>) dst(%arg6 : memref<400xi32, #tpu.memory_space<vmem>>)
        tpu.yield
      }) : () -> ()
      %dma_start3A_18 = arith.constant 0 : i32
      %dma_start3A_19 = arith.constant 0 : i32
      %dma_start3A_20 = tpu.memref_slice %arg3[%dma_start3A_18, %dma_start3A_19] : memref<10000x32xf32, #tpu.memory_space<hbm>> -> memref<10000x32xf32, #tpu.memory_space<hbm>>
      tpu.enqueue_indirect_dma source(%dma_start3A_20 : memref<10000x32xf32, #tpu.memory_space<hbm>>) target(%arg8 : memref<400x32xf32, #tpu.memory_space<vmem>>) offsets(%arg6 : memref<400xi32, #tpu.memory_space<vmem>>) semaphore(%arg10 : memref<!tpu.dma_semaphore, #tpu.memory_space<semaphore_mem>>)
      %dma_wait3A = arith.constant 0 : i32
      %dma_wait3A_21 = arith.constant 0 : i32
      %dma_wait3A_22 = tpu.memref_slice %arg3[%dma_wait3A, %dma_wait3A_21] : memref<10000x32xf32, #tpu.memory_space<hbm>> -> memref<10000x32xf32, #tpu.memory_space<hbm>>
      tpu.wait_indirect_dma semaphore(%arg9 : memref<!tpu.dma_semaphore, #tpu.memory_space<semaphore_mem>>) src(%dma_wait3A_22 : memref<10000x32xf32, #tpu.memory_space<hbm>>) dst(%arg7 : memref<400x32xf32, #tpu.memory_space<vmem>>)
      %dma_start3A_23 = arith.constant 0 : i32
      %dma_start3A_24 = tpu.memref_slice %arg4[%add3A_13, %dma_start3A_23] : memref<160000x32xf32, #tpu.memory_space<hbm>> -> memref<400x32xf32, #tpu.memory_space<hbm>>
      %dma_start3A_25 = arith.constant 0 : i32
      %dma_start3A_26 = tpu.memref_slice %arg4[%add3A_13, %dma_start3A_25] : memref<160000x32xf32, #tpu.memory_space<hbm>> -> memref<400x32xf32, #tpu.memory_space<hbm>>
      tpu.enqueue_dma source(%arg7 : memref<400x32xf32, #tpu.memory_space<vmem>>) target(%dma_start3A_26 : memref<400x32xf32, #tpu.memory_space<hbm>>) target_semaphore(%arg11 : memref<!tpu.dma_semaphore, #tpu.memory_space<semaphore_mem>>)
      %dma_wait3A_27 = arith.constant 0 : i32
      %dma_wait3A_28 = arith.constant 0 : i32
      %dma_wait3A_29 = tpu.memref_slice %arg3[%dma_wait3A_27, %dma_wait3A_28] : memref<10000x32xf32, #tpu.memory_space<hbm>> -> memref<10000x32xf32, #tpu.memory_space<hbm>>
      tpu.wait_indirect_dma semaphore(%arg10 : memref<!tpu.dma_semaphore, #tpu.memory_space<semaphore_mem>>) src(%dma_wait3A_29 : memref<10000x32xf32, #tpu.memory_space<hbm>>) dst(%arg8 : memref<400x32xf32, #tpu.memory_space<vmem>>)
      %dma_start3A_30 = arith.constant 0 : i32
      %dma_start3A_31 = tpu.memref_slice %arg4[%add3A_15, %dma_start3A_30] : memref<160000x32xf32, #tpu.memory_space<hbm>> -> memref<400x32xf32, #tpu.memory_space<hbm>>
      %dma_start3A_32 = arith.constant 0 : i32
      %dma_start3A_33 = tpu.memref_slice %arg4[%add3A_15, %dma_start3A_32] : memref<160000x32xf32, #tpu.memory_space<hbm>> -> memref<400x32xf32, #tpu.memory_space<hbm>>
      tpu.enqueue_dma source(%arg8 : memref<400x32xf32, #tpu.memory_space<vmem>>) target(%dma_start3A_33 : memref<400x32xf32, #tpu.memory_space<hbm>>) target_semaphore(%arg12 : memref<!tpu.dma_semaphore, #tpu.memory_space<semaphore_mem>>)
      %dma_wait3A_34 = arith.constant 0 : i32
      %dma_wait3A_35 = tpu.memref_slice %arg4[%add3A_13, %dma_wait3A_34] : memref<160000x32xf32, #tpu.memory_space<hbm>> -> memref<400x32xf32, #tpu.memory_space<hbm>>
      %dma_wait3A_36 = arith.constant 0 : i32
      %dma_wait3A_37 = tpu.memref_slice %arg4[%add3A_13, %dma_wait3A_36] : memref<160000x32xf32, #tpu.memory_space<hbm>> -> memref<400x32xf32, #tpu.memory_space<hbm>>
      tpu.wait_dma2 semaphore(%arg11 : memref<!tpu.dma_semaphore, #tpu.memory_space<semaphore_mem>>) src(%arg7 : memref<400x32xf32, #tpu.memory_space<vmem>>) dst(%dma_wait3A_37 : memref<400x32xf32, #tpu.memory_space<hbm>>)
      %dma_wait3A_38 = arith.constant 0 : i32
      %dma_wait3A_39 = tpu.memref_slice %arg4[%add3A_15, %dma_wait3A_38] : memref<160000x32xf32, #tpu.memory_space<hbm>> -> memref<400x32xf32, #tpu.memory_space<hbm>>
      %dma_wait3A_40 = arith.constant 0 : i32
      %dma_wait3A_41 = tpu.memref_slice %arg4[%add3A_15, %dma_wait3A_40] : memref<160000x32xf32, #tpu.memory_space<hbm>> -> memref<400x32xf32, #tpu.memory_space<hbm>>
      tpu.wait_dma2 semaphore(%arg12 : memref<!tpu.dma_semaphore, #tpu.memory_space<semaphore_mem>>) src(%arg8 : memref<400x32xf32, #tpu.memory_space<vmem>>) dst(%dma_wait3A_41 : memref<400x32xf32, #tpu.memory_space<hbm>>)
    }
    %scan3A_7 = arith.constant 6 : i32
    return
  }
}

module attributes {stable_mosaic.version = 14 : i64} {
  func.func @_tc1_body(%arg0: i32, %arg1: memref<6400x128xf32, #tpu.memory_space<vmem>>, %arg2: memref<200x32xf32, #tpu.memory_space<vmem>>, %arg3: memref<200x32xf32, #tpu.memory_space<vmem>>, %arg4: memref<200x32xf32, #tpu.memory_space<vmem>>, %arg5: memref<200x1xf32, #tpu.memory_space<vmem>>, %arg6: memref<200x1xf32, #tpu.memory_space<vmem>>, %arg7: memref<200x1xf32, #tpu.memory_space<vmem>>, %arg8: memref<3x16x1xf32, #tpu.memory_space<vmem>>, %arg9: memref<128x256xf32, #tpu.memory_space<vmem>>, %arg10: memref<15x128x64xf32, #tpu.memory_space<vmem>>, %arg11: memref<64x32xf32, #tpu.memory_space<vmem>>, %arg12: memref<200x64xf32, #tpu.memory_space<vmem>>, %arg13: memref<200x32xf32, #tpu.memory_space<vmem>>) attributes {dimension_semantics = [#tpu.dimension_semantics<arbitrary>], iteration_bounds = array<i64: 25>, scalar_prefetch = 0 : i64, scratch_operands = 0 : i64, tpu.core_type = #tpu.core_type<tc>, window_params = [{transform_indices = @transform_0, window_bounds = array<i64: 6400, 128>}, {transform_indices = @transform_1, window_bounds = array<i64: 200, 32>}, {transform_indices = @transform_2, window_bounds = array<i64: 200, 32>}, {transform_indices = @transform_3, window_bounds = array<i64: 200, 32>}, {transform_indices = @transform_4, window_bounds = array<i64: 200, 1>}, {transform_indices = @transform_5, window_bounds = array<i64: 200, 1>}, {transform_indices = @transform_6, window_bounds = array<i64: 200, 1>}, {pipeline_mode = #tpu.pipeline_mode<synchronous>, transform_indices = @transform_7, window_bounds = array<i64: 3, 16, 1>}, {pipeline_mode = #tpu.pipeline_mode<synchronous>, transform_indices = @transform_8, window_bounds = array<i64: 128, 256>}, {pipeline_mode = #tpu.pipeline_mode<synchronous>, transform_indices = @transform_9, window_bounds = array<i64: 15, 128, 64>}, {pipeline_mode = #tpu.pipeline_mode<synchronous>, transform_indices = @transform_10, window_bounds = array<i64: 64, 32>}, {transform_indices = @transform_11, window_bounds = array<i64: 200, 64>}, {transform_indices = @transform_12, window_bounds = array<i64: 200, 32>}]} {
    %get3A = arith.constant 0 : index
    %get3A_0 = arith.constant 0 : index
    %get3A_1 = vector.load %arg2[%get3A, %get3A_0] : memref<200x32xf32, #tpu.memory_space<vmem>>, vector<200x32xf32>
    %get3A_2 = arith.constant 0 : index
    %get3A_3 = arith.constant 0 : index
    %get3A_4 = vector.load %arg3[%get3A_2, %get3A_3] : memref<200x32xf32, #tpu.memory_space<vmem>>, vector<200x32xf32>
    %get3A_5 = arith.constant 0 : index
    %get3A_6 = arith.constant 0 : index
    %get3A_7 = vector.load %arg4[%get3A_5, %get3A_6] : memref<200x32xf32, #tpu.memory_space<vmem>>, vector<200x32xf32>
    %get3A_8 = arith.constant 0 : index
    %get3A_9 = arith.constant 0 : index
    %get3A_10 = vector.load %arg5[%get3A_8, %get3A_9] : memref<200x1xf32, #tpu.memory_space<vmem>>, vector<200x1xf32>
    %get3A_11 = arith.constant 0 : index
    %get3A_12 = arith.constant 0 : index
    %get3A_13 = vector.load %arg6[%get3A_11, %get3A_12] : memref<200x1xf32, #tpu.memory_space<vmem>>, vector<200x1xf32>
    %get3A_14 = arith.constant 0 : index
    %get3A_15 = arith.constant 0 : index
    %get3A_16 = vector.load %arg7[%get3A_14, %get3A_15] : memref<200x1xf32, #tpu.memory_space<vmem>>, vector<200x1xf32>
    %get3A_17 = arith.constant 0 : index
    %get3A_18 = arith.constant 0 : index
    %get3A_19 = arith.constant 0 : index
    %get3A_20 = vector.load %arg8[%get3A_17, %get3A_18, %get3A_19] : memref<3x16x1xf32, #tpu.memory_space<vmem>>, vector<3x16x1xf32>
    %sub3A = vector.broadcast %get3A_10 : vector<200x1xf32> to vector<200x32xf32>
    %sub3A_21 = arith.subf %get3A_1, %sub3A : vector<200x32xf32>
    %broadcast_in_dim3A = vector.shape_cast %sub3A_21 : vector<200x32xf32> to vector<200x1x32xf32>
    %slice3A = vector.extract_strided_slice %get3A_20 {offsets = [0, 0, 0], sizes = [1, 16, 1], strides = [1, 1, 1]} : vector<3x16x1xf32> to vector<1x16x1xf32>
    %squeeze3A = vector.shape_cast %slice3A : vector<1x16x1xf32> to vector<16x1xf32>
    %broadcast_in_dim3A_22 = vector.shape_cast %squeeze3A : vector<16x1xf32> to vector<1x16x1xf32>
    %sub3A_23 = vector.broadcast %broadcast_in_dim3A : vector<200x1x32xf32> to vector<200x16x32xf32>
    %sub3A_24 = vector.broadcast %broadcast_in_dim3A_22 : vector<1x16x1xf32> to vector<200x16x32xf32>
    %sub3A_25 = arith.subf %sub3A_23, %sub3A_24 : vector<200x16x32xf32>
    %sub3A_26 = vector.broadcast %get3A_13 : vector<200x1xf32> to vector<200x32xf32>
    %sub3A_27 = arith.subf %get3A_4, %sub3A_26 : vector<200x32xf32>
    %broadcast_in_dim3A_28 = vector.shape_cast %sub3A_27 : vector<200x32xf32> to vector<200x1x32xf32>
    %slice3A_29 = vector.extract_strided_slice %get3A_20 {offsets = [1, 0, 0], sizes = [1, 16, 1], strides = [1, 1, 1]} : vector<3x16x1xf32> to vector<1x16x1xf32>
    %squeeze3A_30 = vector.shape_cast %slice3A_29 : vector<1x16x1xf32> to vector<16x1xf32>
    %broadcast_in_dim3A_31 = vector.shape_cast %squeeze3A_30 : vector<16x1xf32> to vector<1x16x1xf32>
    %sub3A_32 = vector.broadcast %broadcast_in_dim3A_28 : vector<200x1x32xf32> to vector<200x16x32xf32>
    %sub3A_33 = vector.broadcast %broadcast_in_dim3A_31 : vector<1x16x1xf32> to vector<200x16x32xf32>
    %sub3A_34 = arith.subf %sub3A_32, %sub3A_33 : vector<200x16x32xf32>
    %sub3A_35 = vector.broadcast %get3A_16 : vector<200x1xf32> to vector<200x32xf32>
    %sub3A_36 = arith.subf %get3A_7, %sub3A_35 : vector<200x32xf32>
    %broadcast_in_dim3A_37 = vector.shape_cast %sub3A_36 : vector<200x32xf32> to vector<200x1x32xf32>
    %slice3A_38 = vector.extract_strided_slice %get3A_20 {offsets = [2, 0, 0], sizes = [1, 16, 1], strides = [1, 1, 1]} : vector<3x16x1xf32> to vector<1x16x1xf32>
    %squeeze3A_39 = vector.shape_cast %slice3A_38 : vector<1x16x1xf32> to vector<16x1xf32>
    %broadcast_in_dim3A_40 = vector.shape_cast %squeeze3A_39 : vector<16x1xf32> to vector<1x16x1xf32>
    %sub3A_41 = vector.broadcast %broadcast_in_dim3A_37 : vector<200x1x32xf32> to vector<200x16x32xf32>
    %sub3A_42 = vector.broadcast %broadcast_in_dim3A_40 : vector<1x16x1xf32> to vector<200x16x32xf32>
    %sub3A_43 = arith.subf %sub3A_41, %sub3A_42 : vector<200x16x32xf32>
    %mul3A = arith.mulf %sub3A_25, %sub3A_25 : vector<200x16x32xf32>
    %mul3A_44 = arith.mulf %sub3A_34, %sub3A_34 : vector<200x16x32xf32>
    %add3A = arith.addf %mul3A, %mul3A_44 : vector<200x16x32xf32>
    %mul3A_45 = arith.mulf %sub3A_43, %sub3A_43 : vector<200x16x32xf32>
    %add3A_46 = arith.addf %add3A, %mul3A_45 : vector<200x16x32xf32>
    %add3A_47 = arith.constant 9.99999996E-13 : f32
    %add3A_48 = vector.broadcast %add3A_47 : f32 to vector<200x16x32xf32>
    %add3A_49 = arith.addf %add3A_46, %add3A_48 : vector<200x16x32xf32>
    %sqrt3A = math.sqrt %add3A_49 : vector<200x16x32xf32>
    %sub3A_50 = arith.constant 1.000000e+00 : f32
    %sub3A_51 = vector.broadcast %sub3A_50 : f32 to vector<200x16x32xf32>
    %sub3A_52 = arith.subf %sub3A_51, %sqrt3A : vector<200x16x32xf32>
    %max3A = arith.constant 0.000000e+00 : f32
    %max3A_53 = vector.broadcast %max3A : f32 to vector<200x16x32xf32>
    %max3A_54 = arith.maximumf %max3A_53, %sub3A_52 : vector<200x16x32xf32>
    %get3A_55 = arith.constant 0 : index
    %get3A_56 = arith.constant 0 : index
    %get3A_57 = vector.load %arg1[%get3A_55, %get3A_56] : memref<6400x128xf32, #tpu.memory_space<vmem>>, vector<6400x128xf32>
    %get3A_58 = arith.constant 0 : index
    %get3A_59 = arith.constant 0 : index
    %get3A_60 = vector.load %arg9[%get3A_58, %get3A_59] : memref<128x256xf32, #tpu.memory_space<vmem>>, vector<128x256xf32>
    %reshape3A = vector.shape_cast %max3A_54 : vector<200x16x32xf32> to vector<25x128x32xf32>
    %concatenate3A = tpu.concatenate %reshape3A, %reshape3A, %reshape3A, %reshape3A, %reshape3A, %reshape3A, %reshape3A, %reshape3A in 2 : vector<25x128x32xf32>, vector<25x128x32xf32>, vector<25x128x32xf32>, vector<25x128x32xf32>, vector<25x128x32xf32>, vector<25x128x32xf32>, vector<25x128x32xf32>, vector<25x128x32xf32> -> vector<25x128x256xf32>
    %broadcast_in_dim3A_61 = vector.shape_cast %get3A_60 : vector<128x256xf32> to vector<1x128x256xf32>
    %mul3A_62 = vector.broadcast %broadcast_in_dim3A_61 : vector<1x128x256xf32> to vector<25x128x256xf32>
    %mul3A_63 = arith.mulf %concatenate3A, %mul3A_62 : vector<25x128x256xf32>
    %reshape3A_64 = vector.shape_cast %get3A_57 : vector<6400x128xf32> to vector<25x256x128xf32>
    %slice3A_65 = vector.extract_strided_slice %mul3A_63 {offsets = [0, 0, 0], sizes = [1, 128, 256], strides = [1, 1, 1]} : vector<25x128x256xf32> to vector<1x128x256xf32>
    %squeeze3A_66 = vector.shape_cast %slice3A_65 : vector<1x128x256xf32> to vector<128x256xf32>
    %slice3A_67 = vector.extract_strided_slice %reshape3A_64 {offsets = [0, 0, 0], sizes = [1, 256, 128], strides = [1, 1, 1]} : vector<25x256x128xf32> to vector<1x256x128xf32>
    %squeeze3A_68 = vector.shape_cast %slice3A_67 : vector<1x256x128xf32> to vector<256x128xf32>
    %dot_general3A = arith.constant dense<0.000000e+00> : vector<128x128xf32>
    %dot_general3A_69 = tpu.matmul %squeeze3A_66, %squeeze3A_68, %dot_general3A {dimension_numbers = #tpu.dot_dimension_numbers<[1], [0], [0], [1], [0, 0, 1, 1], [], []>, transpose_lhs_hint = false} : vector<128x256xf32>, vector<256x128xf32>, vector<128x128xf32> -> vector<128x128xf32>
    %slice3A_70 = vector.extract_strided_slice %mul3A_63 {offsets = [1, 0, 0], sizes = [1, 128, 256], strides = [1, 1, 1]} : vector<25x128x256xf32> to vector<1x128x256xf32>
    %squeeze3A_71 = vector.shape_cast %slice3A_70 : vector<1x128x256xf32> to vector<128x256xf32>
    %slice3A_72 = vector.extract_strided_slice %reshape3A_64 {offsets = [1, 0, 0], sizes = [1, 256, 128], strides = [1, 1, 1]} : vector<25x256x128xf32> to vector<1x256x128xf32>
    %squeeze3A_73 = vector.shape_cast %slice3A_72 : vector<1x256x128xf32> to vector<256x128xf32>
    %dot_general3A_74 = arith.constant dense<0.000000e+00> : vector<128x128xf32>
    %dot_general3A_75 = tpu.matmul %squeeze3A_71, %squeeze3A_73, %dot_general3A_74 {dimension_numbers = #tpu.dot_dimension_numbers<[1], [0], [0], [1], [0, 0, 1, 1], [], []>, transpose_lhs_hint = false} : vector<128x256xf32>, vector<256x128xf32>, vector<128x128xf32> -> vector<128x128xf32>
    %slice3A_76 = vector.extract_strided_slice %mul3A_63 {offsets = [2, 0, 0], sizes = [1, 128, 256], strides = [1, 1, 1]} : vector<25x128x256xf32> to vector<1x128x256xf32>
    %squeeze3A_77 = vector.shape_cast %slice3A_76 : vector<1x128x256xf32> to vector<128x256xf32>
    %slice3A_78 = vector.extract_strided_slice %reshape3A_64 {offsets = [2, 0, 0], sizes = [1, 256, 128], strides = [1, 1, 1]} : vector<25x256x128xf32> to vector<1x256x128xf32>
    %squeeze3A_79 = vector.shape_cast %slice3A_78 : vector<1x256x128xf32> to vector<256x128xf32>
    %dot_general3A_80 = arith.constant dense<0.000000e+00> : vector<128x128xf32>
    %dot_general3A_81 = tpu.matmul %squeeze3A_77, %squeeze3A_79, %dot_general3A_80 {dimension_numbers = #tpu.dot_dimension_numbers<[1], [0], [0], [1], [0, 0, 1, 1], [], []>, transpose_lhs_hint = false} : vector<128x256xf32>, vector<256x128xf32>, vector<128x128xf32> -> vector<128x128xf32>
    %slice3A_82 = vector.extract_strided_slice %mul3A_63 {offsets = [3, 0, 0], sizes = [1, 128, 256], strides = [1, 1, 1]} : vector<25x128x256xf32> to vector<1x128x256xf32>
    %squeeze3A_83 = vector.shape_cast %slice3A_82 : vector<1x128x256xf32> to vector<128x256xf32>
    %slice3A_84 = vector.extract_strided_slice %reshape3A_64 {offsets = [3, 0, 0], sizes = [1, 256, 128], strides = [1, 1, 1]} : vector<25x256x128xf32> to vector<1x256x128xf32>
    %squeeze3A_85 = vector.shape_cast %slice3A_84 : vector<1x256x128xf32> to vector<256x128xf32>
    %dot_general3A_86 = arith.constant dense<0.000000e+00> : vector<128x128xf32>
    %dot_general3A_87 = tpu.matmul %squeeze3A_83, %squeeze3A_85, %dot_general3A_86 {dimension_numbers = #tpu.dot_dimension_numbers<[1], [0], [0], [1], [0, 0, 1, 1], [], []>, transpose_lhs_hint = false} : vector<128x256xf32>, vector<256x128xf32>, vector<128x128xf32> -> vector<128x128xf32>
    %slice3A_88 = vector.extract_strided_slice %mul3A_63 {offsets = [4, 0, 0], sizes = [1, 128, 256], strides = [1, 1, 1]} : vector<25x128x256xf32> to vector<1x128x256xf32>
    %squeeze3A_89 = vector.shape_cast %slice3A_88 : vector<1x128x256xf32> to vector<128x256xf32>
    %slice3A_90 = vector.extract_strided_slice %reshape3A_64 {offsets = [4, 0, 0], sizes = [1, 256, 128], strides = [1, 1, 1]} : vector<25x256x128xf32> to vector<1x256x128xf32>
    %squeeze3A_91 = vector.shape_cast %slice3A_90 : vector<1x256x128xf32> to vector<256x128xf32>
    %dot_general3A_92 = arith.constant dense<0.000000e+00> : vector<128x128xf32>
    %dot_general3A_93 = tpu.matmul %squeeze3A_89, %squeeze3A_91, %dot_general3A_92 {dimension_numbers = #tpu.dot_dimension_numbers<[1], [0], [0], [1], [0, 0, 1, 1], [], []>, transpose_lhs_hint = false} : vector<128x256xf32>, vector<256x128xf32>, vector<128x128xf32> -> vector<128x128xf32>
    %slice3A_94 = vector.extract_strided_slice %mul3A_63 {offsets = [5, 0, 0], sizes = [1, 128, 256], strides = [1, 1, 1]} : vector<25x128x256xf32> to vector<1x128x256xf32>
    %squeeze3A_95 = vector.shape_cast %slice3A_94 : vector<1x128x256xf32> to vector<128x256xf32>
    %slice3A_96 = vector.extract_strided_slice %reshape3A_64 {offsets = [5, 0, 0], sizes = [1, 256, 128], strides = [1, 1, 1]} : vector<25x256x128xf32> to vector<1x256x128xf32>
    %squeeze3A_97 = vector.shape_cast %slice3A_96 : vector<1x256x128xf32> to vector<256x128xf32>
    %dot_general3A_98 = arith.constant dense<0.000000e+00> : vector<128x128xf32>
    %dot_general3A_99 = tpu.matmul %squeeze3A_95, %squeeze3A_97, %dot_general3A_98 {dimension_numbers = #tpu.dot_dimension_numbers<[1], [0], [0], [1], [0, 0, 1, 1], [], []>, transpose_lhs_hint = false} : vector<128x256xf32>, vector<256x128xf32>, vector<128x128xf32> -> vector<128x128xf32>
    %slice3A_100 = vector.extract_strided_slice %mul3A_63 {offsets = [6, 0, 0], sizes = [1, 128, 256], strides = [1, 1, 1]} : vector<25x128x256xf32> to vector<1x128x256xf32>
    %squeeze3A_101 = vector.shape_cast %slice3A_100 : vector<1x128x256xf32> to vector<128x256xf32>
    %slice3A_102 = vector.extract_strided_slice %reshape3A_64 {offsets = [6, 0, 0], sizes = [1, 256, 128], strides = [1, 1, 1]} : vector<25x256x128xf32> to vector<1x256x128xf32>
    %squeeze3A_103 = vector.shape_cast %slice3A_102 : vector<1x256x128xf32> to vector<256x128xf32>
    %dot_general3A_104 = arith.constant dense<0.000000e+00> : vector<128x128xf32>
    %dot_general3A_105 = tpu.matmul %squeeze3A_101, %squeeze3A_103, %dot_general3A_104 {dimension_numbers = #tpu.dot_dimension_numbers<[1], [0], [0], [1], [0, 0, 1, 1], [], []>, transpose_lhs_hint = false} : vector<128x256xf32>, vector<256x128xf32>, vector<128x128xf32> -> vector<128x128xf32>
    %slice3A_106 = vector.extract_strided_slice %mul3A_63 {offsets = [7, 0, 0], sizes = [1, 128, 256], strides = [1, 1, 1]} : vector<25x128x256xf32> to vector<1x128x256xf32>
    %squeeze3A_107 = vector.shape_cast %slice3A_106 : vector<1x128x256xf32> to vector<128x256xf32>
    %slice3A_108 = vector.extract_strided_slice %reshape3A_64 {offsets = [7, 0, 0], sizes = [1, 256, 128], strides = [1, 1, 1]} : vector<25x256x128xf32> to vector<1x256x128xf32>
    %squeeze3A_109 = vector.shape_cast %slice3A_108 : vector<1x256x128xf32> to vector<256x128xf32>
    %dot_general3A_110 = arith.constant dense<0.000000e+00> : vector<128x128xf32>
    %dot_general3A_111 = tpu.matmul %squeeze3A_107, %squeeze3A_109, %dot_general3A_110 {dimension_numbers = #tpu.dot_dimension_numbers<[1], [0], [0], [1], [0, 0, 1, 1], [], []>, transpose_lhs_hint = false} : vector<128x256xf32>, vector<256x128xf32>, vector<128x128xf32> -> vector<128x128xf32>
    %slice3A_112 = vector.extract_strided_slice %mul3A_63 {offsets = [8, 0, 0], sizes = [1, 128, 256], strides = [1, 1, 1]} : vector<25x128x256xf32> to vector<1x128x256xf32>
    %squeeze3A_113 = vector.shape_cast %slice3A_112 : vector<1x128x256xf32> to vector<128x256xf32>
    %slice3A_114 = vector.extract_strided_slice %reshape3A_64 {offsets = [8, 0, 0], sizes = [1, 256, 128], strides = [1, 1, 1]} : vector<25x256x128xf32> to vector<1x256x128xf32>
    %squeeze3A_115 = vector.shape_cast %slice3A_114 : vector<1x256x128xf32> to vector<256x128xf32>
    %dot_general3A_116 = arith.constant dense<0.000000e+00> : vector<128x128xf32>
    %dot_general3A_117 = tpu.matmul %squeeze3A_113, %squeeze3A_115, %dot_general3A_116 {dimension_numbers = #tpu.dot_dimension_numbers<[1], [0], [0], [1], [0, 0, 1, 1], [], []>, transpose_lhs_hint = false} : vector<128x256xf32>, vector<256x128xf32>, vector<128x128xf32> -> vector<128x128xf32>
    %slice3A_118 = vector.extract_strided_slice %mul3A_63 {offsets = [9, 0, 0], sizes = [1, 128, 256], strides = [1, 1, 1]} : vector<25x128x256xf32> to vector<1x128x256xf32>
    %squeeze3A_119 = vector.shape_cast %slice3A_118 : vector<1x128x256xf32> to vector<128x256xf32>
    %slice3A_120 = vector.extract_strided_slice %reshape3A_64 {offsets = [9, 0, 0], sizes = [1, 256, 128], strides = [1, 1, 1]} : vector<25x256x128xf32> to vector<1x256x128xf32>
    %squeeze3A_121 = vector.shape_cast %slice3A_120 : vector<1x256x128xf32> to vector<256x128xf32>
    %dot_general3A_122 = arith.constant dense<0.000000e+00> : vector<128x128xf32>
    %dot_general3A_123 = tpu.matmul %squeeze3A_119, %squeeze3A_121, %dot_general3A_122 {dimension_numbers = #tpu.dot_dimension_numbers<[1], [0], [0], [1], [0, 0, 1, 1], [], []>, transpose_lhs_hint = false} : vector<128x256xf32>, vector<256x128xf32>, vector<128x128xf32> -> vector<128x128xf32>
    %slice3A_124 = vector.extract_strided_slice %mul3A_63 {offsets = [10, 0, 0], sizes = [1, 128, 256], strides = [1, 1, 1]} : vector<25x128x256xf32> to vector<1x128x256xf32>
    %squeeze3A_125 = vector.shape_cast %slice3A_124 : vector<1x128x256xf32> to vector<128x256xf32>
    %slice3A_126 = vector.extract_strided_slice %reshape3A_64 {offsets = [10, 0, 0], sizes = [1, 256, 128], strides = [1, 1, 1]} : vector<25x256x128xf32> to vector<1x256x128xf32>
    %squeeze3A_127 = vector.shape_cast %slice3A_126 : vector<1x256x128xf32> to vector<256x128xf32>
    %dot_general3A_128 = arith.constant dense<0.000000e+00> : vector<128x128xf32>
    %dot_general3A_129 = tpu.matmul %squeeze3A_125, %squeeze3A_127, %dot_general3A_128 {dimension_numbers = #tpu.dot_dimension_numbers<[1], [0], [0], [1], [0, 0, 1, 1], [], []>, transpose_lhs_hint = false} : vector<128x256xf32>, vector<256x128xf32>, vector<128x128xf32> -> vector<128x128xf32>
    %slice3A_130 = vector.extract_strided_slice %mul3A_63 {offsets = [11, 0, 0], sizes = [1, 128, 256], strides = [1, 1, 1]} : vector<25x128x256xf32> to vector<1x128x256xf32>
    %squeeze3A_131 = vector.shape_cast %slice3A_130 : vector<1x128x256xf32> to vector<128x256xf32>
    %slice3A_132 = vector.extract_strided_slice %reshape3A_64 {offsets = [11, 0, 0], sizes = [1, 256, 128], strides = [1, 1, 1]} : vector<25x256x128xf32> to vector<1x256x128xf32>
    %squeeze3A_133 = vector.shape_cast %slice3A_132 : vector<1x256x128xf32> to vector<256x128xf32>
    %dot_general3A_134 = arith.constant dense<0.000000e+00> : vector<128x128xf32>
    %dot_general3A_135 = tpu.matmul %squeeze3A_131, %squeeze3A_133, %dot_general3A_134 {dimension_numbers = #tpu.dot_dimension_numbers<[1], [0], [0], [1], [0, 0, 1, 1], [], []>, transpose_lhs_hint = false} : vector<128x256xf32>, vector<256x128xf32>, vector<128x128xf32> -> vector<128x128xf32>
    %slice3A_136 = vector.extract_strided_slice %mul3A_63 {offsets = [12, 0, 0], sizes = [1, 128, 256], strides = [1, 1, 1]} : vector<25x128x256xf32> to vector<1x128x256xf32>
    %squeeze3A_137 = vector.shape_cast %slice3A_136 : vector<1x128x256xf32> to vector<128x256xf32>
    %slice3A_138 = vector.extract_strided_slice %reshape3A_64 {offsets = [12, 0, 0], sizes = [1, 256, 128], strides = [1, 1, 1]} : vector<25x256x128xf32> to vector<1x256x128xf32>
    %squeeze3A_139 = vector.shape_cast %slice3A_138 : vector<1x256x128xf32> to vector<256x128xf32>
    %dot_general3A_140 = arith.constant dense<0.000000e+00> : vector<128x128xf32>
    %dot_general3A_141 = tpu.matmul %squeeze3A_137, %squeeze3A_139, %dot_general3A_140 {dimension_numbers = #tpu.dot_dimension_numbers<[1], [0], [0], [1], [0, 0, 1, 1], [], []>, transpose_lhs_hint = false} : vector<128x256xf32>, vector<256x128xf32>, vector<128x128xf32> -> vector<128x128xf32>
    %slice3A_142 = vector.extract_strided_slice %mul3A_63 {offsets = [13, 0, 0], sizes = [1, 128, 256], strides = [1, 1, 1]} : vector<25x128x256xf32> to vector<1x128x256xf32>
    %squeeze3A_143 = vector.shape_cast %slice3A_142 : vector<1x128x256xf32> to vector<128x256xf32>
    %slice3A_144 = vector.extract_strided_slice %reshape3A_64 {offsets = [13, 0, 0], sizes = [1, 256, 128], strides = [1, 1, 1]} : vector<25x256x128xf32> to vector<1x256x128xf32>
    %squeeze3A_145 = vector.shape_cast %slice3A_144 : vector<1x256x128xf32> to vector<256x128xf32>
    %dot_general3A_146 = arith.constant dense<0.000000e+00> : vector<128x128xf32>
    %dot_general3A_147 = tpu.matmul %squeeze3A_143, %squeeze3A_145, %dot_general3A_146 {dimension_numbers = #tpu.dot_dimension_numbers<[1], [0], [0], [1], [0, 0, 1, 1], [], []>, transpose_lhs_hint = false} : vector<128x256xf32>, vector<256x128xf32>, vector<128x128xf32> -> vector<128x128xf32>
    %slice3A_148 = vector.extract_strided_slice %mul3A_63 {offsets = [14, 0, 0], sizes = [1, 128, 256], strides = [1, 1, 1]} : vector<25x128x256xf32> to vector<1x128x256xf32>
    %squeeze3A_149 = vector.shape_cast %slice3A_148 : vector<1x128x256xf32> to vector<128x256xf32>
    %slice3A_150 = vector.extract_strided_slice %reshape3A_64 {offsets = [14, 0, 0], sizes = [1, 256, 128], strides = [1, 1, 1]} : vector<25x256x128xf32> to vector<1x256x128xf32>
    %squeeze3A_151 = vector.shape_cast %slice3A_150 : vector<1x256x128xf32> to vector<256x128xf32>
    %dot_general3A_152 = arith.constant dense<0.000000e+00> : vector<128x128xf32>
    %dot_general3A_153 = tpu.matmul %squeeze3A_149, %squeeze3A_151, %dot_general3A_152 {dimension_numbers = #tpu.dot_dimension_numbers<[1], [0], [0], [1], [0, 0, 1, 1], [], []>, transpose_lhs_hint = false} : vector<128x256xf32>, vector<256x128xf32>, vector<128x128xf32> -> vector<128x128xf32>
    %slice3A_154 = vector.extract_strided_slice %mul3A_63 {offsets = [15, 0, 0], sizes = [1, 128, 256], strides = [1, 1, 1]} : vector<25x128x256xf32> to vector<1x128x256xf32>
    %squeeze3A_155 = vector.shape_cast %slice3A_154 : vector<1x128x256xf32> to vector<128x256xf32>
    %slice3A_156 = vector.extract_strided_slice %reshape3A_64 {offsets = [15, 0, 0], sizes = [1, 256, 128], strides = [1, 1, 1]} : vector<25x256x128xf32> to vector<1x256x128xf32>
    %squeeze3A_157 = vector.shape_cast %slice3A_156 : vector<1x256x128xf32> to vector<256x128xf32>
    %dot_general3A_158 = arith.constant dense<0.000000e+00> : vector<128x128xf32>
    %dot_general3A_159 = tpu.matmul %squeeze3A_155, %squeeze3A_157, %dot_general3A_158 {dimension_numbers = #tpu.dot_dimension_numbers<[1], [0], [0], [1], [0, 0, 1, 1], [], []>, transpose_lhs_hint = false} : vector<128x256xf32>, vector<256x128xf32>, vector<128x128xf32> -> vector<128x128xf32>
    %slice3A_160 = vector.extract_strided_slice %mul3A_63 {offsets = [16, 0, 0], sizes = [1, 128, 256], strides = [1, 1, 1]} : vector<25x128x256xf32> to vector<1x128x256xf32>
    %squeeze3A_161 = vector.shape_cast %slice3A_160 : vector<1x128x256xf32> to vector<128x256xf32>
    %slice3A_162 = vector.extract_strided_slice %reshape3A_64 {offsets = [16, 0, 0], sizes = [1, 256, 128], strides = [1, 1, 1]} : vector<25x256x128xf32> to vector<1x256x128xf32>
    %squeeze3A_163 = vector.shape_cast %slice3A_162 : vector<1x256x128xf32> to vector<256x128xf32>
    %dot_general3A_164 = arith.constant dense<0.000000e+00> : vector<128x128xf32>
    %dot_general3A_165 = tpu.matmul %squeeze3A_161, %squeeze3A_163, %dot_general3A_164 {dimension_numbers = #tpu.dot_dimension_numbers<[1], [0], [0], [1], [0, 0, 1, 1], [], []>, transpose_lhs_hint = false} : vector<128x256xf32>, vector<256x128xf32>, vector<128x128xf32> -> vector<128x128xf32>
    %slice3A_166 = vector.extract_strided_slice %mul3A_63 {offsets = [17, 0, 0], sizes = [1, 128, 256], strides = [1, 1, 1]} : vector<25x128x256xf32> to vector<1x128x256xf32>
    %squeeze3A_167 = vector.shape_cast %slice3A_166 : vector<1x128x256xf32> to vector<128x256xf32>
    %slice3A_168 = vector.extract_strided_slice %reshape3A_64 {offsets = [17, 0, 0], sizes = [1, 256, 128], strides = [1, 1, 1]} : vector<25x256x128xf32> to vector<1x256x128xf32>
    %squeeze3A_169 = vector.shape_cast %slice3A_168 : vector<1x256x128xf32> to vector<256x128xf32>
    %dot_general3A_170 = arith.constant dense<0.000000e+00> : vector<128x128xf32>
    %dot_general3A_171 = tpu.matmul %squeeze3A_167, %squeeze3A_169, %dot_general3A_170 {dimension_numbers = #tpu.dot_dimension_numbers<[1], [0], [0], [1], [0, 0, 1, 1], [], []>, transpose_lhs_hint = false} : vector<128x256xf32>, vector<256x128xf32>, vector<128x128xf32> -> vector<128x128xf32>
    %slice3A_172 = vector.extract_strided_slice %mul3A_63 {offsets = [18, 0, 0], sizes = [1, 128, 256], strides = [1, 1, 1]} : vector<25x128x256xf32> to vector<1x128x256xf32>
    %squeeze3A_173 = vector.shape_cast %slice3A_172 : vector<1x128x256xf32> to vector<128x256xf32>
    %slice3A_174 = vector.extract_strided_slice %reshape3A_64 {offsets = [18, 0, 0], sizes = [1, 256, 128], strides = [1, 1, 1]} : vector<25x256x128xf32> to vector<1x256x128xf32>
    %squeeze3A_175 = vector.shape_cast %slice3A_174 : vector<1x256x128xf32> to vector<256x128xf32>
    %dot_general3A_176 = arith.constant dense<0.000000e+00> : vector<128x128xf32>
    %dot_general3A_177 = tpu.matmul %squeeze3A_173, %squeeze3A_175, %dot_general3A_176 {dimension_numbers = #tpu.dot_dimension_numbers<[1], [0], [0], [1], [0, 0, 1, 1], [], []>, transpose_lhs_hint = false} : vector<128x256xf32>, vector<256x128xf32>, vector<128x128xf32> -> vector<128x128xf32>
    %slice3A_178 = vector.extract_strided_slice %mul3A_63 {offsets = [19, 0, 0], sizes = [1, 128, 256], strides = [1, 1, 1]} : vector<25x128x256xf32> to vector<1x128x256xf32>
    %squeeze3A_179 = vector.shape_cast %slice3A_178 : vector<1x128x256xf32> to vector<128x256xf32>
    %slice3A_180 = vector.extract_strided_slice %reshape3A_64 {offsets = [19, 0, 0], sizes = [1, 256, 128], strides = [1, 1, 1]} : vector<25x256x128xf32> to vector<1x256x128xf32>
    %squeeze3A_181 = vector.shape_cast %slice3A_180 : vector<1x256x128xf32> to vector<256x128xf32>
    %dot_general3A_182 = arith.constant dense<0.000000e+00> : vector<128x128xf32>
    %dot_general3A_183 = tpu.matmul %squeeze3A_179, %squeeze3A_181, %dot_general3A_182 {dimension_numbers = #tpu.dot_dimension_numbers<[1], [0], [0], [1], [0, 0, 1, 1], [], []>, transpose_lhs_hint = false} : vector<128x256xf32>, vector<256x128xf32>, vector<128x128xf32> -> vector<128x128xf32>
    %slice3A_184 = vector.extract_strided_slice %mul3A_63 {offsets = [20, 0, 0], sizes = [1, 128, 256], strides = [1, 1, 1]} : vector<25x128x256xf32> to vector<1x128x256xf32>
    %squeeze3A_185 = vector.shape_cast %slice3A_184 : vector<1x128x256xf32> to vector<128x256xf32>
    %slice3A_186 = vector.extract_strided_slice %reshape3A_64 {offsets = [20, 0, 0], sizes = [1, 256, 128], strides = [1, 1, 1]} : vector<25x256x128xf32> to vector<1x256x128xf32>
    %squeeze3A_187 = vector.shape_cast %slice3A_186 : vector<1x256x128xf32> to vector<256x128xf32>
    %dot_general3A_188 = arith.constant dense<0.000000e+00> : vector<128x128xf32>
    %dot_general3A_189 = tpu.matmul %squeeze3A_185, %squeeze3A_187, %dot_general3A_188 {dimension_numbers = #tpu.dot_dimension_numbers<[1], [0], [0], [1], [0, 0, 1, 1], [], []>, transpose_lhs_hint = false} : vector<128x256xf32>, vector<256x128xf32>, vector<128x128xf32> -> vector<128x128xf32>
    %slice3A_190 = vector.extract_strided_slice %mul3A_63 {offsets = [21, 0, 0], sizes = [1, 128, 256], strides = [1, 1, 1]} : vector<25x128x256xf32> to vector<1x128x256xf32>
    %squeeze3A_191 = vector.shape_cast %slice3A_190 : vector<1x128x256xf32> to vector<128x256xf32>
    %slice3A_192 = vector.extract_strided_slice %reshape3A_64 {offsets = [21, 0, 0], sizes = [1, 256, 128], strides = [1, 1, 1]} : vector<25x256x128xf32> to vector<1x256x128xf32>
    %squeeze3A_193 = vector.shape_cast %slice3A_192 : vector<1x256x128xf32> to vector<256x128xf32>
    %dot_general3A_194 = arith.constant dense<0.000000e+00> : vector<128x128xf32>
    %dot_general3A_195 = tpu.matmul %squeeze3A_191, %squeeze3A_193, %dot_general3A_194 {dimension_numbers = #tpu.dot_dimension_numbers<[1], [0], [0], [1], [0, 0, 1, 1], [], []>, transpose_lhs_hint = false} : vector<128x256xf32>, vector<256x128xf32>, vector<128x128xf32> -> vector<128x128xf32>
    %slice3A_196 = vector.extract_strided_slice %mul3A_63 {offsets = [22, 0, 0], sizes = [1, 128, 256], strides = [1, 1, 1]} : vector<25x128x256xf32> to vector<1x128x256xf32>
    %squeeze3A_197 = vector.shape_cast %slice3A_196 : vector<1x128x256xf32> to vector<128x256xf32>
    %slice3A_198 = vector.extract_strided_slice %reshape3A_64 {offsets = [22, 0, 0], sizes = [1, 256, 128], strides = [1, 1, 1]} : vector<25x256x128xf32> to vector<1x256x128xf32>
    %squeeze3A_199 = vector.shape_cast %slice3A_198 : vector<1x256x128xf32> to vector<256x128xf32>
    %dot_general3A_200 = arith.constant dense<0.000000e+00> : vector<128x128xf32>
    %dot_general3A_201 = tpu.matmul %squeeze3A_197, %squeeze3A_199, %dot_general3A_200 {dimension_numbers = #tpu.dot_dimension_numbers<[1], [0], [0], [1], [0, 0, 1, 1], [], []>, transpose_lhs_hint = false} : vector<128x256xf32>, vector<256x128xf32>, vector<128x128xf32> -> vector<128x128xf32>
    %slice3A_202 = vector.extract_strided_slice %mul3A_63 {offsets = [23, 0, 0], sizes = [1, 128, 256], strides = [1, 1, 1]} : vector<25x128x256xf32> to vector<1x128x256xf32>
    %squeeze3A_203 = vector.shape_cast %slice3A_202 : vector<1x128x256xf32> to vector<128x256xf32>
    %slice3A_204 = vector.extract_strided_slice %reshape3A_64 {offsets = [23, 0, 0], sizes = [1, 256, 128], strides = [1, 1, 1]} : vector<25x256x128xf32> to vector<1x256x128xf32>
    %squeeze3A_205 = vector.shape_cast %slice3A_204 : vector<1x256x128xf32> to vector<256x128xf32>
    %dot_general3A_206 = arith.constant dense<0.000000e+00> : vector<128x128xf32>
    %dot_general3A_207 = tpu.matmul %squeeze3A_203, %squeeze3A_205, %dot_general3A_206 {dimension_numbers = #tpu.dot_dimension_numbers<[1], [0], [0], [1], [0, 0, 1, 1], [], []>, transpose_lhs_hint = false} : vector<128x256xf32>, vector<256x128xf32>, vector<128x128xf32> -> vector<128x128xf32>
    %slice3A_208 = vector.extract_strided_slice %mul3A_63 {offsets = [24, 0, 0], sizes = [1, 128, 256], strides = [1, 1, 1]} : vector<25x128x256xf32> to vector<1x128x256xf32>
    %squeeze3A_209 = vector.shape_cast %slice3A_208 : vector<1x128x256xf32> to vector<128x256xf32>
    %slice3A_210 = vector.extract_strided_slice %reshape3A_64 {offsets = [24, 0, 0], sizes = [1, 256, 128], strides = [1, 1, 1]} : vector<25x256x128xf32> to vector<1x256x128xf32>
    %squeeze3A_211 = vector.shape_cast %slice3A_210 : vector<1x256x128xf32> to vector<256x128xf32>
    %dot_general3A_212 = arith.constant dense<0.000000e+00> : vector<128x128xf32>
    %dot_general3A_213 = tpu.matmul %squeeze3A_209, %squeeze3A_211, %dot_general3A_212 {dimension_numbers = #tpu.dot_dimension_numbers<[1], [0], [0], [1], [0, 0, 1, 1], [], []>, transpose_lhs_hint = false} : vector<128x256xf32>, vector<256x128xf32>, vector<128x128xf32> -> vector<128x128xf32>
    %concatenate3A_214 = tpu.concatenate %dot_general3A_69, %dot_general3A_75, %dot_general3A_81, %dot_general3A_87, %dot_general3A_93, %dot_general3A_99, %dot_general3A_105, %dot_general3A_111, %dot_general3A_117, %dot_general3A_123, %dot_general3A_129, %dot_general3A_135, %dot_general3A_141, %dot_general3A_147, %dot_general3A_153, %dot_general3A_159, %dot_general3A_165, %dot_general3A_171, %dot_general3A_177, %dot_general3A_183, %dot_general3A_189, %dot_general3A_195, %dot_general3A_201, %dot_general3A_207, %dot_general3A_213 in 0 : vector<128x128xf32>, vector<128x128xf32>, vector<128x128xf32>, vector<128x128xf32>, vector<128x128xf32>, vector<128x128xf32>, vector<128x128xf32>, vector<128x128xf32>, vector<128x128xf32>, vector<128x128xf32>, vector<128x128xf32>, vector<128x128xf32>, vector<128x128xf32>, vector<128x128xf32>, vector<128x128xf32>, vector<128x128xf32>, vector<128x128xf32>, vector<128x128xf32>, vector<128x128xf32>, vector<128x128xf32>, vector<128x128xf32>, vector<128x128xf32>, vector<128x128xf32>, vector<128x128xf32>, vector<128x128xf32> -> vector<3200x128xf32>
    %reshape3A_215 = vector.shape_cast %concatenate3A_214 : vector<3200x128xf32> to vector<200x16x128xf32>
    %broadcast_in_dim3A_216 = arith.constant 0.000000e+00 : f32
    %broadcast_in_dim3A_217 = vector.broadcast %broadcast_in_dim3A_216 : f32 to vector<200x64xf32>
    %slice3A_218 = vector.extract_strided_slice %reshape3A_215 {offsets = [0, 0, 0], sizes = [200, 1, 128], strides = [1, 1, 1]} : vector<200x16x128xf32> to vector<200x1x128xf32>
    %squeeze3A_219 = vector.shape_cast %slice3A_218 : vector<200x1x128xf32> to vector<200x128xf32>
    %get3A_220 = arith.constant 0 : index
    %get3A_221 = arith.constant 0 : index
    %get3A_222 = arith.constant 0 : index
    %get3A_223 = vector.load %arg10[%get3A_220, %get3A_221, %get3A_222] : memref<15x128x64xf32, #tpu.memory_space<vmem>>, vector<1x128x64xf32>
    %get3A_224 = vector.shape_cast %get3A_223 : vector<1x128x64xf32> to vector<128x64xf32>
    %dot_general3A_225 = arith.constant dense<0.000000e+00> : vector<200x64xf32>
    %dot_general3A_226 = tpu.matmul %squeeze3A_219, %get3A_224, %dot_general3A_225 {dimension_numbers = #tpu.dot_dimension_numbers<[1], [0], [0], [1], [0, 0, 1, 1], [], []>, transpose_lhs_hint = false} : vector<200x128xf32>, vector<128x64xf32>, vector<200x64xf32> -> vector<200x64xf32>
    %add3A_227 = arith.addf %broadcast_in_dim3A_217, %dot_general3A_226 : vector<200x64xf32>
    %slice3A_228 = vector.extract_strided_slice %reshape3A_215 {offsets = [0, 1, 0], sizes = [200, 1, 128], strides = [1, 1, 1]} : vector<200x16x128xf32> to vector<200x1x128xf32>
    %squeeze3A_229 = vector.shape_cast %slice3A_228 : vector<200x1x128xf32> to vector<200x128xf32>
    %get3A_230 = arith.constant 1 : index
    %get3A_231 = arith.constant 0 : index
    %get3A_232 = arith.constant 0 : index
    %get3A_233 = vector.load %arg10[%get3A_230, %get3A_231, %get3A_232] : memref<15x128x64xf32, #tpu.memory_space<vmem>>, vector<1x128x64xf32>
    %get3A_234 = vector.shape_cast %get3A_233 : vector<1x128x64xf32> to vector<128x64xf32>
    %dot_general3A_235 = arith.constant dense<0.000000e+00> : vector<200x64xf32>
    %dot_general3A_236 = tpu.matmul %squeeze3A_229, %get3A_234, %dot_general3A_235 {dimension_numbers = #tpu.dot_dimension_numbers<[1], [0], [0], [1], [0, 0, 1, 1], [], []>, transpose_lhs_hint = false} : vector<200x128xf32>, vector<128x64xf32>, vector<200x64xf32> -> vector<200x64xf32>
    %add3A_237 = arith.addf %add3A_227, %dot_general3A_236 : vector<200x64xf32>
    %slice3A_238 = vector.extract_strided_slice %reshape3A_215 {offsets = [0, 2, 0], sizes = [200, 1, 128], strides = [1, 1, 1]} : vector<200x16x128xf32> to vector<200x1x128xf32>
    %squeeze3A_239 = vector.shape_cast %slice3A_238 : vector<200x1x128xf32> to vector<200x128xf32>
    %get3A_240 = arith.constant 2 : index
    %get3A_241 = arith.constant 0 : index
    %get3A_242 = arith.constant 0 : index
    %get3A_243 = vector.load %arg10[%get3A_240, %get3A_241, %get3A_242] : memref<15x128x64xf32, #tpu.memory_space<vmem>>, vector<1x128x64xf32>
    %get3A_244 = vector.shape_cast %get3A_243 : vector<1x128x64xf32> to vector<128x64xf32>
    %dot_general3A_245 = arith.constant dense<0.000000e+00> : vector<200x64xf32>
    %dot_general3A_246 = tpu.matmul %squeeze3A_239, %get3A_244, %dot_general3A_245 {dimension_numbers = #tpu.dot_dimension_numbers<[1], [0], [0], [1], [0, 0, 1, 1], [], []>, transpose_lhs_hint = false} : vector<200x128xf32>, vector<128x64xf32>, vector<200x64xf32> -> vector<200x64xf32>
    %add3A_247 = arith.addf %add3A_237, %dot_general3A_246 : vector<200x64xf32>
    %slice3A_248 = vector.extract_strided_slice %reshape3A_215 {offsets = [0, 3, 0], sizes = [200, 1, 128], strides = [1, 1, 1]} : vector<200x16x128xf32> to vector<200x1x128xf32>
    %squeeze3A_249 = vector.shape_cast %slice3A_248 : vector<200x1x128xf32> to vector<200x128xf32>
    %get3A_250 = arith.constant 3 : index
    %get3A_251 = arith.constant 0 : index
    %get3A_252 = arith.constant 0 : index
    %get3A_253 = vector.load %arg10[%get3A_250, %get3A_251, %get3A_252] : memref<15x128x64xf32, #tpu.memory_space<vmem>>, vector<1x128x64xf32>
    %get3A_254 = vector.shape_cast %get3A_253 : vector<1x128x64xf32> to vector<128x64xf32>
    %dot_general3A_255 = arith.constant dense<0.000000e+00> : vector<200x64xf32>
    %dot_general3A_256 = tpu.matmul %squeeze3A_249, %get3A_254, %dot_general3A_255 {dimension_numbers = #tpu.dot_dimension_numbers<[1], [0], [0], [1], [0, 0, 1, 1], [], []>, transpose_lhs_hint = false} : vector<200x128xf32>, vector<128x64xf32>, vector<200x64xf32> -> vector<200x64xf32>
    %add3A_257 = arith.addf %add3A_247, %dot_general3A_256 : vector<200x64xf32>
    %slice3A_258 = vector.extract_strided_slice %reshape3A_215 {offsets = [0, 4, 0], sizes = [200, 1, 128], strides = [1, 1, 1]} : vector<200x16x128xf32> to vector<200x1x128xf32>
    %squeeze3A_259 = vector.shape_cast %slice3A_258 : vector<200x1x128xf32> to vector<200x128xf32>
    %get3A_260 = arith.constant 4 : index
    %get3A_261 = arith.constant 0 : index
    %get3A_262 = arith.constant 0 : index
    %get3A_263 = vector.load %arg10[%get3A_260, %get3A_261, %get3A_262] : memref<15x128x64xf32, #tpu.memory_space<vmem>>, vector<1x128x64xf32>
    %get3A_264 = vector.shape_cast %get3A_263 : vector<1x128x64xf32> to vector<128x64xf32>
    %dot_general3A_265 = arith.constant dense<0.000000e+00> : vector<200x64xf32>
    %dot_general3A_266 = tpu.matmul %squeeze3A_259, %get3A_264, %dot_general3A_265 {dimension_numbers = #tpu.dot_dimension_numbers<[1], [0], [0], [1], [0, 0, 1, 1], [], []>, transpose_lhs_hint = false} : vector<200x128xf32>, vector<128x64xf32>, vector<200x64xf32> -> vector<200x64xf32>
    %add3A_267 = arith.addf %add3A_257, %dot_general3A_266 : vector<200x64xf32>
    %slice3A_268 = vector.extract_strided_slice %reshape3A_215 {offsets = [0, 5, 0], sizes = [200, 1, 128], strides = [1, 1, 1]} : vector<200x16x128xf32> to vector<200x1x128xf32>
    %squeeze3A_269 = vector.shape_cast %slice3A_268 : vector<200x1x128xf32> to vector<200x128xf32>
    %get3A_270 = arith.constant 5 : index
    %get3A_271 = arith.constant 0 : index
    %get3A_272 = arith.constant 0 : index
    %get3A_273 = vector.load %arg10[%get3A_270, %get3A_271, %get3A_272] : memref<15x128x64xf32, #tpu.memory_space<vmem>>, vector<1x128x64xf32>
    %get3A_274 = vector.shape_cast %get3A_273 : vector<1x128x64xf32> to vector<128x64xf32>
    %dot_general3A_275 = arith.constant dense<0.000000e+00> : vector<200x64xf32>
    %dot_general3A_276 = tpu.matmul %squeeze3A_269, %get3A_274, %dot_general3A_275 {dimension_numbers = #tpu.dot_dimension_numbers<[1], [0], [0], [1], [0, 0, 1, 1], [], []>, transpose_lhs_hint = false} : vector<200x128xf32>, vector<128x64xf32>, vector<200x64xf32> -> vector<200x64xf32>
    %add3A_277 = arith.addf %add3A_267, %dot_general3A_276 : vector<200x64xf32>
    %slice3A_278 = vector.extract_strided_slice %reshape3A_215 {offsets = [0, 6, 0], sizes = [200, 1, 128], strides = [1, 1, 1]} : vector<200x16x128xf32> to vector<200x1x128xf32>
    %squeeze3A_279 = vector.shape_cast %slice3A_278 : vector<200x1x128xf32> to vector<200x128xf32>
    %get3A_280 = arith.constant 6 : index
    %get3A_281 = arith.constant 0 : index
    %get3A_282 = arith.constant 0 : index
    %get3A_283 = vector.load %arg10[%get3A_280, %get3A_281, %get3A_282] : memref<15x128x64xf32, #tpu.memory_space<vmem>>, vector<1x128x64xf32>
    %get3A_284 = vector.shape_cast %get3A_283 : vector<1x128x64xf32> to vector<128x64xf32>
    %dot_general3A_285 = arith.constant dense<0.000000e+00> : vector<200x64xf32>
    %dot_general3A_286 = tpu.matmul %squeeze3A_279, %get3A_284, %dot_general3A_285 {dimension_numbers = #tpu.dot_dimension_numbers<[1], [0], [0], [1], [0, 0, 1, 1], [], []>, transpose_lhs_hint = false} : vector<200x128xf32>, vector<128x64xf32>, vector<200x64xf32> -> vector<200x64xf32>
    %add3A_287 = arith.addf %add3A_277, %dot_general3A_286 : vector<200x64xf32>
    %slice3A_288 = vector.extract_strided_slice %reshape3A_215 {offsets = [0, 7, 0], sizes = [200, 1, 128], strides = [1, 1, 1]} : vector<200x16x128xf32> to vector<200x1x128xf32>
    %squeeze3A_289 = vector.shape_cast %slice3A_288 : vector<200x1x128xf32> to vector<200x128xf32>
    %get3A_290 = arith.constant 7 : index
    %get3A_291 = arith.constant 0 : index
    %get3A_292 = arith.constant 0 : index
    %get3A_293 = vector.load %arg10[%get3A_290, %get3A_291, %get3A_292] : memref<15x128x64xf32, #tpu.memory_space<vmem>>, vector<1x128x64xf32>
    %get3A_294 = vector.shape_cast %get3A_293 : vector<1x128x64xf32> to vector<128x64xf32>
    %dot_general3A_295 = arith.constant dense<0.000000e+00> : vector<200x64xf32>
    %dot_general3A_296 = tpu.matmul %squeeze3A_289, %get3A_294, %dot_general3A_295 {dimension_numbers = #tpu.dot_dimension_numbers<[1], [0], [0], [1], [0, 0, 1, 1], [], []>, transpose_lhs_hint = false} : vector<200x128xf32>, vector<128x64xf32>, vector<200x64xf32> -> vector<200x64xf32>
    %add3A_297 = arith.addf %add3A_287, %dot_general3A_296 : vector<200x64xf32>
    %slice3A_298 = vector.extract_strided_slice %reshape3A_215 {offsets = [0, 8, 0], sizes = [200, 1, 128], strides = [1, 1, 1]} : vector<200x16x128xf32> to vector<200x1x128xf32>
    %squeeze3A_299 = vector.shape_cast %slice3A_298 : vector<200x1x128xf32> to vector<200x128xf32>
    %get3A_300 = arith.constant 8 : index
    %get3A_301 = arith.constant 0 : index
    %get3A_302 = arith.constant 0 : index
    %get3A_303 = vector.load %arg10[%get3A_300, %get3A_301, %get3A_302] : memref<15x128x64xf32, #tpu.memory_space<vmem>>, vector<1x128x64xf32>
    %get3A_304 = vector.shape_cast %get3A_303 : vector<1x128x64xf32> to vector<128x64xf32>
    %dot_general3A_305 = arith.constant dense<0.000000e+00> : vector<200x64xf32>
    %dot_general3A_306 = tpu.matmul %squeeze3A_299, %get3A_304, %dot_general3A_305 {dimension_numbers = #tpu.dot_dimension_numbers<[1], [0], [0], [1], [0, 0, 1, 1], [], []>, transpose_lhs_hint = false} : vector<200x128xf32>, vector<128x64xf32>, vector<200x64xf32> -> vector<200x64xf32>
    %add3A_307 = arith.addf %add3A_297, %dot_general3A_306 : vector<200x64xf32>
    %slice3A_308 = vector.extract_strided_slice %reshape3A_215 {offsets = [0, 9, 0], sizes = [200, 1, 128], strides = [1, 1, 1]} : vector<200x16x128xf32> to vector<200x1x128xf32>
    %squeeze3A_309 = vector.shape_cast %slice3A_308 : vector<200x1x128xf32> to vector<200x128xf32>
    %get3A_310 = arith.constant 9 : index
    %get3A_311 = arith.constant 0 : index
    %get3A_312 = arith.constant 0 : index
    %get3A_313 = vector.load %arg10[%get3A_310, %get3A_311, %get3A_312] : memref<15x128x64xf32, #tpu.memory_space<vmem>>, vector<1x128x64xf32>
    %get3A_314 = vector.shape_cast %get3A_313 : vector<1x128x64xf32> to vector<128x64xf32>
    %dot_general3A_315 = arith.constant dense<0.000000e+00> : vector<200x64xf32>
    %dot_general3A_316 = tpu.matmul %squeeze3A_309, %get3A_314, %dot_general3A_315 {dimension_numbers = #tpu.dot_dimension_numbers<[1], [0], [0], [1], [0, 0, 1, 1], [], []>, transpose_lhs_hint = false} : vector<200x128xf32>, vector<128x64xf32>, vector<200x64xf32> -> vector<200x64xf32>
    %add3A_317 = arith.addf %add3A_307, %dot_general3A_316 : vector<200x64xf32>
    %slice3A_318 = vector.extract_strided_slice %reshape3A_215 {offsets = [0, 10, 0], sizes = [200, 1, 128], strides = [1, 1, 1]} : vector<200x16x128xf32> to vector<200x1x128xf32>
    %squeeze3A_319 = vector.shape_cast %slice3A_318 : vector<200x1x128xf32> to vector<200x128xf32>
    %get3A_320 = arith.constant 10 : index
    %get3A_321 = arith.constant 0 : index
    %get3A_322 = arith.constant 0 : index
    %get3A_323 = vector.load %arg10[%get3A_320, %get3A_321, %get3A_322] : memref<15x128x64xf32, #tpu.memory_space<vmem>>, vector<1x128x64xf32>
    %get3A_324 = vector.shape_cast %get3A_323 : vector<1x128x64xf32> to vector<128x64xf32>
    %dot_general3A_325 = arith.constant dense<0.000000e+00> : vector<200x64xf32>
    %dot_general3A_326 = tpu.matmul %squeeze3A_319, %get3A_324, %dot_general3A_325 {dimension_numbers = #tpu.dot_dimension_numbers<[1], [0], [0], [1], [0, 0, 1, 1], [], []>, transpose_lhs_hint = false} : vector<200x128xf32>, vector<128x64xf32>, vector<200x64xf32> -> vector<200x64xf32>
    %add3A_327 = arith.addf %add3A_317, %dot_general3A_326 : vector<200x64xf32>
    %slice3A_328 = vector.extract_strided_slice %reshape3A_215 {offsets = [0, 11, 0], sizes = [200, 1, 128], strides = [1, 1, 1]} : vector<200x16x128xf32> to vector<200x1x128xf32>
    %squeeze3A_329 = vector.shape_cast %slice3A_328 : vector<200x1x128xf32> to vector<200x128xf32>
    %get3A_330 = arith.constant 11 : index
    %get3A_331 = arith.constant 0 : index
    %get3A_332 = arith.constant 0 : index
    %get3A_333 = vector.load %arg10[%get3A_330, %get3A_331, %get3A_332] : memref<15x128x64xf32, #tpu.memory_space<vmem>>, vector<1x128x64xf32>
    %get3A_334 = vector.shape_cast %get3A_333 : vector<1x128x64xf32> to vector<128x64xf32>
    %dot_general3A_335 = arith.constant dense<0.000000e+00> : vector<200x64xf32>
    %dot_general3A_336 = tpu.matmul %squeeze3A_329, %get3A_334, %dot_general3A_335 {dimension_numbers = #tpu.dot_dimension_numbers<[1], [0], [0], [1], [0, 0, 1, 1], [], []>, transpose_lhs_hint = false} : vector<200x128xf32>, vector<128x64xf32>, vector<200x64xf32> -> vector<200x64xf32>
    %add3A_337 = arith.addf %add3A_327, %dot_general3A_336 : vector<200x64xf32>
    %slice3A_338 = vector.extract_strided_slice %reshape3A_215 {offsets = [0, 12, 0], sizes = [200, 1, 128], strides = [1, 1, 1]} : vector<200x16x128xf32> to vector<200x1x128xf32>
    %squeeze3A_339 = vector.shape_cast %slice3A_338 : vector<200x1x128xf32> to vector<200x128xf32>
    %get3A_340 = arith.constant 12 : index
    %get3A_341 = arith.constant 0 : index
    %get3A_342 = arith.constant 0 : index
    %get3A_343 = vector.load %arg10[%get3A_340, %get3A_341, %get3A_342] : memref<15x128x64xf32, #tpu.memory_space<vmem>>, vector<1x128x64xf32>
    %get3A_344 = vector.shape_cast %get3A_343 : vector<1x128x64xf32> to vector<128x64xf32>
    %dot_general3A_345 = arith.constant dense<0.000000e+00> : vector<200x64xf32>
    %dot_general3A_346 = tpu.matmul %squeeze3A_339, %get3A_344, %dot_general3A_345 {dimension_numbers = #tpu.dot_dimension_numbers<[1], [0], [0], [1], [0, 0, 1, 1], [], []>, transpose_lhs_hint = false} : vector<200x128xf32>, vector<128x64xf32>, vector<200x64xf32> -> vector<200x64xf32>
    %add3A_347 = arith.addf %add3A_337, %dot_general3A_346 : vector<200x64xf32>
    %slice3A_348 = vector.extract_strided_slice %reshape3A_215 {offsets = [0, 13, 0], sizes = [200, 1, 128], strides = [1, 1, 1]} : vector<200x16x128xf32> to vector<200x1x128xf32>
    %squeeze3A_349 = vector.shape_cast %slice3A_348 : vector<200x1x128xf32> to vector<200x128xf32>
    %get3A_350 = arith.constant 13 : index
    %get3A_351 = arith.constant 0 : index
    %get3A_352 = arith.constant 0 : index
    %get3A_353 = vector.load %arg10[%get3A_350, %get3A_351, %get3A_352] : memref<15x128x64xf32, #tpu.memory_space<vmem>>, vector<1x128x64xf32>
    %get3A_354 = vector.shape_cast %get3A_353 : vector<1x128x64xf32> to vector<128x64xf32>
    %dot_general3A_355 = arith.constant dense<0.000000e+00> : vector<200x64xf32>
    %dot_general3A_356 = tpu.matmul %squeeze3A_349, %get3A_354, %dot_general3A_355 {dimension_numbers = #tpu.dot_dimension_numbers<[1], [0], [0], [1], [0, 0, 1, 1], [], []>, transpose_lhs_hint = false} : vector<200x128xf32>, vector<128x64xf32>, vector<200x64xf32> -> vector<200x64xf32>
    %add3A_357 = arith.addf %add3A_347, %dot_general3A_356 : vector<200x64xf32>
    %slice3A_358 = vector.extract_strided_slice %reshape3A_215 {offsets = [0, 14, 0], sizes = [200, 1, 128], strides = [1, 1, 1]} : vector<200x16x128xf32> to vector<200x1x128xf32>
    %squeeze3A_359 = vector.shape_cast %slice3A_358 : vector<200x1x128xf32> to vector<200x128xf32>
    %get3A_360 = arith.constant 14 : index
    %get3A_361 = arith.constant 0 : index
    %get3A_362 = arith.constant 0 : index
    %get3A_363 = vector.load %arg10[%get3A_360, %get3A_361, %get3A_362] : memref<15x128x64xf32, #tpu.memory_space<vmem>>, vector<1x128x64xf32>
    %get3A_364 = vector.shape_cast %get3A_363 : vector<1x128x64xf32> to vector<128x64xf32>
    %dot_general3A_365 = arith.constant dense<0.000000e+00> : vector<200x64xf32>
    %dot_general3A_366 = tpu.matmul %squeeze3A_359, %get3A_364, %dot_general3A_365 {dimension_numbers = #tpu.dot_dimension_numbers<[1], [0], [0], [1], [0, 0, 1, 1], [], []>, transpose_lhs_hint = false} : vector<200x128xf32>, vector<128x64xf32>, vector<200x64xf32> -> vector<200x64xf32>
    %add3A_367 = arith.addf %add3A_357, %dot_general3A_366 : vector<200x64xf32>
    %ge3A = arith.constant 0.000000e+00 : f32
    %ge3A_368 = vector.broadcast %ge3A : f32 to vector<200x64xf32>
    %ge3A_369 = arith.cmpf oge, %add3A_367, %ge3A_368 : vector<200x64xf32>
    %mul3A_370 = arith.constant 1.000000e-01 : f32
    %mul3A_371 = vector.broadcast %mul3A_370 : f32 to vector<200x64xf32>
    %mul3A_372 = arith.mulf %mul3A_371, %add3A_367 : vector<200x64xf32>
    %select_n3A = arith.select %ge3A_369, %add3A_367, %mul3A_372 : vector<200x64xi1>, vector<200x64xf32>
    %swap3A = arith.constant 0 : index
    %swap3A_373 = arith.constant 0 : index
    %swap3A_374 = vector.load %arg12[%swap3A, %swap3A_373] : memref<200x64xf32, #tpu.memory_space<vmem>>, vector<200x64xf32>
    tpu.vector_store %arg12[%swap3A, %swap3A_373], %select_n3A {strides = array<i32>} : memref<200x64xf32, #tpu.memory_space<vmem>>, vector<200x64xf32>,
    %get3A_375 = arith.constant 0 : index
    %get3A_376 = arith.constant 0 : index
    %get3A_377 = vector.load %arg11[%get3A_375, %get3A_376] : memref<64x32xf32, #tpu.memory_space<vmem>>, vector<64x32xf32>
    %dot_general3A_378 = arith.constant dense<0.000000e+00> : vector<200x32xf32>
    %dot_general3A_379 = tpu.matmul %select_n3A, %get3A_377, %dot_general3A_378 {dimension_numbers = #tpu.dot_dimension_numbers<[1], [0], [0], [1], [0, 0, 1, 1], [], []>, transpose_lhs_hint = false} : vector<200x64xf32>, vector<64x32xf32>, vector<200x32xf32> -> vector<200x32xf32>
    %ge3A_380 = arith.constant 0.000000e+00 : f32
    %ge3A_381 = vector.broadcast %ge3A_380 : f32 to vector<200x32xf32>
    %ge3A_382 = arith.cmpf oge, %dot_general3A_379, %ge3A_381 : vector<200x32xf32>
    %mul3A_383 = arith.constant 1.000000e-01 : f32
    %mul3A_384 = vector.broadcast %mul3A_383 : f32 to vector<200x32xf32>
    %mul3A_385 = arith.mulf %mul3A_384, %dot_general3A_379 : vector<200x32xf32>
    %select_n3A_386 = arith.select %ge3A_382, %dot_general3A_379, %mul3A_385 : vector<200x32xi1>, vector<200x32xf32>
    %swap3A_387 = arith.constant 0 : index
    %swap3A_388 = arith.constant 0 : index
    %swap3A_389 = vector.load %arg13[%swap3A_387, %swap3A_388] : memref<200x32xf32, #tpu.memory_space<vmem>>, vector<200x32xf32>
    tpu.vector_store %arg13[%swap3A_387, %swap3A_388], %select_n3A_386 {strides = array<i32>} : memref<200x32xf32, #tpu.memory_space<vmem>>, vector<200x32xf32>,
    return
  }
  func.func @transform_0(%arg0: i32) -> (i32, i32) {
    %c0_i32 = arith.constant 0 : i32
    %c0_i32_0 = arith.constant 0 : i32
    return %arg0, %c0_i32 : i32, i32
  }
  func.func @transform_1(%arg0: i32) -> (i32, i32) {
    %c0_i32 = arith.constant 0 : i32
    %c0_i32_0 = arith.constant 0 : i32
    return %arg0, %c0_i32 : i32, i32
  }
  func.func @transform_2(%arg0: i32) -> (i32, i32) {
    %c0_i32 = arith.constant 0 : i32
    %c0_i32_0 = arith.constant 0 : i32
    return %arg0, %c0_i32 : i32, i32
  }
  func.func @transform_3(%arg0: i32) -> (i32, i32) {
    %c0_i32 = arith.constant 0 : i32
    %c0_i32_0 = arith.constant 0 : i32
    return %arg0, %c0_i32 : i32, i32
  }
  func.func @transform_4(%arg0: i32) -> (i32, i32) {
    %c0_i32 = arith.constant 0 : i32
    %c0_i32_0 = arith.constant 0 : i32
    return %arg0, %c0_i32 : i32, i32
  }
  func.func @transform_5(%arg0: i32) -> (i32, i32) {
    %c0_i32 = arith.constant 0 : i32
    %c0_i32_0 = arith.constant 0 : i32
    return %arg0, %c0_i32 : i32, i32
  }
  func.func @transform_6(%arg0: i32) -> (i32, i32) {
    %c0_i32 = arith.constant 0 : i32
    %c0_i32_0 = arith.constant 0 : i32
    return %arg0, %c0_i32 : i32, i32
  }
  func.func @transform_7(%arg0: i32) -> (i32, i32, i32) {
    %c0_i32 = arith.constant 0 : i32
    %c0_i32_0 = arith.constant 0 : i32
    %c0_i32_1 = arith.constant 0 : i32
    %c0_i32_2 = arith.constant 0 : i32
    return %c0_i32, %c0_i32_0, %c0_i32_1 : i32, i32, i32
  }
  func.func @transform_8(%arg0: i32) -> (i32, i32) {
    %c0_i32 = arith.constant 0 : i32
    %c0_i32_0 = arith.constant 0 : i32
    %c0_i32_1 = arith.constant 0 : i32
    return %c0_i32, %c0_i32_0 : i32, i32
  }
  func.func @transform_9(%arg0: i32) -> (i32, i32, i32) {
    %c0_i32 = arith.constant 0 : i32
    %c0_i32_0 = arith.constant 0 : i32
    %c0_i32_1 = arith.constant 0 : i32
    %c0_i32_2 = arith.constant 0 : i32
    return %c0_i32, %c0_i32_0, %c0_i32_1 : i32, i32, i32
  }
  func.func @transform_10(%arg0: i32) -> (i32, i32) {
    %c0_i32 = arith.constant 0 : i32
    %c0_i32_0 = arith.constant 0 : i32
    %c0_i32_1 = arith.constant 0 : i32
    return %c0_i32, %c0_i32_0 : i32, i32
  }
  func.func @transform_11(%arg0: i32) -> (i32, i32) {
    %c0_i32 = arith.constant 0 : i32
    %c0_i32_0 = arith.constant 0 : i32
    return %arg0, %c0_i32 : i32, i32
  }
  func.func @transform_12(%arg0: i32) -> (i32, i32) {
    %c0_i32 = arith.constant 0 : i32
    %c0_i32_0 = arith.constant 0 : i32
    return %arg0, %c0_i32 : i32, i32
  }
}

module attributes {stable_mosaic.version = 14 : i64} {
  func.func @_tc2_body(%arg0: i32, %arg1: memref<6400x32xf32, #tpu.memory_space<vmem>>, %arg2: memref<200x32xf32, #tpu.memory_space<vmem>>, %arg3: memref<200x32xf32, #tpu.memory_space<vmem>>, %arg4: memref<200x32xf32, #tpu.memory_space<vmem>>, %arg5: memref<200x1xf32, #tpu.memory_space<vmem>>, %arg6: memref<200x1xf32, #tpu.memory_space<vmem>>, %arg7: memref<200x1xf32, #tpu.memory_space<vmem>>, %arg8: memref<3x16x1xf32, #tpu.memory_space<vmem>>, %arg9: memref<128x256xf32, #tpu.memory_space<vmem>>, %arg10: memref<200x64xf32, #tpu.memory_space<vmem>>, %arg11: memref<15x32x32xf32, #tpu.memory_space<vmem>>, %arg12: memref<32x128xf32, #tpu.memory_space<vmem>>, %arg13: memref<64x128xf32, #tpu.memory_space<vmem>>, %arg14: memref<1x128xf32, #tpu.memory_space<vmem>>, %arg15: memref<1x16xf32, #tpu.memory_space<vmem>>, %arg16: memref<144x256xf32, #tpu.memory_space<vmem>>, %arg17: memref<1x256xf32, #tpu.memory_space<vmem>>, %arg18: memref<256x256xf32, #tpu.memory_space<vmem>>, %arg19: memref<1x256xf32, #tpu.memory_space<vmem>>, %arg20: memref<256x1xf32, #tpu.memory_space<vmem>>, %arg21: memref<1x1xf32, #tpu.memory_space<vmem>>, %arg22: memref<1x128xf32, #tpu.memory_space<vmem>>, %arg23: memref<1x128xf32, #tpu.memory_space<vmem>>) attributes {dimension_semantics = [#tpu.dimension_semantics<arbitrary>], iteration_bounds = array<i64: 25>, scalar_prefetch = 0 : i64, scratch_operands = 1 : i64, tpu.core_type = #tpu.core_type<tc>, window_params = [{transform_indices = @transform_0, window_bounds = array<i64: 6400, 32>}, {transform_indices = @transform_1, window_bounds = array<i64: 200, 32>}, {transform_indices = @transform_2, window_bounds = array<i64: 200, 32>}, {transform_indices = @transform_3, window_bounds = array<i64: 200, 32>}, {transform_indices = @transform_4, window_bounds = array<i64: 200, 1>}, {transform_indices = @transform_5, window_bounds = array<i64: 200, 1>}, {transform_indices = @transform_6, window_bounds = array<i64: 200, 1>}, {pipeline_mode = #tpu.pipeline_mode<synchronous>, transform_indices = @transform_7, window_bounds = array<i64: 3, 16, 1>}, {pipeline_mode = #tpu.pipeline_mode<synchronous>, transform_indices = @transform_8, window_bounds = array<i64: 128, 256>}, {transform_indices = @transform_9, window_bounds = array<i64: 200, 64>}, {pipeline_mode = #tpu.pipeline_mode<synchronous>, transform_indices = @transform_10, window_bounds = array<i64: 15, 32, 32>}, {pipeline_mode = #tpu.pipeline_mode<synchronous>, transform_indices = @transform_11, window_bounds = array<i64: 32, 128>}, {pipeline_mode = #tpu.pipeline_mode<synchronous>, transform_indices = @transform_12, window_bounds = array<i64: 64, 128>}, {pipeline_mode = #tpu.pipeline_mode<synchronous>, transform_indices = @transform_13, window_bounds = array<i64: 1, 128>}, {pipeline_mode = #tpu.pipeline_mode<synchronous>, transform_indices = @transform_14, window_bounds = array<i64: 1, 16>}, {pipeline_mode = #tpu.pipeline_mode<synchronous>, transform_indices = @transform_15, window_bounds = array<i64: 144, 256>}, {pipeline_mode = #tpu.pipeline_mode<synchronous>, transform_indices = @transform_16, window_bounds = array<i64: 1, 256>}, {pipeline_mode = #tpu.pipeline_mode<synchronous>, transform_indices = @transform_17, window_bounds = array<i64: 256, 256>}, {pipeline_mode = #tpu.pipeline_mode<synchronous>, transform_indices = @transform_18, window_bounds = array<i64: 1, 256>}, {pipeline_mode = #tpu.pipeline_mode<synchronous>, transform_indices = @transform_19, window_bounds = array<i64: 256, 1>}, {pipeline_mode = #tpu.pipeline_mode<synchronous>, transform_indices = @transform_20, window_bounds = array<i64: 1, 1>}, {pipeline_mode = #tpu.pipeline_mode<synchronous>, transform_indices = @transform_21, window_bounds = array<i64: 1, 128>}]} {
    %get3A = arith.constant 0 : index
    %get3A_0 = arith.constant 0 : index
    %get3A_1 = vector.load %arg2[%get3A, %get3A_0] : memref<200x32xf32, #tpu.memory_space<vmem>>, vector<200x32xf32>
    %get3A_2 = arith.constant 0 : index
    %get3A_3 = arith.constant 0 : index
    %get3A_4 = vector.load %arg3[%get3A_2, %get3A_3] : memref<200x32xf32, #tpu.memory_space<vmem>>, vector<200x32xf32>
    %get3A_5 = arith.constant 0 : index
    %get3A_6 = arith.constant 0 : index
    %get3A_7 = vector.load %arg4[%get3A_5, %get3A_6] : memref<200x32xf32, #tpu.memory_space<vmem>>, vector<200x32xf32>
    %get3A_8 = arith.constant 0 : index
    %get3A_9 = arith.constant 0 : index
    %get3A_10 = vector.load %arg5[%get3A_8, %get3A_9] : memref<200x1xf32, #tpu.memory_space<vmem>>, vector<200x1xf32>
    %get3A_11 = arith.constant 0 : index
    %get3A_12 = arith.constant 0 : index
    %get3A_13 = vector.load %arg6[%get3A_11, %get3A_12] : memref<200x1xf32, #tpu.memory_space<vmem>>, vector<200x1xf32>
    %get3A_14 = arith.constant 0 : index
    %get3A_15 = arith.constant 0 : index
    %get3A_16 = vector.load %arg7[%get3A_14, %get3A_15] : memref<200x1xf32, #tpu.memory_space<vmem>>, vector<200x1xf32>
    %get3A_17 = arith.constant 0 : index
    %get3A_18 = arith.constant 0 : index
    %get3A_19 = arith.constant 0 : index
    %get3A_20 = vector.load %arg8[%get3A_17, %get3A_18, %get3A_19] : memref<3x16x1xf32, #tpu.memory_space<vmem>>, vector<3x16x1xf32>
    %sub3A = vector.broadcast %get3A_10 : vector<200x1xf32> to vector<200x32xf32>
    %sub3A_21 = arith.subf %get3A_1, %sub3A : vector<200x32xf32>
    %broadcast_in_dim3A = vector.shape_cast %sub3A_21 : vector<200x32xf32> to vector<200x1x32xf32>
    %slice3A = vector.extract_strided_slice %get3A_20 {offsets = [0, 0, 0], sizes = [1, 16, 1], strides = [1, 1, 1]} : vector<3x16x1xf32> to vector<1x16x1xf32>
    %squeeze3A = vector.shape_cast %slice3A : vector<1x16x1xf32> to vector<16x1xf32>
    %broadcast_in_dim3A_22 = vector.shape_cast %squeeze3A : vector<16x1xf32> to vector<1x16x1xf32>
    %sub3A_23 = vector.broadcast %broadcast_in_dim3A : vector<200x1x32xf32> to vector<200x16x32xf32>
    %sub3A_24 = vector.broadcast %broadcast_in_dim3A_22 : vector<1x16x1xf32> to vector<200x16x32xf32>
    %sub3A_25 = arith.subf %sub3A_23, %sub3A_24 : vector<200x16x32xf32>
    %sub3A_26 = vector.broadcast %get3A_13 : vector<200x1xf32> to vector<200x32xf32>
    %sub3A_27 = arith.subf %get3A_4, %sub3A_26 : vector<200x32xf32>
    %broadcast_in_dim3A_28 = vector.shape_cast %sub3A_27 : vector<200x32xf32> to vector<200x1x32xf32>
    %slice3A_29 = vector.extract_strided_slice %get3A_20 {offsets = [1, 0, 0], sizes = [1, 16, 1], strides = [1, 1, 1]} : vector<3x16x1xf32> to vector<1x16x1xf32>
    %squeeze3A_30 = vector.shape_cast %slice3A_29 : vector<1x16x1xf32> to vector<16x1xf32>
    %broadcast_in_dim3A_31 = vector.shape_cast %squeeze3A_30 : vector<16x1xf32> to vector<1x16x1xf32>
    %sub3A_32 = vector.broadcast %broadcast_in_dim3A_28 : vector<200x1x32xf32> to vector<200x16x32xf32>
    %sub3A_33 = vector.broadcast %broadcast_in_dim3A_31 : vector<1x16x1xf32> to vector<200x16x32xf32>
    %sub3A_34 = arith.subf %sub3A_32, %sub3A_33 : vector<200x16x32xf32>
    %sub3A_35 = vector.broadcast %get3A_16 : vector<200x1xf32> to vector<200x32xf32>
    %sub3A_36 = arith.subf %get3A_7, %sub3A_35 : vector<200x32xf32>
    %broadcast_in_dim3A_37 = vector.shape_cast %sub3A_36 : vector<200x32xf32> to vector<200x1x32xf32>
    %slice3A_38 = vector.extract_strided_slice %get3A_20 {offsets = [2, 0, 0], sizes = [1, 16, 1], strides = [1, 1, 1]} : vector<3x16x1xf32> to vector<1x16x1xf32>
    %squeeze3A_39 = vector.shape_cast %slice3A_38 : vector<1x16x1xf32> to vector<16x1xf32>
    %broadcast_in_dim3A_40 = vector.shape_cast %squeeze3A_39 : vector<16x1xf32> to vector<1x16x1xf32>
    %sub3A_41 = vector.broadcast %broadcast_in_dim3A_37 : vector<200x1x32xf32> to vector<200x16x32xf32>
    %sub3A_42 = vector.broadcast %broadcast_in_dim3A_40 : vector<1x16x1xf32> to vector<200x16x32xf32>
    %sub3A_43 = arith.subf %sub3A_41, %sub3A_42 : vector<200x16x32xf32>
    %mul3A = arith.mulf %sub3A_25, %sub3A_25 : vector<200x16x32xf32>
    %mul3A_44 = arith.mulf %sub3A_34, %sub3A_34 : vector<200x16x32xf32>
    %add3A = arith.addf %mul3A, %mul3A_44 : vector<200x16x32xf32>
    %mul3A_45 = arith.mulf %sub3A_43, %sub3A_43 : vector<200x16x32xf32>
    %add3A_46 = arith.addf %add3A, %mul3A_45 : vector<200x16x32xf32>
    %add3A_47 = arith.constant 9.99999996E-13 : f32
    %add3A_48 = vector.broadcast %add3A_47 : f32 to vector<200x16x32xf32>
    %add3A_49 = arith.addf %add3A_46, %add3A_48 : vector<200x16x32xf32>
    %sqrt3A = math.sqrt %add3A_49 : vector<200x16x32xf32>
    %sub3A_50 = arith.constant 1.000000e+00 : f32
    %sub3A_51 = vector.broadcast %sub3A_50 : f32 to vector<200x16x32xf32>
    %sub3A_52 = arith.subf %sub3A_51, %sqrt3A : vector<200x16x32xf32>
    %max3A = arith.constant 0.000000e+00 : f32
    %max3A_53 = vector.broadcast %max3A : f32 to vector<200x16x32xf32>
    %max3A_54 = arith.maximumf %max3A_53, %sub3A_52 : vector<200x16x32xf32>
    %get3A_55 = arith.constant 0 : index
    %get3A_56 = arith.constant 0 : index
    %get3A_57 = vector.load %arg1[%get3A_55, %get3A_56] : memref<6400x32xf32, #tpu.memory_space<vmem>>, vector<6400x32xf32>
    %get3A_58 = arith.constant 0 : index
    %get3A_59 = arith.constant 0 : index
    %get3A_60 = vector.load %arg9[%get3A_58, %get3A_59] : memref<128x256xf32, #tpu.memory_space<vmem>>, vector<128x256xf32>
    %reshape3A = vector.shape_cast %max3A_54 : vector<200x16x32xf32> to vector<25x128x32xf32>
    %concatenate3A = tpu.concatenate %reshape3A, %reshape3A, %reshape3A, %reshape3A, %reshape3A, %reshape3A, %reshape3A, %reshape3A in 2 : vector<25x128x32xf32>, vector<25x128x32xf32>, vector<25x128x32xf32>, vector<25x128x32xf32>, vector<25x128x32xf32>, vector<25x128x32xf32>, vector<25x128x32xf32>, vector<25x128x32xf32> -> vector<25x128x256xf32>
    %broadcast_in_dim3A_61 = vector.shape_cast %get3A_60 : vector<128x256xf32> to vector<1x128x256xf32>
    %mul3A_62 = vector.broadcast %broadcast_in_dim3A_61 : vector<1x128x256xf32> to vector<25x128x256xf32>
    %mul3A_63 = arith.mulf %concatenate3A, %mul3A_62 : vector<25x128x256xf32>
    %reshape3A_64 = vector.shape_cast %get3A_57 : vector<6400x32xf32> to vector<25x256x32xf32>
    %slice3A_65 = vector.extract_strided_slice %mul3A_63 {offsets = [0, 0, 0], sizes = [1, 128, 256], strides = [1, 1, 1]} : vector<25x128x256xf32> to vector<1x128x256xf32>
    %squeeze3A_66 = vector.shape_cast %slice3A_65 : vector<1x128x256xf32> to vector<128x256xf32>
    %slice3A_67 = vector.extract_strided_slice %reshape3A_64 {offsets = [0, 0, 0], sizes = [1, 256, 32], strides = [1, 1, 1]} : vector<25x256x32xf32> to vector<1x256x32xf32>
    %squeeze3A_68 = vector.shape_cast %slice3A_67 : vector<1x256x32xf32> to vector<256x32xf32>
    %dot_general3A = arith.constant dense<0.000000e+00> : vector<128x32xf32>
    %dot_general3A_69 = tpu.matmul %squeeze3A_66, %squeeze3A_68, %dot_general3A {dimension_numbers = #tpu.dot_dimension_numbers<[1], [0], [0], [1], [0, 0, 1, 1], [], []>, transpose_lhs_hint = false} : vector<128x256xf32>, vector<256x32xf32>, vector<128x32xf32> -> vector<128x32xf32>
    %slice3A_70 = vector.extract_strided_slice %mul3A_63 {offsets = [1, 0, 0], sizes = [1, 128, 256], strides = [1, 1, 1]} : vector<25x128x256xf32> to vector<1x128x256xf32>
    %squeeze3A_71 = vector.shape_cast %slice3A_70 : vector<1x128x256xf32> to vector<128x256xf32>
    %slice3A_72 = vector.extract_strided_slice %reshape3A_64 {offsets = [1, 0, 0], sizes = [1, 256, 32], strides = [1, 1, 1]} : vector<25x256x32xf32> to vector<1x256x32xf32>
    %squeeze3A_73 = vector.shape_cast %slice3A_72 : vector<1x256x32xf32> to vector<256x32xf32>
    %dot_general3A_74 = arith.constant dense<0.000000e+00> : vector<128x32xf32>
    %dot_general3A_75 = tpu.matmul %squeeze3A_71, %squeeze3A_73, %dot_general3A_74 {dimension_numbers = #tpu.dot_dimension_numbers<[1], [0], [0], [1], [0, 0, 1, 1], [], []>, transpose_lhs_hint = false} : vector<128x256xf32>, vector<256x32xf32>, vector<128x32xf32> -> vector<128x32xf32>
    %slice3A_76 = vector.extract_strided_slice %mul3A_63 {offsets = [2, 0, 0], sizes = [1, 128, 256], strides = [1, 1, 1]} : vector<25x128x256xf32> to vector<1x128x256xf32>
    %squeeze3A_77 = vector.shape_cast %slice3A_76 : vector<1x128x256xf32> to vector<128x256xf32>
    %slice3A_78 = vector.extract_strided_slice %reshape3A_64 {offsets = [2, 0, 0], sizes = [1, 256, 32], strides = [1, 1, 1]} : vector<25x256x32xf32> to vector<1x256x32xf32>
    %squeeze3A_79 = vector.shape_cast %slice3A_78 : vector<1x256x32xf32> to vector<256x32xf32>
    %dot_general3A_80 = arith.constant dense<0.000000e+00> : vector<128x32xf32>
    %dot_general3A_81 = tpu.matmul %squeeze3A_77, %squeeze3A_79, %dot_general3A_80 {dimension_numbers = #tpu.dot_dimension_numbers<[1], [0], [0], [1], [0, 0, 1, 1], [], []>, transpose_lhs_hint = false} : vector<128x256xf32>, vector<256x32xf32>, vector<128x32xf32> -> vector<128x32xf32>
    %slice3A_82 = vector.extract_strided_slice %mul3A_63 {offsets = [3, 0, 0], sizes = [1, 128, 256], strides = [1, 1, 1]} : vector<25x128x256xf32> to vector<1x128x256xf32>
    %squeeze3A_83 = vector.shape_cast %slice3A_82 : vector<1x128x256xf32> to vector<128x256xf32>
    %slice3A_84 = vector.extract_strided_slice %reshape3A_64 {offsets = [3, 0, 0], sizes = [1, 256, 32], strides = [1, 1, 1]} : vector<25x256x32xf32> to vector<1x256x32xf32>
    %squeeze3A_85 = vector.shape_cast %slice3A_84 : vector<1x256x32xf32> to vector<256x32xf32>
    %dot_general3A_86 = arith.constant dense<0.000000e+00> : vector<128x32xf32>
    %dot_general3A_87 = tpu.matmul %squeeze3A_83, %squeeze3A_85, %dot_general3A_86 {dimension_numbers = #tpu.dot_dimension_numbers<[1], [0], [0], [1], [0, 0, 1, 1], [], []>, transpose_lhs_hint = false} : vector<128x256xf32>, vector<256x32xf32>, vector<128x32xf32> -> vector<128x32xf32>
    %slice3A_88 = vector.extract_strided_slice %mul3A_63 {offsets = [4, 0, 0], sizes = [1, 128, 256], strides = [1, 1, 1]} : vector<25x128x256xf32> to vector<1x128x256xf32>
    %squeeze3A_89 = vector.shape_cast %slice3A_88 : vector<1x128x256xf32> to vector<128x256xf32>
    %slice3A_90 = vector.extract_strided_slice %reshape3A_64 {offsets = [4, 0, 0], sizes = [1, 256, 32], strides = [1, 1, 1]} : vector<25x256x32xf32> to vector<1x256x32xf32>
    %squeeze3A_91 = vector.shape_cast %slice3A_90 : vector<1x256x32xf32> to vector<256x32xf32>
    %dot_general3A_92 = arith.constant dense<0.000000e+00> : vector<128x32xf32>
    %dot_general3A_93 = tpu.matmul %squeeze3A_89, %squeeze3A_91, %dot_general3A_92 {dimension_numbers = #tpu.dot_dimension_numbers<[1], [0], [0], [1], [0, 0, 1, 1], [], []>, transpose_lhs_hint = false} : vector<128x256xf32>, vector<256x32xf32>, vector<128x32xf32> -> vector<128x32xf32>
    %slice3A_94 = vector.extract_strided_slice %mul3A_63 {offsets = [5, 0, 0], sizes = [1, 128, 256], strides = [1, 1, 1]} : vector<25x128x256xf32> to vector<1x128x256xf32>
    %squeeze3A_95 = vector.shape_cast %slice3A_94 : vector<1x128x256xf32> to vector<128x256xf32>
    %slice3A_96 = vector.extract_strided_slice %reshape3A_64 {offsets = [5, 0, 0], sizes = [1, 256, 32], strides = [1, 1, 1]} : vector<25x256x32xf32> to vector<1x256x32xf32>
    %squeeze3A_97 = vector.shape_cast %slice3A_96 : vector<1x256x32xf32> to vector<256x32xf32>
    %dot_general3A_98 = arith.constant dense<0.000000e+00> : vector<128x32xf32>
    %dot_general3A_99 = tpu.matmul %squeeze3A_95, %squeeze3A_97, %dot_general3A_98 {dimension_numbers = #tpu.dot_dimension_numbers<[1], [0], [0], [1], [0, 0, 1, 1], [], []>, transpose_lhs_hint = false} : vector<128x256xf32>, vector<256x32xf32>, vector<128x32xf32> -> vector<128x32xf32>
    %slice3A_100 = vector.extract_strided_slice %mul3A_63 {offsets = [6, 0, 0], sizes = [1, 128, 256], strides = [1, 1, 1]} : vector<25x128x256xf32> to vector<1x128x256xf32>
    %squeeze3A_101 = vector.shape_cast %slice3A_100 : vector<1x128x256xf32> to vector<128x256xf32>
    %slice3A_102 = vector.extract_strided_slice %reshape3A_64 {offsets = [6, 0, 0], sizes = [1, 256, 32], strides = [1, 1, 1]} : vector<25x256x32xf32> to vector<1x256x32xf32>
    %squeeze3A_103 = vector.shape_cast %slice3A_102 : vector<1x256x32xf32> to vector<256x32xf32>
    %dot_general3A_104 = arith.constant dense<0.000000e+00> : vector<128x32xf32>
    %dot_general3A_105 = tpu.matmul %squeeze3A_101, %squeeze3A_103, %dot_general3A_104 {dimension_numbers = #tpu.dot_dimension_numbers<[1], [0], [0], [1], [0, 0, 1, 1], [], []>, transpose_lhs_hint = false} : vector<128x256xf32>, vector<256x32xf32>, vector<128x32xf32> -> vector<128x32xf32>
    %slice3A_106 = vector.extract_strided_slice %mul3A_63 {offsets = [7, 0, 0], sizes = [1, 128, 256], strides = [1, 1, 1]} : vector<25x128x256xf32> to vector<1x128x256xf32>
    %squeeze3A_107 = vector.shape_cast %slice3A_106 : vector<1x128x256xf32> to vector<128x256xf32>
    %slice3A_108 = vector.extract_strided_slice %reshape3A_64 {offsets = [7, 0, 0], sizes = [1, 256, 32], strides = [1, 1, 1]} : vector<25x256x32xf32> to vector<1x256x32xf32>
    %squeeze3A_109 = vector.shape_cast %slice3A_108 : vector<1x256x32xf32> to vector<256x32xf32>
    %dot_general3A_110 = arith.constant dense<0.000000e+00> : vector<128x32xf32>
    %dot_general3A_111 = tpu.matmul %squeeze3A_107, %squeeze3A_109, %dot_general3A_110 {dimension_numbers = #tpu.dot_dimension_numbers<[1], [0], [0], [1], [0, 0, 1, 1], [], []>, transpose_lhs_hint = false} : vector<128x256xf32>, vector<256x32xf32>, vector<128x32xf32> -> vector<128x32xf32>
    %slice3A_112 = vector.extract_strided_slice %mul3A_63 {offsets = [8, 0, 0], sizes = [1, 128, 256], strides = [1, 1, 1]} : vector<25x128x256xf32> to vector<1x128x256xf32>
    %squeeze3A_113 = vector.shape_cast %slice3A_112 : vector<1x128x256xf32> to vector<128x256xf32>
    %slice3A_114 = vector.extract_strided_slice %reshape3A_64 {offsets = [8, 0, 0], sizes = [1, 256, 32], strides = [1, 1, 1]} : vector<25x256x32xf32> to vector<1x256x32xf32>
    %squeeze3A_115 = vector.shape_cast %slice3A_114 : vector<1x256x32xf32> to vector<256x32xf32>
    %dot_general3A_116 = arith.constant dense<0.000000e+00> : vector<128x32xf32>
    %dot_general3A_117 = tpu.matmul %squeeze3A_113, %squeeze3A_115, %dot_general3A_116 {dimension_numbers = #tpu.dot_dimension_numbers<[1], [0], [0], [1], [0, 0, 1, 1], [], []>, transpose_lhs_hint = false} : vector<128x256xf32>, vector<256x32xf32>, vector<128x32xf32> -> vector<128x32xf32>
    %slice3A_118 = vector.extract_strided_slice %mul3A_63 {offsets = [9, 0, 0], sizes = [1, 128, 256], strides = [1, 1, 1]} : vector<25x128x256xf32> to vector<1x128x256xf32>
    %squeeze3A_119 = vector.shape_cast %slice3A_118 : vector<1x128x256xf32> to vector<128x256xf32>
    %slice3A_120 = vector.extract_strided_slice %reshape3A_64 {offsets = [9, 0, 0], sizes = [1, 256, 32], strides = [1, 1, 1]} : vector<25x256x32xf32> to vector<1x256x32xf32>
    %squeeze3A_121 = vector.shape_cast %slice3A_120 : vector<1x256x32xf32> to vector<256x32xf32>
    %dot_general3A_122 = arith.constant dense<0.000000e+00> : vector<128x32xf32>
    %dot_general3A_123 = tpu.matmul %squeeze3A_119, %squeeze3A_121, %dot_general3A_122 {dimension_numbers = #tpu.dot_dimension_numbers<[1], [0], [0], [1], [0, 0, 1, 1], [], []>, transpose_lhs_hint = false} : vector<128x256xf32>, vector<256x32xf32>, vector<128x32xf32> -> vector<128x32xf32>
    %slice3A_124 = vector.extract_strided_slice %mul3A_63 {offsets = [10, 0, 0], sizes = [1, 128, 256], strides = [1, 1, 1]} : vector<25x128x256xf32> to vector<1x128x256xf32>
    %squeeze3A_125 = vector.shape_cast %slice3A_124 : vector<1x128x256xf32> to vector<128x256xf32>
    %slice3A_126 = vector.extract_strided_slice %reshape3A_64 {offsets = [10, 0, 0], sizes = [1, 256, 32], strides = [1, 1, 1]} : vector<25x256x32xf32> to vector<1x256x32xf32>
    %squeeze3A_127 = vector.shape_cast %slice3A_126 : vector<1x256x32xf32> to vector<256x32xf32>
    %dot_general3A_128 = arith.constant dense<0.000000e+00> : vector<128x32xf32>
    %dot_general3A_129 = tpu.matmul %squeeze3A_125, %squeeze3A_127, %dot_general3A_128 {dimension_numbers = #tpu.dot_dimension_numbers<[1], [0], [0], [1], [0, 0, 1, 1], [], []>, transpose_lhs_hint = false} : vector<128x256xf32>, vector<256x32xf32>, vector<128x32xf32> -> vector<128x32xf32>
    %slice3A_130 = vector.extract_strided_slice %mul3A_63 {offsets = [11, 0, 0], sizes = [1, 128, 256], strides = [1, 1, 1]} : vector<25x128x256xf32> to vector<1x128x256xf32>
    %squeeze3A_131 = vector.shape_cast %slice3A_130 : vector<1x128x256xf32> to vector<128x256xf32>
    %slice3A_132 = vector.extract_strided_slice %reshape3A_64 {offsets = [11, 0, 0], sizes = [1, 256, 32], strides = [1, 1, 1]} : vector<25x256x32xf32> to vector<1x256x32xf32>
    %squeeze3A_133 = vector.shape_cast %slice3A_132 : vector<1x256x32xf32> to vector<256x32xf32>
    %dot_general3A_134 = arith.constant dense<0.000000e+00> : vector<128x32xf32>
    %dot_general3A_135 = tpu.matmul %squeeze3A_131, %squeeze3A_133, %dot_general3A_134 {dimension_numbers = #tpu.dot_dimension_numbers<[1], [0], [0], [1], [0, 0, 1, 1], [], []>, transpose_lhs_hint = false} : vector<128x256xf32>, vector<256x32xf32>, vector<128x32xf32> -> vector<128x32xf32>
    %slice3A_136 = vector.extract_strided_slice %mul3A_63 {offsets = [12, 0, 0], sizes = [1, 128, 256], strides = [1, 1, 1]} : vector<25x128x256xf32> to vector<1x128x256xf32>
    %squeeze3A_137 = vector.shape_cast %slice3A_136 : vector<1x128x256xf32> to vector<128x256xf32>
    %slice3A_138 = vector.extract_strided_slice %reshape3A_64 {offsets = [12, 0, 0], sizes = [1, 256, 32], strides = [1, 1, 1]} : vector<25x256x32xf32> to vector<1x256x32xf32>
    %squeeze3A_139 = vector.shape_cast %slice3A_138 : vector<1x256x32xf32> to vector<256x32xf32>
    %dot_general3A_140 = arith.constant dense<0.000000e+00> : vector<128x32xf32>
    %dot_general3A_141 = tpu.matmul %squeeze3A_137, %squeeze3A_139, %dot_general3A_140 {dimension_numbers = #tpu.dot_dimension_numbers<[1], [0], [0], [1], [0, 0, 1, 1], [], []>, transpose_lhs_hint = false} : vector<128x256xf32>, vector<256x32xf32>, vector<128x32xf32> -> vector<128x32xf32>
    %slice3A_142 = vector.extract_strided_slice %mul3A_63 {offsets = [13, 0, 0], sizes = [1, 128, 256], strides = [1, 1, 1]} : vector<25x128x256xf32> to vector<1x128x256xf32>
    %squeeze3A_143 = vector.shape_cast %slice3A_142 : vector<1x128x256xf32> to vector<128x256xf32>
    %slice3A_144 = vector.extract_strided_slice %reshape3A_64 {offsets = [13, 0, 0], sizes = [1, 256, 32], strides = [1, 1, 1]} : vector<25x256x32xf32> to vector<1x256x32xf32>
    %squeeze3A_145 = vector.shape_cast %slice3A_144 : vector<1x256x32xf32> to vector<256x32xf32>
    %dot_general3A_146 = arith.constant dense<0.000000e+00> : vector<128x32xf32>
    %dot_general3A_147 = tpu.matmul %squeeze3A_143, %squeeze3A_145, %dot_general3A_146 {dimension_numbers = #tpu.dot_dimension_numbers<[1], [0], [0], [1], [0, 0, 1, 1], [], []>, transpose_lhs_hint = false} : vector<128x256xf32>, vector<256x32xf32>, vector<128x32xf32> -> vector<128x32xf32>
    %slice3A_148 = vector.extract_strided_slice %mul3A_63 {offsets = [14, 0, 0], sizes = [1, 128, 256], strides = [1, 1, 1]} : vector<25x128x256xf32> to vector<1x128x256xf32>
    %squeeze3A_149 = vector.shape_cast %slice3A_148 : vector<1x128x256xf32> to vector<128x256xf32>
    %slice3A_150 = vector.extract_strided_slice %reshape3A_64 {offsets = [14, 0, 0], sizes = [1, 256, 32], strides = [1, 1, 1]} : vector<25x256x32xf32> to vector<1x256x32xf32>
    %squeeze3A_151 = vector.shape_cast %slice3A_150 : vector<1x256x32xf32> to vector<256x32xf32>
    %dot_general3A_152 = arith.constant dense<0.000000e+00> : vector<128x32xf32>
    %dot_general3A_153 = tpu.matmul %squeeze3A_149, %squeeze3A_151, %dot_general3A_152 {dimension_numbers = #tpu.dot_dimension_numbers<[1], [0], [0], [1], [0, 0, 1, 1], [], []>, transpose_lhs_hint = false} : vector<128x256xf32>, vector<256x32xf32>, vector<128x32xf32> -> vector<128x32xf32>
    %slice3A_154 = vector.extract_strided_slice %mul3A_63 {offsets = [15, 0, 0], sizes = [1, 128, 256], strides = [1, 1, 1]} : vector<25x128x256xf32> to vector<1x128x256xf32>
    %squeeze3A_155 = vector.shape_cast %slice3A_154 : vector<1x128x256xf32> to vector<128x256xf32>
    %slice3A_156 = vector.extract_strided_slice %reshape3A_64 {offsets = [15, 0, 0], sizes = [1, 256, 32], strides = [1, 1, 1]} : vector<25x256x32xf32> to vector<1x256x32xf32>
    %squeeze3A_157 = vector.shape_cast %slice3A_156 : vector<1x256x32xf32> to vector<256x32xf32>
    %dot_general3A_158 = arith.constant dense<0.000000e+00> : vector<128x32xf32>
    %dot_general3A_159 = tpu.matmul %squeeze3A_155, %squeeze3A_157, %dot_general3A_158 {dimension_numbers = #tpu.dot_dimension_numbers<[1], [0], [0], [1], [0, 0, 1, 1], [], []>, transpose_lhs_hint = false} : vector<128x256xf32>, vector<256x32xf32>, vector<128x32xf32> -> vector<128x32xf32>
    %slice3A_160 = vector.extract_strided_slice %mul3A_63 {offsets = [16, 0, 0], sizes = [1, 128, 256], strides = [1, 1, 1]} : vector<25x128x256xf32> to vector<1x128x256xf32>
    %squeeze3A_161 = vector.shape_cast %slice3A_160 : vector<1x128x256xf32> to vector<128x256xf32>
    %slice3A_162 = vector.extract_strided_slice %reshape3A_64 {offsets = [16, 0, 0], sizes = [1, 256, 32], strides = [1, 1, 1]} : vector<25x256x32xf32> to vector<1x256x32xf32>
    %squeeze3A_163 = vector.shape_cast %slice3A_162 : vector<1x256x32xf32> to vector<256x32xf32>
    %dot_general3A_164 = arith.constant dense<0.000000e+00> : vector<128x32xf32>
    %dot_general3A_165 = tpu.matmul %squeeze3A_161, %squeeze3A_163, %dot_general3A_164 {dimension_numbers = #tpu.dot_dimension_numbers<[1], [0], [0], [1], [0, 0, 1, 1], [], []>, transpose_lhs_hint = false} : vector<128x256xf32>, vector<256x32xf32>, vector<128x32xf32> -> vector<128x32xf32>
    %slice3A_166 = vector.extract_strided_slice %mul3A_63 {offsets = [17, 0, 0], sizes = [1, 128, 256], strides = [1, 1, 1]} : vector<25x128x256xf32> to vector<1x128x256xf32>
    %squeeze3A_167 = vector.shape_cast %slice3A_166 : vector<1x128x256xf32> to vector<128x256xf32>
    %slice3A_168 = vector.extract_strided_slice %reshape3A_64 {offsets = [17, 0, 0], sizes = [1, 256, 32], strides = [1, 1, 1]} : vector<25x256x32xf32> to vector<1x256x32xf32>
    %squeeze3A_169 = vector.shape_cast %slice3A_168 : vector<1x256x32xf32> to vector<256x32xf32>
    %dot_general3A_170 = arith.constant dense<0.000000e+00> : vector<128x32xf32>
    %dot_general3A_171 = tpu.matmul %squeeze3A_167, %squeeze3A_169, %dot_general3A_170 {dimension_numbers = #tpu.dot_dimension_numbers<[1], [0], [0], [1], [0, 0, 1, 1], [], []>, transpose_lhs_hint = false} : vector<128x256xf32>, vector<256x32xf32>, vector<128x32xf32> -> vector<128x32xf32>
    %slice3A_172 = vector.extract_strided_slice %mul3A_63 {offsets = [18, 0, 0], sizes = [1, 128, 256], strides = [1, 1, 1]} : vector<25x128x256xf32> to vector<1x128x256xf32>
    %squeeze3A_173 = vector.shape_cast %slice3A_172 : vector<1x128x256xf32> to vector<128x256xf32>
    %slice3A_174 = vector.extract_strided_slice %reshape3A_64 {offsets = [18, 0, 0], sizes = [1, 256, 32], strides = [1, 1, 1]} : vector<25x256x32xf32> to vector<1x256x32xf32>
    %squeeze3A_175 = vector.shape_cast %slice3A_174 : vector<1x256x32xf32> to vector<256x32xf32>
    %dot_general3A_176 = arith.constant dense<0.000000e+00> : vector<128x32xf32>
    %dot_general3A_177 = tpu.matmul %squeeze3A_173, %squeeze3A_175, %dot_general3A_176 {dimension_numbers = #tpu.dot_dimension_numbers<[1], [0], [0], [1], [0, 0, 1, 1], [], []>, transpose_lhs_hint = false} : vector<128x256xf32>, vector<256x32xf32>, vector<128x32xf32> -> vector<128x32xf32>
    %slice3A_178 = vector.extract_strided_slice %mul3A_63 {offsets = [19, 0, 0], sizes = [1, 128, 256], strides = [1, 1, 1]} : vector<25x128x256xf32> to vector<1x128x256xf32>
    %squeeze3A_179 = vector.shape_cast %slice3A_178 : vector<1x128x256xf32> to vector<128x256xf32>
    %slice3A_180 = vector.extract_strided_slice %reshape3A_64 {offsets = [19, 0, 0], sizes = [1, 256, 32], strides = [1, 1, 1]} : vector<25x256x32xf32> to vector<1x256x32xf32>
    %squeeze3A_181 = vector.shape_cast %slice3A_180 : vector<1x256x32xf32> to vector<256x32xf32>
    %dot_general3A_182 = arith.constant dense<0.000000e+00> : vector<128x32xf32>
    %dot_general3A_183 = tpu.matmul %squeeze3A_179, %squeeze3A_181, %dot_general3A_182 {dimension_numbers = #tpu.dot_dimension_numbers<[1], [0], [0], [1], [0, 0, 1, 1], [], []>, transpose_lhs_hint = false} : vector<128x256xf32>, vector<256x32xf32>, vector<128x32xf32> -> vector<128x32xf32>
    %slice3A_184 = vector.extract_strided_slice %mul3A_63 {offsets = [20, 0, 0], sizes = [1, 128, 256], strides = [1, 1, 1]} : vector<25x128x256xf32> to vector<1x128x256xf32>
    %squeeze3A_185 = vector.shape_cast %slice3A_184 : vector<1x128x256xf32> to vector<128x256xf32>
    %slice3A_186 = vector.extract_strided_slice %reshape3A_64 {offsets = [20, 0, 0], sizes = [1, 256, 32], strides = [1, 1, 1]} : vector<25x256x32xf32> to vector<1x256x32xf32>
    %squeeze3A_187 = vector.shape_cast %slice3A_186 : vector<1x256x32xf32> to vector<256x32xf32>
    %dot_general3A_188 = arith.constant dense<0.000000e+00> : vector<128x32xf32>
    %dot_general3A_189 = tpu.matmul %squeeze3A_185, %squeeze3A_187, %dot_general3A_188 {dimension_numbers = #tpu.dot_dimension_numbers<[1], [0], [0], [1], [0, 0, 1, 1], [], []>, transpose_lhs_hint = false} : vector<128x256xf32>, vector<256x32xf32>, vector<128x32xf32> -> vector<128x32xf32>
    %slice3A_190 = vector.extract_strided_slice %mul3A_63 {offsets = [21, 0, 0], sizes = [1, 128, 256], strides = [1, 1, 1]} : vector<25x128x256xf32> to vector<1x128x256xf32>
    %squeeze3A_191 = vector.shape_cast %slice3A_190 : vector<1x128x256xf32> to vector<128x256xf32>
    %slice3A_192 = vector.extract_strided_slice %reshape3A_64 {offsets = [21, 0, 0], sizes = [1, 256, 32], strides = [1, 1, 1]} : vector<25x256x32xf32> to vector<1x256x32xf32>
    %squeeze3A_193 = vector.shape_cast %slice3A_192 : vector<1x256x32xf32> to vector<256x32xf32>
    %dot_general3A_194 = arith.constant dense<0.000000e+00> : vector<128x32xf32>
    %dot_general3A_195 = tpu.matmul %squeeze3A_191, %squeeze3A_193, %dot_general3A_194 {dimension_numbers = #tpu.dot_dimension_numbers<[1], [0], [0], [1], [0, 0, 1, 1], [], []>, transpose_lhs_hint = false} : vector<128x256xf32>, vector<256x32xf32>, vector<128x32xf32> -> vector<128x32xf32>
    %slice3A_196 = vector.extract_strided_slice %mul3A_63 {offsets = [22, 0, 0], sizes = [1, 128, 256], strides = [1, 1, 1]} : vector<25x128x256xf32> to vector<1x128x256xf32>
    %squeeze3A_197 = vector.shape_cast %slice3A_196 : vector<1x128x256xf32> to vector<128x256xf32>
    %slice3A_198 = vector.extract_strided_slice %reshape3A_64 {offsets = [22, 0, 0], sizes = [1, 256, 32], strides = [1, 1, 1]} : vector<25x256x32xf32> to vector<1x256x32xf32>
    %squeeze3A_199 = vector.shape_cast %slice3A_198 : vector<1x256x32xf32> to vector<256x32xf32>
    %dot_general3A_200 = arith.constant dense<0.000000e+00> : vector<128x32xf32>
    %dot_general3A_201 = tpu.matmul %squeeze3A_197, %squeeze3A_199, %dot_general3A_200 {dimension_numbers = #tpu.dot_dimension_numbers<[1], [0], [0], [1], [0, 0, 1, 1], [], []>, transpose_lhs_hint = false} : vector<128x256xf32>, vector<256x32xf32>, vector<128x32xf32> -> vector<128x32xf32>
    %slice3A_202 = vector.extract_strided_slice %mul3A_63 {offsets = [23, 0, 0], sizes = [1, 128, 256], strides = [1, 1, 1]} : vector<25x128x256xf32> to vector<1x128x256xf32>
    %squeeze3A_203 = vector.shape_cast %slice3A_202 : vector<1x128x256xf32> to vector<128x256xf32>
    %slice3A_204 = vector.extract_strided_slice %reshape3A_64 {offsets = [23, 0, 0], sizes = [1, 256, 32], strides = [1, 1, 1]} : vector<25x256x32xf32> to vector<1x256x32xf32>
    %squeeze3A_205 = vector.shape_cast %slice3A_204 : vector<1x256x32xf32> to vector<256x32xf32>
    %dot_general3A_206 = arith.constant dense<0.000000e+00> : vector<128x32xf32>
    %dot_general3A_207 = tpu.matmul %squeeze3A_203, %squeeze3A_205, %dot_general3A_206 {dimension_numbers = #tpu.dot_dimension_numbers<[1], [0], [0], [1], [0, 0, 1, 1], [], []>, transpose_lhs_hint = false} : vector<128x256xf32>, vector<256x32xf32>, vector<128x32xf32> -> vector<128x32xf32>
    %slice3A_208 = vector.extract_strided_slice %mul3A_63 {offsets = [24, 0, 0], sizes = [1, 128, 256], strides = [1, 1, 1]} : vector<25x128x256xf32> to vector<1x128x256xf32>
    %squeeze3A_209 = vector.shape_cast %slice3A_208 : vector<1x128x256xf32> to vector<128x256xf32>
    %slice3A_210 = vector.extract_strided_slice %reshape3A_64 {offsets = [24, 0, 0], sizes = [1, 256, 32], strides = [1, 1, 1]} : vector<25x256x32xf32> to vector<1x256x32xf32>
    %squeeze3A_211 = vector.shape_cast %slice3A_210 : vector<1x256x32xf32> to vector<256x32xf32>
    %dot_general3A_212 = arith.constant dense<0.000000e+00> : vector<128x32xf32>
    %dot_general3A_213 = tpu.matmul %squeeze3A_209, %squeeze3A_211, %dot_general3A_212 {dimension_numbers = #tpu.dot_dimension_numbers<[1], [0], [0], [1], [0, 0, 1, 1], [], []>, transpose_lhs_hint = false} : vector<128x256xf32>, vector<256x32xf32>, vector<128x32xf32> -> vector<128x32xf32>
    %concatenate3A_214 = tpu.concatenate %dot_general3A_69, %dot_general3A_75, %dot_general3A_81, %dot_general3A_87, %dot_general3A_93, %dot_general3A_99, %dot_general3A_105, %dot_general3A_111, %dot_general3A_117, %dot_general3A_123, %dot_general3A_129, %dot_general3A_135, %dot_general3A_141, %dot_general3A_147, %dot_general3A_153, %dot_general3A_159, %dot_general3A_165, %dot_general3A_171, %dot_general3A_177, %dot_general3A_183, %dot_general3A_189, %dot_general3A_195, %dot_general3A_201, %dot_general3A_207, %dot_general3A_213 in 0 : vector<128x32xf32>, vector<128x32xf32>, vector<128x32xf32>, vector<128x32xf32>, vector<128x32xf32>, vector<128x32xf32>, vector<128x32xf32>, vector<128x32xf32>, vector<128x32xf32>, vector<128x32xf32>, vector<128x32xf32>, vector<128x32xf32>, vector<128x32xf32>, vector<128x32xf32>, vector<128x32xf32>, vector<128x32xf32>, vector<128x32xf32>, vector<128x32xf32>, vector<128x32xf32>, vector<128x32xf32>, vector<128x32xf32>, vector<128x32xf32>, vector<128x32xf32>, vector<128x32xf32>, vector<128x32xf32> -> vector<3200x32xf32>
    %reshape3A_215 = vector.shape_cast %concatenate3A_214 : vector<3200x32xf32> to vector<200x16x32xf32>
    %broadcast_in_dim3A_216 = arith.constant 0.000000e+00 : f32
    %broadcast_in_dim3A_217 = vector.broadcast %broadcast_in_dim3A_216 : f32 to vector<200x32xf32>
    %slice3A_218 = vector.extract_strided_slice %reshape3A_215 {offsets = [0, 0, 0], sizes = [200, 1, 32], strides = [1, 1, 1]} : vector<200x16x32xf32> to vector<200x1x32xf32>
    %squeeze3A_219 = vector.shape_cast %slice3A_218 : vector<200x1x32xf32> to vector<200x32xf32>
    %get3A_220 = arith.constant 0 : index
    %get3A_221 = arith.constant 0 : index
    %get3A_222 = arith.constant 0 : index
    %get3A_223 = vector.load %arg11[%get3A_220, %get3A_221, %get3A_222] : memref<15x32x32xf32, #tpu.memory_space<vmem>>, vector<1x32x32xf32>
    %get3A_224 = vector.shape_cast %get3A_223 : vector<1x32x32xf32> to vector<32x32xf32>
    %dot_general3A_225 = arith.constant dense<0.000000e+00> : vector<200x32xf32>
    %dot_general3A_226 = tpu.matmul %squeeze3A_219, %get3A_224, %dot_general3A_225 {dimension_numbers = #tpu.dot_dimension_numbers<[1], [0], [0], [1], [0, 0, 1, 1], [], []>, transpose_lhs_hint = false} : vector<200x32xf32>, vector<32x32xf32>, vector<200x32xf32> -> vector<200x32xf32>
    %add3A_227 = arith.addf %broadcast_in_dim3A_217, %dot_general3A_226 : vector<200x32xf32>
    %slice3A_228 = vector.extract_strided_slice %reshape3A_215 {offsets = [0, 1, 0], sizes = [200, 1, 32], strides = [1, 1, 1]} : vector<200x16x32xf32> to vector<200x1x32xf32>
    %squeeze3A_229 = vector.shape_cast %slice3A_228 : vector<200x1x32xf32> to vector<200x32xf32>
    %get3A_230 = arith.constant 1 : index
    %get3A_231 = arith.constant 0 : index
    %get3A_232 = arith.constant 0 : index
    %get3A_233 = vector.load %arg11[%get3A_230, %get3A_231, %get3A_232] : memref<15x32x32xf32, #tpu.memory_space<vmem>>, vector<1x32x32xf32>
    %get3A_234 = vector.shape_cast %get3A_233 : vector<1x32x32xf32> to vector<32x32xf32>
    %dot_general3A_235 = arith.constant dense<0.000000e+00> : vector<200x32xf32>
    %dot_general3A_236 = tpu.matmul %squeeze3A_229, %get3A_234, %dot_general3A_235 {dimension_numbers = #tpu.dot_dimension_numbers<[1], [0], [0], [1], [0, 0, 1, 1], [], []>, transpose_lhs_hint = false} : vector<200x32xf32>, vector<32x32xf32>, vector<200x32xf32> -> vector<200x32xf32>
    %add3A_237 = arith.addf %add3A_227, %dot_general3A_236 : vector<200x32xf32>
    %slice3A_238 = vector.extract_strided_slice %reshape3A_215 {offsets = [0, 2, 0], sizes = [200, 1, 32], strides = [1, 1, 1]} : vector<200x16x32xf32> to vector<200x1x32xf32>
    %squeeze3A_239 = vector.shape_cast %slice3A_238 : vector<200x1x32xf32> to vector<200x32xf32>
    %get3A_240 = arith.constant 2 : index
    %get3A_241 = arith.constant 0 : index
    %get3A_242 = arith.constant 0 : index
    %get3A_243 = vector.load %arg11[%get3A_240, %get3A_241, %get3A_242] : memref<15x32x32xf32, #tpu.memory_space<vmem>>, vector<1x32x32xf32>
    %get3A_244 = vector.shape_cast %get3A_243 : vector<1x32x32xf32> to vector<32x32xf32>
    %dot_general3A_245 = arith.constant dense<0.000000e+00> : vector<200x32xf32>
    %dot_general3A_246 = tpu.matmul %squeeze3A_239, %get3A_244, %dot_general3A_245 {dimension_numbers = #tpu.dot_dimension_numbers<[1], [0], [0], [1], [0, 0, 1, 1], [], []>, transpose_lhs_hint = false} : vector<200x32xf32>, vector<32x32xf32>, vector<200x32xf32> -> vector<200x32xf32>
    %add3A_247 = arith.addf %add3A_237, %dot_general3A_246 : vector<200x32xf32>
    %slice3A_248 = vector.extract_strided_slice %reshape3A_215 {offsets = [0, 3, 0], sizes = [200, 1, 32], strides = [1, 1, 1]} : vector<200x16x32xf32> to vector<200x1x32xf32>
    %squeeze3A_249 = vector.shape_cast %slice3A_248 : vector<200x1x32xf32> to vector<200x32xf32>
    %get3A_250 = arith.constant 3 : index
    %get3A_251 = arith.constant 0 : index
    %get3A_252 = arith.constant 0 : index
    %get3A_253 = vector.load %arg11[%get3A_250, %get3A_251, %get3A_252] : memref<15x32x32xf32, #tpu.memory_space<vmem>>, vector<1x32x32xf32>
    %get3A_254 = vector.shape_cast %get3A_253 : vector<1x32x32xf32> to vector<32x32xf32>
    %dot_general3A_255 = arith.constant dense<0.000000e+00> : vector<200x32xf32>
    %dot_general3A_256 = tpu.matmul %squeeze3A_249, %get3A_254, %dot_general3A_255 {dimension_numbers = #tpu.dot_dimension_numbers<[1], [0], [0], [1], [0, 0, 1, 1], [], []>, transpose_lhs_hint = false} : vector<200x32xf32>, vector<32x32xf32>, vector<200x32xf32> -> vector<200x32xf32>
    %add3A_257 = arith.addf %add3A_247, %dot_general3A_256 : vector<200x32xf32>
    %slice3A_258 = vector.extract_strided_slice %reshape3A_215 {offsets = [0, 4, 0], sizes = [200, 1, 32], strides = [1, 1, 1]} : vector<200x16x32xf32> to vector<200x1x32xf32>
    %squeeze3A_259 = vector.shape_cast %slice3A_258 : vector<200x1x32xf32> to vector<200x32xf32>
    %get3A_260 = arith.constant 4 : index
    %get3A_261 = arith.constant 0 : index
    %get3A_262 = arith.constant 0 : index
    %get3A_263 = vector.load %arg11[%get3A_260, %get3A_261, %get3A_262] : memref<15x32x32xf32, #tpu.memory_space<vmem>>, vector<1x32x32xf32>
    %get3A_264 = vector.shape_cast %get3A_263 : vector<1x32x32xf32> to vector<32x32xf32>
    %dot_general3A_265 = arith.constant dense<0.000000e+00> : vector<200x32xf32>
    %dot_general3A_266 = tpu.matmul %squeeze3A_259, %get3A_264, %dot_general3A_265 {dimension_numbers = #tpu.dot_dimension_numbers<[1], [0], [0], [1], [0, 0, 1, 1], [], []>, transpose_lhs_hint = false} : vector<200x32xf32>, vector<32x32xf32>, vector<200x32xf32> -> vector<200x32xf32>
    %add3A_267 = arith.addf %add3A_257, %dot_general3A_266 : vector<200x32xf32>
    %slice3A_268 = vector.extract_strided_slice %reshape3A_215 {offsets = [0, 5, 0], sizes = [200, 1, 32], strides = [1, 1, 1]} : vector<200x16x32xf32> to vector<200x1x32xf32>
    %squeeze3A_269 = vector.shape_cast %slice3A_268 : vector<200x1x32xf32> to vector<200x32xf32>
    %get3A_270 = arith.constant 5 : index
    %get3A_271 = arith.constant 0 : index
    %get3A_272 = arith.constant 0 : index
    %get3A_273 = vector.load %arg11[%get3A_270, %get3A_271, %get3A_272] : memref<15x32x32xf32, #tpu.memory_space<vmem>>, vector<1x32x32xf32>
    %get3A_274 = vector.shape_cast %get3A_273 : vector<1x32x32xf32> to vector<32x32xf32>
    %dot_general3A_275 = arith.constant dense<0.000000e+00> : vector<200x32xf32>
    %dot_general3A_276 = tpu.matmul %squeeze3A_269, %get3A_274, %dot_general3A_275 {dimension_numbers = #tpu.dot_dimension_numbers<[1], [0], [0], [1], [0, 0, 1, 1], [], []>, transpose_lhs_hint = false} : vector<200x32xf32>, vector<32x32xf32>, vector<200x32xf32> -> vector<200x32xf32>
    %add3A_277 = arith.addf %add3A_267, %dot_general3A_276 : vector<200x32xf32>
    %slice3A_278 = vector.extract_strided_slice %reshape3A_215 {offsets = [0, 6, 0], sizes = [200, 1, 32], strides = [1, 1, 1]} : vector<200x16x32xf32> to vector<200x1x32xf32>
    %squeeze3A_279 = vector.shape_cast %slice3A_278 : vector<200x1x32xf32> to vector<200x32xf32>
    %get3A_280 = arith.constant 6 : index
    %get3A_281 = arith.constant 0 : index
    %get3A_282 = arith.constant 0 : index
    %get3A_283 = vector.load %arg11[%get3A_280, %get3A_281, %get3A_282] : memref<15x32x32xf32, #tpu.memory_space<vmem>>, vector<1x32x32xf32>
    %get3A_284 = vector.shape_cast %get3A_283 : vector<1x32x32xf32> to vector<32x32xf32>
    %dot_general3A_285 = arith.constant dense<0.000000e+00> : vector<200x32xf32>
    %dot_general3A_286 = tpu.matmul %squeeze3A_279, %get3A_284, %dot_general3A_285 {dimension_numbers = #tpu.dot_dimension_numbers<[1], [0], [0], [1], [0, 0, 1, 1], [], []>, transpose_lhs_hint = false} : vector<200x32xf32>, vector<32x32xf32>, vector<200x32xf32> -> vector<200x32xf32>
    %add3A_287 = arith.addf %add3A_277, %dot_general3A_286 : vector<200x32xf32>
    %slice3A_288 = vector.extract_strided_slice %reshape3A_215 {offsets = [0, 7, 0], sizes = [200, 1, 32], strides = [1, 1, 1]} : vector<200x16x32xf32> to vector<200x1x32xf32>
    %squeeze3A_289 = vector.shape_cast %slice3A_288 : vector<200x1x32xf32> to vector<200x32xf32>
    %get3A_290 = arith.constant 7 : index
    %get3A_291 = arith.constant 0 : index
    %get3A_292 = arith.constant 0 : index
    %get3A_293 = vector.load %arg11[%get3A_290, %get3A_291, %get3A_292] : memref<15x32x32xf32, #tpu.memory_space<vmem>>, vector<1x32x32xf32>
    %get3A_294 = vector.shape_cast %get3A_293 : vector<1x32x32xf32> to vector<32x32xf32>
    %dot_general3A_295 = arith.constant dense<0.000000e+00> : vector<200x32xf32>
    %dot_general3A_296 = tpu.matmul %squeeze3A_289, %get3A_294, %dot_general3A_295 {dimension_numbers = #tpu.dot_dimension_numbers<[1], [0], [0], [1], [0, 0, 1, 1], [], []>, transpose_lhs_hint = false} : vector<200x32xf32>, vector<32x32xf32>, vector<200x32xf32> -> vector<200x32xf32>
    %add3A_297 = arith.addf %add3A_287, %dot_general3A_296 : vector<200x32xf32>
    %slice3A_298 = vector.extract_strided_slice %reshape3A_215 {offsets = [0, 8, 0], sizes = [200, 1, 32], strides = [1, 1, 1]} : vector<200x16x32xf32> to vector<200x1x32xf32>
    %squeeze3A_299 = vector.shape_cast %slice3A_298 : vector<200x1x32xf32> to vector<200x32xf32>
    %get3A_300 = arith.constant 8 : index
    %get3A_301 = arith.constant 0 : index
    %get3A_302 = arith.constant 0 : index
    %get3A_303 = vector.load %arg11[%get3A_300, %get3A_301, %get3A_302] : memref<15x32x32xf32, #tpu.memory_space<vmem>>, vector<1x32x32xf32>
    %get3A_304 = vector.shape_cast %get3A_303 : vector<1x32x32xf32> to vector<32x32xf32>
    %dot_general3A_305 = arith.constant dense<0.000000e+00> : vector<200x32xf32>
    %dot_general3A_306 = tpu.matmul %squeeze3A_299, %get3A_304, %dot_general3A_305 {dimension_numbers = #tpu.dot_dimension_numbers<[1], [0], [0], [1], [0, 0, 1, 1], [], []>, transpose_lhs_hint = false} : vector<200x32xf32>, vector<32x32xf32>, vector<200x32xf32> -> vector<200x32xf32>
    %add3A_307 = arith.addf %add3A_297, %dot_general3A_306 : vector<200x32xf32>
    %slice3A_308 = vector.extract_strided_slice %reshape3A_215 {offsets = [0, 9, 0], sizes = [200, 1, 32], strides = [1, 1, 1]} : vector<200x16x32xf32> to vector<200x1x32xf32>
    %squeeze3A_309 = vector.shape_cast %slice3A_308 : vector<200x1x32xf32> to vector<200x32xf32>
    %get3A_310 = arith.constant 9 : index
    %get3A_311 = arith.constant 0 : index
    %get3A_312 = arith.constant 0 : index
    %get3A_313 = vector.load %arg11[%get3A_310, %get3A_311, %get3A_312] : memref<15x32x32xf32, #tpu.memory_space<vmem>>, vector<1x32x32xf32>
    %get3A_314 = vector.shape_cast %get3A_313 : vector<1x32x32xf32> to vector<32x32xf32>
    %dot_general3A_315 = arith.constant dense<0.000000e+00> : vector<200x32xf32>
    %dot_general3A_316 = tpu.matmul %squeeze3A_309, %get3A_314, %dot_general3A_315 {dimension_numbers = #tpu.dot_dimension_numbers<[1], [0], [0], [1], [0, 0, 1, 1], [], []>, transpose_lhs_hint = false} : vector<200x32xf32>, vector<32x32xf32>, vector<200x32xf32> -> vector<200x32xf32>
    %add3A_317 = arith.addf %add3A_307, %dot_general3A_316 : vector<200x32xf32>
    %slice3A_318 = vector.extract_strided_slice %reshape3A_215 {offsets = [0, 10, 0], sizes = [200, 1, 32], strides = [1, 1, 1]} : vector<200x16x32xf32> to vector<200x1x32xf32>
    %squeeze3A_319 = vector.shape_cast %slice3A_318 : vector<200x1x32xf32> to vector<200x32xf32>
    %get3A_320 = arith.constant 10 : index
    %get3A_321 = arith.constant 0 : index
    %get3A_322 = arith.constant 0 : index
    %get3A_323 = vector.load %arg11[%get3A_320, %get3A_321, %get3A_322] : memref<15x32x32xf32, #tpu.memory_space<vmem>>, vector<1x32x32xf32>
    %get3A_324 = vector.shape_cast %get3A_323 : vector<1x32x32xf32> to vector<32x32xf32>
    %dot_general3A_325 = arith.constant dense<0.000000e+00> : vector<200x32xf32>
    %dot_general3A_326 = tpu.matmul %squeeze3A_319, %get3A_324, %dot_general3A_325 {dimension_numbers = #tpu.dot_dimension_numbers<[1], [0], [0], [1], [0, 0, 1, 1], [], []>, transpose_lhs_hint = false} : vector<200x32xf32>, vector<32x32xf32>, vector<200x32xf32> -> vector<200x32xf32>
    %add3A_327 = arith.addf %add3A_317, %dot_general3A_326 : vector<200x32xf32>
    %slice3A_328 = vector.extract_strided_slice %reshape3A_215 {offsets = [0, 11, 0], sizes = [200, 1, 32], strides = [1, 1, 1]} : vector<200x16x32xf32> to vector<200x1x32xf32>
    %squeeze3A_329 = vector.shape_cast %slice3A_328 : vector<200x1x32xf32> to vector<200x32xf32>
    %get3A_330 = arith.constant 11 : index
    %get3A_331 = arith.constant 0 : index
    %get3A_332 = arith.constant 0 : index
    %get3A_333 = vector.load %arg11[%get3A_330, %get3A_331, %get3A_332] : memref<15x32x32xf32, #tpu.memory_space<vmem>>, vector<1x32x32xf32>
    %get3A_334 = vector.shape_cast %get3A_333 : vector<1x32x32xf32> to vector<32x32xf32>
    %dot_general3A_335 = arith.constant dense<0.000000e+00> : vector<200x32xf32>
    %dot_general3A_336 = tpu.matmul %squeeze3A_329, %get3A_334, %dot_general3A_335 {dimension_numbers = #tpu.dot_dimension_numbers<[1], [0], [0], [1], [0, 0, 1, 1], [], []>, transpose_lhs_hint = false} : vector<200x32xf32>, vector<32x32xf32>, vector<200x32xf32> -> vector<200x32xf32>
    %add3A_337 = arith.addf %add3A_327, %dot_general3A_336 : vector<200x32xf32>
    %slice3A_338 = vector.extract_strided_slice %reshape3A_215 {offsets = [0, 12, 0], sizes = [200, 1, 32], strides = [1, 1, 1]} : vector<200x16x32xf32> to vector<200x1x32xf32>
    %squeeze3A_339 = vector.shape_cast %slice3A_338 : vector<200x1x32xf32> to vector<200x32xf32>
    %get3A_340 = arith.constant 12 : index
    %get3A_341 = arith.constant 0 : index
    %get3A_342 = arith.constant 0 : index
    %get3A_343 = vector.load %arg11[%get3A_340, %get3A_341, %get3A_342] : memref<15x32x32xf32, #tpu.memory_space<vmem>>, vector<1x32x32xf32>
    %get3A_344 = vector.shape_cast %get3A_343 : vector<1x32x32xf32> to vector<32x32xf32>
    %dot_general3A_345 = arith.constant dense<0.000000e+00> : vector<200x32xf32>
    %dot_general3A_346 = tpu.matmul %squeeze3A_339, %get3A_344, %dot_general3A_345 {dimension_numbers = #tpu.dot_dimension_numbers<[1], [0], [0], [1], [0, 0, 1, 1], [], []>, transpose_lhs_hint = false} : vector<200x32xf32>, vector<32x32xf32>, vector<200x32xf32> -> vector<200x32xf32>
    %add3A_347 = arith.addf %add3A_337, %dot_general3A_346 : vector<200x32xf32>
    %slice3A_348 = vector.extract_strided_slice %reshape3A_215 {offsets = [0, 13, 0], sizes = [200, 1, 32], strides = [1, 1, 1]} : vector<200x16x32xf32> to vector<200x1x32xf32>
    %squeeze3A_349 = vector.shape_cast %slice3A_348 : vector<200x1x32xf32> to vector<200x32xf32>
    %get3A_350 = arith.constant 13 : index
    %get3A_351 = arith.constant 0 : index
    %get3A_352 = arith.constant 0 : index
    %get3A_353 = vector.load %arg11[%get3A_350, %get3A_351, %get3A_352] : memref<15x32x32xf32, #tpu.memory_space<vmem>>, vector<1x32x32xf32>
    %get3A_354 = vector.shape_cast %get3A_353 : vector<1x32x32xf32> to vector<32x32xf32>
    %dot_general3A_355 = arith.constant dense<0.000000e+00> : vector<200x32xf32>
    %dot_general3A_356 = tpu.matmul %squeeze3A_349, %get3A_354, %dot_general3A_355 {dimension_numbers = #tpu.dot_dimension_numbers<[1], [0], [0], [1], [0, 0, 1, 1], [], []>, transpose_lhs_hint = false} : vector<200x32xf32>, vector<32x32xf32>, vector<200x32xf32> -> vector<200x32xf32>
    %add3A_357 = arith.addf %add3A_347, %dot_general3A_356 : vector<200x32xf32>
    %slice3A_358 = vector.extract_strided_slice %reshape3A_215 {offsets = [0, 14, 0], sizes = [200, 1, 32], strides = [1, 1, 1]} : vector<200x16x32xf32> to vector<200x1x32xf32>
    %squeeze3A_359 = vector.shape_cast %slice3A_358 : vector<200x1x32xf32> to vector<200x32xf32>
    %get3A_360 = arith.constant 14 : index
    %get3A_361 = arith.constant 0 : index
    %get3A_362 = arith.constant 0 : index
    %get3A_363 = vector.load %arg11[%get3A_360, %get3A_361, %get3A_362] : memref<15x32x32xf32, #tpu.memory_space<vmem>>, vector<1x32x32xf32>
    %get3A_364 = vector.shape_cast %get3A_363 : vector<1x32x32xf32> to vector<32x32xf32>
    %dot_general3A_365 = arith.constant dense<0.000000e+00> : vector<200x32xf32>
    %dot_general3A_366 = tpu.matmul %squeeze3A_359, %get3A_364, %dot_general3A_365 {dimension_numbers = #tpu.dot_dimension_numbers<[1], [0], [0], [1], [0, 0, 1, 1], [], []>, transpose_lhs_hint = false} : vector<200x32xf32>, vector<32x32xf32>, vector<200x32xf32> -> vector<200x32xf32>
    %add3A_367 = arith.addf %add3A_357, %dot_general3A_366 : vector<200x32xf32>
    %ge3A = arith.constant 0.000000e+00 : f32
    %ge3A_368 = vector.broadcast %ge3A : f32 to vector<200x32xf32>
    %ge3A_369 = arith.cmpf oge, %add3A_367, %ge3A_368 : vector<200x32xf32>
    %mul3A_370 = arith.constant 1.000000e-01 : f32
    %mul3A_371 = vector.broadcast %mul3A_370 : f32 to vector<200x32xf32>
    %mul3A_372 = arith.mulf %mul3A_371, %add3A_367 : vector<200x32xf32>
    %select_n3A = arith.select %ge3A_369, %add3A_367, %mul3A_372 : vector<200x32xi1>, vector<200x32xf32>
    %get3A_373 = arith.constant 0 : index
    %get3A_374 = arith.constant 0 : index
    %get3A_375 = vector.load %arg12[%get3A_373, %get3A_374] : memref<32x128xf32, #tpu.memory_space<vmem>>, vector<32x128xf32>
    %dot_general3A_376 = arith.constant dense<0.000000e+00> : vector<200x128xf32>
    %dot_general3A_377 = tpu.matmul %select_n3A, %get3A_375, %dot_general3A_376 {dimension_numbers = #tpu.dot_dimension_numbers<[1], [0], [0], [1], [0, 0, 1, 1], [], []>, transpose_lhs_hint = false} : vector<200x32xf32>, vector<32x128xf32>, vector<200x128xf32> -> vector<200x128xf32>
    %get3A_378 = arith.constant 0 : index
    %get3A_379 = arith.constant 0 : index
    %get3A_380 = vector.load %arg10[%get3A_378, %get3A_379] : memref<200x64xf32, #tpu.memory_space<vmem>>, vector<200x64xf32>
    %get3A_381 = arith.constant 0 : index
    %get3A_382 = arith.constant 0 : index
    %get3A_383 = vector.load %arg13[%get3A_381, %get3A_382] : memref<64x128xf32, #tpu.memory_space<vmem>>, vector<64x128xf32>
    %dot_general3A_384 = arith.constant dense<0.000000e+00> : vector<200x128xf32>
    %dot_general3A_385 = tpu.matmul %get3A_380, %get3A_383, %dot_general3A_384 {dimension_numbers = #tpu.dot_dimension_numbers<[1], [0], [0], [1], [0, 0, 1, 1], [], []>, transpose_lhs_hint = false} : vector<200x64xf32>, vector<64x128xf32>, vector<200x128xf32> -> vector<200x128xf32>
    %add3A_386 = arith.addf %dot_general3A_377, %dot_general3A_385 : vector<200x128xf32>
    %ge3A_387 = arith.constant 0.000000e+00 : f32
    %ge3A_388 = vector.broadcast %ge3A_387 : f32 to vector<200x128xf32>
    %ge3A_389 = arith.cmpf oge, %add3A_386, %ge3A_388 : vector<200x128xf32>
    %mul3A_390 = arith.constant 1.000000e-01 : f32
    %mul3A_391 = vector.broadcast %mul3A_390 : f32 to vector<200x128xf32>
    %mul3A_392 = arith.mulf %mul3A_391, %add3A_386 : vector<200x128xf32>
    %select_n3A_393 = arith.select %ge3A_389, %add3A_386, %mul3A_392 : vector<200x128xi1>, vector<200x128xf32>
    %reduce_sum3A = arith.constant dense<0.000000e+00> : vector<128xf32>
    %reduce_sum3A_394 = vector.multi_reduction <add>, %select_n3A_393, %reduce_sum3A [0] : vector<200x128xf32> to vector<128xf32>
    %broadcast_in_dim3A_395 = vector.shape_cast %reduce_sum3A_394 : vector<128xf32> to vector<1x128xf32>
    %eq3A = arith.constant 0 : i32
    %eq3A_396 = arith.cmpi eq, %arg0, %eq3A : i32
    %convert_element_type3A = arith.extui %eq3A_396 : i1 to i32
    %cond3A = arith.constant 0 : i32
    %cond3A_397 = arith.cmpi ne, %convert_element_type3A, %cond3A : i32
    scf.if %cond3A_397 {
      %get3A_407 = arith.constant 0 : index
      %get3A_408 = arith.constant 0 : index
      %get3A_409 = vector.load %arg14[%get3A_407, %get3A_408] : memref<1x128xf32, #tpu.memory_space<vmem>>, vector<1x128xf32>
      %add3A_410 = arith.addf %get3A_409, %broadcast_in_dim3A_395 : vector<1x128xf32>
      %swap3A = arith.constant 0 : index
      %swap3A_411 = arith.constant 0 : index
      %swap3A_412 = vector.load %arg23[%swap3A, %swap3A_411] : memref<1x128xf32, #tpu.memory_space<vmem>>, vector<1x128xf32>
      tpu.vector_store %arg23[%swap3A, %swap3A_411], %add3A_410 {strides = array<i32>} : memref<1x128xf32, #tpu.memory_space<vmem>>, vector<1x128xf32>,
    } else {
    }
    %gt3A = arith.constant 0 : i32
    %gt3A_398 = arith.cmpi sgt, %arg0, %gt3A : i32
    %convert_element_type3A_399 = arith.extui %gt3A_398 : i1 to i32
    %cond3A_400 = arith.constant 0 : i32
    %cond3A_401 = arith.cmpi ne, %convert_element_type3A_399, %cond3A_400 : i32
    scf.if %cond3A_401 {
      %get3A_407 = arith.constant 0 : index
      %get3A_408 = arith.constant 0 : index
      %get3A_409 = vector.load %arg23[%get3A_407, %get3A_408] : memref<1x128xf32, #tpu.memory_space<vmem>>, vector<1x128xf32>
      %add3A_410 = arith.addf %get3A_409, %broadcast_in_dim3A_395 : vector<1x128xf32>
      %swap3A = arith.constant 0 : index
      %swap3A_411 = arith.constant 0 : index
      %swap3A_412 = vector.load %arg23[%swap3A, %swap3A_411] : memref<1x128xf32, #tpu.memory_space<vmem>>, vector<1x128xf32>
      tpu.vector_store %arg23[%swap3A, %swap3A_411], %add3A_410 {strides = array<i32>} : memref<1x128xf32, #tpu.memory_space<vmem>>, vector<1x128xf32>,
    } else {
    }
    %eq3A_402 = arith.constant 24 : i32
    %eq3A_403 = arith.cmpi eq, %arg0, %eq3A_402 : i32
    %convert_element_type3A_404 = arith.extui %eq3A_403 : i1 to i32
    %cond3A_405 = arith.constant 0 : i32
    %cond3A_406 = arith.cmpi ne, %convert_element_type3A_404, %cond3A_405 : i32
    scf.if %cond3A_406 {
      %get3A_407 = arith.constant 0 : index
      %get3A_408 = arith.constant 0 : index
      %get3A_409 = vector.load %arg23[%get3A_407, %get3A_408] : memref<1x128xf32, #tpu.memory_space<vmem>>, vector<1x128xf32>
      %swap3A = arith.constant 0 : index
      %swap3A_410 = arith.constant 0 : index
      %swap3A_411 = vector.load %arg22[%swap3A, %swap3A_410] : memref<1x128xf32, #tpu.memory_space<vmem>>, vector<1x128xf32>
      tpu.vector_store %arg22[%swap3A, %swap3A_410], %get3A_409 {strides = array<i32>} : memref<1x128xf32, #tpu.memory_space<vmem>>, vector<1x128xf32>,
    } else {
    }
    return
  }
  func.func @transform_0(%arg0: i32) -> (i32, i32) {
    %c0_i32 = arith.constant 0 : i32
    %c0_i32_0 = arith.constant 0 : i32
    return %arg0, %c0_i32 : i32, i32
  }
  func.func @transform_1(%arg0: i32) -> (i32, i32) {
    %c0_i32 = arith.constant 0 : i32
    %c0_i32_0 = arith.constant 0 : i32
    return %arg0, %c0_i32 : i32, i32
  }
  func.func @transform_2(%arg0: i32) -> (i32, i32) {
    %c0_i32 = arith.constant 0 : i32
    %c0_i32_0 = arith.constant 0 : i32
    return %arg0, %c0_i32 : i32, i32
  }
  func.func @transform_3(%arg0: i32) -> (i32, i32) {
    %c0_i32 = arith.constant 0 : i32
    %c0_i32_0 = arith.constant 0 : i32
    return %arg0, %c0_i32 : i32, i32
  }
  func.func @transform_4(%arg0: i32) -> (i32, i32) {
    %c0_i32 = arith.constant 0 : i32
    %c0_i32_0 = arith.constant 0 : i32
    return %arg0, %c0_i32 : i32, i32
  }
  func.func @transform_5(%arg0: i32) -> (i32, i32) {
    %c0_i32 = arith.constant 0 : i32
    %c0_i32_0 = arith.constant 0 : i32
    return %arg0, %c0_i32 : i32, i32
  }
  func.func @transform_6(%arg0: i32) -> (i32, i32) {
    %c0_i32 = arith.constant 0 : i32
    %c0_i32_0 = arith.constant 0 : i32
    return %arg0, %c0_i32 : i32, i32
  }
  func.func @transform_7(%arg0: i32) -> (i32, i32, i32) {
    %c0_i32 = arith.constant 0 : i32
    %c0_i32_0 = arith.constant 0 : i32
    %c0_i32_1 = arith.constant 0 : i32
    %c0_i32_2 = arith.constant 0 : i32
    return %c0_i32, %c0_i32_0, %c0_i32_1 : i32, i32, i32
  }
  func.func @transform_8(%arg0: i32) -> (i32, i32) {
    %c0_i32 = arith.constant 0 : i32
    %c0_i32_0 = arith.constant 0 : i32
    %c0_i32_1 = arith.constant 0 : i32
    return %c0_i32, %c0_i32_0 : i32, i32
  }
  func.func @transform_9(%arg0: i32) -> (i32, i32) {
    %c0_i32 = arith.constant 0 : i32
    %c0_i32_0 = arith.constant 0 : i32
    return %arg0, %c0_i32 : i32, i32
  }
  func.func @transform_10(%arg0: i32) -> (i32, i32, i32) {
    %c0_i32 = arith.constant 0 : i32
    %c0_i32_0 = arith.constant 0 : i32
    %c0_i32_1 = arith.constant 0 : i32
    %c0_i32_2 = arith.constant 0 : i32
    return %c0_i32, %c0_i32_0, %c0_i32_1 : i32, i32, i32
  }
  func.func @transform_11(%arg0: i32) -> (i32, i32) {
    %c0_i32 = arith.constant 0 : i32
    %c0_i32_0 = arith.constant 0 : i32
    %c0_i32_1 = arith.constant 0 : i32
    return %c0_i32, %c0_i32_0 : i32, i32
  }
  func.func @transform_12(%arg0: i32) -> (i32, i32) {
    %c0_i32 = arith.constant 0 : i32
    %c0_i32_0 = arith.constant 0 : i32
    %c0_i32_1 = arith.constant 0 : i32
    return %c0_i32, %c0_i32_0 : i32, i32
  }
  func.func @transform_13(%arg0: i32) -> (i32, i32) {
    %c0_i32 = arith.constant 0 : i32
    %c0_i32_0 = arith.constant 0 : i32
    %c0_i32_1 = arith.constant 0 : i32
    return %c0_i32, %c0_i32_0 : i32, i32
  }
  func.func @transform_14(%arg0: i32) -> (i32, i32) {
    %c0_i32 = arith.constant 0 : i32
    %c0_i32_0 = arith.constant 0 : i32
    %c0_i32_1 = arith.constant 0 : i32
    return %c0_i32, %c0_i32_0 : i32, i32
  }
  func.func @transform_15(%arg0: i32) -> (i32, i32) {
    %c0_i32 = arith.constant 0 : i32
    %c0_i32_0 = arith.constant 0 : i32
    %c0_i32_1 = arith.constant 0 : i32
    return %c0_i32, %c0_i32_0 : i32, i32
  }
  func.func @transform_16(%arg0: i32) -> (i32, i32) {
    %c0_i32 = arith.constant 0 : i32
    %c0_i32_0 = arith.constant 0 : i32
    %c0_i32_1 = arith.constant 0 : i32
    return %c0_i32, %c0_i32_0 : i32, i32
  }
  func.func @transform_17(%arg0: i32) -> (i32, i32) {
    %c0_i32 = arith.constant 0 : i32
    %c0_i32_0 = arith.constant 0 : i32
    %c0_i32_1 = arith.constant 0 : i32
    return %c0_i32, %c0_i32_0 : i32, i32
  }
  func.func @transform_18(%arg0: i32) -> (i32, i32) {
    %c0_i32 = arith.constant 0 : i32
    %c0_i32_0 = arith.constant 0 : i32
    %c0_i32_1 = arith.constant 0 : i32
    return %c0_i32, %c0_i32_0 : i32, i32
  }
  func.func @transform_19(%arg0: i32) -> (i32, i32) {
    %c0_i32 = arith.constant 0 : i32
    %c0_i32_0 = arith.constant 0 : i32
    %c0_i32_1 = arith.constant 0 : i32
    return %c0_i32, %c0_i32_0 : i32, i32
  }
  func.func @transform_20(%arg0: i32) -> (i32, i32) {
    %c0_i32 = arith.constant 0 : i32
    %c0_i32_0 = arith.constant 0 : i32
    %c0_i32_1 = arith.constant 0 : i32
    return %c0_i32, %c0_i32_0 : i32, i32
  }
  func.func @transform_21(%arg0: i32) -> (i32, i32) {
    %c0_i32 = arith.constant 0 : i32
    %c0_i32_0 = arith.constant 0 : i32
    %c0_i32_1 = arith.constant 0 : i32
    return %c0_i32, %c0_i32_0 : i32, i32
  }
}

module attributes {stable_mosaic.version = 14 : i64} {
  func.func @_tc2_body(%arg0: i32, %arg1: memref<6400x32xf32, #tpu.memory_space<vmem>>, %arg2: memref<200x32xf32, #tpu.memory_space<vmem>>, %arg3: memref<200x32xf32, #tpu.memory_space<vmem>>, %arg4: memref<200x32xf32, #tpu.memory_space<vmem>>, %arg5: memref<200x1xf32, #tpu.memory_space<vmem>>, %arg6: memref<200x1xf32, #tpu.memory_space<vmem>>, %arg7: memref<200x1xf32, #tpu.memory_space<vmem>>, %arg8: memref<3x16x1xf32, #tpu.memory_space<vmem>>, %arg9: memref<128x256xf32, #tpu.memory_space<vmem>>, %arg10: memref<200x64xf32, #tpu.memory_space<vmem>>, %arg11: memref<15x32x32xf32, #tpu.memory_space<vmem>>, %arg12: memref<32x128xf32, #tpu.memory_space<vmem>>, %arg13: memref<64x128xf32, #tpu.memory_space<vmem>>, %arg14: memref<1x128xf32, #tpu.memory_space<vmem>>, %arg15: memref<1x16xf32, #tpu.memory_space<vmem>>, %arg16: memref<144x256xf32, #tpu.memory_space<vmem>>, %arg17: memref<1x256xf32, #tpu.memory_space<vmem>>, %arg18: memref<256x256xf32, #tpu.memory_space<vmem>>, %arg19: memref<1x256xf32, #tpu.memory_space<vmem>>, %arg20: memref<256x1xf32, #tpu.memory_space<vmem>>, %arg21: memref<1x1xf32, #tpu.memory_space<vmem>>, %arg22: memref<1x1xf32, #tpu.memory_space<vmem>>, %arg23: memref<1x128xf32, #tpu.memory_space<vmem>>) attributes {dimension_semantics = [#tpu.dimension_semantics<arbitrary>], iteration_bounds = array<i64: 25>, scalar_prefetch = 0 : i64, scratch_operands = 1 : i64, tpu.core_type = #tpu.core_type<tc>, window_params = [{transform_indices = @transform_0, window_bounds = array<i64: 6400, 32>}, {transform_indices = @transform_1, window_bounds = array<i64: 200, 32>}, {transform_indices = @transform_2, window_bounds = array<i64: 200, 32>}, {transform_indices = @transform_3, window_bounds = array<i64: 200, 32>}, {transform_indices = @transform_4, window_bounds = array<i64: 200, 1>}, {transform_indices = @transform_5, window_bounds = array<i64: 200, 1>}, {transform_indices = @transform_6, window_bounds = array<i64: 200, 1>}, {pipeline_mode = #tpu.pipeline_mode<synchronous>, transform_indices = @transform_7, window_bounds = array<i64: 3, 16, 1>}, {pipeline_mode = #tpu.pipeline_mode<synchronous>, transform_indices = @transform_8, window_bounds = array<i64: 128, 256>}, {transform_indices = @transform_9, window_bounds = array<i64: 200, 64>}, {pipeline_mode = #tpu.pipeline_mode<synchronous>, transform_indices = @transform_10, window_bounds = array<i64: 15, 32, 32>}, {pipeline_mode = #tpu.pipeline_mode<synchronous>, transform_indices = @transform_11, window_bounds = array<i64: 32, 128>}, {pipeline_mode = #tpu.pipeline_mode<synchronous>, transform_indices = @transform_12, window_bounds = array<i64: 64, 128>}, {pipeline_mode = #tpu.pipeline_mode<synchronous>, transform_indices = @transform_13, window_bounds = array<i64: 1, 128>}, {pipeline_mode = #tpu.pipeline_mode<synchronous>, transform_indices = @transform_14, window_bounds = array<i64: 1, 16>}, {pipeline_mode = #tpu.pipeline_mode<synchronous>, transform_indices = @transform_15, window_bounds = array<i64: 144, 256>}, {pipeline_mode = #tpu.pipeline_mode<synchronous>, transform_indices = @transform_16, window_bounds = array<i64: 1, 256>}, {pipeline_mode = #tpu.pipeline_mode<synchronous>, transform_indices = @transform_17, window_bounds = array<i64: 256, 256>}, {pipeline_mode = #tpu.pipeline_mode<synchronous>, transform_indices = @transform_18, window_bounds = array<i64: 1, 256>}, {pipeline_mode = #tpu.pipeline_mode<synchronous>, transform_indices = @transform_19, window_bounds = array<i64: 256, 1>}, {pipeline_mode = #tpu.pipeline_mode<synchronous>, transform_indices = @transform_20, window_bounds = array<i64: 1, 1>}, {pipeline_mode = #tpu.pipeline_mode<synchronous>, transform_indices = @transform_21, window_bounds = array<i64: 1, 1>}]} {
    %get3A = arith.constant 0 : index
    %get3A_0 = arith.constant 0 : index
    %get3A_1 = vector.load %arg2[%get3A, %get3A_0] : memref<200x32xf32, #tpu.memory_space<vmem>>, vector<200x32xf32>
    %get3A_2 = arith.constant 0 : index
    %get3A_3 = arith.constant 0 : index
    %get3A_4 = vector.load %arg3[%get3A_2, %get3A_3] : memref<200x32xf32, #tpu.memory_space<vmem>>, vector<200x32xf32>
    %get3A_5 = arith.constant 0 : index
    %get3A_6 = arith.constant 0 : index
    %get3A_7 = vector.load %arg4[%get3A_5, %get3A_6] : memref<200x32xf32, #tpu.memory_space<vmem>>, vector<200x32xf32>
    %get3A_8 = arith.constant 0 : index
    %get3A_9 = arith.constant 0 : index
    %get3A_10 = vector.load %arg5[%get3A_8, %get3A_9] : memref<200x1xf32, #tpu.memory_space<vmem>>, vector<200x1xf32>
    %get3A_11 = arith.constant 0 : index
    %get3A_12 = arith.constant 0 : index
    %get3A_13 = vector.load %arg6[%get3A_11, %get3A_12] : memref<200x1xf32, #tpu.memory_space<vmem>>, vector<200x1xf32>
    %get3A_14 = arith.constant 0 : index
    %get3A_15 = arith.constant 0 : index
    %get3A_16 = vector.load %arg7[%get3A_14, %get3A_15] : memref<200x1xf32, #tpu.memory_space<vmem>>, vector<200x1xf32>
    %get3A_17 = arith.constant 0 : index
    %get3A_18 = arith.constant 0 : index
    %get3A_19 = arith.constant 0 : index
    %get3A_20 = vector.load %arg8[%get3A_17, %get3A_18, %get3A_19] : memref<3x16x1xf32, #tpu.memory_space<vmem>>, vector<3x16x1xf32>
    %sub3A = vector.broadcast %get3A_10 : vector<200x1xf32> to vector<200x32xf32>
    %sub3A_21 = arith.subf %get3A_1, %sub3A : vector<200x32xf32>
    %broadcast_in_dim3A = vector.shape_cast %sub3A_21 : vector<200x32xf32> to vector<200x1x32xf32>
    %slice3A = vector.extract_strided_slice %get3A_20 {offsets = [0, 0, 0], sizes = [1, 16, 1], strides = [1, 1, 1]} : vector<3x16x1xf32> to vector<1x16x1xf32>
    %squeeze3A = vector.shape_cast %slice3A : vector<1x16x1xf32> to vector<16x1xf32>
    %broadcast_in_dim3A_22 = vector.shape_cast %squeeze3A : vector<16x1xf32> to vector<1x16x1xf32>
    %sub3A_23 = vector.broadcast %broadcast_in_dim3A : vector<200x1x32xf32> to vector<200x16x32xf32>
    %sub3A_24 = vector.broadcast %broadcast_in_dim3A_22 : vector<1x16x1xf32> to vector<200x16x32xf32>
    %sub3A_25 = arith.subf %sub3A_23, %sub3A_24 : vector<200x16x32xf32>
    %sub3A_26 = vector.broadcast %get3A_13 : vector<200x1xf32> to vector<200x32xf32>
    %sub3A_27 = arith.subf %get3A_4, %sub3A_26 : vector<200x32xf32>
    %broadcast_in_dim3A_28 = vector.shape_cast %sub3A_27 : vector<200x32xf32> to vector<200x1x32xf32>
    %slice3A_29 = vector.extract_strided_slice %get3A_20 {offsets = [1, 0, 0], sizes = [1, 16, 1], strides = [1, 1, 1]} : vector<3x16x1xf32> to vector<1x16x1xf32>
    %squeeze3A_30 = vector.shape_cast %slice3A_29 : vector<1x16x1xf32> to vector<16x1xf32>
    %broadcast_in_dim3A_31 = vector.shape_cast %squeeze3A_30 : vector<16x1xf32> to vector<1x16x1xf32>
    %sub3A_32 = vector.broadcast %broadcast_in_dim3A_28 : vector<200x1x32xf32> to vector<200x16x32xf32>
    %sub3A_33 = vector.broadcast %broadcast_in_dim3A_31 : vector<1x16x1xf32> to vector<200x16x32xf32>
    %sub3A_34 = arith.subf %sub3A_32, %sub3A_33 : vector<200x16x32xf32>
    %sub3A_35 = vector.broadcast %get3A_16 : vector<200x1xf32> to vector<200x32xf32>
    %sub3A_36 = arith.subf %get3A_7, %sub3A_35 : vector<200x32xf32>
    %broadcast_in_dim3A_37 = vector.shape_cast %sub3A_36 : vector<200x32xf32> to vector<200x1x32xf32>
    %slice3A_38 = vector.extract_strided_slice %get3A_20 {offsets = [2, 0, 0], sizes = [1, 16, 1], strides = [1, 1, 1]} : vector<3x16x1xf32> to vector<1x16x1xf32>
    %squeeze3A_39 = vector.shape_cast %slice3A_38 : vector<1x16x1xf32> to vector<16x1xf32>
    %broadcast_in_dim3A_40 = vector.shape_cast %squeeze3A_39 : vector<16x1xf32> to vector<1x16x1xf32>
    %sub3A_41 = vector.broadcast %broadcast_in_dim3A_37 : vector<200x1x32xf32> to vector<200x16x32xf32>
    %sub3A_42 = vector.broadcast %broadcast_in_dim3A_40 : vector<1x16x1xf32> to vector<200x16x32xf32>
    %sub3A_43 = arith.subf %sub3A_41, %sub3A_42 : vector<200x16x32xf32>
    %mul3A = arith.mulf %sub3A_25, %sub3A_25 : vector<200x16x32xf32>
    %mul3A_44 = arith.mulf %sub3A_34, %sub3A_34 : vector<200x16x32xf32>
    %add3A = arith.addf %mul3A, %mul3A_44 : vector<200x16x32xf32>
    %mul3A_45 = arith.mulf %sub3A_43, %sub3A_43 : vector<200x16x32xf32>
    %add3A_46 = arith.addf %add3A, %mul3A_45 : vector<200x16x32xf32>
    %add3A_47 = arith.constant 9.99999996E-13 : f32
    %add3A_48 = vector.broadcast %add3A_47 : f32 to vector<200x16x32xf32>
    %add3A_49 = arith.addf %add3A_46, %add3A_48 : vector<200x16x32xf32>
    %sqrt3A = math.sqrt %add3A_49 : vector<200x16x32xf32>
    %sub3A_50 = arith.constant 1.000000e+00 : f32
    %sub3A_51 = vector.broadcast %sub3A_50 : f32 to vector<200x16x32xf32>
    %sub3A_52 = arith.subf %sub3A_51, %sqrt3A : vector<200x16x32xf32>
    %max3A = arith.constant 0.000000e+00 : f32
    %max3A_53 = vector.broadcast %max3A : f32 to vector<200x16x32xf32>
    %max3A_54 = arith.maximumf %max3A_53, %sub3A_52 : vector<200x16x32xf32>
    %get3A_55 = arith.constant 0 : index
    %get3A_56 = arith.constant 0 : index
    %get3A_57 = vector.load %arg1[%get3A_55, %get3A_56] : memref<6400x32xf32, #tpu.memory_space<vmem>>, vector<6400x32xf32>
    %get3A_58 = arith.constant 0 : index
    %get3A_59 = arith.constant 0 : index
    %get3A_60 = vector.load %arg9[%get3A_58, %get3A_59] : memref<128x256xf32, #tpu.memory_space<vmem>>, vector<128x256xf32>
    %reshape3A = vector.shape_cast %max3A_54 : vector<200x16x32xf32> to vector<25x128x32xf32>
    %concatenate3A = tpu.concatenate %reshape3A, %reshape3A, %reshape3A, %reshape3A, %reshape3A, %reshape3A, %reshape3A, %reshape3A in 2 : vector<25x128x32xf32>, vector<25x128x32xf32>, vector<25x128x32xf32>, vector<25x128x32xf32>, vector<25x128x32xf32>, vector<25x128x32xf32>, vector<25x128x32xf32>, vector<25x128x32xf32> -> vector<25x128x256xf32>
    %broadcast_in_dim3A_61 = vector.shape_cast %get3A_60 : vector<128x256xf32> to vector<1x128x256xf32>
    %mul3A_62 = vector.broadcast %broadcast_in_dim3A_61 : vector<1x128x256xf32> to vector<25x128x256xf32>
    %mul3A_63 = arith.mulf %concatenate3A, %mul3A_62 : vector<25x128x256xf32>
    %reshape3A_64 = vector.shape_cast %get3A_57 : vector<6400x32xf32> to vector<25x256x32xf32>
    %slice3A_65 = vector.extract_strided_slice %mul3A_63 {offsets = [0, 0, 0], sizes = [1, 128, 256], strides = [1, 1, 1]} : vector<25x128x256xf32> to vector<1x128x256xf32>
    %squeeze3A_66 = vector.shape_cast %slice3A_65 : vector<1x128x256xf32> to vector<128x256xf32>
    %slice3A_67 = vector.extract_strided_slice %reshape3A_64 {offsets = [0, 0, 0], sizes = [1, 256, 32], strides = [1, 1, 1]} : vector<25x256x32xf32> to vector<1x256x32xf32>
    %squeeze3A_68 = vector.shape_cast %slice3A_67 : vector<1x256x32xf32> to vector<256x32xf32>
    %dot_general3A = arith.constant dense<0.000000e+00> : vector<128x32xf32>
    %dot_general3A_69 = tpu.matmul %squeeze3A_66, %squeeze3A_68, %dot_general3A {dimension_numbers = #tpu.dot_dimension_numbers<[1], [0], [0], [1], [0, 0, 1, 1], [], []>, transpose_lhs_hint = false} : vector<128x256xf32>, vector<256x32xf32>, vector<128x32xf32> -> vector<128x32xf32>
    %slice3A_70 = vector.extract_strided_slice %mul3A_63 {offsets = [1, 0, 0], sizes = [1, 128, 256], strides = [1, 1, 1]} : vector<25x128x256xf32> to vector<1x128x256xf32>
    %squeeze3A_71 = vector.shape_cast %slice3A_70 : vector<1x128x256xf32> to vector<128x256xf32>
    %slice3A_72 = vector.extract_strided_slice %reshape3A_64 {offsets = [1, 0, 0], sizes = [1, 256, 32], strides = [1, 1, 1]} : vector<25x256x32xf32> to vector<1x256x32xf32>
    %squeeze3A_73 = vector.shape_cast %slice3A_72 : vector<1x256x32xf32> to vector<256x32xf32>
    %dot_general3A_74 = arith.constant dense<0.000000e+00> : vector<128x32xf32>
    %dot_general3A_75 = tpu.matmul %squeeze3A_71, %squeeze3A_73, %dot_general3A_74 {dimension_numbers = #tpu.dot_dimension_numbers<[1], [0], [0], [1], [0, 0, 1, 1], [], []>, transpose_lhs_hint = false} : vector<128x256xf32>, vector<256x32xf32>, vector<128x32xf32> -> vector<128x32xf32>
    %slice3A_76 = vector.extract_strided_slice %mul3A_63 {offsets = [2, 0, 0], sizes = [1, 128, 256], strides = [1, 1, 1]} : vector<25x128x256xf32> to vector<1x128x256xf32>
    %squeeze3A_77 = vector.shape_cast %slice3A_76 : vector<1x128x256xf32> to vector<128x256xf32>
    %slice3A_78 = vector.extract_strided_slice %reshape3A_64 {offsets = [2, 0, 0], sizes = [1, 256, 32], strides = [1, 1, 1]} : vector<25x256x32xf32> to vector<1x256x32xf32>
    %squeeze3A_79 = vector.shape_cast %slice3A_78 : vector<1x256x32xf32> to vector<256x32xf32>
    %dot_general3A_80 = arith.constant dense<0.000000e+00> : vector<128x32xf32>
    %dot_general3A_81 = tpu.matmul %squeeze3A_77, %squeeze3A_79, %dot_general3A_80 {dimension_numbers = #tpu.dot_dimension_numbers<[1], [0], [0], [1], [0, 0, 1, 1], [], []>, transpose_lhs_hint = false} : vector<128x256xf32>, vector<256x32xf32>, vector<128x32xf32> -> vector<128x32xf32>
    %slice3A_82 = vector.extract_strided_slice %mul3A_63 {offsets = [3, 0, 0], sizes = [1, 128, 256], strides = [1, 1, 1]} : vector<25x128x256xf32> to vector<1x128x256xf32>
    %squeeze3A_83 = vector.shape_cast %slice3A_82 : vector<1x128x256xf32> to vector<128x256xf32>
    %slice3A_84 = vector.extract_strided_slice %reshape3A_64 {offsets = [3, 0, 0], sizes = [1, 256, 32], strides = [1, 1, 1]} : vector<25x256x32xf32> to vector<1x256x32xf32>
    %squeeze3A_85 = vector.shape_cast %slice3A_84 : vector<1x256x32xf32> to vector<256x32xf32>
    %dot_general3A_86 = arith.constant dense<0.000000e+00> : vector<128x32xf32>
    %dot_general3A_87 = tpu.matmul %squeeze3A_83, %squeeze3A_85, %dot_general3A_86 {dimension_numbers = #tpu.dot_dimension_numbers<[1], [0], [0], [1], [0, 0, 1, 1], [], []>, transpose_lhs_hint = false} : vector<128x256xf32>, vector<256x32xf32>, vector<128x32xf32> -> vector<128x32xf32>
    %slice3A_88 = vector.extract_strided_slice %mul3A_63 {offsets = [4, 0, 0], sizes = [1, 128, 256], strides = [1, 1, 1]} : vector<25x128x256xf32> to vector<1x128x256xf32>
    %squeeze3A_89 = vector.shape_cast %slice3A_88 : vector<1x128x256xf32> to vector<128x256xf32>
    %slice3A_90 = vector.extract_strided_slice %reshape3A_64 {offsets = [4, 0, 0], sizes = [1, 256, 32], strides = [1, 1, 1]} : vector<25x256x32xf32> to vector<1x256x32xf32>
    %squeeze3A_91 = vector.shape_cast %slice3A_90 : vector<1x256x32xf32> to vector<256x32xf32>
    %dot_general3A_92 = arith.constant dense<0.000000e+00> : vector<128x32xf32>
    %dot_general3A_93 = tpu.matmul %squeeze3A_89, %squeeze3A_91, %dot_general3A_92 {dimension_numbers = #tpu.dot_dimension_numbers<[1], [0], [0], [1], [0, 0, 1, 1], [], []>, transpose_lhs_hint = false} : vector<128x256xf32>, vector<256x32xf32>, vector<128x32xf32> -> vector<128x32xf32>
    %slice3A_94 = vector.extract_strided_slice %mul3A_63 {offsets = [5, 0, 0], sizes = [1, 128, 256], strides = [1, 1, 1]} : vector<25x128x256xf32> to vector<1x128x256xf32>
    %squeeze3A_95 = vector.shape_cast %slice3A_94 : vector<1x128x256xf32> to vector<128x256xf32>
    %slice3A_96 = vector.extract_strided_slice %reshape3A_64 {offsets = [5, 0, 0], sizes = [1, 256, 32], strides = [1, 1, 1]} : vector<25x256x32xf32> to vector<1x256x32xf32>
    %squeeze3A_97 = vector.shape_cast %slice3A_96 : vector<1x256x32xf32> to vector<256x32xf32>
    %dot_general3A_98 = arith.constant dense<0.000000e+00> : vector<128x32xf32>
    %dot_general3A_99 = tpu.matmul %squeeze3A_95, %squeeze3A_97, %dot_general3A_98 {dimension_numbers = #tpu.dot_dimension_numbers<[1], [0], [0], [1], [0, 0, 1, 1], [], []>, transpose_lhs_hint = false} : vector<128x256xf32>, vector<256x32xf32>, vector<128x32xf32> -> vector<128x32xf32>
    %slice3A_100 = vector.extract_strided_slice %mul3A_63 {offsets = [6, 0, 0], sizes = [1, 128, 256], strides = [1, 1, 1]} : vector<25x128x256xf32> to vector<1x128x256xf32>
    %squeeze3A_101 = vector.shape_cast %slice3A_100 : vector<1x128x256xf32> to vector<128x256xf32>
    %slice3A_102 = vector.extract_strided_slice %reshape3A_64 {offsets = [6, 0, 0], sizes = [1, 256, 32], strides = [1, 1, 1]} : vector<25x256x32xf32> to vector<1x256x32xf32>
    %squeeze3A_103 = vector.shape_cast %slice3A_102 : vector<1x256x32xf32> to vector<256x32xf32>
    %dot_general3A_104 = arith.constant dense<0.000000e+00> : vector<128x32xf32>
    %dot_general3A_105 = tpu.matmul %squeeze3A_101, %squeeze3A_103, %dot_general3A_104 {dimension_numbers = #tpu.dot_dimension_numbers<[1], [0], [0], [1], [0, 0, 1, 1], [], []>, transpose_lhs_hint = false} : vector<128x256xf32>, vector<256x32xf32>, vector<128x32xf32> -> vector<128x32xf32>
    %slice3A_106 = vector.extract_strided_slice %mul3A_63 {offsets = [7, 0, 0], sizes = [1, 128, 256], strides = [1, 1, 1]} : vector<25x128x256xf32> to vector<1x128x256xf32>
    %squeeze3A_107 = vector.shape_cast %slice3A_106 : vector<1x128x256xf32> to vector<128x256xf32>
    %slice3A_108 = vector.extract_strided_slice %reshape3A_64 {offsets = [7, 0, 0], sizes = [1, 256, 32], strides = [1, 1, 1]} : vector<25x256x32xf32> to vector<1x256x32xf32>
    %squeeze3A_109 = vector.shape_cast %slice3A_108 : vector<1x256x32xf32> to vector<256x32xf32>
    %dot_general3A_110 = arith.constant dense<0.000000e+00> : vector<128x32xf32>
    %dot_general3A_111 = tpu.matmul %squeeze3A_107, %squeeze3A_109, %dot_general3A_110 {dimension_numbers = #tpu.dot_dimension_numbers<[1], [0], [0], [1], [0, 0, 1, 1], [], []>, transpose_lhs_hint = false} : vector<128x256xf32>, vector<256x32xf32>, vector<128x32xf32> -> vector<128x32xf32>
    %slice3A_112 = vector.extract_strided_slice %mul3A_63 {offsets = [8, 0, 0], sizes = [1, 128, 256], strides = [1, 1, 1]} : vector<25x128x256xf32> to vector<1x128x256xf32>
    %squeeze3A_113 = vector.shape_cast %slice3A_112 : vector<1x128x256xf32> to vector<128x256xf32>
    %slice3A_114 = vector.extract_strided_slice %reshape3A_64 {offsets = [8, 0, 0], sizes = [1, 256, 32], strides = [1, 1, 1]} : vector<25x256x32xf32> to vector<1x256x32xf32>
    %squeeze3A_115 = vector.shape_cast %slice3A_114 : vector<1x256x32xf32> to vector<256x32xf32>
    %dot_general3A_116 = arith.constant dense<0.000000e+00> : vector<128x32xf32>
    %dot_general3A_117 = tpu.matmul %squeeze3A_113, %squeeze3A_115, %dot_general3A_116 {dimension_numbers = #tpu.dot_dimension_numbers<[1], [0], [0], [1], [0, 0, 1, 1], [], []>, transpose_lhs_hint = false} : vector<128x256xf32>, vector<256x32xf32>, vector<128x32xf32> -> vector<128x32xf32>
    %slice3A_118 = vector.extract_strided_slice %mul3A_63 {offsets = [9, 0, 0], sizes = [1, 128, 256], strides = [1, 1, 1]} : vector<25x128x256xf32> to vector<1x128x256xf32>
    %squeeze3A_119 = vector.shape_cast %slice3A_118 : vector<1x128x256xf32> to vector<128x256xf32>
    %slice3A_120 = vector.extract_strided_slice %reshape3A_64 {offsets = [9, 0, 0], sizes = [1, 256, 32], strides = [1, 1, 1]} : vector<25x256x32xf32> to vector<1x256x32xf32>
    %squeeze3A_121 = vector.shape_cast %slice3A_120 : vector<1x256x32xf32> to vector<256x32xf32>
    %dot_general3A_122 = arith.constant dense<0.000000e+00> : vector<128x32xf32>
    %dot_general3A_123 = tpu.matmul %squeeze3A_119, %squeeze3A_121, %dot_general3A_122 {dimension_numbers = #tpu.dot_dimension_numbers<[1], [0], [0], [1], [0, 0, 1, 1], [], []>, transpose_lhs_hint = false} : vector<128x256xf32>, vector<256x32xf32>, vector<128x32xf32> -> vector<128x32xf32>
    %slice3A_124 = vector.extract_strided_slice %mul3A_63 {offsets = [10, 0, 0], sizes = [1, 128, 256], strides = [1, 1, 1]} : vector<25x128x256xf32> to vector<1x128x256xf32>
    %squeeze3A_125 = vector.shape_cast %slice3A_124 : vector<1x128x256xf32> to vector<128x256xf32>
    %slice3A_126 = vector.extract_strided_slice %reshape3A_64 {offsets = [10, 0, 0], sizes = [1, 256, 32], strides = [1, 1, 1]} : vector<25x256x32xf32> to vector<1x256x32xf32>
    %squeeze3A_127 = vector.shape_cast %slice3A_126 : vector<1x256x32xf32> to vector<256x32xf32>
    %dot_general3A_128 = arith.constant dense<0.000000e+00> : vector<128x32xf32>
    %dot_general3A_129 = tpu.matmul %squeeze3A_125, %squeeze3A_127, %dot_general3A_128 {dimension_numbers = #tpu.dot_dimension_numbers<[1], [0], [0], [1], [0, 0, 1, 1], [], []>, transpose_lhs_hint = false} : vector<128x256xf32>, vector<256x32xf32>, vector<128x32xf32> -> vector<128x32xf32>
    %slice3A_130 = vector.extract_strided_slice %mul3A_63 {offsets = [11, 0, 0], sizes = [1, 128, 256], strides = [1, 1, 1]} : vector<25x128x256xf32> to vector<1x128x256xf32>
    %squeeze3A_131 = vector.shape_cast %slice3A_130 : vector<1x128x256xf32> to vector<128x256xf32>
    %slice3A_132 = vector.extract_strided_slice %reshape3A_64 {offsets = [11, 0, 0], sizes = [1, 256, 32], strides = [1, 1, 1]} : vector<25x256x32xf32> to vector<1x256x32xf32>
    %squeeze3A_133 = vector.shape_cast %slice3A_132 : vector<1x256x32xf32> to vector<256x32xf32>
    %dot_general3A_134 = arith.constant dense<0.000000e+00> : vector<128x32xf32>
    %dot_general3A_135 = tpu.matmul %squeeze3A_131, %squeeze3A_133, %dot_general3A_134 {dimension_numbers = #tpu.dot_dimension_numbers<[1], [0], [0], [1], [0, 0, 1, 1], [], []>, transpose_lhs_hint = false} : vector<128x256xf32>, vector<256x32xf32>, vector<128x32xf32> -> vector<128x32xf32>
    %slice3A_136 = vector.extract_strided_slice %mul3A_63 {offsets = [12, 0, 0], sizes = [1, 128, 256], strides = [1, 1, 1]} : vector<25x128x256xf32> to vector<1x128x256xf32>
    %squeeze3A_137 = vector.shape_cast %slice3A_136 : vector<1x128x256xf32> to vector<128x256xf32>
    %slice3A_138 = vector.extract_strided_slice %reshape3A_64 {offsets = [12, 0, 0], sizes = [1, 256, 32], strides = [1, 1, 1]} : vector<25x256x32xf32> to vector<1x256x32xf32>
    %squeeze3A_139 = vector.shape_cast %slice3A_138 : vector<1x256x32xf32> to vector<256x32xf32>
    %dot_general3A_140 = arith.constant dense<0.000000e+00> : vector<128x32xf32>
    %dot_general3A_141 = tpu.matmul %squeeze3A_137, %squeeze3A_139, %dot_general3A_140 {dimension_numbers = #tpu.dot_dimension_numbers<[1], [0], [0], [1], [0, 0, 1, 1], [], []>, transpose_lhs_hint = false} : vector<128x256xf32>, vector<256x32xf32>, vector<128x32xf32> -> vector<128x32xf32>
    %slice3A_142 = vector.extract_strided_slice %mul3A_63 {offsets = [13, 0, 0], sizes = [1, 128, 256], strides = [1, 1, 1]} : vector<25x128x256xf32> to vector<1x128x256xf32>
    %squeeze3A_143 = vector.shape_cast %slice3A_142 : vector<1x128x256xf32> to vector<128x256xf32>
    %slice3A_144 = vector.extract_strided_slice %reshape3A_64 {offsets = [13, 0, 0], sizes = [1, 256, 32], strides = [1, 1, 1]} : vector<25x256x32xf32> to vector<1x256x32xf32>
    %squeeze3A_145 = vector.shape_cast %slice3A_144 : vector<1x256x32xf32> to vector<256x32xf32>
    %dot_general3A_146 = arith.constant dense<0.000000e+00> : vector<128x32xf32>
    %dot_general3A_147 = tpu.matmul %squeeze3A_143, %squeeze3A_145, %dot_general3A_146 {dimension_numbers = #tpu.dot_dimension_numbers<[1], [0], [0], [1], [0, 0, 1, 1], [], []>, transpose_lhs_hint = false} : vector<128x256xf32>, vector<256x32xf32>, vector<128x32xf32> -> vector<128x32xf32>
    %slice3A_148 = vector.extract_strided_slice %mul3A_63 {offsets = [14, 0, 0], sizes = [1, 128, 256], strides = [1, 1, 1]} : vector<25x128x256xf32> to vector<1x128x256xf32>
    %squeeze3A_149 = vector.shape_cast %slice3A_148 : vector<1x128x256xf32> to vector<128x256xf32>
    %slice3A_150 = vector.extract_strided_slice %reshape3A_64 {offsets = [14, 0, 0], sizes = [1, 256, 32], strides = [1, 1, 1]} : vector<25x256x32xf32> to vector<1x256x32xf32>
    %squeeze3A_151 = vector.shape_cast %slice3A_150 : vector<1x256x32xf32> to vector<256x32xf32>
    %dot_general3A_152 = arith.constant dense<0.000000e+00> : vector<128x32xf32>
    %dot_general3A_153 = tpu.matmul %squeeze3A_149, %squeeze3A_151, %dot_general3A_152 {dimension_numbers = #tpu.dot_dimension_numbers<[1], [0], [0], [1], [0, 0, 1, 1], [], []>, transpose_lhs_hint = false} : vector<128x256xf32>, vector<256x32xf32>, vector<128x32xf32> -> vector<128x32xf32>
    %slice3A_154 = vector.extract_strided_slice %mul3A_63 {offsets = [15, 0, 0], sizes = [1, 128, 256], strides = [1, 1, 1]} : vector<25x128x256xf32> to vector<1x128x256xf32>
    %squeeze3A_155 = vector.shape_cast %slice3A_154 : vector<1x128x256xf32> to vector<128x256xf32>
    %slice3A_156 = vector.extract_strided_slice %reshape3A_64 {offsets = [15, 0, 0], sizes = [1, 256, 32], strides = [1, 1, 1]} : vector<25x256x32xf32> to vector<1x256x32xf32>
    %squeeze3A_157 = vector.shape_cast %slice3A_156 : vector<1x256x32xf32> to vector<256x32xf32>
    %dot_general3A_158 = arith.constant dense<0.000000e+00> : vector<128x32xf32>
    %dot_general3A_159 = tpu.matmul %squeeze3A_155, %squeeze3A_157, %dot_general3A_158 {dimension_numbers = #tpu.dot_dimension_numbers<[1], [0], [0], [1], [0, 0, 1, 1], [], []>, transpose_lhs_hint = false} : vector<128x256xf32>, vector<256x32xf32>, vector<128x32xf32> -> vector<128x32xf32>
    %slice3A_160 = vector.extract_strided_slice %mul3A_63 {offsets = [16, 0, 0], sizes = [1, 128, 256], strides = [1, 1, 1]} : vector<25x128x256xf32> to vector<1x128x256xf32>
    %squeeze3A_161 = vector.shape_cast %slice3A_160 : vector<1x128x256xf32> to vector<128x256xf32>
    %slice3A_162 = vector.extract_strided_slice %reshape3A_64 {offsets = [16, 0, 0], sizes = [1, 256, 32], strides = [1, 1, 1]} : vector<25x256x32xf32> to vector<1x256x32xf32>
    %squeeze3A_163 = vector.shape_cast %slice3A_162 : vector<1x256x32xf32> to vector<256x32xf32>
    %dot_general3A_164 = arith.constant dense<0.000000e+00> : vector<128x32xf32>
    %dot_general3A_165 = tpu.matmul %squeeze3A_161, %squeeze3A_163, %dot_general3A_164 {dimension_numbers = #tpu.dot_dimension_numbers<[1], [0], [0], [1], [0, 0, 1, 1], [], []>, transpose_lhs_hint = false} : vector<128x256xf32>, vector<256x32xf32>, vector<128x32xf32> -> vector<128x32xf32>
    %slice3A_166 = vector.extract_strided_slice %mul3A_63 {offsets = [17, 0, 0], sizes = [1, 128, 256], strides = [1, 1, 1]} : vector<25x128x256xf32> to vector<1x128x256xf32>
    %squeeze3A_167 = vector.shape_cast %slice3A_166 : vector<1x128x256xf32> to vector<128x256xf32>
    %slice3A_168 = vector.extract_strided_slice %reshape3A_64 {offsets = [17, 0, 0], sizes = [1, 256, 32], strides = [1, 1, 1]} : vector<25x256x32xf32> to vector<1x256x32xf32>
    %squeeze3A_169 = vector.shape_cast %slice3A_168 : vector<1x256x32xf32> to vector<256x32xf32>
    %dot_general3A_170 = arith.constant dense<0.000000e+00> : vector<128x32xf32>
    %dot_general3A_171 = tpu.matmul %squeeze3A_167, %squeeze3A_169, %dot_general3A_170 {dimension_numbers = #tpu.dot_dimension_numbers<[1], [0], [0], [1], [0, 0, 1, 1], [], []>, transpose_lhs_hint = false} : vector<128x256xf32>, vector<256x32xf32>, vector<128x32xf32> -> vector<128x32xf32>
    %slice3A_172 = vector.extract_strided_slice %mul3A_63 {offsets = [18, 0, 0], sizes = [1, 128, 256], strides = [1, 1, 1]} : vector<25x128x256xf32> to vector<1x128x256xf32>
    %squeeze3A_173 = vector.shape_cast %slice3A_172 : vector<1x128x256xf32> to vector<128x256xf32>
    %slice3A_174 = vector.extract_strided_slice %reshape3A_64 {offsets = [18, 0, 0], sizes = [1, 256, 32], strides = [1, 1, 1]} : vector<25x256x32xf32> to vector<1x256x32xf32>
    %squeeze3A_175 = vector.shape_cast %slice3A_174 : vector<1x256x32xf32> to vector<256x32xf32>
    %dot_general3A_176 = arith.constant dense<0.000000e+00> : vector<128x32xf32>
    %dot_general3A_177 = tpu.matmul %squeeze3A_173, %squeeze3A_175, %dot_general3A_176 {dimension_numbers = #tpu.dot_dimension_numbers<[1], [0], [0], [1], [0, 0, 1, 1], [], []>, transpose_lhs_hint = false} : vector<128x256xf32>, vector<256x32xf32>, vector<128x32xf32> -> vector<128x32xf32>
    %slice3A_178 = vector.extract_strided_slice %mul3A_63 {offsets = [19, 0, 0], sizes = [1, 128, 256], strides = [1, 1, 1]} : vector<25x128x256xf32> to vector<1x128x256xf32>
    %squeeze3A_179 = vector.shape_cast %slice3A_178 : vector<1x128x256xf32> to vector<128x256xf32>
    %slice3A_180 = vector.extract_strided_slice %reshape3A_64 {offsets = [19, 0, 0], sizes = [1, 256, 32], strides = [1, 1, 1]} : vector<25x256x32xf32> to vector<1x256x32xf32>
    %squeeze3A_181 = vector.shape_cast %slice3A_180 : vector<1x256x32xf32> to vector<256x32xf32>
    %dot_general3A_182 = arith.constant dense<0.000000e+00> : vector<128x32xf32>
    %dot_general3A_183 = tpu.matmul %squeeze3A_179, %squeeze3A_181, %dot_general3A_182 {dimension_numbers = #tpu.dot_dimension_numbers<[1], [0], [0], [1], [0, 0, 1, 1], [], []>, transpose_lhs_hint = false} : vector<128x256xf32>, vector<256x32xf32>, vector<128x32xf32> -> vector<128x32xf32>
    %slice3A_184 = vector.extract_strided_slice %mul3A_63 {offsets = [20, 0, 0], sizes = [1, 128, 256], strides = [1, 1, 1]} : vector<25x128x256xf32> to vector<1x128x256xf32>
    %squeeze3A_185 = vector.shape_cast %slice3A_184 : vector<1x128x256xf32> to vector<128x256xf32>
    %slice3A_186 = vector.extract_strided_slice %reshape3A_64 {offsets = [20, 0, 0], sizes = [1, 256, 32], strides = [1, 1, 1]} : vector<25x256x32xf32> to vector<1x256x32xf32>
    %squeeze3A_187 = vector.shape_cast %slice3A_186 : vector<1x256x32xf32> to vector<256x32xf32>
    %dot_general3A_188 = arith.constant dense<0.000000e+00> : vector<128x32xf32>
    %dot_general3A_189 = tpu.matmul %squeeze3A_185, %squeeze3A_187, %dot_general3A_188 {dimension_numbers = #tpu.dot_dimension_numbers<[1], [0], [0], [1], [0, 0, 1, 1], [], []>, transpose_lhs_hint = false} : vector<128x256xf32>, vector<256x32xf32>, vector<128x32xf32> -> vector<128x32xf32>
    %slice3A_190 = vector.extract_strided_slice %mul3A_63 {offsets = [21, 0, 0], sizes = [1, 128, 256], strides = [1, 1, 1]} : vector<25x128x256xf32> to vector<1x128x256xf32>
    %squeeze3A_191 = vector.shape_cast %slice3A_190 : vector<1x128x256xf32> to vector<128x256xf32>
    %slice3A_192 = vector.extract_strided_slice %reshape3A_64 {offsets = [21, 0, 0], sizes = [1, 256, 32], strides = [1, 1, 1]} : vector<25x256x32xf32> to vector<1x256x32xf32>
    %squeeze3A_193 = vector.shape_cast %slice3A_192 : vector<1x256x32xf32> to vector<256x32xf32>
    %dot_general3A_194 = arith.constant dense<0.000000e+00> : vector<128x32xf32>
    %dot_general3A_195 = tpu.matmul %squeeze3A_191, %squeeze3A_193, %dot_general3A_194 {dimension_numbers = #tpu.dot_dimension_numbers<[1], [0], [0], [1], [0, 0, 1, 1], [], []>, transpose_lhs_hint = false} : vector<128x256xf32>, vector<256x32xf32>, vector<128x32xf32> -> vector<128x32xf32>
    %slice3A_196 = vector.extract_strided_slice %mul3A_63 {offsets = [22, 0, 0], sizes = [1, 128, 256], strides = [1, 1, 1]} : vector<25x128x256xf32> to vector<1x128x256xf32>
    %squeeze3A_197 = vector.shape_cast %slice3A_196 : vector<1x128x256xf32> to vector<128x256xf32>
    %slice3A_198 = vector.extract_strided_slice %reshape3A_64 {offsets = [22, 0, 0], sizes = [1, 256, 32], strides = [1, 1, 1]} : vector<25x256x32xf32> to vector<1x256x32xf32>
    %squeeze3A_199 = vector.shape_cast %slice3A_198 : vector<1x256x32xf32> to vector<256x32xf32>
    %dot_general3A_200 = arith.constant dense<0.000000e+00> : vector<128x32xf32>
    %dot_general3A_201 = tpu.matmul %squeeze3A_197, %squeeze3A_199, %dot_general3A_200 {dimension_numbers = #tpu.dot_dimension_numbers<[1], [0], [0], [1], [0, 0, 1, 1], [], []>, transpose_lhs_hint = false} : vector<128x256xf32>, vector<256x32xf32>, vector<128x32xf32> -> vector<128x32xf32>
    %slice3A_202 = vector.extract_strided_slice %mul3A_63 {offsets = [23, 0, 0], sizes = [1, 128, 256], strides = [1, 1, 1]} : vector<25x128x256xf32> to vector<1x128x256xf32>
    %squeeze3A_203 = vector.shape_cast %slice3A_202 : vector<1x128x256xf32> to vector<128x256xf32>
    %slice3A_204 = vector.extract_strided_slice %reshape3A_64 {offsets = [23, 0, 0], sizes = [1, 256, 32], strides = [1, 1, 1]} : vector<25x256x32xf32> to vector<1x256x32xf32>
    %squeeze3A_205 = vector.shape_cast %slice3A_204 : vector<1x256x32xf32> to vector<256x32xf32>
    %dot_general3A_206 = arith.constant dense<0.000000e+00> : vector<128x32xf32>
    %dot_general3A_207 = tpu.matmul %squeeze3A_203, %squeeze3A_205, %dot_general3A_206 {dimension_numbers = #tpu.dot_dimension_numbers<[1], [0], [0], [1], [0, 0, 1, 1], [], []>, transpose_lhs_hint = false} : vector<128x256xf32>, vector<256x32xf32>, vector<128x32xf32> -> vector<128x32xf32>
    %slice3A_208 = vector.extract_strided_slice %mul3A_63 {offsets = [24, 0, 0], sizes = [1, 128, 256], strides = [1, 1, 1]} : vector<25x128x256xf32> to vector<1x128x256xf32>
    %squeeze3A_209 = vector.shape_cast %slice3A_208 : vector<1x128x256xf32> to vector<128x256xf32>
    %slice3A_210 = vector.extract_strided_slice %reshape3A_64 {offsets = [24, 0, 0], sizes = [1, 256, 32], strides = [1, 1, 1]} : vector<25x256x32xf32> to vector<1x256x32xf32>
    %squeeze3A_211 = vector.shape_cast %slice3A_210 : vector<1x256x32xf32> to vector<256x32xf32>
    %dot_general3A_212 = arith.constant dense<0.000000e+00> : vector<128x32xf32>
    %dot_general3A_213 = tpu.matmul %squeeze3A_209, %squeeze3A_211, %dot_general3A_212 {dimension_numbers = #tpu.dot_dimension_numbers<[1], [0], [0], [1], [0, 0, 1, 1], [], []>, transpose_lhs_hint = false} : vector<128x256xf32>, vector<256x32xf32>, vector<128x32xf32> -> vector<128x32xf32>
    %concatenate3A_214 = tpu.concatenate %dot_general3A_69, %dot_general3A_75, %dot_general3A_81, %dot_general3A_87, %dot_general3A_93, %dot_general3A_99, %dot_general3A_105, %dot_general3A_111, %dot_general3A_117, %dot_general3A_123, %dot_general3A_129, %dot_general3A_135, %dot_general3A_141, %dot_general3A_147, %dot_general3A_153, %dot_general3A_159, %dot_general3A_165, %dot_general3A_171, %dot_general3A_177, %dot_general3A_183, %dot_general3A_189, %dot_general3A_195, %dot_general3A_201, %dot_general3A_207, %dot_general3A_213 in 0 : vector<128x32xf32>, vector<128x32xf32>, vector<128x32xf32>, vector<128x32xf32>, vector<128x32xf32>, vector<128x32xf32>, vector<128x32xf32>, vector<128x32xf32>, vector<128x32xf32>, vector<128x32xf32>, vector<128x32xf32>, vector<128x32xf32>, vector<128x32xf32>, vector<128x32xf32>, vector<128x32xf32>, vector<128x32xf32>, vector<128x32xf32>, vector<128x32xf32>, vector<128x32xf32>, vector<128x32xf32>, vector<128x32xf32>, vector<128x32xf32>, vector<128x32xf32>, vector<128x32xf32>, vector<128x32xf32> -> vector<3200x32xf32>
    %reshape3A_215 = vector.shape_cast %concatenate3A_214 : vector<3200x32xf32> to vector<200x16x32xf32>
    %broadcast_in_dim3A_216 = arith.constant 0.000000e+00 : f32
    %broadcast_in_dim3A_217 = vector.broadcast %broadcast_in_dim3A_216 : f32 to vector<200x32xf32>
    %slice3A_218 = vector.extract_strided_slice %reshape3A_215 {offsets = [0, 0, 0], sizes = [200, 1, 32], strides = [1, 1, 1]} : vector<200x16x32xf32> to vector<200x1x32xf32>
    %squeeze3A_219 = vector.shape_cast %slice3A_218 : vector<200x1x32xf32> to vector<200x32xf32>
    %get3A_220 = arith.constant 0 : index
    %get3A_221 = arith.constant 0 : index
    %get3A_222 = arith.constant 0 : index
    %get3A_223 = vector.load %arg11[%get3A_220, %get3A_221, %get3A_222] : memref<15x32x32xf32, #tpu.memory_space<vmem>>, vector<1x32x32xf32>
    %get3A_224 = vector.shape_cast %get3A_223 : vector<1x32x32xf32> to vector<32x32xf32>
    %dot_general3A_225 = arith.constant dense<0.000000e+00> : vector<200x32xf32>
    %dot_general3A_226 = tpu.matmul %squeeze3A_219, %get3A_224, %dot_general3A_225 {dimension_numbers = #tpu.dot_dimension_numbers<[1], [0], [0], [1], [0, 0, 1, 1], [], []>, transpose_lhs_hint = false} : vector<200x32xf32>, vector<32x32xf32>, vector<200x32xf32> -> vector<200x32xf32>
    %add3A_227 = arith.addf %broadcast_in_dim3A_217, %dot_general3A_226 : vector<200x32xf32>
    %slice3A_228 = vector.extract_strided_slice %reshape3A_215 {offsets = [0, 1, 0], sizes = [200, 1, 32], strides = [1, 1, 1]} : vector<200x16x32xf32> to vector<200x1x32xf32>
    %squeeze3A_229 = vector.shape_cast %slice3A_228 : vector<200x1x32xf32> to vector<200x32xf32>
    %get3A_230 = arith.constant 1 : index
    %get3A_231 = arith.constant 0 : index
    %get3A_232 = arith.constant 0 : index
    %get3A_233 = vector.load %arg11[%get3A_230, %get3A_231, %get3A_232] : memref<15x32x32xf32, #tpu.memory_space<vmem>>, vector<1x32x32xf32>
    %get3A_234 = vector.shape_cast %get3A_233 : vector<1x32x32xf32> to vector<32x32xf32>
    %dot_general3A_235 = arith.constant dense<0.000000e+00> : vector<200x32xf32>
    %dot_general3A_236 = tpu.matmul %squeeze3A_229, %get3A_234, %dot_general3A_235 {dimension_numbers = #tpu.dot_dimension_numbers<[1], [0], [0], [1], [0, 0, 1, 1], [], []>, transpose_lhs_hint = false} : vector<200x32xf32>, vector<32x32xf32>, vector<200x32xf32> -> vector<200x32xf32>
    %add3A_237 = arith.addf %add3A_227, %dot_general3A_236 : vector<200x32xf32>
    %slice3A_238 = vector.extract_strided_slice %reshape3A_215 {offsets = [0, 2, 0], sizes = [200, 1, 32], strides = [1, 1, 1]} : vector<200x16x32xf32> to vector<200x1x32xf32>
    %squeeze3A_239 = vector.shape_cast %slice3A_238 : vector<200x1x32xf32> to vector<200x32xf32>
    %get3A_240 = arith.constant 2 : index
    %get3A_241 = arith.constant 0 : index
    %get3A_242 = arith.constant 0 : index
    %get3A_243 = vector.load %arg11[%get3A_240, %get3A_241, %get3A_242] : memref<15x32x32xf32, #tpu.memory_space<vmem>>, vector<1x32x32xf32>
    %get3A_244 = vector.shape_cast %get3A_243 : vector<1x32x32xf32> to vector<32x32xf32>
    %dot_general3A_245 = arith.constant dense<0.000000e+00> : vector<200x32xf32>
    %dot_general3A_246 = tpu.matmul %squeeze3A_239, %get3A_244, %dot_general3A_245 {dimension_numbers = #tpu.dot_dimension_numbers<[1], [0], [0], [1], [0, 0, 1, 1], [], []>, transpose_lhs_hint = false} : vector<200x32xf32>, vector<32x32xf32>, vector<200x32xf32> -> vector<200x32xf32>
    %add3A_247 = arith.addf %add3A_237, %dot_general3A_246 : vector<200x32xf32>
    %slice3A_248 = vector.extract_strided_slice %reshape3A_215 {offsets = [0, 3, 0], sizes = [200, 1, 32], strides = [1, 1, 1]} : vector<200x16x32xf32> to vector<200x1x32xf32>
    %squeeze3A_249 = vector.shape_cast %slice3A_248 : vector<200x1x32xf32> to vector<200x32xf32>
    %get3A_250 = arith.constant 3 : index
    %get3A_251 = arith.constant 0 : index
    %get3A_252 = arith.constant 0 : index
    %get3A_253 = vector.load %arg11[%get3A_250, %get3A_251, %get3A_252] : memref<15x32x32xf32, #tpu.memory_space<vmem>>, vector<1x32x32xf32>
    %get3A_254 = vector.shape_cast %get3A_253 : vector<1x32x32xf32> to vector<32x32xf32>
    %dot_general3A_255 = arith.constant dense<0.000000e+00> : vector<200x32xf32>
    %dot_general3A_256 = tpu.matmul %squeeze3A_249, %get3A_254, %dot_general3A_255 {dimension_numbers = #tpu.dot_dimension_numbers<[1], [0], [0], [1], [0, 0, 1, 1], [], []>, transpose_lhs_hint = false} : vector<200x32xf32>, vector<32x32xf32>, vector<200x32xf32> -> vector<200x32xf32>
    %add3A_257 = arith.addf %add3A_247, %dot_general3A_256 : vector<200x32xf32>
    %slice3A_258 = vector.extract_strided_slice %reshape3A_215 {offsets = [0, 4, 0], sizes = [200, 1, 32], strides = [1, 1, 1]} : vector<200x16x32xf32> to vector<200x1x32xf32>
    %squeeze3A_259 = vector.shape_cast %slice3A_258 : vector<200x1x32xf32> to vector<200x32xf32>
    %get3A_260 = arith.constant 4 : index
    %get3A_261 = arith.constant 0 : index
    %get3A_262 = arith.constant 0 : index
    %get3A_263 = vector.load %arg11[%get3A_260, %get3A_261, %get3A_262] : memref<15x32x32xf32, #tpu.memory_space<vmem>>, vector<1x32x32xf32>
    %get3A_264 = vector.shape_cast %get3A_263 : vector<1x32x32xf32> to vector<32x32xf32>
    %dot_general3A_265 = arith.constant dense<0.000000e+00> : vector<200x32xf32>
    %dot_general3A_266 = tpu.matmul %squeeze3A_259, %get3A_264, %dot_general3A_265 {dimension_numbers = #tpu.dot_dimension_numbers<[1], [0], [0], [1], [0, 0, 1, 1], [], []>, transpose_lhs_hint = false} : vector<200x32xf32>, vector<32x32xf32>, vector<200x32xf32> -> vector<200x32xf32>
    %add3A_267 = arith.addf %add3A_257, %dot_general3A_266 : vector<200x32xf32>
    %slice3A_268 = vector.extract_strided_slice %reshape3A_215 {offsets = [0, 5, 0], sizes = [200, 1, 32], strides = [1, 1, 1]} : vector<200x16x32xf32> to vector<200x1x32xf32>
    %squeeze3A_269 = vector.shape_cast %slice3A_268 : vector<200x1x32xf32> to vector<200x32xf32>
    %get3A_270 = arith.constant 5 : index
    %get3A_271 = arith.constant 0 : index
    %get3A_272 = arith.constant 0 : index
    %get3A_273 = vector.load %arg11[%get3A_270, %get3A_271, %get3A_272] : memref<15x32x32xf32, #tpu.memory_space<vmem>>, vector<1x32x32xf32>
    %get3A_274 = vector.shape_cast %get3A_273 : vector<1x32x32xf32> to vector<32x32xf32>
    %dot_general3A_275 = arith.constant dense<0.000000e+00> : vector<200x32xf32>
    %dot_general3A_276 = tpu.matmul %squeeze3A_269, %get3A_274, %dot_general3A_275 {dimension_numbers = #tpu.dot_dimension_numbers<[1], [0], [0], [1], [0, 0, 1, 1], [], []>, transpose_lhs_hint = false} : vector<200x32xf32>, vector<32x32xf32>, vector<200x32xf32> -> vector<200x32xf32>
    %add3A_277 = arith.addf %add3A_267, %dot_general3A_276 : vector<200x32xf32>
    %slice3A_278 = vector.extract_strided_slice %reshape3A_215 {offsets = [0, 6, 0], sizes = [200, 1, 32], strides = [1, 1, 1]} : vector<200x16x32xf32> to vector<200x1x32xf32>
    %squeeze3A_279 = vector.shape_cast %slice3A_278 : vector<200x1x32xf32> to vector<200x32xf32>
    %get3A_280 = arith.constant 6 : index
    %get3A_281 = arith.constant 0 : index
    %get3A_282 = arith.constant 0 : index
    %get3A_283 = vector.load %arg11[%get3A_280, %get3A_281, %get3A_282] : memref<15x32x32xf32, #tpu.memory_space<vmem>>, vector<1x32x32xf32>
    %get3A_284 = vector.shape_cast %get3A_283 : vector<1x32x32xf32> to vector<32x32xf32>
    %dot_general3A_285 = arith.constant dense<0.000000e+00> : vector<200x32xf32>
    %dot_general3A_286 = tpu.matmul %squeeze3A_279, %get3A_284, %dot_general3A_285 {dimension_numbers = #tpu.dot_dimension_numbers<[1], [0], [0], [1], [0, 0, 1, 1], [], []>, transpose_lhs_hint = false} : vector<200x32xf32>, vector<32x32xf32>, vector<200x32xf32> -> vector<200x32xf32>
    %add3A_287 = arith.addf %add3A_277, %dot_general3A_286 : vector<200x32xf32>
    %slice3A_288 = vector.extract_strided_slice %reshape3A_215 {offsets = [0, 7, 0], sizes = [200, 1, 32], strides = [1, 1, 1]} : vector<200x16x32xf32> to vector<200x1x32xf32>
    %squeeze3A_289 = vector.shape_cast %slice3A_288 : vector<200x1x32xf32> to vector<200x32xf32>
    %get3A_290 = arith.constant 7 : index
    %get3A_291 = arith.constant 0 : index
    %get3A_292 = arith.constant 0 : index
    %get3A_293 = vector.load %arg11[%get3A_290, %get3A_291, %get3A_292] : memref<15x32x32xf32, #tpu.memory_space<vmem>>, vector<1x32x32xf32>
    %get3A_294 = vector.shape_cast %get3A_293 : vector<1x32x32xf32> to vector<32x32xf32>
    %dot_general3A_295 = arith.constant dense<0.000000e+00> : vector<200x32xf32>
    %dot_general3A_296 = tpu.matmul %squeeze3A_289, %get3A_294, %dot_general3A_295 {dimension_numbers = #tpu.dot_dimension_numbers<[1], [0], [0], [1], [0, 0, 1, 1], [], []>, transpose_lhs_hint = false} : vector<200x32xf32>, vector<32x32xf32>, vector<200x32xf32> -> vector<200x32xf32>
    %add3A_297 = arith.addf %add3A_287, %dot_general3A_296 : vector<200x32xf32>
    %slice3A_298 = vector.extract_strided_slice %reshape3A_215 {offsets = [0, 8, 0], sizes = [200, 1, 32], strides = [1, 1, 1]} : vector<200x16x32xf32> to vector<200x1x32xf32>
    %squeeze3A_299 = vector.shape_cast %slice3A_298 : vector<200x1x32xf32> to vector<200x32xf32>
    %get3A_300 = arith.constant 8 : index
    %get3A_301 = arith.constant 0 : index
    %get3A_302 = arith.constant 0 : index
    %get3A_303 = vector.load %arg11[%get3A_300, %get3A_301, %get3A_302] : memref<15x32x32xf32, #tpu.memory_space<vmem>>, vector<1x32x32xf32>
    %get3A_304 = vector.shape_cast %get3A_303 : vector<1x32x32xf32> to vector<32x32xf32>
    %dot_general3A_305 = arith.constant dense<0.000000e+00> : vector<200x32xf32>
    %dot_general3A_306 = tpu.matmul %squeeze3A_299, %get3A_304, %dot_general3A_305 {dimension_numbers = #tpu.dot_dimension_numbers<[1], [0], [0], [1], [0, 0, 1, 1], [], []>, transpose_lhs_hint = false} : vector<200x32xf32>, vector<32x32xf32>, vector<200x32xf32> -> vector<200x32xf32>
    %add3A_307 = arith.addf %add3A_297, %dot_general3A_306 : vector<200x32xf32>
    %slice3A_308 = vector.extract_strided_slice %reshape3A_215 {offsets = [0, 9, 0], sizes = [200, 1, 32], strides = [1, 1, 1]} : vector<200x16x32xf32> to vector<200x1x32xf32>
    %squeeze3A_309 = vector.shape_cast %slice3A_308 : vector<200x1x32xf32> to vector<200x32xf32>
    %get3A_310 = arith.constant 9 : index
    %get3A_311 = arith.constant 0 : index
    %get3A_312 = arith.constant 0 : index
    %get3A_313 = vector.load %arg11[%get3A_310, %get3A_311, %get3A_312] : memref<15x32x32xf32, #tpu.memory_space<vmem>>, vector<1x32x32xf32>
    %get3A_314 = vector.shape_cast %get3A_313 : vector<1x32x32xf32> to vector<32x32xf32>
    %dot_general3A_315 = arith.constant dense<0.000000e+00> : vector<200x32xf32>
    %dot_general3A_316 = tpu.matmul %squeeze3A_309, %get3A_314, %dot_general3A_315 {dimension_numbers = #tpu.dot_dimension_numbers<[1], [0], [0], [1], [0, 0, 1, 1], [], []>, transpose_lhs_hint = false} : vector<200x32xf32>, vector<32x32xf32>, vector<200x32xf32> -> vector<200x32xf32>
    %add3A_317 = arith.addf %add3A_307, %dot_general3A_316 : vector<200x32xf32>
    %slice3A_318 = vector.extract_strided_slice %reshape3A_215 {offsets = [0, 10, 0], sizes = [200, 1, 32], strides = [1, 1, 1]} : vector<200x16x32xf32> to vector<200x1x32xf32>
    %squeeze3A_319 = vector.shape_cast %slice3A_318 : vector<200x1x32xf32> to vector<200x32xf32>
    %get3A_320 = arith.constant 10 : index
    %get3A_321 = arith.constant 0 : index
    %get3A_322 = arith.constant 0 : index
    %get3A_323 = vector.load %arg11[%get3A_320, %get3A_321, %get3A_322] : memref<15x32x32xf32, #tpu.memory_space<vmem>>, vector<1x32x32xf32>
    %get3A_324 = vector.shape_cast %get3A_323 : vector<1x32x32xf32> to vector<32x32xf32>
    %dot_general3A_325 = arith.constant dense<0.000000e+00> : vector<200x32xf32>
    %dot_general3A_326 = tpu.matmul %squeeze3A_319, %get3A_324, %dot_general3A_325 {dimension_numbers = #tpu.dot_dimension_numbers<[1], [0], [0], [1], [0, 0, 1, 1], [], []>, transpose_lhs_hint = false} : vector<200x32xf32>, vector<32x32xf32>, vector<200x32xf32> -> vector<200x32xf32>
    %add3A_327 = arith.addf %add3A_317, %dot_general3A_326 : vector<200x32xf32>
    %slice3A_328 = vector.extract_strided_slice %reshape3A_215 {offsets = [0, 11, 0], sizes = [200, 1, 32], strides = [1, 1, 1]} : vector<200x16x32xf32> to vector<200x1x32xf32>
    %squeeze3A_329 = vector.shape_cast %slice3A_328 : vector<200x1x32xf32> to vector<200x32xf32>
    %get3A_330 = arith.constant 11 : index
    %get3A_331 = arith.constant 0 : index
    %get3A_332 = arith.constant 0 : index
    %get3A_333 = vector.load %arg11[%get3A_330, %get3A_331, %get3A_332] : memref<15x32x32xf32, #tpu.memory_space<vmem>>, vector<1x32x32xf32>
    %get3A_334 = vector.shape_cast %get3A_333 : vector<1x32x32xf32> to vector<32x32xf32>
    %dot_general3A_335 = arith.constant dense<0.000000e+00> : vector<200x32xf32>
    %dot_general3A_336 = tpu.matmul %squeeze3A_329, %get3A_334, %dot_general3A_335 {dimension_numbers = #tpu.dot_dimension_numbers<[1], [0], [0], [1], [0, 0, 1, 1], [], []>, transpose_lhs_hint = false} : vector<200x32xf32>, vector<32x32xf32>, vector<200x32xf32> -> vector<200x32xf32>
    %add3A_337 = arith.addf %add3A_327, %dot_general3A_336 : vector<200x32xf32>
    %slice3A_338 = vector.extract_strided_slice %reshape3A_215 {offsets = [0, 12, 0], sizes = [200, 1, 32], strides = [1, 1, 1]} : vector<200x16x32xf32> to vector<200x1x32xf32>
    %squeeze3A_339 = vector.shape_cast %slice3A_338 : vector<200x1x32xf32> to vector<200x32xf32>
    %get3A_340 = arith.constant 12 : index
    %get3A_341 = arith.constant 0 : index
    %get3A_342 = arith.constant 0 : index
    %get3A_343 = vector.load %arg11[%get3A_340, %get3A_341, %get3A_342] : memref<15x32x32xf32, #tpu.memory_space<vmem>>, vector<1x32x32xf32>
    %get3A_344 = vector.shape_cast %get3A_343 : vector<1x32x32xf32> to vector<32x32xf32>
    %dot_general3A_345 = arith.constant dense<0.000000e+00> : vector<200x32xf32>
    %dot_general3A_346 = tpu.matmul %squeeze3A_339, %get3A_344, %dot_general3A_345 {dimension_numbers = #tpu.dot_dimension_numbers<[1], [0], [0], [1], [0, 0, 1, 1], [], []>, transpose_lhs_hint = false} : vector<200x32xf32>, vector<32x32xf32>, vector<200x32xf32> -> vector<200x32xf32>
    %add3A_347 = arith.addf %add3A_337, %dot_general3A_346 : vector<200x32xf32>
    %slice3A_348 = vector.extract_strided_slice %reshape3A_215 {offsets = [0, 13, 0], sizes = [200, 1, 32], strides = [1, 1, 1]} : vector<200x16x32xf32> to vector<200x1x32xf32>
    %squeeze3A_349 = vector.shape_cast %slice3A_348 : vector<200x1x32xf32> to vector<200x32xf32>
    %get3A_350 = arith.constant 13 : index
    %get3A_351 = arith.constant 0 : index
    %get3A_352 = arith.constant 0 : index
    %get3A_353 = vector.load %arg11[%get3A_350, %get3A_351, %get3A_352] : memref<15x32x32xf32, #tpu.memory_space<vmem>>, vector<1x32x32xf32>
    %get3A_354 = vector.shape_cast %get3A_353 : vector<1x32x32xf32> to vector<32x32xf32>
    %dot_general3A_355 = arith.constant dense<0.000000e+00> : vector<200x32xf32>
    %dot_general3A_356 = tpu.matmul %squeeze3A_349, %get3A_354, %dot_general3A_355 {dimension_numbers = #tpu.dot_dimension_numbers<[1], [0], [0], [1], [0, 0, 1, 1], [], []>, transpose_lhs_hint = false} : vector<200x32xf32>, vector<32x32xf32>, vector<200x32xf32> -> vector<200x32xf32>
    %add3A_357 = arith.addf %add3A_347, %dot_general3A_356 : vector<200x32xf32>
    %slice3A_358 = vector.extract_strided_slice %reshape3A_215 {offsets = [0, 14, 0], sizes = [200, 1, 32], strides = [1, 1, 1]} : vector<200x16x32xf32> to vector<200x1x32xf32>
    %squeeze3A_359 = vector.shape_cast %slice3A_358 : vector<200x1x32xf32> to vector<200x32xf32>
    %get3A_360 = arith.constant 14 : index
    %get3A_361 = arith.constant 0 : index
    %get3A_362 = arith.constant 0 : index
    %get3A_363 = vector.load %arg11[%get3A_360, %get3A_361, %get3A_362] : memref<15x32x32xf32, #tpu.memory_space<vmem>>, vector<1x32x32xf32>
    %get3A_364 = vector.shape_cast %get3A_363 : vector<1x32x32xf32> to vector<32x32xf32>
    %dot_general3A_365 = arith.constant dense<0.000000e+00> : vector<200x32xf32>
    %dot_general3A_366 = tpu.matmul %squeeze3A_359, %get3A_364, %dot_general3A_365 {dimension_numbers = #tpu.dot_dimension_numbers<[1], [0], [0], [1], [0, 0, 1, 1], [], []>, transpose_lhs_hint = false} : vector<200x32xf32>, vector<32x32xf32>, vector<200x32xf32> -> vector<200x32xf32>
    %add3A_367 = arith.addf %add3A_357, %dot_general3A_366 : vector<200x32xf32>
    %ge3A = arith.constant 0.000000e+00 : f32
    %ge3A_368 = vector.broadcast %ge3A : f32 to vector<200x32xf32>
    %ge3A_369 = arith.cmpf oge, %add3A_367, %ge3A_368 : vector<200x32xf32>
    %mul3A_370 = arith.constant 1.000000e-01 : f32
    %mul3A_371 = vector.broadcast %mul3A_370 : f32 to vector<200x32xf32>
    %mul3A_372 = arith.mulf %mul3A_371, %add3A_367 : vector<200x32xf32>
    %select_n3A = arith.select %ge3A_369, %add3A_367, %mul3A_372 : vector<200x32xi1>, vector<200x32xf32>
    %get3A_373 = arith.constant 0 : index
    %get3A_374 = arith.constant 0 : index
    %get3A_375 = vector.load %arg12[%get3A_373, %get3A_374] : memref<32x128xf32, #tpu.memory_space<vmem>>, vector<32x128xf32>
    %dot_general3A_376 = arith.constant dense<0.000000e+00> : vector<200x128xf32>
    %dot_general3A_377 = tpu.matmul %select_n3A, %get3A_375, %dot_general3A_376 {dimension_numbers = #tpu.dot_dimension_numbers<[1], [0], [0], [1], [0, 0, 1, 1], [], []>, transpose_lhs_hint = false} : vector<200x32xf32>, vector<32x128xf32>, vector<200x128xf32> -> vector<200x128xf32>
    %get3A_378 = arith.constant 0 : index
    %get3A_379 = arith.constant 0 : index
    %get3A_380 = vector.load %arg10[%get3A_378, %get3A_379] : memref<200x64xf32, #tpu.memory_space<vmem>>, vector<200x64xf32>
    %get3A_381 = arith.constant 0 : index
    %get3A_382 = arith.constant 0 : index
    %get3A_383 = vector.load %arg13[%get3A_381, %get3A_382] : memref<64x128xf32, #tpu.memory_space<vmem>>, vector<64x128xf32>
    %dot_general3A_384 = arith.constant dense<0.000000e+00> : vector<200x128xf32>
    %dot_general3A_385 = tpu.matmul %get3A_380, %get3A_383, %dot_general3A_384 {dimension_numbers = #tpu.dot_dimension_numbers<[1], [0], [0], [1], [0, 0, 1, 1], [], []>, transpose_lhs_hint = false} : vector<200x64xf32>, vector<64x128xf32>, vector<200x128xf32> -> vector<200x128xf32>
    %add3A_386 = arith.addf %dot_general3A_377, %dot_general3A_385 : vector<200x128xf32>
    %ge3A_387 = arith.constant 0.000000e+00 : f32
    %ge3A_388 = vector.broadcast %ge3A_387 : f32 to vector<200x128xf32>
    %ge3A_389 = arith.cmpf oge, %add3A_386, %ge3A_388 : vector<200x128xf32>
    %mul3A_390 = arith.constant 1.000000e-01 : f32
    %mul3A_391 = vector.broadcast %mul3A_390 : f32 to vector<200x128xf32>
    %mul3A_392 = arith.mulf %mul3A_391, %add3A_386 : vector<200x128xf32>
    %select_n3A_393 = arith.select %ge3A_389, %add3A_386, %mul3A_392 : vector<200x128xi1>, vector<200x128xf32>
    %reduce_sum3A = arith.constant dense<0.000000e+00> : vector<128xf32>
    %reduce_sum3A_394 = vector.multi_reduction <add>, %select_n3A_393, %reduce_sum3A [0] : vector<200x128xf32> to vector<128xf32>
    %broadcast_in_dim3A_395 = vector.shape_cast %reduce_sum3A_394 : vector<128xf32> to vector<1x128xf32>
    %eq3A = arith.constant 0 : i32
    %eq3A_396 = arith.cmpi eq, %arg0, %eq3A : i32
    %convert_element_type3A = arith.extui %eq3A_396 : i1 to i32
    %cond3A = arith.constant 0 : i32
    %cond3A_397 = arith.cmpi ne, %convert_element_type3A, %cond3A : i32
    scf.if %cond3A_397 {
      %get3A_407 = arith.constant 0 : index
      %get3A_408 = arith.constant 0 : index
      %get3A_409 = vector.load %arg14[%get3A_407, %get3A_408] : memref<1x128xf32, #tpu.memory_space<vmem>>, vector<1x128xf32>
      %add3A_410 = arith.addf %get3A_409, %broadcast_in_dim3A_395 : vector<1x128xf32>
      %swap3A = arith.constant 0 : index
      %swap3A_411 = arith.constant 0 : index
      %swap3A_412 = vector.load %arg23[%swap3A, %swap3A_411] : memref<1x128xf32, #tpu.memory_space<vmem>>, vector<1x128xf32>
      tpu.vector_store %arg23[%swap3A, %swap3A_411], %add3A_410 {strides = array<i32>} : memref<1x128xf32, #tpu.memory_space<vmem>>, vector<1x128xf32>,
    } else {
    }
    %gt3A = arith.constant 0 : i32
    %gt3A_398 = arith.cmpi sgt, %arg0, %gt3A : i32
    %convert_element_type3A_399 = arith.extui %gt3A_398 : i1 to i32
    %cond3A_400 = arith.constant 0 : i32
    %cond3A_401 = arith.cmpi ne, %convert_element_type3A_399, %cond3A_400 : i32
    scf.if %cond3A_401 {
      %get3A_407 = arith.constant 0 : index
      %get3A_408 = arith.constant 0 : index
      %get3A_409 = vector.load %arg23[%get3A_407, %get3A_408] : memref<1x128xf32, #tpu.memory_space<vmem>>, vector<1x128xf32>
      %add3A_410 = arith.addf %get3A_409, %broadcast_in_dim3A_395 : vector<1x128xf32>
      %swap3A = arith.constant 0 : index
      %swap3A_411 = arith.constant 0 : index
      %swap3A_412 = vector.load %arg23[%swap3A, %swap3A_411] : memref<1x128xf32, #tpu.memory_space<vmem>>, vector<1x128xf32>
      tpu.vector_store %arg23[%swap3A, %swap3A_411], %add3A_410 {strides = array<i32>} : memref<1x128xf32, #tpu.memory_space<vmem>>, vector<1x128xf32>,
    } else {
    }
    %eq3A_402 = arith.constant 24 : i32
    %eq3A_403 = arith.cmpi eq, %arg0, %eq3A_402 : i32
    %convert_element_type3A_404 = arith.extui %eq3A_403 : i1 to i32
    %cond3A_405 = arith.constant 0 : i32
    %cond3A_406 = arith.cmpi ne, %convert_element_type3A_404, %cond3A_405 : i32
    scf.if %cond3A_406 {
      %get3A_407 = arith.constant 0 : index
      %get3A_408 = arith.constant 0 : index
      %get3A_409 = vector.load %arg23[%get3A_407, %get3A_408] : memref<1x128xf32, #tpu.memory_space<vmem>>, vector<1x128xf32>
      %mul3A_410 = arith.constant 9.99999974E-5 : f32
      %mul3A_411 = vector.broadcast %mul3A_410 : f32 to vector<1x128xf32>
      %mul3A_412 = arith.mulf %get3A_409, %mul3A_411 : vector<1x128xf32>
      %get3A_413 = arith.constant 0 : index
      %get3A_414 = arith.constant 0 : index
      %get3A_415 = vector.load %arg15[%get3A_413, %get3A_414] : memref<1x16xf32, #tpu.memory_space<vmem>>, vector<1x16xf32>
      %concatenate3A_416 = tpu.concatenate %mul3A_412, %get3A_415 in 1 : vector<1x128xf32>, vector<1x16xf32> -> vector<1x144xf32>
      %get3A_417 = arith.constant 0 : index
      %get3A_418 = arith.constant 0 : index
      %get3A_419 = vector.load %arg16[%get3A_417, %get3A_418] : memref<144x256xf32, #tpu.memory_space<vmem>>, vector<144x256xf32>
      %dot_general3A_420 = arith.constant dense<0.000000e+00> : vector<1x256xf32>
      %dot_general3A_421 = tpu.matmul %concatenate3A_416, %get3A_419, %dot_general3A_420 {dimension_numbers = #tpu.dot_dimension_numbers<[1], [0], [0], [1], [0, 0, 1, 1], [], []>, transpose_lhs_hint = false} : vector<1x144xf32>, vector<144x256xf32>, vector<1x256xf32> -> vector<1x256xf32>
      %get3A_422 = arith.constant 0 : index
      %get3A_423 = arith.constant 0 : index
      %get3A_424 = vector.load %arg17[%get3A_422, %get3A_423] : memref<1x256xf32, #tpu.memory_space<vmem>>, vector<1x256xf32>
      %add3A_425 = arith.addf %dot_general3A_421, %get3A_424 : vector<1x256xf32>
      %max3A_426 = arith.constant 0.000000e+00 : f32
      %max3A_427 = vector.broadcast %max3A_426 : f32 to vector<1x256xf32>
      %max3A_428 = arith.maximumf %max3A_427, %add3A_425 : vector<1x256xf32>
      %get3A_429 = arith.constant 0 : index
      %get3A_430 = arith.constant 0 : index
      %get3A_431 = vector.load %arg18[%get3A_429, %get3A_430] : memref<256x256xf32, #tpu.memory_space<vmem>>, vector<256x256xf32>
      %dot_general3A_432 = arith.constant dense<0.000000e+00> : vector<1x256xf32>
      %dot_general3A_433 = tpu.matmul %max3A_428, %get3A_431, %dot_general3A_432 {dimension_numbers = #tpu.dot_dimension_numbers<[1], [0], [0], [1], [0, 0, 1, 1], [], []>, transpose_lhs_hint = false} : vector<1x256xf32>, vector<256x256xf32>, vector<1x256xf32> -> vector<1x256xf32>
      %get3A_434 = arith.constant 0 : index
      %get3A_435 = arith.constant 0 : index
      %get3A_436 = vector.load %arg19[%get3A_434, %get3A_435] : memref<1x256xf32, #tpu.memory_space<vmem>>, vector<1x256xf32>
      %add3A_437 = arith.addf %dot_general3A_433, %get3A_436 : vector<1x256xf32>
      %max3A_438 = arith.constant 0.000000e+00 : f32
      %max3A_439 = vector.broadcast %max3A_438 : f32 to vector<1x256xf32>
      %max3A_440 = arith.maximumf %max3A_439, %add3A_437 : vector<1x256xf32>
      %get3A_441 = arith.constant 0 : index
      %get3A_442 = arith.constant 0 : index
      %get3A_443 = vector.load %arg20[%get3A_441, %get3A_442] : memref<256x1xf32, #tpu.memory_space<vmem>>, vector<256x1xf32>
      %dot_general3A_444 = arith.constant dense<0.000000e+00> : vector<1x1xf32>
      %dot_general3A_445 = tpu.matmul %max3A_440, %get3A_443, %dot_general3A_444 {dimension_numbers = #tpu.dot_dimension_numbers<[1], [0], [0], [1], [0, 0, 1, 1], [], []>, transpose_lhs_hint = false} : vector<1x256xf32>, vector<256x1xf32>, vector<1x1xf32> -> vector<1x1xf32>
      %get3A_446 = arith.constant 0 : index
      %get3A_447 = arith.constant 0 : index
      %get3A_448 = vector.load %arg21[%get3A_446, %get3A_447] : memref<1x1xf32, #tpu.memory_space<vmem>>, vector<1x1xf32>
      %add3A_449 = arith.addf %dot_general3A_445, %get3A_448 : vector<1x1xf32>
      %swap3A = arith.constant 0 : index
      %swap3A_450 = arith.constant 0 : index
      %swap3A_451 = vector.load %arg22[%swap3A, %swap3A_450] : memref<1x1xf32, #tpu.memory_space<vmem>>, vector<1x1xf32>
      tpu.vector_store %arg22[%swap3A, %swap3A_450], %add3A_449 {strides = array<i32>} : memref<1x1xf32, #tpu.memory_space<vmem>>, vector<1x1xf32>,
    } else {
    }
    return
  }
  func.func @transform_0(%arg0: i32) -> (i32, i32) {
    %c0_i32 = arith.constant 0 : i32
    %c0_i32_0 = arith.constant 0 : i32
    return %arg0, %c0_i32 : i32, i32
  }
  func.func @transform_1(%arg0: i32) -> (i32, i32) {
    %c0_i32 = arith.constant 0 : i32
    %c0_i32_0 = arith.constant 0 : i32
    return %arg0, %c0_i32 : i32, i32
  }
  func.func @transform_2(%arg0: i32) -> (i32, i32) {
    %c0_i32 = arith.constant 0 : i32
    %c0_i32_0 = arith.constant 0 : i32
    return %arg0, %c0_i32 : i32, i32
  }
  func.func @transform_3(%arg0: i32) -> (i32, i32) {
    %c0_i32 = arith.constant 0 : i32
    %c0_i32_0 = arith.constant 0 : i32
    return %arg0, %c0_i32 : i32, i32
  }
  func.func @transform_4(%arg0: i32) -> (i32, i32) {
    %c0_i32 = arith.constant 0 : i32
    %c0_i32_0 = arith.constant 0 : i32
    return %arg0, %c0_i32 : i32, i32
  }
  func.func @transform_5(%arg0: i32) -> (i32, i32) {
    %c0_i32 = arith.constant 0 : i32
    %c0_i32_0 = arith.constant 0 : i32
    return %arg0, %c0_i32 : i32, i32
  }
  func.func @transform_6(%arg0: i32) -> (i32, i32) {
    %c0_i32 = arith.constant 0 : i32
    %c0_i32_0 = arith.constant 0 : i32
    return %arg0, %c0_i32 : i32, i32
  }
  func.func @transform_7(%arg0: i32) -> (i32, i32, i32) {
    %c0_i32 = arith.constant 0 : i32
    %c0_i32_0 = arith.constant 0 : i32
    %c0_i32_1 = arith.constant 0 : i32
    %c0_i32_2 = arith.constant 0 : i32
    return %c0_i32, %c0_i32_0, %c0_i32_1 : i32, i32, i32
  }
  func.func @transform_8(%arg0: i32) -> (i32, i32) {
    %c0_i32 = arith.constant 0 : i32
    %c0_i32_0 = arith.constant 0 : i32
    %c0_i32_1 = arith.constant 0 : i32
    return %c0_i32, %c0_i32_0 : i32, i32
  }
  func.func @transform_9(%arg0: i32) -> (i32, i32) {
    %c0_i32 = arith.constant 0 : i32
    %c0_i32_0 = arith.constant 0 : i32
    return %arg0, %c0_i32 : i32, i32
  }
  func.func @transform_10(%arg0: i32) -> (i32, i32, i32) {
    %c0_i32 = arith.constant 0 : i32
    %c0_i32_0 = arith.constant 0 : i32
    %c0_i32_1 = arith.constant 0 : i32
    %c0_i32_2 = arith.constant 0 : i32
    return %c0_i32, %c0_i32_0, %c0_i32_1 : i32, i32, i32
  }
  func.func @transform_11(%arg0: i32) -> (i32, i32) {
    %c0_i32 = arith.constant 0 : i32
    %c0_i32_0 = arith.constant 0 : i32
    %c0_i32_1 = arith.constant 0 : i32
    return %c0_i32, %c0_i32_0 : i32, i32
  }
  func.func @transform_12(%arg0: i32) -> (i32, i32) {
    %c0_i32 = arith.constant 0 : i32
    %c0_i32_0 = arith.constant 0 : i32
    %c0_i32_1 = arith.constant 0 : i32
    return %c0_i32, %c0_i32_0 : i32, i32
  }
  func.func @transform_13(%arg0: i32) -> (i32, i32) {
    %c0_i32 = arith.constant 0 : i32
    %c0_i32_0 = arith.constant 0 : i32
    %c0_i32_1 = arith.constant 0 : i32
    return %c0_i32, %c0_i32_0 : i32, i32
  }
  func.func @transform_14(%arg0: i32) -> (i32, i32) {
    %c0_i32 = arith.constant 0 : i32
    %c0_i32_0 = arith.constant 0 : i32
    %c0_i32_1 = arith.constant 0 : i32
    return %c0_i32, %c0_i32_0 : i32, i32
  }
  func.func @transform_15(%arg0: i32) -> (i32, i32) {
    %c0_i32 = arith.constant 0 : i32
    %c0_i32_0 = arith.constant 0 : i32
    %c0_i32_1 = arith.constant 0 : i32
    return %c0_i32, %c0_i32_0 : i32, i32
  }
  func.func @transform_16(%arg0: i32) -> (i32, i32) {
    %c0_i32 = arith.constant 0 : i32
    %c0_i32_0 = arith.constant 0 : i32
    %c0_i32_1 = arith.constant 0 : i32
    return %c0_i32, %c0_i32_0 : i32, i32
  }
  func.func @transform_17(%arg0: i32) -> (i32, i32) {
    %c0_i32 = arith.constant 0 : i32
    %c0_i32_0 = arith.constant 0 : i32
    %c0_i32_1 = arith.constant 0 : i32
    return %c0_i32, %c0_i32_0 : i32, i32
  }
  func.func @transform_18(%arg0: i32) -> (i32, i32) {
    %c0_i32 = arith.constant 0 : i32
    %c0_i32_0 = arith.constant 0 : i32
    %c0_i32_1 = arith.constant 0 : i32
    return %c0_i32, %c0_i32_0 : i32, i32
  }
  func.func @transform_19(%arg0: i32) -> (i32, i32) {
    %c0_i32 = arith.constant 0 : i32
    %c0_i32_0 = arith.constant 0 : i32
    %c0_i32_1 = arith.constant 0 : i32
    return %c0_i32, %c0_i32_0 : i32, i32
  }
  func.func @transform_20(%arg0: i32) -> (i32, i32) {
    %c0_i32 = arith.constant 0 : i32
    %c0_i32_0 = arith.constant 0 : i32
    %c0_i32_1 = arith.constant 0 : i32
    return %c0_i32, %c0_i32_0 : i32, i32
  }
  func.func @transform_21(%arg0: i32) -> (i32, i32) {
    %c0_i32 = arith.constant 0 : i32
    %c0_i32_0 = arith.constant 0 : i32
    %c0_i32_1 = arith.constant 0 : i32
    return %c0_i32, %c0_i32_0 : i32, i32
  }
}

</mosaic_0001>

<sc_bundles>
// kernel: kernel.10.cloned.1.call-start
scs
__scs_entry_jumppad:
0x0: {  	(pc) =	sbr.rel $0x88, $3  }
0x1: {  	(tag) =	ssettag $0x0;
	lr =	simm.s32 $0x1  }
0x2: {  	[smem:$0x3F91] =	sst lr;
	_ =	strace $0xD0000000  }
0x3: {  	_ = 	snop  }
0x4: {  	_ = 	snop  }
0x5: {  	_ = 	snop  }
0x6: {  	_ = 	snop  }
0x7: {  	_ = 	snop  }
__scs_overlays_trampoline_lowered:
0x8: {  	[smem:$0x3FA0] =	sst s0  }
0x9: {  	[smem:$0x3FA1] =	sst s1  }
0xa: {  	[smem:$0x3FA2] =	sst s2  }
0xb: {  	[smem:$0x3FA3] =	sst s3  }
0xc: {  	[smem:$0x3FA4] =	sst s4  }
0xd: {  	[smem:$0x3FA5] =	sst s5  }
0xe: {  	[smem:$0x3FA6] =	sst s6  }
0xf: {  	[smem:$0x3FA7] =	sst s7  }
0x10: {  	[smem:$0x3FA8] =	sst s8  }
0x11: {  	[smem:$0x3FA9] =	sst s9;
	s0 =	simm.s32 @!p0 $0x0  }
0x12: {  	s1 =	sld [smem:$0x3F8F];
	s0 =	simm.s32 @p0 $0x1  }
0x13: {  	[smem:$0x3FAA] =	sst s0;
	s0 =	simm.s32 @!p1 $0x0  }
0x14: {  	s2 =	sld [smem:$0x3F8E];
	s0 =	simm.s32 @p1 $0x1  }
0x15: {  	[smem:$0x3FAB] =	sst s0;
	s0 =	simm.s32 @!p2 $0x0  }
0x16: {  	s3 =	sld [smem:$0x3FDB];
	s0 =	simm.s32 @p2 $0x1  }
0x17: {  	s4 =	simm.s32 $0x1BF5;
	[smem:$0x3FAD] =	sst s0  }
0x18: {  	s0 =	sld [smem:$0x3F90];
	_ =	swait.ge [sflag:s4], $0x0  }
0x19: {  	s7 =	sld [smem:$0x3F91]  }
0x1a: {  	s8 =	sadd.s32 $0xFFFFE003, lr  }
0x1b: {  	s9 =	sadd.s32 $0xFFFFFEF7, lr;
	s5 =	simm.s32 $0xFFFFFFFF;
	p2 =	slt.u32 s8, $0xFFFFF086  }
0x1c: {  	p1 =	slt.u32 s9, $0xF7A;
	s5 =	simm.s32 @!p2 $0x0  }
0x1d: {  	s5 =	simm.s32 @p1 $0x1;
	p0 =	seq.s32 s7, s2  }
0x1e: {  	s7 =	smul.u32 @!p0 $0xF7A, s2;
	p2 =	seq.s32 @!p0 s5, $0x0  }
0x1f: {  	s9 =	smul.u32 $0xF7A, s1;
	s8 =	simm.s32 @!p0 $0x1BF5;
	p2 =	por !p2, p0  }
0x20: {  	[sflag:s8] =	ssyncset.s32 @!p0 $0xFFFFF086;
	s6 =	sadd.s32 @!p0 s3, s7;
	s7 =	simm.s32 @!p0 $0x108  }
0x21: {  	s3 =	sadd.s32 s3, s9;
	s6 =	sadd.s32 @!p0 $0x88, s6;
	s7 =	simm.s32 @p2 $0x1082  }
0x22: {  	[simem:s7], [sflag:s8] =	dma.local @!p0 [hbm:s6], $0xF7A  }
0x23: {  	s9 =	sor.u32 $0xD0000000, s2;
	s6 =	simm.s32 $0x108;
	_ =	swait.ge @!p0 [sflag:s8], $0x0  }
0x24: {  	s3 =	sadd.s32 $0x88, s3;
	s6 =	simm.s32 @!p1 $0x1082;
	[sflag:s4] =	ssyncset.s32 $0xFFFFF086  }
0x25: {  	[simem:s6], [sflag:s4] =	dma.local [hbm:s3], $0xF7A  }
0x26: {  	[smem:$0x3F91] =	sst s1;
	(tag) =	ssettag s2;
	_ =	strace s9  }
0x27: {  	s1 =	sld [smem:$0x3FA1]  }
0x28: {  	s2 =	sld [smem:$0x3FA2]  }
0x29: {  	s4 =	sld [smem:$0x3FA4]  }
0x2a: {  	p0 =	seq.s32 s5, $0x0;
	s5 =	sld [smem:$0x3FA5]  }
0x2b: {  	s6 =	sld [smem:$0x3FA6]  }
0x2c: {  	s7 =	sld [smem:$0x3FA7]  }
0x2d: {  	s3 =	simm.s32 $0x108;
	s8 =	sld [smem:$0x3FA8]  }
0x2e: {  	s3 =	simm.s32 @!p0 $0x1082;
	s9 =	sld [smem:$0x3FA9]  }
0x2f: {  	lr =	sadd.s32 s0, s3;
	s0 =	sld [smem:$0x3FA0]  }
0x30: {  	s3 =	sld [smem:$0x3FA3]  }
0x31: {  	[smem:$0x3FAC] =	sst s10  }
0x32: {  	s10 =	sld [smem:$0x3FAA];
	_ =	sdelay $0x3  }
0x33: {  	p0 =	seq.s32 s10, $0x1;
	s10 =	sld [smem:$0x3FAC];
	_ =	sdelay $0x3  }
0x34: {  	[smem:$0x3FAC] =	sst s10  }
0x35: {  	s10 =	sld [smem:$0x3FAB];
	_ =	sdelay $0x3  }
0x36: {  	p1 =	seq.s32 s10, $0x1;
	s10 =	sld [smem:$0x3FAC];
	_ =	sdelay $0x3  }
0x37: {  	[smem:$0x3FAC] =	sst s10  }
0x38: {  	s10 =	sld [smem:$0x3FAD]  }
0x39: {  	_ = 	snop;
	(pc) =	sbr.ind lr, $3  }
0x3a: {  	_ = 	snop  }
0x3b: {  	_ = 	snop  }
0x3c: {  	p2 =	seq.s32 s10, $0x1;
	s10 =	sld [smem:$0x3FAC]  }
0x3d: {  	_ =	shalt  }
0x3e: {  	_ =	shalt  }
0x3f: {  	_ =	shalt  }
0x40: {  	_ =	shalt  }
0x41: {  	_ =	shalt  }
0x42: {  	_ =	shalt  }
0x43: {  	_ =	shalt  }
0x44: {  	_ =	shalt  }
0x45: {  	_ =	shalt  }
0x46: {  	_ =	shalt  }
0x47: {  	_ =	shalt  }
0x48: {  	_ =	shalt  }
0x49: {  	_ =	shalt  }
0x4a: {  	_ =	shalt  }
0x4b: {  	_ =	shalt  }
0x4c: {  	_ =	shalt  }
0x4d: {  	_ =	shalt  }
0x4e: {  	_ =	shalt  }
0x4f: {  	_ =	shalt  }
0x50: {  	_ =	shalt  }
0x51: {  	_ =	shalt  }
0x52: {  	_ =	shalt  }
0x53: {  	_ =	shalt  }
0x54: {  	_ =	shalt  }
0x55: {  	_ =	shalt  }
0x56: {  	_ =	shalt  }
0x57: {  	_ =	shalt  }
0x58: {  	_ =	shalt  }
0x59: {  	_ =	shalt  }
0x5a: {  	_ =	shalt  }
0x5b: {  	_ =	shalt  }
0x5c: {  	_ =	shalt  }
0x5d: {  	_ =	shalt  }
0x5e: {  	_ =	shalt  }
0x5f: {  	_ =	shalt  }
0x60: {  	_ =	shalt  }
0x61: {  	_ =	shalt  }
0x62: {  	_ =	shalt  }
0x63: {  	_ =	shalt  }
0x64: {  	_ =	shalt  }
0x65: {  	_ =	shalt  }
0x66: {  	_ =	shalt  }
0x67: {  	_ =	shalt  }
0x68: {  	_ =	shalt  }
0x69: {  	_ =	shalt  }
0x6a: {  	_ =	shalt  }
0x6b: {  	_ =	shalt  }
0x6c: {  	_ =	shalt  }
0x6d: {  	_ =	shalt  }
0x6e: {  	_ =	shalt  }
0x6f: {  	_ =	shalt  }
0x70: {  	_ =	shalt  }
0x71: {  	_ =	shalt  }
0x72: {  	_ =	shalt  }
0x73: {  	_ =	shalt  }
0x74: {  	_ =	shalt  }
0x75: {  	_ =	shalt  }
0x76: {  	_ =	shalt  }
0x77: {  	_ =	shalt  }
0x78: {  	_ =	shalt  }
0x79: {  	_ =	shalt  }
0x7a: {  	_ =	shalt  }
0x7b: {  	_ =	shalt  }
0x7c: {  	_ =	shalt  }
0x7d: {  	_ =	shalt  }
0x7e: {  	_ =	shalt  }
0x7f: {  	_ =	shalt  }
0x80: {  	_ =	shalt  }
0x81: {  	_ =	shalt  }
0x82: {  	_ =	shalt  }
0x83: {  	_ =	shalt  }
0x84: {  	_ =	shalt  }
0x85: {  	_ =	shalt  }
0x86: {  	_ =	shalt  }
0x87: {  	_ =	shalt  }
.Lfunc_end0:
.L_simem_size_0:
called_computation_lowered:
.L_overlay_start_0:
0x88: {  	s2 =	sld [smem:$0x3FD9]  }
0x89: {  	s3 =	sld [smem:$0x3FFE];
	_ =	sdelay $0x1  }
0x8a: {  	s1 =	srdreg.scid  }
0x8b: {  	s0 =	sand.u32 $0x1, s1  }
0x8c: {  	s17 =	sshll.u32 s0, $0xA;
	s2 =	sadd.s32 s3, s2  }
0x8d: {  	s2 =	sadd.s32 s2, s17  }
0x8e: {  	[smem:$0x3FB8] =	sst s2  }
0x8f: {  	_ = 	snop  }
0x90: {  	s18 =	sld [smem:$0x3FC9];
	(tm) =	ssettm $0x1  }
0x91: {  	s19 =	sld [smem:$0x3FFB];
	_ =	sdelay $0x3  }
0x92: {  	_ =	strace s19  }
0x93: {  	s2 =	sld [smem:$0x3FFC];
	_ =	sdelay $0x3  }
0x94: {  	_ =	strace s2  }
0x95: {  	s2 =	sld [smem:$0x3FFD];
	_ =	sdelay $0x3  }
0x96: {  	_ =	strace s2  }
0x97: {  	_ =	strace $0x8FFFFFFF  }
0x98: {  	s20 =	sld [smem:$0x3FDB];
	_ =	sdelay $0x1  }
0x99: {  	s4 =	simm.s32 $_scs_section_size  }
0x9a: {  	s5 =	simm.s32 $_size__tile_overlayer_lowered;
	s6 =	simm.s32 $_tile_overlayer_lowered  }
0x9b: {  	s7 =	simm.s32 $0x1BFF;
	s21 =	sshll.u32 s6, $0x1;
	s4 =	sadd.s32 s4, s20  }
0x9c: {  	s22 =	simm.s32 $0x0;
	s5 =	sshll.u32 s5, $0x1;
	s6 =	sadd.s32 s21, s4  }
0x9d: {  	[timem:s22], [sflag:s7] =	dma.local [hbm:s6], s5  }
0x9e: {  	_ =	swait.ge [sflag:s7], s5  }
0x9f: {  	s5 =	ssub.s32 $0x0, s5;
	[sflag:s7] =	ssyncset.done $0x0  }
0xa0: {  	[sflag:s7] =	ssyncadd.s32 s5;
	_ =	sdelay $0x1  }
0xa1: {  	s23 =	simm.s32 $0x1B8B  }
0xa2: {  	_ =	swait.ge [sflag:s23], $0x1  }
0xa3: {  	[sflag:s23] =	ssyncset.done $0x0  }
0xa4: {  	[sflag:s23] =	ssyncadd.s32 $0xFFFFFFFF  }
0xa5: {  	s5 =	sld [smem:$0x0]  }
0xa6: {  	s6 =	sand.u32 $0xFFFFFFFE, s1  }
0xa7: {  	p0 =	sne.s32 s1, s6  }
0xa8: {  	s6 =	sshll.u32 @p0 s6, $0xE  }
0xa9: {  	s6 =	sadd.s32 @p0 $0x11B8D, s6;
	s7 =	sshll.u32 @p0 s5, $0x11  }
0xaa: {  	s6 =	sor.u32 @p0 s7, s6  }
0xab: {  	[sflag:s6] =	ssyncadd.remote.s32 @p0 $0x1;
	_ =	sdelay $0x1  }
0xac: {  	s6 =	simm.s32 @p0 $0x1B8D  }
0xad: {  	_ =	swait.eq @p0 [sflag:s6], $0x1  }
0xae: {  	[sflag:s6] =	ssyncadd.s32 @p0 $0xFFFFFFFF  }
0xaf: {  	s7 =	sshll.u32 @!p0 s1, $0xE  }
0xb0: {  	s7 =	sor.u32 @!p0 $0x4000, s7;
	s6 =	simm.s32 @!p0 $0x1B8D  }
0xb1: {  	s5 =	sshll.u32 @!p0 s5, $0x11;
	s7 =	sadd.s32 @!p0 $0x11B8D, s7;
	_ =	swait.eq @!p0 [sflag:s6], $0x1  }
0xb2: {  	s5 =	sor.u32 @!p0 s5, s7;
	[sflag:s6] =	ssyncadd.s32 @!p0 $0xFFFFFFFF  }
0xb3: {  	s25 =	simm.s32 $0x1B8E;
	s24 =	sld [smem:$0x3FFE];
	[sflag:s5] =	ssyncadd.remote.s32 @!p0 $0x1  }
0xb4: {  	s26 =	simm.s32 $execute0_lowered;
	[smem:$0x3FD2] =	sst s25  }
0xb5: {  	s6 =	sshll.u32 s26, $0x1;
	_ =	strace $0x80000049;
	[dreg:$0x1] =	wrdreg $0xFFFFFFFF  }
0xb6: {  	s28 =	simm.s32 $_size_execute0_lowered;
	s4 =	sadd.s32 s4, s6;
	[dreg:$0x0] =	wrdreg $0x0  }
0xb7: {  	s6 =	sshll.u32 s28, $0x1;
	[dreg:$0x2] =	wrdreg s4  }
0xb8: {  	[dreg:$0x3] =	wrdreg s6  }
0xb9: {  	[dreg:$0x4] =	wrdreg $0xC0  }
0xba: {  	_ =	task [dreg:s22], $0x5FFFF  }
0xbb: {  	[dreg:$0x1] =	wrdreg $0xFFFFFFFF  }
0xbc: {  	[dreg:$0x0] =	wrdreg $0x60  }
0xbd: {  	[dreg:$0x2] =	wrdreg s24  }
0xbe: {  	[dreg:$0x3] =	wrdreg s18  }
0xbf: {  	[dreg:$0x4] =	wrdreg $0x9  }
0xc0: {  	_ =	task.clear_ibuf [dreg:s22], $0x5FFFF;
	_ =	strace $0x90000049  }
0xc1: {  	s29 =	simm.s32 $0x9;
	_ =	strace $0x8000004B  }
0xc2: {  	_ =	swait.ge [sflag:s29], $0x1  }
0xc3: {  	[sflag:s29] =	ssyncadd.s32 $0xFFFFFFFF  }
0xc4: {  	_ =	strace $0x9000004B  }
0xc5: {  	_ =	sfence  }
0xc6: {  	s30 =	sld [smem:$0x0];
	_ =	sdelay $0x2  }
0xc7: {  	s31 =	sshll.u32 s1, $0xD;
	s1 =	sshrl.u32 s1, $0x2  }
0xc8: {  	s4 =	sand.u32 $0x4000, s31;
	s1 =	sadd.s32 s1, s30  }
0xc9: {  	s0 =	sor.u32 s4, s0;
	s1 =	sshll.u32 s1, $0x11  }
0xca: {  	s0 =	sor.u32 s1, s0  }
0xcb: {  	s0 =	sadd.s32 $0x8F2B, s0  }
0xcc: {  	[sflag:s0] =	ssyncadd.remote.s32 $0x1  }
0xcd: {  	_ =	sfence.sel $0xFFFF  }
0xce: {  	[dreg:$0x0] =	wrdreg $0xFFFFFFFF;
	(pc) =	sbr.abs _section_cstart, $3  }
0xcf: {  	[dreg:$0x1] =	wrdreg $0xFFFFFFFF  }
0xd0: {  	_ =	task.clear_ibuf [dreg:s22], $0x2FFFF;
	_ =	strace $0x9FFFFFFF  }
0xd1: {  	(tm) =	ssettm $0x7FFFFFFF  }
tec
execute0_lowered:
.L_overlay_start_1:
0x0: {  	(tag) =	ssettag $0x1  }
0x1: {  	s7 =	rddreg [dreg:$0x0]  }
0x2: {  	s1 =	rddreg [dreg:$0x1];
	s3 =	simm.s32 $0x0  }
0x3: {  	s4 =	srdreg.scid;
	s0 =	stileid.u32;
	s18 =	simm.s32 $0x197D0  }
0x4: {  	s19 =	simm.s32 $0x19AF0;
	[smem:$0x7FF] =	sst s3;
	s8 =	sand.u32 $0x1, s4  }
0x5: {  	s9 =	smul.u32 $0x2710, s0;
	s10 =	sadd.s32 $0x28C000, s7;
	s4 =	sadd.s32 $0x6A00, s7  }
0x6: {  	s5 =	sadd.s32 $0x6400, s7;
	s6 =	sadd.s32 $0x5E00, s7;
	s12 =	sadd.s32 $0x2A0000, s7  }
0x7: {  	s13 =	sadd.s32 $0x291000, s7;
	s20 =	sadd.s32 $0x29B000, s7;
	s23 =	smul.u32 $0x27100, s0  }
0x8: {  	s17 =	sadd.s32 $0x296000, s7;
	s11 =	smul.u32 $0x1388, s8;
	s14 =	ssub.s32 $0x2, s8  }
0x9: {  	_ =	strace $0x8000004A;
	s8 =	smul.u32 $0x13880, s8;
	s15 =	sshrl.u32 s14, $0x1  }
0xa: {  	s28 =	sadd.s32 s23, s12;
	s23 =	simm.s32 $0x4;
	s9 =	sadd.s32 s11, s9  }
0xb: {  	s21 =	ssub.s32 s14, s15;
	s8 =	sadd.s32 s8, s28;
	s16 =	sshrl.u32 s9, $0x3  }
0xc: {  	s14 =	simm.s32 $0x19640;
	s15 =	simm.s32 $0x19960;
	s22 =	sadd.s32 s16, s20  }
0xd: {  	s9 =	sadd.s32 $0x190, s9;
	s24 =	sadd.s32 s16, s17;
	[dreg:$0x3] =	wrdreg s22  }
0xe: {  	s7 =	smax.u32 s21, $0x1;
	s25 =	sadd.s32 s16, s13;
	[dreg:$0x4] =	wrdreg s24  }
0xf: {  	s21 =	simm.s32 $0x2;
	s26 =	sadd.s32 s16, s10;
	[dreg:$0x5] =	wrdreg s25  }
0x10: {  	s9 =	sshrl.u32 s9, $0x3;
	s16 =	simm.s32 $0xCB20;
	[dreg:$0x6] =	wrdreg s26  }
0x11: {  	s11 =	sadd.s32 s9, s20;
	s29 =	sadd.s32 s9, s17;
	s30 =	sadd.s32 s9, s13  }
0x12: {  	s31 =	sshll.u32 s9, $0x7;
	s10 =	sadd.s32 s9, s10;
	[dreg:$0x7] =	wrdreg s11  }
0x13: {  	s13 =	simm.s32 $0x19320;
	s17 =	simm.s32 $0x194B0;
	[dreg:$0x8] =	wrdreg s29  }
0x14: {  	s20 =	simm.s32 $0x1;
	s22 =	simm.s32 $0x3;
	[dreg:$0x9] =	wrdreg s30  }
0x15: {  	s24 =	simm.s32 $0x0;
	s9 =	sadd.s32 s31, s12;
	[dreg:$0xa] =	wrdreg s10  }
0x16: {  	s10 =	simm.s32 $0x5;
	s11 =	simm.s32 $0x190;
	s12 =	simm.s32 $0x320  }
.LBB2_1:
0x17: {  	s25 =	rddreg [dreg:$0x6]  }
0x18: {  	s25 =	sadd.s32 $0x0, s25  }
0x19: {  	[tilespmem:s3], [sflag:$0x5] =	stream.linear.gather [hbm4b:s25+s3], $0x190, $0x38;
	[tilespmem:$0x19C80] =	vst v63  }
0x1a: {  	_ =	swait.ge [sflag:s10], $0x190  }
0x1b: {  	[sflag:s10] =	ssyncset.done $0x0  }
0x1c: {  	[sflag:s10] =	ssyncadd.s32 $0xFFFFFE70  }
0x1d: {  	[tilespmem:s12], [sflag:$0x1] =	stream.indirect.gather [hbm4b:s1+s11], $0x80, s3, s11, $0xb8;
	[tilespmem:$0x19C80] =	vst v63  }
0x1e: {  	_ = 	snop  }
0x1f: {  	[tilespmem:s13], [sflag:$0x1] =	stream.indirect.gather [hbm4b:s4+s11], $0x1, s3, s11, $0xb8;
	[tilespmem:$0x19C80] =	vst v63  }
0x20: {  	_ = 	snop  }
0x21: {  	[tilespmem:s14], [sflag:$0x1] =	stream.indirect.gather [hbm4b:s5+s11], $0x1, s3, s11, $0xb8;
	[tilespmem:$0x19C80] =	vst v63  }
0x22: {  	s0 =	rddreg [dreg:$0xa]  }
0x23: {  	[tilespmem:s15], [sflag:$0x1] =	stream.indirect.gather [hbm4b:s6+s11], $0x1, s3, s11, $0xb8;
	[tilespmem:$0x19C80] =	vst v63  }
0x24: {  	s25 =	sadd.s32 $0x0, s0  }
0x25: {  	[tilespmem:s11], [sflag:$0x5] =	stream.linear.gather [hbm4b:s25+s3], $0x190, $0x38;
	[tilespmem:$0x19C80] =	vst v63  }
0x26: {  	_ =	swait.ge [sflag:s10], $0x190  }
0x27: {  	[sflag:s10] =	ssyncset.done $0x0  }
0x28: {  	[sflag:s10] =	ssyncadd.s32 $0xFFFFFE70  }
0x29: {  	[tilespmem:s16], [sflag:$0x2] =	stream.indirect.gather [hbm4b:s1+s11], $0x80, s11, s11, $0xb8;
	[tilespmem:$0x19C80] =	vst v63  }
0x2a: {  	_ = 	snop  }
0x2b: {  	[tilespmem:s17], [sflag:$0x2] =	stream.indirect.gather [hbm4b:s4+s11], $0x1, s11, s11, $0xb8;
	[tilespmem:$0x19C80] =	vst v63  }
0x2c: {  	_ = 	snop  }
0x2d: {  	[tilespmem:s18], [sflag:$0x2] =	stream.indirect.gather [hbm4b:s5+s11], $0x1, s11, s11, $0xb8;
	[tilespmem:$0x19C80] =	vst v63  }
0x2e: {  	_ = 	snop  }
0x2f: {  	[tilespmem:s19], [sflag:$0x2] =	stream.indirect.gather [hbm4b:s6+s11], $0x1, s11, s11, $0xb8;
	[tilespmem:$0x19C80] =	vst v63  }
0x30: {  	_ =	swait.ge [sflag:s20], $0xC800  }
0x31: {  	[sflag:s20] =	ssyncset.done $0x0  }
0x32: {  	[sflag:s20] =	ssyncadd.s32 $0xFFFF3800  }
0x33: {  	_ =	swait.ge [sflag:s20], $0x190  }
0x34: {  	[sflag:s20] =	ssyncset.done $0x0  }
0x35: {  	[sflag:s20] =	ssyncadd.s32 $0xFFFFFE70  }
0x36: {  	_ =	swait.ge [sflag:s20], $0x190  }
0x37: {  	[sflag:s20] =	ssyncset.done $0x0  }
0x38: {  	[sflag:s20] =	ssyncadd.s32 $0xFFFFFE70  }
0x39: {  	_ =	swait.ge [sflag:s20], $0x190  }
0x3a: {  	[sflag:s20] =	ssyncset.done $0x0  }
0x3b: {  	s2 =	rddreg [dreg:$0x5];
	[sflag:s20] =	ssyncadd.s32 $0xFFFFFE70  }
0x3c: {  	[hbm4b:s8+s3] =	stream.linear.scatter [tilespmem:s12], [sflag:$0x3], $0xC800, $0x38;
	[tilespmem:$0x19C80] =	vst v63  }
0x3d: {  	s26 =	rddreg [dreg:$0x4];
	s25 =	sadd.s32 $0x0, s2  }
0x3e: {  	[hbm4b:s25+s3] =	stream.linear.scatter [tilespmem:s13], [sflag:$0x3], $0x190, $0x38;
	[tilespmem:$0x19C80] =	vst v63  }
0x3f: {  	s28 =	rddreg [dreg:$0x3];
	s26 =	sadd.s32 $0x0, s26  }
0x40: {  	[hbm4b:s26+s3] =	stream.linear.scatter [tilespmem:s14], [sflag:$0x3], $0x190, $0x38;
	[tilespmem:$0x19C80] =	vst v63  }
0x41: {  	s30 =	sadd.s32 $0x0, s28  }
0x42: {  	[hbm4b:s30+s3] =	stream.linear.scatter [tilespmem:s15], [sflag:$0x3], $0x190, $0x38;
	[tilespmem:$0x19C80] =	vst v63  }
0x43: {  	_ =	swait.ge [sflag:s21], $0xC800  }
0x44: {  	[sflag:s21] =	ssyncset.done $0x0  }
0x45: {  	[sflag:s21] =	ssyncadd.s32 $0xFFFF3800  }
0x46: {  	_ =	swait.ge [sflag:s21], $0x190  }
0x47: {  	[sflag:s21] =	ssyncset.done $0x0  }
0x48: {  	[sflag:s21] =	ssyncadd.s32 $0xFFFFFE70  }
0x49: {  	_ =	swait.ge [sflag:s21], $0x190  }
0x4a: {  	[sflag:s21] =	ssyncset.done $0x0  }
0x4b: {  	[sflag:s21] =	ssyncadd.s32 $0xFFFFFE70  }
0x4c: {  	_ =	swait.ge [sflag:s21], $0x190  }
0x4d: {  	[sflag:s21] =	ssyncset.done $0x0  }
0x4e: {  	s0 =	rddreg [dreg:$0x9];
	[sflag:s21] =	ssyncadd.s32 $0xFFFFFE70  }
0x4f: {  	[hbm4b:s9+s3] =	stream.linear.scatter [tilespmem:s16], [sflag:$0x4], $0xC800, $0x38;
	[tilespmem:$0x19C80] =	vst v63  }
0x50: {  	s2 =	rddreg [dreg:$0x8];
	s25 =	sadd.s32 $0x0, s0  }
0x51: {  	[hbm4b:s25+s3] =	stream.linear.scatter [tilespmem:s17], [sflag:$0x4], $0x190, $0x38;
	[tilespmem:$0x19C80] =	vst v63  }
0x52: {  	s28 =	rddreg [dreg:$0x7];
	s26 =	sadd.s32 $0x0, s2  }
0x53: {  	[hbm4b:s26+s3] =	stream.linear.scatter [tilespmem:s18], [sflag:$0x4], $0x190, $0x38;
	[tilespmem:$0x19C80] =	vst v63  }
0x54: {  	s30 =	sadd.s32 $0x0, s28  }
0x55: {  	[hbm4b:s30+s3] =	stream.linear.scatter [tilespmem:s19], [sflag:$0x4], $0x190, $0x38;
	[tilespmem:$0x19C80] =	vst v63  }
0x56: {  	_ =	swait.ge [sflag:s22], $0xC800  }
0x57: {  	[sflag:s22] =	ssyncset.done $0x0  }
0x58: {  	[sflag:s22] =	ssyncadd.s32 $0xFFFF3800  }
0x59: {  	_ =	swait.ge [sflag:s22], $0x190  }
0x5a: {  	[sflag:s22] =	ssyncset.done $0x0  }
0x5b: {  	[sflag:s22] =	ssyncadd.s32 $0xFFFFFE70  }
0x5c: {  	_ =	swait.ge [sflag:s22], $0x190  }
0x5d: {  	[sflag:s22] =	ssyncset.done $0x0  }
0x5e: {  	[sflag:s22] =	ssyncadd.s32 $0xFFFFFE70  }
0x5f: {  	_ =	swait.ge [sflag:s22], $0x190  }
0x60: {  	[sflag:s22] =	ssyncset.done $0x0  }
0x61: {  	[sflag:s22] =	ssyncadd.s32 $0xFFFFFE70  }
0x62: {  	_ =	swait.ge [sflag:s23], $0xC800  }
0x63: {  	[sflag:s23] =	ssyncset.done $0x0  }
0x64: {  	[sflag:s23] =	ssyncadd.s32 $0xFFFF3800  }
0x65: {  	_ =	swait.ge [sflag:s23], $0x190  }
0x66: {  	[sflag:s23] =	ssyncset.done $0x0  }
0x67: {  	[sflag:s23] =	ssyncadd.s32 $0xFFFFFE70  }
0x68: {  	_ =	swait.ge [sflag:s23], $0x190  }
0x69: {  	[sflag:s23] =	ssyncset.done $0x0  }
0x6a: {  	s29 =	simm.s32 $0xC8;
	[sflag:s23] =	ssyncadd.s32 $0xFFFFFE70  }
0x6b: {  	s28 =	smov.u32 s8;
	s25 =	simm.s32 $0x64;
	_ =	swait.ge [sflag:s23], $0x190  }
0x6c: {  	s26 =	smov.u32 s9;
	s31 =	rddreg [dreg:$0x6];
	[sflag:s23] =	ssyncset.done $0x0  }
.LBB2_2:
0x6d: {  	[sflag:s23] =	ssyncadd.s32 $0xFFFFFE70;
	s31 =	sadd.s32 s25, s31  }
0x6e: {  	[tilespmem:s3], [sflag:$0x5] =	stream.linear.gather [hbm4b:s31+s3], $0x190, $0x38;
	[tilespmem:$0x19C80] =	vst v63  }
0x6f: {  	_ =	swait.ge [sflag:s10], $0x190  }
0x70: {  	[sflag:s10] =	ssyncset.done $0x0  }
0x71: {  	[sflag:s10] =	ssyncadd.s32 $0xFFFFFE70  }
0x72: {  	[tilespmem:s12], [sflag:$0x1] =	stream.indirect.gather [hbm4b:s1+s11], $0x80, s3, s11, $0xb8;
	[tilespmem:$0x19C80] =	vst v63  }
0x73: {  	_ = 	snop  }
0x74: {  	[tilespmem:s13], [sflag:$0x1] =	stream.indirect.gather [hbm4b:s4+s11], $0x1, s3, s11, $0xb8;
	[tilespmem:$0x19C80] =	vst v63  }
0x75: {  	_ = 	snop  }
0x76: {  	[tilespmem:s14], [sflag:$0x1] =	stream.indirect.gather [hbm4b:s5+s11], $0x1, s3, s11, $0xb8;
	[tilespmem:$0x19C80] =	vst v63  }
0x77: {  	s31 =	rddreg [dreg:$0xa]  }
0x78: {  	[tilespmem:s15], [sflag:$0x1] =	stream.indirect.gather [hbm4b:s6+s11], $0x1, s3, s11, $0xb8;
	[tilespmem:$0x19C80] =	vst v63  }
0x79: {  	s31 =	sadd.s32 s25, s31  }
0x7a: {  	[tilespmem:s11], [sflag:$0x5] =	stream.linear.gather [hbm4b:s31+s3], $0x190, $0x38;
	[tilespmem:$0x19C80] =	vst v63  }
0x7b: {  	_ =	swait.ge [sflag:s10], $0x190  }
0x7c: {  	[sflag:s10] =	ssyncset.done $0x0  }
0x7d: {  	[sflag:s10] =	ssyncadd.s32 $0xFFFFFE70  }
0x7e: {  	[tilespmem:s16], [sflag:$0x2] =	stream.indirect.gather [hbm4b:s1+s11], $0x80, s11, s11, $0xb8;
	[tilespmem:$0x19C80] =	vst v63  }
0x7f: {  	_ = 	snop  }
0x80: {  	[tilespmem:s17], [sflag:$0x2] =	stream.indirect.gather [hbm4b:s4+s11], $0x1, s11, s11, $0xb8;
	[tilespmem:$0x19C80] =	vst v63  }
0x81: {  	_ = 	snop  }
0x82: {  	[tilespmem:s18], [sflag:$0x2] =	stream.indirect.gather [hbm4b:s5+s11], $0x1, s11, s11, $0xb8;
	[tilespmem:$0x19C80] =	vst v63  }
0x83: {  	_ = 	snop  }
0x84: {  	[tilespmem:s19], [sflag:$0x2] =	stream.indirect.gather [hbm4b:s6+s11], $0x1, s11, s11, $0xb8;
	[tilespmem:$0x19C80] =	vst v63  }
0x85: {  	_ =	swait.ge [sflag:s20], $0xC800  }
0x86: {  	[sflag:s20] =	ssyncset.done $0x0  }
0x87: {  	[sflag:s20] =	ssyncadd.s32 $0xFFFF3800  }
0x88: {  	_ =	swait.ge [sflag:s20], $0x190  }
0x89: {  	[sflag:s20] =	ssyncset.done $0x0  }
0x8a: {  	[sflag:s20] =	ssyncadd.s32 $0xFFFFFE70  }
0x8b: {  	_ =	swait.ge [sflag:s20], $0x190  }
0x8c: {  	[sflag:s20] =	ssyncset.done $0x0  }
0x8d: {  	[sflag:s20] =	ssyncadd.s32 $0xFFFFFE70  }
0x8e: {  	_ =	swait.ge [sflag:s20], $0x190  }
0x8f: {  	[sflag:s20] =	ssyncset.done $0x0  }
0x90: {  	s28 =	sadd.s32 $0x3200, s28;
	s31 =	rddreg [dreg:$0x5];
	[sflag:s20] =	ssyncadd.s32 $0xFFFFFE70  }
0x91: {  	[hbm4b:s28+s3] =	stream.linear.scatter [tilespmem:s12], [sflag:$0x3], $0xC800, $0x38;
	[tilespmem:$0x19C80] =	vst v63  }
0x92: {  	s0 =	rddreg [dreg:$0x4];
	s31 =	sadd.s32 s25, s31  }
0x93: {  	[hbm4b:s31+s3] =	stream.linear.scatter [tilespmem:s13], [sflag:$0x3], $0x190, $0x38;
	[tilespmem:$0x19C80] =	vst v63  }
0x94: {  	s2 =	rddreg [dreg:$0x3];
	s0 =	sadd.s32 s25, s0  }
0x95: {  	[hbm4b:s0+s3] =	stream.linear.scatter [tilespmem:s14], [sflag:$0x3], $0x190, $0x38;
	[tilespmem:$0x19C80] =	vst v63  }
0x96: {  	s2 =	sadd.s32 s25, s2  }
0x97: {  	[hbm4b:s2+s3] =	stream.linear.scatter [tilespmem:s15], [sflag:$0x3], $0x190, $0x38;
	[tilespmem:$0x19C80] =	vst v63  }
0x98: {  	_ =	swait.ge [sflag:s21], $0xC800  }
0x99: {  	[sflag:s21] =	ssyncset.done $0x0  }
0x9a: {  	[sflag:s21] =	ssyncadd.s32 $0xFFFF3800  }
0x9b: {  	_ =	swait.ge [sflag:s21], $0x190  }
0x9c: {  	[sflag:s21] =	ssyncset.done $0x0  }
0x9d: {  	[sflag:s21] =	ssyncadd.s32 $0xFFFFFE70  }
0x9e: {  	_ =	swait.ge [sflag:s21], $0x190  }
0x9f: {  	[sflag:s21] =	ssyncset.done $0x0  }
0xa0: {  	[sflag:s21] =	ssyncadd.s32 $0xFFFFFE70  }
0xa1: {  	_ =	swait.ge [sflag:s21], $0x190  }
0xa2: {  	[sflag:s21] =	ssyncset.done $0x0  }
0xa3: {  	s26 =	sadd.s32 $0x3200, s26;
	s0 =	rddreg [dreg:$0x9];
	[sflag:s21] =	ssyncadd.s32 $0xFFFFFE70  }
0xa4: {  	[hbm4b:s26+s3] =	stream.linear.scatter [tilespmem:s16], [sflag:$0x4], $0xC800, $0x38;
	[tilespmem:$0x19C80] =	vst v63  }
0xa5: {  	s2 =	rddreg [dreg:$0x8];
	s0 =	sadd.s32 s25, s0  }
0xa6: {  	[hbm4b:s0+s3] =	stream.linear.scatter [tilespmem:s17], [sflag:$0x4], $0x190, $0x38;
	[tilespmem:$0x19C80] =	vst v63  }
0xa7: {  	s31 =	rddreg [dreg:$0x7];
	s2 =	sadd.s32 s25, s2  }
0xa8: {  	[hbm4b:s2+s3] =	stream.linear.scatter [tilespmem:s18], [sflag:$0x4], $0x190, $0x38;
	[tilespmem:$0x19C80] =	vst v63  }
0xa9: {  	s2 =	sadd.s32 s25, s31  }
0xaa: {  	[hbm4b:s2+s3] =	stream.linear.scatter [tilespmem:s19], [sflag:$0x4], $0x190, $0x38;
	[tilespmem:$0x19C80] =	vst v63  }
0xab: {  	_ =	swait.ge [sflag:s22], $0xC800  }
0xac: {  	[sflag:s22] =	ssyncset.done $0x0  }
0xad: {  	[sflag:s22] =	ssyncadd.s32 $0xFFFF3800  }
0xae: {  	_ =	swait.ge [sflag:s22], $0x190  }
0xaf: {  	[sflag:s22] =	ssyncset.done $0x0  }
0xb0: {  	[sflag:s22] =	ssyncadd.s32 $0xFFFFFE70  }
0xb1: {  	_ =	swait.ge [sflag:s22], $0x190  }
0xb2: {  	[sflag:s22] =	ssyncset.done $0x0  }
0xb3: {  	[sflag:s22] =	ssyncadd.s32 $0xFFFFFE70  }
0xb4: {  	_ =	swait.ge [sflag:s22], $0x190  }
0xb5: {  	[sflag:s22] =	ssyncset.done $0x0  }
0xb6: {  	[sflag:s22] =	ssyncadd.s32 $0xFFFFFE70  }
0xb7: {  	_ =	swait.ge [sflag:s23], $0xC800  }
0xb8: {  	[sflag:s23] =	ssyncset.done $0x0  }
0xb9: {  	[sflag:s23] =	ssyncadd.s32 $0xFFFF3800  }
0xba: {  	_ =	swait.ge [sflag:s23], $0x190  }
0xbb: {  	[sflag:s23] =	ssyncset.done $0x0  }
0xbc: {  	p0 =	sne.s32 s29, $0x1F4;
	[sflag:s23] =	ssyncadd.s32 $0xFFFFFE70  }
.Ltmp0:
0xbd: {  	_ =	swait.ge [sflag:s23], $0x190;
	(pc) =	sbr.rel @p0 .LBB2_2-.Ltmp0, $4  }
0xbe: {  	[sflag:s23] =	ssyncset.done $0x0  }
0xbf: {  	[sflag:s23] =	ssyncadd.s32 $0xFFFFFE70  }
0xc0: {  	s30 =	smov.u32 s29;
	s29 =	sadd.s32 $0x64, s29;
	_ =	swait.ge [sflag:s23], $0x190  }
0xc1: {  	s25 =	smov.u32 s30;
	s31 =	rddreg [dreg:$0x6];
	[sflag:s23] =	ssyncset.done $0x0  }
0xc2: {  	[sflag:s23] =	ssyncadd.s32 $0xFFFFFE70;
	s0 =	sadd.s32 s25, s31  }
0xc3: {  	[tilespmem:s3], [sflag:$0x5] =	stream.linear.gather [hbm4b:s0+s3], $0x190, $0x38;
	[tilespmem:$0x19C80] =	vst v63  }
0xc4: {  	_ =	swait.ge [sflag:s10], $0x190  }
0xc5: {  	[sflag:s10] =	ssyncset.done $0x0  }
0xc6: {  	[sflag:s10] =	ssyncadd.s32 $0xFFFFFE70  }
0xc7: {  	[tilespmem:s12], [sflag:$0x1] =	stream.indirect.gather [hbm4b:s1+s11], $0x80, s3, s11, $0xb8;
	[tilespmem:$0x19C80] =	vst v63  }
0xc8: {  	_ = 	snop  }
0xc9: {  	[tilespmem:s13], [sflag:$0x1] =	stream.indirect.gather [hbm4b:s4+s11], $0x1, s3, s11, $0xb8;
	[tilespmem:$0x19C80] =	vst v63  }
0xca: {  	_ = 	snop  }
0xcb: {  	[tilespmem:s14], [sflag:$0x1] =	stream.indirect.gather [hbm4b:s5+s11], $0x1, s3, s11, $0xb8;
	[tilespmem:$0x19C80] =	vst v63  }
0xcc: {  	s2 =	rddreg [dreg:$0xa]  }
0xcd: {  	[tilespmem:s15], [sflag:$0x1] =	stream.indirect.gather [hbm4b:s6+s11], $0x1, s3, s11, $0xb8;
	[tilespmem:$0x19C80] =	vst v63  }
0xce: {  	s0 =	sadd.s32 s25, s2  }
0xcf: {  	[tilespmem:s11], [sflag:$0x5] =	stream.linear.gather [hbm4b:s0+s3], $0x190, $0x38;
	[tilespmem:$0x19C80] =	vst v63  }
0xd0: {  	_ =	swait.ge [sflag:s10], $0x190  }
0xd1: {  	[sflag:s10] =	ssyncset.done $0x0  }
0xd2: {  	[sflag:s10] =	ssyncadd.s32 $0xFFFFFE70  }
0xd3: {  	[tilespmem:s16], [sflag:$0x2] =	stream.indirect.gather [hbm4b:s1+s11], $0x80, s11, s11, $0xb8;
	[tilespmem:$0x19C80] =	vst v63  }
0xd4: {  	_ = 	snop  }
0xd5: {  	[tilespmem:s17], [sflag:$0x2] =	stream.indirect.gather [hbm4b:s4+s11], $0x1, s11, s11, $0xb8;
	[tilespmem:$0x19C80] =	vst v63  }
0xd6: {  	_ = 	snop  }
0xd7: {  	[tilespmem:s18], [sflag:$0x2] =	stream.indirect.gather [hbm4b:s5+s11], $0x1, s11, s11, $0xb8;
	[tilespmem:$0x19C80] =	vst v63  }
0xd8: {  	_ = 	snop  }
0xd9: {  	[tilespmem:s19], [sflag:$0x2] =	stream.indirect.gather [hbm4b:s6+s11], $0x1, s11, s11, $0xb8;
	[tilespmem:$0x19C80] =	vst v63  }
0xda: {  	_ =	swait.ge [sflag:s20], $0xC800  }
0xdb: {  	[sflag:s20] =	ssyncset.done $0x0  }
0xdc: {  	[sflag:s20] =	ssyncadd.s32 $0xFFFF3800  }
0xdd: {  	_ =	swait.ge [sflag:s20], $0x190  }
0xde: {  	[sflag:s20] =	ssyncset.done $0x0  }
0xdf: {  	[sflag:s20] =	ssyncadd.s32 $0xFFFFFE70  }
0xe0: {  	_ =	swait.ge [sflag:s20], $0x190  }
0xe1: {  	[sflag:s20] =	ssyncset.done $0x0  }
0xe2: {  	[sflag:s20] =	ssyncadd.s32 $0xFFFFFE70  }
0xe3: {  	_ =	swait.ge [sflag:s20], $0x190  }
0xe4: {  	[sflag:s20] =	ssyncset.done $0x0  }
0xe5: {  	s2 =	sadd.s32 $0x3200, s28;
	s29 =	rddreg [dreg:$0x5];
	[sflag:s20] =	ssyncadd.s32 $0xFFFFFE70  }
0xe6: {  	[hbm4b:s2+s3] =	stream.linear.scatter [tilespmem:s12], [sflag:$0x3], $0xC800, $0x38;
	[tilespmem:$0x19C80] =	vst v63  }
0xe7: {  	s30 =	rddreg [dreg:$0x4];
	s0 =	sadd.s32 s25, s29  }
0xe8: {  	[hbm4b:s0+s3] =	stream.linear.scatter [tilespmem:s13], [sflag:$0x3], $0x190, $0x38;
	[tilespmem:$0x19C80] =	vst v63  }
0xe9: {  	s31 =	rddreg [dreg:$0x3];
	s29 =	sadd.s32 s25, s30  }
0xea: {  	[hbm4b:s29+s3] =	stream.linear.scatter [tilespmem:s14], [sflag:$0x3], $0x190, $0x38;
	[tilespmem:$0x19C80] =	vst v63  }
0xeb: {  	s30 =	sadd.s32 s25, s31  }
0xec: {  	[hbm4b:s30+s3] =	stream.linear.scatter [tilespmem:s15], [sflag:$0x3], $0x190, $0x38;
	[tilespmem:$0x19C80] =	vst v63  }
0xed: {  	_ =	swait.ge [sflag:s21], $0xC800  }
0xee: {  	[sflag:s21] =	ssyncset.done $0x0  }
0xef: {  	[sflag:s21] =	ssyncadd.s32 $0xFFFF3800  }
0xf0: {  	_ =	swait.ge [sflag:s21], $0x190  }
0xf1: {  	[sflag:s21] =	ssyncset.done $0x0  }
0xf2: {  	[sflag:s21] =	ssyncadd.s32 $0xFFFFFE70  }
0xf3: {  	_ =	swait.ge [sflag:s21], $0x190  }
0xf4: {  	[sflag:s21] =	ssyncset.done $0x0  }
0xf5: {  	[sflag:s21] =	ssyncadd.s32 $0xFFFFFE70  }
0xf6: {  	_ =	swait.ge [sflag:s21], $0x190  }
0xf7: {  	[sflag:s21] =	ssyncset.done $0x0  }
0xf8: {  	s26 =	sadd.s32 $0x3200, s26;
	s31 =	rddreg [dreg:$0x9];
	[sflag:s21] =	ssyncadd.s32 $0xFFFFFE70  }
0xf9: {  	[hbm4b:s26+s3] =	stream.linear.scatter [tilespmem:s16], [sflag:$0x4], $0xC800, $0x38;
	[tilespmem:$0x19C80] =	vst v63  }
0xfa: {  	s28 =	rddreg [dreg:$0x8];
	s0 =	sadd.s32 s25, s31  }
0xfb: {  	[hbm4b:s0+s3] =	stream.linear.scatter [tilespmem:s17], [sflag:$0x4], $0x190, $0x38;
	[tilespmem:$0x19C80] =	vst v63  }
0xfc: {  	s29 =	rddreg [dreg:$0x7];
	s30 =	sadd.s32 s25, s28  }
0xfd: {  	[hbm4b:s30+s3] =	stream.linear.scatter [tilespmem:s18], [sflag:$0x4], $0x190, $0x38;
	[tilespmem:$0x19C80] =	vst v63  }
0xfe: {  	s31 =	sadd.s32 s25, s29  }
0xff: {  	[hbm4b:s31+s3] =	stream.linear.scatter [tilespmem:s19], [sflag:$0x4], $0x190, $0x38;
	[tilespmem:$0x19C80] =	vst v63  }
0x100: {  	_ =	swait.ge [sflag:s22], $0xC800  }
0x101: {  	[sflag:s22] =	ssyncset.done $0x0  }
0x102: {  	[sflag:s22] =	ssyncadd.s32 $0xFFFF3800  }
0x103: {  	_ =	swait.ge [sflag:s22], $0x190  }
0x104: {  	[sflag:s22] =	ssyncset.done $0x0  }
0x105: {  	[sflag:s22] =	ssyncadd.s32 $0xFFFFFE70  }
0x106: {  	_ =	swait.ge [sflag:s22], $0x190  }
0x107: {  	[sflag:s22] =	ssyncset.done $0x0  }
0x108: {  	[sflag:s22] =	ssyncadd.s32 $0xFFFFFE70  }
0x109: {  	_ =	swait.ge [sflag:s22], $0x190  }
0x10a: {  	[sflag:s22] =	ssyncset.done $0x0  }
0x10b: {  	[sflag:s22] =	ssyncadd.s32 $0xFFFFFE70  }
0x10c: {  	_ =	swait.ge [sflag:s23], $0xC800  }
0x10d: {  	[sflag:s23] =	ssyncset.done $0x0  }
0x10e: {  	[sflag:s23] =	ssyncadd.s32 $0xFFFF3800  }
0x10f: {  	_ =	swait.ge [sflag:s23], $0x190  }
0x110: {  	[sflag:s23] =	ssyncset.done $0x0  }
0x111: {  	s24 =	sadd.s32 $0x1, s24;
	[sflag:s23] =	ssyncadd.s32 $0xFFFFFE70  }
0x112: {  	p0 =	sne.s32 s24, s7;
	_ =	swait.ge [sflag:s23], $0x190  }
.Ltmp1:
0x113: {  	[sflag:s23] =	ssyncset.done $0x0;
	(pc) =	sbr.rel @p0 .LBB2_1-.Ltmp1, $4  }
0x114: {  	[sflag:s23] =	ssyncadd.s32 $0xFFFFFE70  }
0x115: {  	_ =	swait.ge [sflag:s23], $0x190  }
0x116: {  	[sflag:s23] =	ssyncset.done $0x0  }
0x117: {  	[sflag:s23] =	ssyncadd.s32 $0xFFFFFE70  }
0x118: {  	_ =	sfence.sel $0x180000  }
0x119: {  	[bflag:$0x0] =	sbarrier.arrive $0xFFFF  }
0x11a: {  	_ =	strace $0x9000004A  }
0x11b: {  	s0 =	stileid.u32;
	[bflag:$0x2] =	sbarrier.arrive $0xFFFF  }
0x11c: {  	p0 =	sne.s32 s0, $0x0;
	s0 =	rddreg [dreg:$0x2]  }
0x11d: {  	s0 =	sadd.s32 @!p0 $0x100000, s0  }
0x11e: {  	[sflag:s0] =	ssyncadd.tile.s32 @!p0 $0x1;
	_ =	shalt  }
.Lfunc_end2:
_tile_overlayer_lowered:
.L_overlay_start_2:
0x11f: {  	(tag) =	ssettag $0x2  }
0x120: {  	s0 =	rddreg [dreg:$0x0];
	s2 =	stileid.u32  }
0x121: {  	s1 =	rddreg [dreg:$0x1];
	p0 =	sne.s32 s2, $0x0  }
0x122: {  	s3 =	rddreg [dreg:$0x2];
	[bflag:$0x3] =	sbarrier.arrive $0xFFFF;
	s2 =	simm.s32 @!p0 $0x1C05  }
0x123: {  	[timem:s3], [sflag:s2] =	dma.local @!p0 [hbm:s0], s1  }
0x124: {  	s0 =	simm.s32 @!p0 $0x5  }
0x125: {  	_ =	swait.ge @!p0 [sflag:s0], s1  }
0x126: {  	s1 =	ssub.s32 @!p0 $0x0, s1;
	[sflag:s0] =	ssyncset.done @!p0 $0x0  }
0x127: {  	[sflag:s0] =	ssyncadd.s32 @!p0 s1  }
0x128: {  	[bflag:$0x3] =	sbarrier.arrive $0xFFFF  }
0x129: {  	_ =	shalt  }

// kernel: kernel.13.cloned.1.call-start
scs
__scs_entry_jumppad:
0x0: {  	(pc) =	sbr.rel $0x88, $3  }
0x1: {  	(tag) =	ssettag $0x0;
	lr =	simm.s32 $0x1  }
0x2: {  	[smem:$0x3F91] =	sst lr;
	_ =	strace $0xD0000000  }
0x3: {  	_ = 	snop  }
0x4: {  	_ = 	snop  }
0x5: {  	_ = 	snop  }
0x6: {  	_ = 	snop  }
0x7: {  	_ = 	snop  }
__scs_overlays_trampoline_lowered:
0x8: {  	[smem:$0x3FA0] =	sst s0  }
0x9: {  	[smem:$0x3FA1] =	sst s1  }
0xa: {  	[smem:$0x3FA2] =	sst s2  }
0xb: {  	[smem:$0x3FA3] =	sst s3  }
0xc: {  	[smem:$0x3FA4] =	sst s4  }
0xd: {  	[smem:$0x3FA5] =	sst s5  }
0xe: {  	[smem:$0x3FA6] =	sst s6  }
0xf: {  	[smem:$0x3FA7] =	sst s7  }
0x10: {  	[smem:$0x3FA8] =	sst s8  }
0x11: {  	[smem:$0x3FA9] =	sst s9;
	s0 =	simm.s32 @!p0 $0x0  }
0x12: {  	s1 =	sld [smem:$0x3F8F];
	s0 =	simm.s32 @p0 $0x1  }
0x13: {  	[smem:$0x3FAA] =	sst s0;
	s0 =	simm.s32 @!p1 $0x0  }
0x14: {  	s2 =	sld [smem:$0x3F8E];
	s0 =	simm.s32 @p1 $0x1  }
0x15: {  	[smem:$0x3FAB] =	sst s0;
	s0 =	simm.s32 @!p2 $0x0  }
0x16: {  	s3 =	sld [smem:$0x3FDB];
	s0 =	simm.s32 @p2 $0x1  }
0x17: {  	s4 =	simm.s32 $0x1BF5;
	[smem:$0x3FAD] =	sst s0  }
0x18: {  	s0 =	sld [smem:$0x3F90];
	_ =	swait.ge [sflag:s4], $0x0  }
0x19: {  	s7 =	sld [smem:$0x3F91]  }
0x1a: {  	s8 =	sadd.s32 $0xFFFFE003, lr  }
0x1b: {  	s9 =	sadd.s32 $0xFFFFFEF7, lr;
	s5 =	simm.s32 $0xFFFFFFFF;
	p2 =	slt.u32 s8, $0xFFFFF086  }
0x1c: {  	p1 =	slt.u32 s9, $0xF7A;
	s5 =	simm.s32 @!p2 $0x0  }
0x1d: {  	s5 =	simm.s32 @p1 $0x1;
	p0 =	seq.s32 s7, s2  }
0x1e: {  	s7 =	smul.u32 @!p0 $0xF7A, s2;
	p2 =	seq.s32 @!p0 s5, $0x0  }
0x1f: {  	s9 =	smul.u32 $0xF7A, s1;
	s8 =	simm.s32 @!p0 $0x1BF5;
	p2 =	por !p2, p0  }
0x20: {  	[sflag:s8] =	ssyncset.s32 @!p0 $0xFFFFF086;
	s6 =	sadd.s32 @!p0 s3, s7;
	s7 =	simm.s32 @!p0 $0x108  }
0x21: {  	s3 =	sadd.s32 s3, s9;
	s6 =	sadd.s32 @!p0 $0x88, s6;
	s7 =	simm.s32 @p2 $0x1082  }
0x22: {  	[simem:s7], [sflag:s8] =	dma.local @!p0 [hbm:s6], $0xF7A  }
0x23: {  	s9 =	sor.u32 $0xD0000000, s2;
	s6 =	simm.s32 $0x108;
	_ =	swait.ge @!p0 [sflag:s8], $0x0  }
0x24: {  	s3 =	sadd.s32 $0x88, s3;
	s6 =	simm.s32 @!p1 $0x1082;
	[sflag:s4] =	ssyncset.s32 $0xFFFFF086  }
0x25: {  	[simem:s6], [sflag:s4] =	dma.local [hbm:s3], $0xF7A  }
0x26: {  	[smem:$0x3F91] =	sst s1;
	(tag) =	ssettag s2;
	_ =	strace s9  }
0x27: {  	s1 =	sld [smem:$0x3FA1]  }
0x28: {  	s2 =	sld [smem:$0x3FA2]  }
0x29: {  	s4 =	sld [smem:$0x3FA4]  }
0x2a: {  	p0 =	seq.s32 s5, $0x0;
	s5 =	sld [smem:$0x3FA5]  }
0x2b: {  	s6 =	sld [smem:$0x3FA6]  }
0x2c: {  	s7 =	sld [smem:$0x3FA7]  }
0x2d: {  	s3 =	simm.s32 $0x108;
	s8 =	sld [smem:$0x3FA8]  }
0x2e: {  	s3 =	simm.s32 @!p0 $0x1082;
	s9 =	sld [smem:$0x3FA9]  }
0x2f: {  	lr =	sadd.s32 s0, s3;
	s0 =	sld [smem:$0x3FA0]  }
0x30: {  	s3 =	sld [smem:$0x3FA3]  }
0x31: {  	[smem:$0x3FAC] =	sst s10  }
0x32: {  	s10 =	sld [smem:$0x3FAA];
	_ =	sdelay $0x3  }
0x33: {  	p0 =	seq.s32 s10, $0x1;
	s10 =	sld [smem:$0x3FAC];
	_ =	sdelay $0x3  }
0x34: {  	[smem:$0x3FAC] =	sst s10  }
0x35: {  	s10 =	sld [smem:$0x3FAB];
	_ =	sdelay $0x3  }
0x36: {  	p1 =	seq.s32 s10, $0x1;
	s10 =	sld [smem:$0x3FAC];
	_ =	sdelay $0x3  }
0x37: {  	[smem:$0x3FAC] =	sst s10  }
0x38: {  	s10 =	sld [smem:$0x3FAD]  }
0x39: {  	_ = 	snop;
	(pc) =	sbr.ind lr, $3  }
0x3a: {  	_ = 	snop  }
0x3b: {  	_ = 	snop  }
0x3c: {  	p2 =	seq.s32 s10, $0x1;
	s10 =	sld [smem:$0x3FAC]  }
0x3d: {  	_ =	shalt  }
0x3e: {  	_ =	shalt  }
0x3f: {  	_ =	shalt  }
0x40: {  	_ =	shalt  }
0x41: {  	_ =	shalt  }
0x42: {  	_ =	shalt  }
0x43: {  	_ =	shalt  }
0x44: {  	_ =	shalt  }
0x45: {  	_ =	shalt  }
0x46: {  	_ =	shalt  }
0x47: {  	_ =	shalt  }
0x48: {  	_ =	shalt  }
0x49: {  	_ =	shalt  }
0x4a: {  	_ =	shalt  }
0x4b: {  	_ =	shalt  }
0x4c: {  	_ =	shalt  }
0x4d: {  	_ =	shalt  }
0x4e: {  	_ =	shalt  }
0x4f: {  	_ =	shalt  }
0x50: {  	_ =	shalt  }
0x51: {  	_ =	shalt  }
0x52: {  	_ =	shalt  }
0x53: {  	_ =	shalt  }
0x54: {  	_ =	shalt  }
0x55: {  	_ =	shalt  }
0x56: {  	_ =	shalt  }
0x57: {  	_ =	shalt  }
0x58: {  	_ =	shalt  }
0x59: {  	_ =	shalt  }
0x5a: {  	_ =	shalt  }
0x5b: {  	_ =	shalt  }
0x5c: {  	_ =	shalt  }
0x5d: {  	_ =	shalt  }
0x5e: {  	_ =	shalt  }
0x5f: {  	_ =	shalt  }
0x60: {  	_ =	shalt  }
0x61: {  	_ =	shalt  }
0x62: {  	_ =	shalt  }
0x63: {  	_ =	shalt  }
0x64: {  	_ =	shalt  }
0x65: {  	_ =	shalt  }
0x66: {  	_ =	shalt  }
0x67: {  	_ =	shalt  }
0x68: {  	_ =	shalt  }
0x69: {  	_ =	shalt  }
0x6a: {  	_ =	shalt  }
0x6b: {  	_ =	shalt  }
0x6c: {  	_ =	shalt  }
0x6d: {  	_ =	shalt  }
0x6e: {  	_ =	shalt  }
0x6f: {  	_ =	shalt  }
0x70: {  	_ =	shalt  }
0x71: {  	_ =	shalt  }
0x72: {  	_ =	shalt  }
0x73: {  	_ =	shalt  }
0x74: {  	_ =	shalt  }
0x75: {  	_ =	shalt  }
0x76: {  	_ =	shalt  }
0x77: {  	_ =	shalt  }
0x78: {  	_ =	shalt  }
0x79: {  	_ =	shalt  }
0x7a: {  	_ =	shalt  }
0x7b: {  	_ =	shalt  }
0x7c: {  	_ =	shalt  }
0x7d: {  	_ =	shalt  }
0x7e: {  	_ =	shalt  }
0x7f: {  	_ =	shalt  }
0x80: {  	_ =	shalt  }
0x81: {  	_ =	shalt  }
0x82: {  	_ =	shalt  }
0x83: {  	_ =	shalt  }
0x84: {  	_ =	shalt  }
0x85: {  	_ =	shalt  }
0x86: {  	_ =	shalt  }
0x87: {  	_ =	shalt  }
.Lfunc_end0:
.L_simem_size_0:
called_computation.1_lowered:
.L_overlay_start_0:
0x88: {  	s2 =	sld [smem:$0x3FD9]  }
0x89: {  	s3 =	sld [smem:$0x3FFE];
	_ =	sdelay $0x1  }
0x8a: {  	s1 =	srdreg.scid  }
0x8b: {  	s0 =	sand.u32 $0x1, s1  }
0x8c: {  	s17 =	sshll.u32 s0, $0xA;
	s2 =	sadd.s32 s3, s2  }
0x8d: {  	s2 =	sadd.s32 s2, s17  }
0x8e: {  	[smem:$0x3FB8] =	sst s2  }
0x8f: {  	_ = 	snop  }
0x90: {  	s2 =	sld [smem:$0x3FC9];
	(tm) =	ssettm $0x1  }
0x91: {  	s18 =	sld [smem:$0x3FFB];
	_ =	sdelay $0x3  }
0x92: {  	_ =	strace s18  }
0x93: {  	s3 =	sld [smem:$0x3FFC];
	_ =	sdelay $0x3  }
0x94: {  	_ =	strace s3  }
0x95: {  	s3 =	sld [smem:$0x3FFD];
	_ =	sdelay $0x3  }
0x96: {  	_ =	strace s3  }
0x97: {  	_ =	strace $0x8FFFFFFF  }
0x98: {  	s19 =	sld [smem:$0x3FDB];
	_ =	sdelay $0x1  }
0x99: {  	s4 =	simm.s32 $_scs_section_size  }
0x9a: {  	s5 =	simm.s32 $_size__tile_overlayer_lowered;
	s6 =	simm.s32 $_tile_overlayer_lowered  }
0x9b: {  	s22 =	simm.s32 $0x1BFF;
	s21 =	sshll.u32 s6, $0x1;
	s3 =	sadd.s32 s4, s19  }
0x9c: {  	s7 =	simm.s32 $0x0;
	s20 =	sshll.u32 s5, $0x1;
	s5 =	sadd.s32 s21, s3  }
0x9d: {  	[timem:s7], [sflag:s22] =	dma.local [hbm:s5], s20  }
0x9e: {  	_ =	swait.ge [sflag:s22], s20  }
0x9f: {  	s4 =	ssub.s32 $0x0, s20;
	[sflag:s22] =	ssyncset.done $0x0  }
0xa0: {  	[sflag:s22] =	ssyncadd.s32 s4;
	_ =	sdelay $0x1  }
0xa1: {  	s23 =	simm.s32 $0x1B8B  }
0xa2: {  	_ =	swait.ge [sflag:s23], $0x1  }
0xa3: {  	[sflag:s23] =	ssyncset.done $0x0  }
0xa4: {  	s25 =	simm.s32 $0x1B8E;
	s24 =	sld [smem:$0x3FFE];
	[sflag:s23] =	ssyncadd.s32 $0xFFFFFFFF  }
0xa5: {  	s26 =	simm.s32 $execute0_lowered;
	[smem:$0x3FD2] =	sst s25  }
0xa6: {  	s5 =	sshll.u32 s26, $0x1;
	_ =	strace $0x80000046;
	[dreg:$0x1] =	wrdreg $0xFFFFFFFF  }
0xa7: {  	s28 =	simm.s32 $_size_execute0_lowered;
	s3 =	sadd.s32 s3, s5;
	[dreg:$0x0] =	wrdreg $0x0  }
0xa8: {  	s5 =	sshll.u32 s28, $0x1;
	[dreg:$0x2] =	wrdreg s3  }
0xa9: {  	[dreg:$0x3] =	wrdreg s5  }
0xaa: {  	[dreg:$0x4] =	wrdreg $0xC0  }
0xab: {  	_ =	task [dreg:s7], $0x5FFFF  }
0xac: {  	[dreg:$0x1] =	wrdreg $0xFFFFFFFF  }
0xad: {  	[dreg:$0x0] =	wrdreg $0x60  }
0xae: {  	[dreg:$0x2] =	wrdreg s24  }
0xaf: {  	[dreg:$0x3] =	wrdreg s2  }
0xb0: {  	[dreg:$0x4] =	wrdreg $0xA  }
0xb1: {  	_ =	task.clear_ibuf [dreg:s7], $0x5FFFF;
	_ =	strace $0x90000046  }
0xb2: {  	s29 =	simm.s32 $0xA;
	_ =	strace $0x80000048  }
0xb3: {  	_ =	swait.ge [sflag:s29], $0x1  }
0xb4: {  	[sflag:s29] =	ssyncadd.s32 $0xFFFFFFFF  }
0xb5: {  	_ =	strace $0x90000048  }
0xb6: {  	_ =	sfence  }
0xb7: {  	s30 =	sld [smem:$0x0];
	_ =	sdelay $0x2  }
0xb8: {  	s31 =	sshll.u32 s1, $0xD;
	s1 =	sshrl.u32 s1, $0x2  }
0xb9: {  	s3 =	sand.u32 $0x4000, s31;
	s1 =	sadd.s32 s1, s30  }
0xba: {  	s0 =	sor.u32 s3, s0;
	s1 =	sshll.u32 s1, $0x11  }
0xbb: {  	s0 =	sor.u32 s1, s0  }
0xbc: {  	s0 =	sadd.s32 $0x8F2B, s0  }
0xbd: {  	[sflag:s0] =	ssyncadd.remote.s32 $0x1  }
0xbe: {  	_ =	sfence.sel $0xFFFF  }
0xbf: {  	[dreg:$0x0] =	wrdreg $0xFFFFFFFF;
	(pc) =	sbr.abs _section_cstart, $3  }
0xc0: {  	[dreg:$0x1] =	wrdreg $0xFFFFFFFF  }
0xc1: {  	_ =	task.clear_ibuf [dreg:s7], $0x2FFFF;
	_ =	strace $0x9FFFFFFF  }
0xc2: {  	(tm) =	ssettm $0x7FFFFFFF  }
0xc3: {  	_ =	shalt  }
tec
execute0_lowered:
.L_overlay_start_1:
0x0: {  	(tag) =	ssettag $0x1  }
0x1: {  	s7 =	rddreg [dreg:$0x0]  }
0x2: {  	s1 =	rddreg [dreg:$0x1];
	s3 =	simm.s32 $0x0  }
0x3: {  	s4 =	srdreg.scid;
	s0 =	stileid.u32;
	s18 =	simm.s32 $0x197D0  }
0x4: {  	s19 =	simm.s32 $0x19AF0;
	[smem:$0x7FF] =	sst s3;
	s8 =	sand.u32 $0x1, s4  }
0x5: {  	s9 =	smul.u32 $0x2710, s0;
	s10 =	sadd.s32 $0x7000, s7;
	s4 =	sadd.s32 $0x6A00, s7  }
0x6: {  	s5 =	sadd.s32 $0x6400, s7;
	s6 =	sadd.s32 $0x5E00, s7;
	s12 =	sadd.s32 $0x1B000, s7  }
0x7: {  	s13 =	sadd.s32 $0xC000, s7;
	s20 =	sadd.s32 $0x16000, s7;
	s23 =	smul.u32 $0x27100, s0  }
0x8: {  	s17 =	sadd.s32 $0x11000, s7;
	s11 =	smul.u32 $0x1388, s8;
	s14 =	ssub.s32 $0x2, s8  }
0x9: {  	_ =	strace $0x80000047;
	s8 =	smul.u32 $0x13880, s8;
	s15 =	sshrl.u32 s14, $0x1  }
0xa: {  	s28 =	sadd.s32 s23, s12;
	s23 =	simm.s32 $0x4;
	s9 =	sadd.s32 s11, s9  }
0xb: {  	s21 =	ssub.s32 s14, s15;
	s8 =	sadd.s32 s8, s28;
	s16 =	sshrl.u32 s9, $0x3  }
0xc: {  	s14 =	simm.s32 $0x19640;
	s15 =	simm.s32 $0x19960;
	s22 =	sadd.s32 s16, s20  }
0xd: {  	s9 =	sadd.s32 $0x190, s9;
	s24 =	sadd.s32 s16, s17;
	[dreg:$0x3] =	wrdreg s22  }
0xe: {  	s7 =	smax.u32 s21, $0x1;
	s25 =	sadd.s32 s16, s13;
	[dreg:$0x4] =	wrdreg s24  }
0xf: {  	s21 =	simm.s32 $0x2;
	s26 =	sadd.s32 s16, s10;
	[dreg:$0x5] =	wrdreg s25  }
0x10: {  	s9 =	sshrl.u32 s9, $0x3;
	s16 =	simm.s32 $0xCB20;
	[dreg:$0x6] =	wrdreg s26  }
0x11: {  	s11 =	sadd.s32 s9, s20;
	s29 =	sadd.s32 s9, s17;
	s30 =	sadd.s32 s9, s13  }
0x12: {  	s31 =	sshll.u32 s9, $0x7;
	s10 =	sadd.s32 s9, s10;
	[dreg:$0x7] =	wrdreg s11  }
0x13: {  	s13 =	simm.s32 $0x19320;
	s17 =	simm.s32 $0x194B0;
	[dreg:$0x8] =	wrdreg s29  }
0x14: {  	s20 =	simm.s32 $0x1;
	s22 =	simm.s32 $0x3;
	[dreg:$0x9] =	wrdreg s30  }
0x15: {  	s24 =	simm.s32 $0x0;
	s9 =	sadd.s32 s31, s12;
	[dreg:$0xa] =	wrdreg s10  }
0x16: {  	s10 =	simm.s32 $0x5;
	s11 =	simm.s32 $0x190;
	s12 =	simm.s32 $0x320  }
.LBB2_1:
0x17: {  	s25 =	rddreg [dreg:$0x6]  }
0x18: {  	s25 =	sadd.s32 $0x0, s25  }
0x19: {  	[tilespmem:s3], [sflag:$0x5] =	stream.linear.gather [hbm4b:s25+s3], $0x190, $0x38;
	[tilespmem:$0x19C80] =	vst v63  }
0x1a: {  	_ =	swait.ge [sflag:s10], $0x190  }
0x1b: {  	[sflag:s10] =	ssyncset.done $0x0  }
0x1c: {  	[sflag:s10] =	ssyncadd.s32 $0xFFFFFE70  }
0x1d: {  	[tilespmem:s12], [sflag:$0x1] =	stream.indirect.gather [hbm4b:s1+s11], $0x80, s3, s11, $0xb8;
	[tilespmem:$0x19C80] =	vst v63  }
0x1e: {  	_ = 	snop  }
0x1f: {  	[tilespmem:s13], [sflag:$0x1] =	stream.indirect.gather [hbm4b:s4+s11], $0x1, s3, s11, $0xb8;
	[tilespmem:$0x19C80] =	vst v63  }
0x20: {  	_ = 	snop  }
0x21: {  	[tilespmem:s14], [sflag:$0x1] =	stream.indirect.gather [hbm4b:s5+s11], $0x1, s3, s11, $0xb8;
	[tilespmem:$0x19C80] =	vst v63  }
0x22: {  	s0 =	rddreg [dreg:$0xa]  }
0x23: {  	[tilespmem:s15], [sflag:$0x1] =	stream.indirect.gather [hbm4b:s6+s11], $0x1, s3, s11, $0xb8;
	[tilespmem:$0x19C80] =	vst v63  }
0x24: {  	s25 =	sadd.s32 $0x0, s0  }
0x25: {  	[tilespmem:s11], [sflag:$0x5] =	stream.linear.gather [hbm4b:s25+s3], $0x190, $0x38;
	[tilespmem:$0x19C80] =	vst v63  }
0x26: {  	_ =	swait.ge [sflag:s10], $0x190  }
0x27: {  	[sflag:s10] =	ssyncset.done $0x0  }
0x28: {  	[sflag:s10] =	ssyncadd.s32 $0xFFFFFE70  }
0x29: {  	[tilespmem:s16], [sflag:$0x2] =	stream.indirect.gather [hbm4b:s1+s11], $0x80, s11, s11, $0xb8;
	[tilespmem:$0x19C80] =	vst v63  }
0x2a: {  	_ = 	snop  }
0x2b: {  	[tilespmem:s17], [sflag:$0x2] =	stream.indirect.gather [hbm4b:s4+s11], $0x1, s11, s11, $0xb8;
	[tilespmem:$0x19C80] =	vst v63  }
0x2c: {  	_ = 	snop  }
0x2d: {  	[tilespmem:s18], [sflag:$0x2] =	stream.indirect.gather [hbm4b:s5+s11], $0x1, s11, s11, $0xb8;
	[tilespmem:$0x19C80] =	vst v63  }
0x2e: {  	_ = 	snop  }
0x2f: {  	[tilespmem:s19], [sflag:$0x2] =	stream.indirect.gather [hbm4b:s6+s11], $0x1, s11, s11, $0xb8;
	[tilespmem:$0x19C80] =	vst v63  }
0x30: {  	_ =	swait.ge [sflag:s20], $0xC800  }
0x31: {  	[sflag:s20] =	ssyncset.done $0x0  }
0x32: {  	[sflag:s20] =	ssyncadd.s32 $0xFFFF3800  }
0x33: {  	_ =	swait.ge [sflag:s20], $0x190  }
0x34: {  	[sflag:s20] =	ssyncset.done $0x0  }
0x35: {  	[sflag:s20] =	ssyncadd.s32 $0xFFFFFE70  }
0x36: {  	_ =	swait.ge [sflag:s20], $0x190  }
0x37: {  	[sflag:s20] =	ssyncset.done $0x0  }
0x38: {  	[sflag:s20] =	ssyncadd.s32 $0xFFFFFE70  }
0x39: {  	_ =	swait.ge [sflag:s20], $0x190  }
0x3a: {  	[sflag:s20] =	ssyncset.done $0x0  }
0x3b: {  	s2 =	rddreg [dreg:$0x5];
	[sflag:s20] =	ssyncadd.s32 $0xFFFFFE70  }
0x3c: {  	[hbm4b:s8+s3] =	stream.linear.scatter [tilespmem:s12], [sflag:$0x3], $0xC800, $0x38;
	[tilespmem:$0x19C80] =	vst v63  }
0x3d: {  	s26 =	rddreg [dreg:$0x4];
	s25 =	sadd.s32 $0x0, s2  }
0x3e: {  	[hbm4b:s25+s3] =	stream.linear.scatter [tilespmem:s13], [sflag:$0x3], $0x190, $0x38;
	[tilespmem:$0x19C80] =	vst v63  }
0x3f: {  	s28 =	rddreg [dreg:$0x3];
	s26 =	sadd.s32 $0x0, s26  }
0x40: {  	[hbm4b:s26+s3] =	stream.linear.scatter [tilespmem:s14], [sflag:$0x3], $0x190, $0x38;
	[tilespmem:$0x19C80] =	vst v63  }
0x41: {  	s30 =	sadd.s32 $0x0, s28  }
0x42: {  	[hbm4b:s30+s3] =	stream.linear.scatter [tilespmem:s15], [sflag:$0x3], $0x190, $0x38;
	[tilespmem:$0x19C80] =	vst v63  }
0x43: {  	_ =	swait.ge [sflag:s21], $0xC800  }
0x44: {  	[sflag:s21] =	ssyncset.done $0x0  }
0x45: {  	[sflag:s21] =	ssyncadd.s32 $0xFFFF3800  }
0x46: {  	_ =	swait.ge [sflag:s21], $0x190  }
0x47: {  	[sflag:s21] =	ssyncset.done $0x0  }
0x48: {  	[sflag:s21] =	ssyncadd.s32 $0xFFFFFE70  }
0x49: {  	_ =	swait.ge [sflag:s21], $0x190  }
0x4a: {  	[sflag:s21] =	ssyncset.done $0x0  }
0x4b: {  	[sflag:s21] =	ssyncadd.s32 $0xFFFFFE70  }
0x4c: {  	_ =	swait.ge [sflag:s21], $0x190  }
0x4d: {  	[sflag:s21] =	ssyncset.done $0x0  }
0x4e: {  	s0 =	rddreg [dreg:$0x9];
	[sflag:s21] =	ssyncadd.s32 $0xFFFFFE70  }
0x4f: {  	[hbm4b:s9+s3] =	stream.linear.scatter [tilespmem:s16], [sflag:$0x4], $0xC800, $0x38;
	[tilespmem:$0x19C80] =	vst v63  }
0x50: {  	s2 =	rddreg [dreg:$0x8];
	s25 =	sadd.s32 $0x0, s0  }
0x51: {  	[hbm4b:s25+s3] =	stream.linear.scatter [tilespmem:s17], [sflag:$0x4], $0x190, $0x38;
	[tilespmem:$0x19C80] =	vst v63  }
0x52: {  	s28 =	rddreg [dreg:$0x7];
	s26 =	sadd.s32 $0x0, s2  }
0x53: {  	[hbm4b:s26+s3] =	stream.linear.scatter [tilespmem:s18], [sflag:$0x4], $0x190, $0x38;
	[tilespmem:$0x19C80] =	vst v63  }
0x54: {  	s30 =	sadd.s32 $0x0, s28  }
0x55: {  	[hbm4b:s30+s3] =	stream.linear.scatter [tilespmem:s19], [sflag:$0x4], $0x190, $0x38;
	[tilespmem:$0x19C80] =	vst v63  }
0x56: {  	_ =	swait.ge [sflag:s22], $0xC800  }
0x57: {  	[sflag:s22] =	ssyncset.done $0x0  }
0x58: {  	[sflag:s22] =	ssyncadd.s32 $0xFFFF3800  }
0x59: {  	_ =	swait.ge [sflag:s22], $0x190  }
0x5a: {  	[sflag:s22] =	ssyncset.done $0x0  }
0x5b: {  	[sflag:s22] =	ssyncadd.s32 $0xFFFFFE70  }
0x5c: {  	_ =	swait.ge [sflag:s22], $0x190  }
0x5d: {  	[sflag:s22] =	ssyncset.done $0x0  }
0x5e: {  	[sflag:s22] =	ssyncadd.s32 $0xFFFFFE70  }
0x5f: {  	_ =	swait.ge [sflag:s22], $0x190  }
0x60: {  	[sflag:s22] =	ssyncset.done $0x0  }
0x61: {  	[sflag:s22] =	ssyncadd.s32 $0xFFFFFE70  }
0x62: {  	_ =	swait.ge [sflag:s23], $0xC800  }
0x63: {  	[sflag:s23] =	ssyncset.done $0x0  }
0x64: {  	[sflag:s23] =	ssyncadd.s32 $0xFFFF3800  }
0x65: {  	_ =	swait.ge [sflag:s23], $0x190  }
0x66: {  	[sflag:s23] =	ssyncset.done $0x0  }
0x67: {  	[sflag:s23] =	ssyncadd.s32 $0xFFFFFE70  }
0x68: {  	_ =	swait.ge [sflag:s23], $0x190  }
0x69: {  	[sflag:s23] =	ssyncset.done $0x0  }
0x6a: {  	s29 =	simm.s32 $0xC8;
	[sflag:s23] =	ssyncadd.s32 $0xFFFFFE70  }
0x6b: {  	s28 =	smov.u32 s8;
	s25 =	simm.s32 $0x64;
	_ =	swait.ge [sflag:s23], $0x190  }
0x6c: {  	s26 =	smov.u32 s9;
	s31 =	rddreg [dreg:$0x6];
	[sflag:s23] =	ssyncset.done $0x0  }
.LBB2_2:
0x6d: {  	[sflag:s23] =	ssyncadd.s32 $0xFFFFFE70;
	s31 =	sadd.s32 s25, s31  }
0x6e: {  	[tilespmem:s3], [sflag:$0x5] =	stream.linear.gather [hbm4b:s31+s3], $0x190, $0x38;
	[tilespmem:$0x19C80] =	vst v63  }
0x6f: {  	_ =	swait.ge [sflag:s10], $0x190  }
0x70: {  	[sflag:s10] =	ssyncset.done $0x0  }
0x71: {  	[sflag:s10] =	ssyncadd.s32 $0xFFFFFE70  }
0x72: {  	[tilespmem:s12], [sflag:$0x1] =	stream.indirect.gather [hbm4b:s1+s11], $0x80, s3, s11, $0xb8;
	[tilespmem:$0x19C80] =	vst v63  }
0x73: {  	_ = 	snop  }
0x74: {  	[tilespmem:s13], [sflag:$0x1] =	stream.indirect.gather [hbm4b:s4+s11], $0x1, s3, s11, $0xb8;
	[tilespmem:$0x19C80] =	vst v63  }
0x75: {  	_ = 	snop  }
0x76: {  	[tilespmem:s14], [sflag:$0x1] =	stream.indirect.gather [hbm4b:s5+s11], $0x1, s3, s11, $0xb8;
	[tilespmem:$0x19C80] =	vst v63  }
0x77: {  	s31 =	rddreg [dreg:$0xa]  }
0x78: {  	[tilespmem:s15], [sflag:$0x1] =	stream.indirect.gather [hbm4b:s6+s11], $0x1, s3, s11, $0xb8;
	[tilespmem:$0x19C80] =	vst v63  }
0x79: {  	s31 =	sadd.s32 s25, s31  }
0x7a: {  	[tilespmem:s11], [sflag:$0x5] =	stream.linear.gather [hbm4b:s31+s3], $0x190, $0x38;
	[tilespmem:$0x19C80] =	vst v63  }
0x7b: {  	_ =	swait.ge [sflag:s10], $0x190  }
0x7c: {  	[sflag:s10] =	ssyncset.done $0x0  }
0x7d: {  	[sflag:s10] =	ssyncadd.s32 $0xFFFFFE70  }
0x7e: {  	[tilespmem:s16], [sflag:$0x2] =	stream.indirect.gather [hbm4b:s1+s11], $0x80, s11, s11, $0xb8;
	[tilespmem:$0x19C80] =	vst v63  }
0x7f: {  	_ = 	snop  }
0x80: {  	[tilespmem:s17], [sflag:$0x2] =	stream.indirect.gather [hbm4b:s4+s11], $0x1, s11, s11, $0xb8;
	[tilespmem:$0x19C80] =	vst v63  }
0x81: {  	_ = 	snop  }
0x82: {  	[tilespmem:s18], [sflag:$0x2] =	stream.indirect.gather [hbm4b:s5+s11], $0x1, s11, s11, $0xb8;
	[tilespmem:$0x19C80] =	vst v63  }
0x83: {  	_ = 	snop  }
0x84: {  	[tilespmem:s19], [sflag:$0x2] =	stream.indirect.gather [hbm4b:s6+s11], $0x1, s11, s11, $0xb8;
	[tilespmem:$0x19C80] =	vst v63  }
0x85: {  	_ =	swait.ge [sflag:s20], $0xC800  }
0x86: {  	[sflag:s20] =	ssyncset.done $0x0  }
0x87: {  	[sflag:s20] =	ssyncadd.s32 $0xFFFF3800  }
0x88: {  	_ =	swait.ge [sflag:s20], $0x190  }
0x89: {  	[sflag:s20] =	ssyncset.done $0x0  }
0x8a: {  	[sflag:s20] =	ssyncadd.s32 $0xFFFFFE70  }
0x8b: {  	_ =	swait.ge [sflag:s20], $0x190  }
0x8c: {  	[sflag:s20] =	ssyncset.done $0x0  }
0x8d: {  	[sflag:s20] =	ssyncadd.s32 $0xFFFFFE70  }
0x8e: {  	_ =	swait.ge [sflag:s20], $0x190  }
0x8f: {  	[sflag:s20] =	ssyncset.done $0x0  }
0x90: {  	s28 =	sadd.s32 $0x3200, s28;
	s31 =	rddreg [dreg:$0x5];
	[sflag:s20] =	ssyncadd.s32 $0xFFFFFE70  }
0x91: {  	[hbm4b:s28+s3] =	stream.linear.scatter [tilespmem:s12], [sflag:$0x3], $0xC800, $0x38;
	[tilespmem:$0x19C80] =	vst v63  }
0x92: {  	s0 =	rddreg [dreg:$0x4];
	s31 =	sadd.s32 s25, s31  }
0x93: {  	[hbm4b:s31+s3] =	stream.linear.scatter [tilespmem:s13], [sflag:$0x3], $0x190, $0x38;
	[tilespmem:$0x19C80] =	vst v63  }
0x94: {  	s2 =	rddreg [dreg:$0x3];
	s0 =	sadd.s32 s25, s0  }
0x95: {  	[hbm4b:s0+s3] =	stream.linear.scatter [tilespmem:s14], [sflag:$0x3], $0x190, $0x38;
	[tilespmem:$0x19C80] =	vst v63  }
0x96: {  	s2 =	sadd.s32 s25, s2  }
0x97: {  	[hbm4b:s2+s3] =	stream.linear.scatter [tilespmem:s15], [sflag:$0x3], $0x190, $0x38;
	[tilespmem:$0x19C80] =	vst v63  }
0x98: {  	_ =	swait.ge [sflag:s21], $0xC800  }
0x99: {  	[sflag:s21] =	ssyncset.done $0x0  }
0x9a: {  	[sflag:s21] =	ssyncadd.s32 $0xFFFF3800  }
0x9b: {  	_ =	swait.ge [sflag:s21], $0x190  }
0x9c: {  	[sflag:s21] =	ssyncset.done $0x0  }
0x9d: {  	[sflag:s21] =	ssyncadd.s32 $0xFFFFFE70  }
0x9e: {  	_ =	swait.ge [sflag:s21], $0x190  }
0x9f: {  	[sflag:s21] =	ssyncset.done $0x0  }
0xa0: {  	[sflag:s21] =	ssyncadd.s32 $0xFFFFFE70  }
0xa1: {  	_ =	swait.ge [sflag:s21], $0x190  }
0xa2: {  	[sflag:s21] =	ssyncset.done $0x0  }
0xa3: {  	s26 =	sadd.s32 $0x3200, s26;
	s0 =	rddreg [dreg:$0x9];
	[sflag:s21] =	ssyncadd.s32 $0xFFFFFE70  }
0xa4: {  	[hbm4b:s26+s3] =	stream.linear.scatter [tilespmem:s16], [sflag:$0x4], $0xC800, $0x38;
	[tilespmem:$0x19C80] =	vst v63  }
0xa5: {  	s2 =	rddreg [dreg:$0x8];
	s0 =	sadd.s32 s25, s0  }
0xa6: {  	[hbm4b:s0+s3] =	stream.linear.scatter [tilespmem:s17], [sflag:$0x4], $0x190, $0x38;
	[tilespmem:$0x19C80] =	vst v63  }
0xa7: {  	s31 =	rddreg [dreg:$0x7];
	s2 =	sadd.s32 s25, s2  }
0xa8: {  	[hbm4b:s2+s3] =	stream.linear.scatter [tilespmem:s18], [sflag:$0x4], $0x190, $0x38;
	[tilespmem:$0x19C80] =	vst v63  }
0xa9: {  	s2 =	sadd.s32 s25, s31  }
0xaa: {  	[hbm4b:s2+s3] =	stream.linear.scatter [tilespmem:s19], [sflag:$0x4], $0x190, $0x38;
	[tilespmem:$0x19C80] =	vst v63  }
0xab: {  	_ =	swait.ge [sflag:s22], $0xC800  }
0xac: {  	[sflag:s22] =	ssyncset.done $0x0  }
0xad: {  	[sflag:s22] =	ssyncadd.s32 $0xFFFF3800  }
0xae: {  	_ =	swait.ge [sflag:s22], $0x190  }
0xaf: {  	[sflag:s22] =	ssyncset.done $0x0  }
0xb0: {  	[sflag:s22] =	ssyncadd.s32 $0xFFFFFE70  }
0xb1: {  	_ =	swait.ge [sflag:s22], $0x190  }
0xb2: {  	[sflag:s22] =	ssyncset.done $0x0  }
0xb3: {  	[sflag:s22] =	ssyncadd.s32 $0xFFFFFE70  }
0xb4: {  	_ =	swait.ge [sflag:s22], $0x190  }
0xb5: {  	[sflag:s22] =	ssyncset.done $0x0  }
0xb6: {  	[sflag:s22] =	ssyncadd.s32 $0xFFFFFE70  }
0xb7: {  	_ =	swait.ge [sflag:s23], $0xC800  }
0xb8: {  	[sflag:s23] =	ssyncset.done $0x0  }
0xb9: {  	[sflag:s23] =	ssyncadd.s32 $0xFFFF3800  }
0xba: {  	_ =	swait.ge [sflag:s23], $0x190  }
0xbb: {  	[sflag:s23] =	ssyncset.done $0x0  }
0xbc: {  	p0 =	sne.s32 s29, $0x1F4;
	[sflag:s23] =	ssyncadd.s32 $0xFFFFFE70  }
.Ltmp0:
0xbd: {  	_ =	swait.ge [sflag:s23], $0x190;
	(pc) =	sbr.rel @p0 .LBB2_2-.Ltmp0, $4  }
0xbe: {  	[sflag:s23] =	ssyncset.done $0x0  }
0xbf: {  	[sflag:s23] =	ssyncadd.s32 $0xFFFFFE70  }
0xc0: {  	s30 =	smov.u32 s29;
	s29 =	sadd.s32 $0x64, s29;
	_ =	swait.ge [sflag:s23], $0x190  }
0xc1: {  	s25 =	smov.u32 s30;
	s31 =	rddreg [dreg:$0x6];
	[sflag:s23] =	ssyncset.done $0x0  }
0xc2: {  	[sflag:s23] =	ssyncadd.s32 $0xFFFFFE70;
	s0 =	sadd.s32 s25, s31  }
0xc3: {  	[tilespmem:s3], [sflag:$0x5] =	stream.linear.gather [hbm4b:s0+s3], $0x190, $0x38;
	[tilespmem:$0x19C80] =	vst v63  }
0xc4: {  	_ =	swait.ge [sflag:s10], $0x190  }
0xc5: {  	[sflag:s10] =	ssyncset.done $0x0  }
0xc6: {  	[sflag:s10] =	ssyncadd.s32 $0xFFFFFE70  }
0xc7: {  	[tilespmem:s12], [sflag:$0x1] =	stream.indirect.gather [hbm4b:s1+s11], $0x80, s3, s11, $0xb8;
	[tilespmem:$0x19C80] =	vst v63  }
0xc8: {  	_ = 	snop  }
0xc9: {  	[tilespmem:s13], [sflag:$0x1] =	stream.indirect.gather [hbm4b:s4+s11], $0x1, s3, s11, $0xb8;
	[tilespmem:$0x19C80] =	vst v63  }
0xca: {  	_ = 	snop  }
0xcb: {  	[tilespmem:s14], [sflag:$0x1] =	stream.indirect.gather [hbm4b:s5+s11], $0x1, s3, s11, $0xb8;
	[tilespmem:$0x19C80] =	vst v63  }
0xcc: {  	s2 =	rddreg [dreg:$0xa]  }
0xcd: {  	[tilespmem:s15], [sflag:$0x1] =	stream.indirect.gather [hbm4b:s6+s11], $0x1, s3, s11, $0xb8;
	[tilespmem:$0x19C80] =	vst v63  }
0xce: {  	s0 =	sadd.s32 s25, s2  }
0xcf: {  	[tilespmem:s11], [sflag:$0x5] =	stream.linear.gather [hbm4b:s0+s3], $0x190, $0x38;
	[tilespmem:$0x19C80] =	vst v63  }
0xd0: {  	_ =	swait.ge [sflag:s10], $0x190  }
0xd1: {  	[sflag:s10] =	ssyncset.done $0x0  }
0xd2: {  	[sflag:s10] =	ssyncadd.s32 $0xFFFFFE70  }
0xd3: {  	[tilespmem:s16], [sflag:$0x2] =	stream.indirect.gather [hbm4b:s1+s11], $0x80, s11, s11, $0xb8;
	[tilespmem:$0x19C80] =	vst v63  }
0xd4: {  	_ = 	snop  }
0xd5: {  	[tilespmem:s17], [sflag:$0x2] =	stream.indirect.gather [hbm4b:s4+s11], $0x1, s11, s11, $0xb8;
	[tilespmem:$0x19C80] =	vst v63  }
0xd6: {  	_ = 	snop  }
0xd7: {  	[tilespmem:s18], [sflag:$0x2] =	stream.indirect.gather [hbm4b:s5+s11], $0x1, s11, s11, $0xb8;
	[tilespmem:$0x19C80] =	vst v63  }
0xd8: {  	_ = 	snop  }
0xd9: {  	[tilespmem:s19], [sflag:$0x2] =	stream.indirect.gather [hbm4b:s6+s11], $0x1, s11, s11, $0xb8;
	[tilespmem:$0x19C80] =	vst v63  }
0xda: {  	_ =	swait.ge [sflag:s20], $0xC800  }
0xdb: {  	[sflag:s20] =	ssyncset.done $0x0  }
0xdc: {  	[sflag:s20] =	ssyncadd.s32 $0xFFFF3800  }
0xdd: {  	_ =	swait.ge [sflag:s20], $0x190  }
0xde: {  	[sflag:s20] =	ssyncset.done $0x0  }
0xdf: {  	[sflag:s20] =	ssyncadd.s32 $0xFFFFFE70  }
0xe0: {  	_ =	swait.ge [sflag:s20], $0x190  }
0xe1: {  	[sflag:s20] =	ssyncset.done $0x0  }
0xe2: {  	[sflag:s20] =	ssyncadd.s32 $0xFFFFFE70  }
0xe3: {  	_ =	swait.ge [sflag:s20], $0x190  }
0xe4: {  	[sflag:s20] =	ssyncset.done $0x0  }
0xe5: {  	s2 =	sadd.s32 $0x3200, s28;
	s29 =	rddreg [dreg:$0x5];
	[sflag:s20] =	ssyncadd.s32 $0xFFFFFE70  }
0xe6: {  	[hbm4b:s2+s3] =	stream.linear.scatter [tilespmem:s12], [sflag:$0x3], $0xC800, $0x38;
	[tilespmem:$0x19C80] =	vst v63  }
0xe7: {  	s30 =	rddreg [dreg:$0x4];
	s0 =	sadd.s32 s25, s29  }
0xe8: {  	[hbm4b:s0+s3] =	stream.linear.scatter [tilespmem:s13], [sflag:$0x3], $0x190, $0x38;
	[tilespmem:$0x19C80] =	vst v63  }
0xe9: {  	s31 =	rddreg [dreg:$0x3];
	s29 =	sadd.s32 s25, s30  }
0xea: {  	[hbm4b:s29+s3] =	stream.linear.scatter [tilespmem:s14], [sflag:$0x3], $0x190, $0x38;
	[tilespmem:$0x19C80] =	vst v63  }
0xeb: {  	s30 =	sadd.s32 s25, s31  }
0xec: {  	[hbm4b:s30+s3] =	stream.linear.scatter [tilespmem:s15], [sflag:$0x3], $0x190, $0x38;
	[tilespmem:$0x19C80] =	vst v63  }
0xed: {  	_ =	swait.ge [sflag:s21], $0xC800  }
0xee: {  	[sflag:s21] =	ssyncset.done $0x0  }
0xef: {  	[sflag:s21] =	ssyncadd.s32 $0xFFFF3800  }
0xf0: {  	_ =	swait.ge [sflag:s21], $0x190  }
0xf1: {  	[sflag:s21] =	ssyncset.done $0x0  }
0xf2: {  	[sflag:s21] =	ssyncadd.s32 $0xFFFFFE70  }
0xf3: {  	_ =	swait.ge [sflag:s21], $0x190  }
0xf4: {  	[sflag:s21] =	ssyncset.done $0x0  }
0xf5: {  	[sflag:s21] =	ssyncadd.s32 $0xFFFFFE70  }
0xf6: {  	_ =	swait.ge [sflag:s21], $0x190  }
0xf7: {  	[sflag:s21] =	ssyncset.done $0x0  }
0xf8: {  	s26 =	sadd.s32 $0x3200, s26;
	s31 =	rddreg [dreg:$0x9];
	[sflag:s21] =	ssyncadd.s32 $0xFFFFFE70  }
0xf9: {  	[hbm4b:s26+s3] =	stream.linear.scatter [tilespmem:s16], [sflag:$0x4], $0xC800, $0x38;
	[tilespmem:$0x19C80] =	vst v63  }
0xfa: {  	s28 =	rddreg [dreg:$0x8];
	s0 =	sadd.s32 s25, s31  }
0xfb: {  	[hbm4b:s0+s3] =	stream.linear.scatter [tilespmem:s17], [sflag:$0x4], $0x190, $0x38;
	[tilespmem:$0x19C80] =	vst v63  }
0xfc: {  	s29 =	rddreg [dreg:$0x7];
	s30 =	sadd.s32 s25, s28  }
0xfd: {  	[hbm4b:s30+s3] =	stream.linear.scatter [tilespmem:s18], [sflag:$0x4], $0x190, $0x38;
	[tilespmem:$0x19C80] =	vst v63  }
0xfe: {  	s31 =	sadd.s32 s25, s29  }
0xff: {  	[hbm4b:s31+s3] =	stream.linear.scatter [tilespmem:s19], [sflag:$0x4], $0x190, $0x38;
	[tilespmem:$0x19C80] =	vst v63  }
0x100: {  	_ =	swait.ge [sflag:s22], $0xC800  }
0x101: {  	[sflag:s22] =	ssyncset.done $0x0  }
0x102: {  	[sflag:s22] =	ssyncadd.s32 $0xFFFF3800  }
0x103: {  	_ =	swait.ge [sflag:s22], $0x190  }
0x104: {  	[sflag:s22] =	ssyncset.done $0x0  }
0x105: {  	[sflag:s22] =	ssyncadd.s32 $0xFFFFFE70  }
0x106: {  	_ =	swait.ge [sflag:s22], $0x190  }
0x107: {  	[sflag:s22] =	ssyncset.done $0x0  }
0x108: {  	[sflag:s22] =	ssyncadd.s32 $0xFFFFFE70  }
0x109: {  	_ =	swait.ge [sflag:s22], $0x190  }
0x10a: {  	[sflag:s22] =	ssyncset.done $0x0  }
0x10b: {  	[sflag:s22] =	ssyncadd.s32 $0xFFFFFE70  }
0x10c: {  	_ =	swait.ge [sflag:s23], $0xC800  }
0x10d: {  	[sflag:s23] =	ssyncset.done $0x0  }
0x10e: {  	[sflag:s23] =	ssyncadd.s32 $0xFFFF3800  }
0x10f: {  	_ =	swait.ge [sflag:s23], $0x190  }
0x110: {  	[sflag:s23] =	ssyncset.done $0x0  }
0x111: {  	s24 =	sadd.s32 $0x1, s24;
	[sflag:s23] =	ssyncadd.s32 $0xFFFFFE70  }
0x112: {  	p0 =	sne.s32 s24, s7;
	_ =	swait.ge [sflag:s23], $0x190  }
.Ltmp1:
0x113: {  	[sflag:s23] =	ssyncset.done $0x0;
	(pc) =	sbr.rel @p0 .LBB2_1-.Ltmp1, $4  }
0x114: {  	[sflag:s23] =	ssyncadd.s32 $0xFFFFFE70  }
0x115: {  	_ =	swait.ge [sflag:s23], $0x190  }
0x116: {  	[sflag:s23] =	ssyncset.done $0x0  }
0x117: {  	[sflag:s23] =	ssyncadd.s32 $0xFFFFFE70  }
0x118: {  	_ =	sfence.sel $0x180000  }
0x119: {  	[bflag:$0x0] =	sbarrier.arrive $0xFFFF  }
0x11a: {  	_ =	strace $0x90000047  }
0x11b: {  	s0 =	stileid.u32;
	[bflag:$0x2] =	sbarrier.arrive $0xFFFF  }
0x11c: {  	p0 =	sne.s32 s0, $0x0;
	s0 =	rddreg [dreg:$0x2]  }
0x11d: {  	s0 =	sadd.s32 @!p0 $0x100000, s0  }
0x11e: {  	[sflag:s0] =	ssyncadd.tile.s32 @!p0 $0x1;
	_ =	shalt  }
.Lfunc_end2:
_tile_overlayer_lowered:
.L_overlay_start_2:
0x11f: {  	(tag) =	ssettag $0x2  }
0x120: {  	s0 =	rddreg [dreg:$0x0];
	s2 =	stileid.u32  }
0x121: {  	s1 =	rddreg [dreg:$0x1];
	p0 =	sne.s32 s2, $0x0  }
0x122: {  	s3 =	rddreg [dreg:$0x2];
	[bflag:$0x3] =	sbarrier.arrive $0xFFFF;
	s2 =	simm.s32 @!p0 $0x1C05  }
0x123: {  	[timem:s3], [sflag:s2] =	dma.local @!p0 [hbm:s0], s1  }
0x124: {  	s0 =	simm.s32 @!p0 $0x5  }
0x125: {  	_ =	swait.ge @!p0 [sflag:s0], s1  }
0x126: {  	s1 =	ssub.s32 @!p0 $0x0, s1;
	[sflag:s0] =	ssyncset.done @!p0 $0x0  }
0x127: {  	[sflag:s0] =	ssyncadd.s32 @!p0 s1  }
0x128: {  	[bflag:$0x3] =	sbarrier.arrive $0xFFFF  }
0x129: {  	_ =	shalt  }

// kernel: kernel.16.cloned.1.call-start
scs
__scs_entry_jumppad:
0x0: {  	(pc) =	sbr.rel $0x88, $3  }
0x1: {  	(tag) =	ssettag $0x0;
	lr =	simm.s32 $0x1  }
0x2: {  	[smem:$0x3F91] =	sst lr;
	_ =	strace $0xD0000000  }
0x3: {  	_ = 	snop  }
0x4: {  	_ = 	snop  }
0x5: {  	_ = 	snop  }
0x6: {  	_ = 	snop  }
0x7: {  	_ = 	snop  }
__scs_overlays_trampoline_lowered:
0x8: {  	[smem:$0x3FA0] =	sst s0  }
0x9: {  	[smem:$0x3FA1] =	sst s1  }
0xa: {  	[smem:$0x3FA2] =	sst s2  }
0xb: {  	[smem:$0x3FA3] =	sst s3  }
0xc: {  	[smem:$0x3FA4] =	sst s4  }
0xd: {  	[smem:$0x3FA5] =	sst s5  }
0xe: {  	[smem:$0x3FA6] =	sst s6  }
0xf: {  	[smem:$0x3FA7] =	sst s7  }
0x10: {  	[smem:$0x3FA8] =	sst s8  }
0x11: {  	[smem:$0x3FA9] =	sst s9;
	s0 =	simm.s32 @!p0 $0x0  }
0x12: {  	s1 =	sld [smem:$0x3F8F];
	s0 =	simm.s32 @p0 $0x1  }
0x13: {  	[smem:$0x3FAA] =	sst s0;
	s0 =	simm.s32 @!p1 $0x0  }
0x14: {  	s2 =	sld [smem:$0x3F8E];
	s0 =	simm.s32 @p1 $0x1  }
0x15: {  	[smem:$0x3FAB] =	sst s0;
	s0 =	simm.s32 @!p2 $0x0  }
0x16: {  	s3 =	sld [smem:$0x3FDB];
	s0 =	simm.s32 @p2 $0x1  }
0x17: {  	s4 =	simm.s32 $0x1BF5;
	[smem:$0x3FAD] =	sst s0  }
0x18: {  	s0 =	sld [smem:$0x3F90];
	_ =	swait.ge [sflag:s4], $0x0  }
0x19: {  	s7 =	sld [smem:$0x3F91]  }
0x1a: {  	s8 =	sadd.s32 $0xFFFFE003, lr  }
0x1b: {  	s9 =	sadd.s32 $0xFFFFFEF7, lr;
	s5 =	simm.s32 $0xFFFFFFFF;
	p2 =	slt.u32 s8, $0xFFFFF086  }
0x1c: {  	p1 =	slt.u32 s9, $0xF7A;
	s5 =	simm.s32 @!p2 $0x0  }
0x1d: {  	s5 =	simm.s32 @p1 $0x1;
	p0 =	seq.s32 s7, s2  }
0x1e: {  	s7 =	smul.u32 @!p0 $0xF7A, s2;
	p2 =	seq.s32 @!p0 s5, $0x0  }
0x1f: {  	s9 =	smul.u32 $0xF7A, s1;
	s8 =	simm.s32 @!p0 $0x1BF5;
	p2 =	por !p2, p0  }
0x20: {  	[sflag:s8] =	ssyncset.s32 @!p0 $0xFFFFF086;
	s6 =	sadd.s32 @!p0 s3, s7;
	s7 =	simm.s32 @!p0 $0x108  }
0x21: {  	s3 =	sadd.s32 s3, s9;
	s6 =	sadd.s32 @!p0 $0x88, s6;
	s7 =	simm.s32 @p2 $0x1082  }
0x22: {  	[simem:s7], [sflag:s8] =	dma.local @!p0 [hbm:s6], $0xF7A  }
0x23: {  	s9 =	sor.u32 $0xD0000000, s2;
	s6 =	simm.s32 $0x108;
	_ =	swait.ge @!p0 [sflag:s8], $0x0  }
0x24: {  	s3 =	sadd.s32 $0x88, s3;
	s6 =	simm.s32 @!p1 $0x1082;
	[sflag:s4] =	ssyncset.s32 $0xFFFFF086  }
0x25: {  	[simem:s6], [sflag:s4] =	dma.local [hbm:s3], $0xF7A  }
0x26: {  	[smem:$0x3F91] =	sst s1;
	(tag) =	ssettag s2;
	_ =	strace s9  }
0x27: {  	s1 =	sld [smem:$0x3FA1]  }
0x28: {  	s2 =	sld [smem:$0x3FA2]  }
0x29: {  	s4 =	sld [smem:$0x3FA4]  }
0x2a: {  	p0 =	seq.s32 s5, $0x0;
	s5 =	sld [smem:$0x3FA5]  }
0x2b: {  	s6 =	sld [smem:$0x3FA6]  }
0x2c: {  	s7 =	sld [smem:$0x3FA7]  }
0x2d: {  	s3 =	simm.s32 $0x108;
	s8 =	sld [smem:$0x3FA8]  }
0x2e: {  	s3 =	simm.s32 @!p0 $0x1082;
	s9 =	sld [smem:$0x3FA9]  }
0x2f: {  	lr =	sadd.s32 s0, s3;
	s0 =	sld [smem:$0x3FA0]  }
0x30: {  	s3 =	sld [smem:$0x3FA3]  }
0x31: {  	[smem:$0x3FAC] =	sst s10  }
0x32: {  	s10 =	sld [smem:$0x3FAA];
	_ =	sdelay $0x3  }
0x33: {  	p0 =	seq.s32 s10, $0x1;
	s10 =	sld [smem:$0x3FAC];
	_ =	sdelay $0x3  }
0x34: {  	[smem:$0x3FAC] =	sst s10  }
0x35: {  	s10 =	sld [smem:$0x3FAB];
	_ =	sdelay $0x3  }
0x36: {  	p1 =	seq.s32 s10, $0x1;
	s10 =	sld [smem:$0x3FAC];
	_ =	sdelay $0x3  }
0x37: {  	[smem:$0x3FAC] =	sst s10  }
0x38: {  	s10 =	sld [smem:$0x3FAD]  }
0x39: {  	_ = 	snop;
	(pc) =	sbr.ind lr, $3  }
0x3a: {  	_ = 	snop  }
0x3b: {  	_ = 	snop  }
0x3c: {  	p2 =	seq.s32 s10, $0x1;
	s10 =	sld [smem:$0x3FAC]  }
0x3d: {  	_ =	shalt  }
0x3e: {  	_ =	shalt  }
0x3f: {  	_ =	shalt  }
0x40: {  	_ =	shalt  }
0x41: {  	_ =	shalt  }
0x42: {  	_ =	shalt  }
0x43: {  	_ =	shalt  }
0x44: {  	_ =	shalt  }
0x45: {  	_ =	shalt  }
0x46: {  	_ =	shalt  }
0x47: {  	_ =	shalt  }
0x48: {  	_ =	shalt  }
0x49: {  	_ =	shalt  }
0x4a: {  	_ =	shalt  }
0x4b: {  	_ =	shalt  }
0x4c: {  	_ =	shalt  }
0x4d: {  	_ =	shalt  }
0x4e: {  	_ =	shalt  }
0x4f: {  	_ =	shalt  }
0x50: {  	_ =	shalt  }
0x51: {  	_ =	shalt  }
0x52: {  	_ =	shalt  }
0x53: {  	_ =	shalt  }
0x54: {  	_ =	shalt  }
0x55: {  	_ =	shalt  }
0x56: {  	_ =	shalt  }
0x57: {  	_ =	shalt  }
0x58: {  	_ =	shalt  }
0x59: {  	_ =	shalt  }
0x5a: {  	_ =	shalt  }
0x5b: {  	_ =	shalt  }
0x5c: {  	_ =	shalt  }
0x5d: {  	_ =	shalt  }
0x5e: {  	_ =	shalt  }
0x5f: {  	_ =	shalt  }
0x60: {  	_ =	shalt  }
0x61: {  	_ =	shalt  }
0x62: {  	_ =	shalt  }
0x63: {  	_ =	shalt  }
0x64: {  	_ =	shalt  }
0x65: {  	_ =	shalt  }
0x66: {  	_ =	shalt  }
0x67: {  	_ =	shalt  }
0x68: {  	_ =	shalt  }
0x69: {  	_ =	shalt  }
0x6a: {  	_ =	shalt  }
0x6b: {  	_ =	shalt  }
0x6c: {  	_ =	shalt  }
0x6d: {  	_ =	shalt  }
0x6e: {  	_ =	shalt  }
0x6f: {  	_ =	shalt  }
0x70: {  	_ =	shalt  }
0x71: {  	_ =	shalt  }
0x72: {  	_ =	shalt  }
0x73: {  	_ =	shalt  }
0x74: {  	_ =	shalt  }
0x75: {  	_ =	shalt  }
0x76: {  	_ =	shalt  }
0x77: {  	_ =	shalt  }
0x78: {  	_ =	shalt  }
0x79: {  	_ =	shalt  }
0x7a: {  	_ =	shalt  }
0x7b: {  	_ =	shalt  }
0x7c: {  	_ =	shalt  }
0x7d: {  	_ =	shalt  }
0x7e: {  	_ =	shalt  }
0x7f: {  	_ =	shalt  }
0x80: {  	_ =	shalt  }
0x81: {  	_ =	shalt  }
0x82: {  	_ =	shalt  }
0x83: {  	_ =	shalt  }
0x84: {  	_ =	shalt  }
0x85: {  	_ =	shalt  }
0x86: {  	_ =	shalt  }
0x87: {  	_ =	shalt  }
.Lfunc_end0:
.L_simem_size_0:
called_computation.2_lowered:
.L_overlay_start_0:
0x88: {  	s2 =	sld [smem:$0x3FD9]  }
0x89: {  	s3 =	sld [smem:$0x3FFE];
	_ =	sdelay $0x1  }
0x8a: {  	s1 =	srdreg.scid  }
0x8b: {  	s0 =	sand.u32 $0x1, s1  }
0x8c: {  	s16 =	sshll.u32 s0, $0xA;
	s2 =	sadd.s32 s3, s2  }
0x8d: {  	s2 =	sadd.s32 s2, s16  }
0x8e: {  	[smem:$0x3FB8] =	sst s2  }
0x8f: {  	_ = 	snop  }
0x90: {  	(tm) =	ssettm $0x1  }
0x91: {  	s17 =	sld [smem:$0x3FFB];
	_ =	sdelay $0x3  }
0x92: {  	_ =	strace s17  }
0x93: {  	s2 =	sld [smem:$0x3FFC];
	_ =	sdelay $0x3  }
0x94: {  	_ =	strace s2  }
0x95: {  	s2 =	sld [smem:$0x3FFD];
	_ =	sdelay $0x3  }
0x96: {  	_ =	strace s2  }
0x97: {  	_ =	strace $0x8FFFFFFF  }
0x98: {  	s18 =	sld [smem:$0x3FDB];
	_ =	sdelay $0x1  }
0x99: {  	s19 =	simm.s32 $_scs_section_size  }
0x9a: {  	s4 =	simm.s32 $_size__tile_overlayer_lowered;
	s5 =	simm.s32 $_tile_overlayer_lowered  }
0x9b: {  	s22 =	simm.s32 $0x1BFF;
	s21 =	sshll.u32 s5, $0x1;
	s2 =	sadd.s32 s19, s18  }
0x9c: {  	s6 =	simm.s32 $0x0;
	s20 =	sshll.u32 s4, $0x1;
	s4 =	sadd.s32 s21, s2  }
0x9d: {  	[timem:s6], [sflag:s22] =	dma.local [hbm:s4], s20  }
0x9e: {  	_ =	swait.ge [sflag:s22], s20  }
0x9f: {  	s3 =	ssub.s32 $0x0, s20;
	[sflag:s22] =	ssyncset.done $0x0  }
0xa0: {  	[sflag:s22] =	ssyncadd.s32 s3;
	_ =	sdelay $0x1  }
0xa1: {  	s23 =	simm.s32 $0x1B8B  }
0xa2: {  	_ =	swait.ge [sflag:s23], $0x1  }
0xa3: {  	[sflag:s23] =	ssyncset.done $0x0  }
0xa4: {  	s25 =	simm.s32 $0x1B8E;
	s24 =	sld [smem:$0x3FFE];
	[sflag:s23] =	ssyncadd.s32 $0xFFFFFFFF  }
0xa5: {  	s26 =	simm.s32 $execute0_lowered;
	[smem:$0x3FD2] =	sst s25  }
0xa6: {  	s4 =	sshll.u32 s26, $0x1;
	_ =	strace $0x8000004C;
	[dreg:$0x1] =	wrdreg $0xFFFFFFFF  }
0xa7: {  	s28 =	simm.s32 $_size_execute0_lowered;
	s2 =	sadd.s32 s2, s4;
	[dreg:$0x0] =	wrdreg $0x0  }
0xa8: {  	s4 =	sshll.u32 s28, $0x1;
	[dreg:$0x2] =	wrdreg s2  }
0xa9: {  	[dreg:$0x3] =	wrdreg s4  }
0xaa: {  	[dreg:$0x4] =	wrdreg $0xC0  }
0xab: {  	_ =	task [dreg:s6], $0x5FFFF  }
0xac: {  	[dreg:$0x1] =	wrdreg $0xFFFFFFFF  }
0xad: {  	[dreg:$0x0] =	wrdreg $0x60  }
0xae: {  	[dreg:$0x2] =	wrdreg s24  }
0xaf: {  	[dreg:$0x3] =	wrdreg $0x9  }
0xb0: {  	_ =	task.clear_ibuf [dreg:s6], $0x4FFFF;
	_ =	strace $0x9000004C  }
0xb1: {  	s29 =	simm.s32 $0x9;
	_ =	strace $0x8000004E  }
0xb2: {  	_ =	swait.ge [sflag:s29], $0x1  }
0xb3: {  	[sflag:s29] =	ssyncadd.s32 $0xFFFFFFFF  }
0xb4: {  	_ =	strace $0x9000004E  }
0xb5: {  	_ =	sfence  }
0xb6: {  	s30 =	sld [smem:$0x0];
	_ =	sdelay $0x2  }
0xb7: {  	s31 =	sshll.u32 s1, $0xD;
	s1 =	sshrl.u32 s1, $0x2  }
0xb8: {  	s3 =	sand.u32 $0x4000, s31;
	s1 =	sadd.s32 s1, s30  }
0xb9: {  	s0 =	sor.u32 s3, s0;
	s1 =	sshll.u32 s1, $0x11  }
0xba: {  	s0 =	sor.u32 s1, s0  }
0xbb: {  	s0 =	sadd.s32 $0x8F2B, s0  }
0xbc: {  	[sflag:s0] =	ssyncadd.remote.s32 $0x1  }
0xbd: {  	_ =	sfence.sel $0xFFFF  }
0xbe: {  	[dreg:$0x0] =	wrdreg $0xFFFFFFFF;
	(pc) =	sbr.abs _section_cstart, $3  }
0xbf: {  	[dreg:$0x1] =	wrdreg $0xFFFFFFFF  }
0xc0: {  	_ =	task.clear_ibuf [dreg:s6], $0x2FFFF;
	_ =	strace $0x9FFFFFFF  }
0xc1: {  	(tm) =	ssettm $0x7FFFFFFF  }
tec
execute0_lowered:
.L_overlay_start_1:
0x0: {  	(tag) =	ssettag $0x1  }
0x1: {  	s4 =	rddreg [dreg:$0x0]  }
0x2: {  	s0 =	rddreg [dreg:$0x1]  }
0x3: {  	s2 =	simm.s32 $0x0;
	s3 =	srdreg.scid;
	s1 =	stileid.u32  }
0x4: {  	s12 =	simm.s32 $0x3520;
	s13 =	simm.s32 $0x1;
	s14 =	simm.s32 $0x2  }
0x5: {  	s15 =	simm.s32 $0x3;
	s16 =	simm.s32 $0x4;
	s17 =	simm.s32 $0x0  }
0x6: {  	[smem:$0x7FF] =	sst s2;
	s5 =	sand.u32 $0x1, s3;
	s6 =	smul.u32 $0x2710, s1  }
0x7: {  	s8 =	sadd.s32 $0x28C000, s4;
	s3 =	sadd.s32 $0x33400, s4;
	s11 =	smul.u32 $0x9C40, s1  }
0x8: {  	s9 =	sadd.s32 $0x3D200, s4;
	s7 =	smul.u32 $0x1388, s5;
	s29 =	ssub.s32 $0x2, s5  }
0x9: {  	_ =	strace $0x8000004D;
	s5 =	smul.u32 $0x4E20, s5;
	s10 =	sshrl.u32 s29, $0x1  }
0xa: {  	s30 =	sadd.s32 s11, s9;
	s11 =	simm.s32 $0x320;
	s6 =	sadd.s32 s7, s6  }
0xb: {  	s4 =	ssub.s32 s29, s10;
	s5 =	sadd.s32 s5, s30;
	s7 =	sadd.s32 $0x190, s6  }
0xc: {  	s10 =	simm.s32 $0x190;
	s6 =	sshrl.u32 s6, $0x3;
	s31 =	sshrl.u32 s7, $0x3  }
0xd: {  	s4 =	smax.u32 s4, $0x1;
	s6 =	sadd.s32 s6, s8;
	s7 =	sshll.u32 s31, $0x5  }
0xe: {  	s8 =	sadd.s32 s31, s8;
	s7 =	sadd.s32 s7, s9;
	s9 =	simm.s32 $0x5  }
.LBB2_1:
0xf: {  	s18 =	sadd.s32 $0x0, s6  }
0x10: {  	[tilespmem:s2], [sflag:$0x5] =	stream.linear.gather [hbm4b:s18+s2], $0x190, $0x38;
	[tilespmem:$0x6720] =	vst v63  }
0x11: {  	_ =	swait.ge [sflag:s9], $0x190  }
0x12: {  	[sflag:s9] =	ssyncset.done $0x0  }
0x13: {  	[sflag:s9] =	ssyncadd.s32 $0xFFFFFE70  }
0x14: {  	[tilespmem:s11], [sflag:$0x1] =	stream.indirect.gather [hbm4b:s3+s10], $0x20, s2, s10, $0xb8;
	[tilespmem:$0x6720] =	vst v63  }
0x15: {  	s31 =	sadd.s32 $0x0, s8  }
0x16: {  	[tilespmem:s10], [sflag:$0x5] =	stream.linear.gather [hbm4b:s31+s2], $0x190, $0x38;
	[tilespmem:$0x6720] =	vst v63  }
0x17: {  	_ =	swait.ge [sflag:s9], $0x190  }
0x18: {  	[sflag:s9] =	ssyncset.done $0x0  }
0x19: {  	[sflag:s9] =	ssyncadd.s32 $0xFFFFFE70  }
0x1a: {  	[tilespmem:s12], [sflag:$0x2] =	stream.indirect.gather [hbm4b:s3+s10], $0x20, s10, s10, $0xb8;
	[tilespmem:$0x6720] =	vst v63  }
0x1b: {  	_ =	swait.ge [sflag:s13], $0x3200  }
0x1c: {  	[sflag:s13] =	ssyncset.done $0x0  }
0x1d: {  	[sflag:s13] =	ssyncadd.s32 $0xFFFFCE00  }
0x1e: {  	[hbm4b:s5+s2] =	stream.linear.scatter [tilespmem:s11], [sflag:$0x3], $0x3200, $0x38;
	[tilespmem:$0x6720] =	vst v63  }
0x1f: {  	_ =	swait.ge [sflag:s14], $0x3200  }
0x20: {  	[sflag:s14] =	ssyncset.done $0x0  }
0x21: {  	[sflag:s14] =	ssyncadd.s32 $0xFFFFCE00  }
0x22: {  	[hbm4b:s7+s2] =	stream.linear.scatter [tilespmem:s12], [sflag:$0x4], $0x3200, $0x38;
	[tilespmem:$0x6720] =	vst v63  }
0x23: {  	_ =	swait.ge [sflag:s15], $0x3200  }
0x24: {  	[sflag:s15] =	ssyncset.done $0x0  }
0x25: {  	[sflag:s15] =	ssyncadd.s32 $0xFFFFCE00  }
0x26: {  	s20 =	simm.s32 $0x64;
	s21 =	simm.s32 $0xC8;
	_ =	swait.ge [sflag:s16], $0x3200  }
0x27: {  	s19 =	sadd.s32 $0xC80, s5;
	s18 =	sadd.s32 $0xC80, s7;
	[sflag:s16] =	ssyncset.done $0x0  }
.LBB2_2:
0x28: {  	s22 =	sadd.s32 s20, s6  }
0x29: {  	[sflag:s16] =	ssyncadd.s32 $0xFFFFCE00;
	s23 =	smov.u32 s21;
	s24 =	sadd.s32 $0x64, s21  }
0x2a: {  	[tilespmem:s2], [sflag:$0x5] =	stream.linear.gather [hbm4b:s22+s2], $0x190, $0x38;
	[tilespmem:$0x6720] =	vst v63  }
0x2b: {  	p0 =	sne.s32 s21, $0x1F4;
	_ =	swait.ge [sflag:s9], $0x190  }
0x2c: {  	[sflag:s9] =	ssyncset.done $0x0  }
0x2d: {  	[sflag:s9] =	ssyncadd.s32 $0xFFFFFE70  }
0x2e: {  	[tilespmem:s11], [sflag:$0x1] =	stream.indirect.gather [hbm4b:s3+s10], $0x20, s2, s10, $0xb8;
	[tilespmem:$0x6720] =	vst v63  }
0x2f: {  	s21 =	sadd.s32 s20, s8;
	s20 =	smov.u32 s23  }
0x30: {  	[tilespmem:s10], [sflag:$0x5] =	stream.linear.gather [hbm4b:s21+s2], $0x190, $0x38;
	[tilespmem:$0x6720] =	vst v63  }
0x31: {  	_ =	swait.ge [sflag:s9], $0x190  }
0x32: {  	[sflag:s9] =	ssyncset.done $0x0  }
0x33: {  	[sflag:s9] =	ssyncadd.s32 $0xFFFFFE70  }
0x34: {  	[tilespmem:s12], [sflag:$0x2] =	stream.indirect.gather [hbm4b:s3+s10], $0x20, s10, s10, $0xb8;
	[tilespmem:$0x6720] =	vst v63  }
0x35: {  	_ =	swait.ge [sflag:s13], $0x3200  }
0x36: {  	[sflag:s13] =	ssyncset.done $0x0  }
0x37: {  	[sflag:s13] =	ssyncadd.s32 $0xFFFFCE00  }
0x38: {  	[hbm4b:s19+s2] =	stream.linear.scatter [tilespmem:s11], [sflag:$0x3], $0x3200, $0x38;
	[tilespmem:$0x6720] =	vst v63  }
0x39: {  	_ =	swait.ge [sflag:s14], $0x3200  }
0x3a: {  	[sflag:s14] =	ssyncset.done $0x0  }
0x3b: {  	[sflag:s14] =	ssyncadd.s32 $0xFFFFCE00  }
0x3c: {  	[hbm4b:s18+s2] =	stream.linear.scatter [tilespmem:s12], [sflag:$0x4], $0x3200, $0x38;
	[tilespmem:$0x6720] =	vst v63  }
.Ltmp0:
0x3d: {  	_ =	swait.ge [sflag:s15], $0x3200;
	(pc) =	sbr.rel @p0 .LBB2_2-.Ltmp0, $4  }
0x3e: {  	[sflag:s15] =	ssyncset.done $0x0  }
0x3f: {  	[sflag:s15] =	ssyncadd.s32 $0xFFFFCE00  }
0x40: {  	s21 =	smov.u32 s24;
	_ =	swait.ge [sflag:s16], $0x3200  }
0x41: {  	s19 =	sadd.s32 $0xC80, s19;
	s18 =	sadd.s32 $0xC80, s18;
	[sflag:s16] =	ssyncset.done $0x0  }
0x42: {  	s21 =	sadd.s32 s20, s6;
	[sflag:s16] =	ssyncadd.s32 $0xFFFFCE00  }
0x43: {  	[tilespmem:s2], [sflag:$0x5] =	stream.linear.gather [hbm4b:s21+s2], $0x190, $0x38;
	[tilespmem:$0x6720] =	vst v63  }
0x44: {  	_ =	swait.ge [sflag:s9], $0x190  }
0x45: {  	[sflag:s9] =	ssyncset.done $0x0  }
0x46: {  	[sflag:s9] =	ssyncadd.s32 $0xFFFFFE70  }
0x47: {  	[tilespmem:s11], [sflag:$0x1] =	stream.indirect.gather [hbm4b:s3+s10], $0x20, s2, s10, $0xb8;
	[tilespmem:$0x6720] =	vst v63  }
0x48: {  	s31 =	sadd.s32 s20, s8  }
0x49: {  	[tilespmem:s10], [sflag:$0x5] =	stream.linear.gather [hbm4b:s31+s2], $0x190, $0x38;
	[tilespmem:$0x6720] =	vst v63  }
0x4a: {  	_ =	swait.ge [sflag:s9], $0x190  }
0x4b: {  	[sflag:s9] =	ssyncset.done $0x0  }
0x4c: {  	[sflag:s9] =	ssyncadd.s32 $0xFFFFFE70  }
0x4d: {  	[tilespmem:s12], [sflag:$0x2] =	stream.indirect.gather [hbm4b:s3+s10], $0x20, s10, s10, $0xb8;
	[tilespmem:$0x6720] =	vst v63  }
0x4e: {  	_ =	swait.ge [sflag:s13], $0x3200  }
0x4f: {  	[sflag:s13] =	ssyncset.done $0x0  }
0x50: {  	[sflag:s13] =	ssyncadd.s32 $0xFFFFCE00  }
0x51: {  	[hbm4b:s19+s2] =	stream.linear.scatter [tilespmem:s11], [sflag:$0x3], $0x3200, $0x38;
	[tilespmem:$0x6720] =	vst v63  }
0x52: {  	_ =	swait.ge [sflag:s14], $0x3200  }
0x53: {  	[sflag:s14] =	ssyncset.done $0x0  }
0x54: {  	s17 =	sadd.s32 $0x1, s17;
	[sflag:s14] =	ssyncadd.s32 $0xFFFFCE00  }
0x55: {  	[hbm4b:s18+s2] =	stream.linear.scatter [tilespmem:s12], [sflag:$0x4], $0x3200, $0x38;
	[tilespmem:$0x6720] =	vst v63  }
0x56: {  	p0 =	sne.s32 s17, s4;
	_ =	swait.ge [sflag:s15], $0x3200  }
.Ltmp1:
0x57: {  	[sflag:s15] =	ssyncset.done $0x0;
	(pc) =	sbr.rel @p0 .LBB2_1-.Ltmp1, $4  }
0x58: {  	[sflag:s15] =	ssyncadd.s32 $0xFFFFCE00  }
0x59: {  	_ =	swait.ge [sflag:s16], $0x3200  }
0x5a: {  	[sflag:s16] =	ssyncset.done $0x0  }
0x5b: {  	[sflag:s16] =	ssyncadd.s32 $0xFFFFCE00  }
0x5c: {  	_ =	sfence.sel $0x180000  }
0x5d: {  	[bflag:$0x0] =	sbarrier.arrive $0xFFFF  }
0x5e: {  	p0 =	sne.s32 s1, $0x0;
	_ =	strace $0x9000004D  }
0x5f: {  	s0 =	sadd.s32 @!p0 $0x100000, s0;
	[bflag:$0x2] =	sbarrier.arrive $0xFFFF  }
0x60: {  	[sflag:s0] =	ssyncadd.tile.s32 @!p0 $0x1;
	_ =	shalt  }
.Lfunc_end2:
_tile_overlayer_lowered:
.L_overlay_start_2:
0x61: {  	(tag) =	ssettag $0x2  }
0x62: {  	s0 =	rddreg [dreg:$0x0];
	s2 =	stileid.u32  }
0x63: {  	s1 =	rddreg [dreg:$0x1];
	p0 =	sne.s32 s2, $0x0  }
0x64: {  	s3 =	rddreg [dreg:$0x2];
	[bflag:$0x3] =	sbarrier.arrive $0xFFFF;
	s2 =	simm.s32 @!p0 $0x1C05  }
0x65: {  	[timem:s3], [sflag:s2] =	dma.local @!p0 [hbm:s0], s1  }
0x66: {  	s0 =	simm.s32 @!p0 $0x5  }
0x67: {  	_ =	swait.ge @!p0 [sflag:s0], s1  }
0x68: {  	s1 =	ssub.s32 @!p0 $0x0, s1;
	[sflag:s0] =	ssyncset.done @!p0 $0x0  }
0x69: {  	[sflag:s0] =	ssyncadd.s32 @!p0 s1  }
0x6a: {  	[bflag:$0x3] =	sbarrier.arrive $0xFFFF  }
0x6b: {  	_ =	shalt  }

// kernel: kernel.19.cloned.1.call-start
scs
__scs_entry_jumppad:
0x0: {  	(pc) =	sbr.rel $0x88, $3  }
0x1: {  	(tag) =	ssettag $0x0;
	lr =	simm.s32 $0x1  }
0x2: {  	[smem:$0x3F91] =	sst lr;
	_ =	strace $0xD0000000  }
0x3: {  	_ = 	snop  }
0x4: {  	_ = 	snop  }
0x5: {  	_ = 	snop  }
0x6: {  	_ = 	snop  }
0x7: {  	_ = 	snop  }
__scs_overlays_trampoline_lowered:
0x8: {  	[smem:$0x3FA0] =	sst s0  }
0x9: {  	[smem:$0x3FA1] =	sst s1  }
0xa: {  	[smem:$0x3FA2] =	sst s2  }
0xb: {  	[smem:$0x3FA3] =	sst s3  }
0xc: {  	[smem:$0x3FA4] =	sst s4  }
0xd: {  	[smem:$0x3FA5] =	sst s5  }
0xe: {  	[smem:$0x3FA6] =	sst s6  }
0xf: {  	[smem:$0x3FA7] =	sst s7  }
0x10: {  	[smem:$0x3FA8] =	sst s8  }
0x11: {  	[smem:$0x3FA9] =	sst s9;
	s0 =	simm.s32 @!p0 $0x0  }
0x12: {  	s1 =	sld [smem:$0x3F8F];
	s0 =	simm.s32 @p0 $0x1  }
0x13: {  	[smem:$0x3FAA] =	sst s0;
	s0 =	simm.s32 @!p1 $0x0  }
0x14: {  	s2 =	sld [smem:$0x3F8E];
	s0 =	simm.s32 @p1 $0x1  }
0x15: {  	[smem:$0x3FAB] =	sst s0;
	s0 =	simm.s32 @!p2 $0x0  }
0x16: {  	s3 =	sld [smem:$0x3FDB];
	s0 =	simm.s32 @p2 $0x1  }
0x17: {  	s4 =	simm.s32 $0x1BF5;
	[smem:$0x3FAD] =	sst s0  }
0x18: {  	s0 =	sld [smem:$0x3F90];
	_ =	swait.ge [sflag:s4], $0x0  }
0x19: {  	s7 =	sld [smem:$0x3F91]  }
0x1a: {  	s8 =	sadd.s32 $0xFFFFE003, lr  }
0x1b: {  	s9 =	sadd.s32 $0xFFFFFEF7, lr;
	s5 =	simm.s32 $0xFFFFFFFF;
	p2 =	slt.u32 s8, $0xFFFFF086  }
0x1c: {  	p1 =	slt.u32 s9, $0xF7A;
	s5 =	simm.s32 @!p2 $0x0  }
0x1d: {  	s5 =	simm.s32 @p1 $0x1;
	p0 =	seq.s32 s7, s2  }
0x1e: {  	s7 =	smul.u32 @!p0 $0xF7A, s2;
	p2 =	seq.s32 @!p0 s5, $0x0  }
0x1f: {  	s9 =	smul.u32 $0xF7A, s1;
	s8 =	simm.s32 @!p0 $0x1BF5;
	p2 =	por !p2, p0  }
0x20: {  	[sflag:s8] =	ssyncset.s32 @!p0 $0xFFFFF086;
	s6 =	sadd.s32 @!p0 s3, s7;
	s7 =	simm.s32 @!p0 $0x108  }
0x21: {  	s3 =	sadd.s32 s3, s9;
	s6 =	sadd.s32 @!p0 $0x88, s6;
	s7 =	simm.s32 @p2 $0x1082  }
0x22: {  	[simem:s7], [sflag:s8] =	dma.local @!p0 [hbm:s6], $0xF7A  }
0x23: {  	s9 =	sor.u32 $0xD0000000, s2;
	s6 =	simm.s32 $0x108;
	_ =	swait.ge @!p0 [sflag:s8], $0x0  }
0x24: {  	s3 =	sadd.s32 $0x88, s3;
	s6 =	simm.s32 @!p1 $0x1082;
	[sflag:s4] =	ssyncset.s32 $0xFFFFF086  }
0x25: {  	[simem:s6], [sflag:s4] =	dma.local [hbm:s3], $0xF7A  }
0x26: {  	[smem:$0x3F91] =	sst s1;
	(tag) =	ssettag s2;
	_ =	strace s9  }
0x27: {  	s1 =	sld [smem:$0x3FA1]  }
0x28: {  	s2 =	sld [smem:$0x3FA2]  }
0x29: {  	s4 =	sld [smem:$0x3FA4]  }
0x2a: {  	p0 =	seq.s32 s5, $0x0;
	s5 =	sld [smem:$0x3FA5]  }
0x2b: {  	s6 =	sld [smem:$0x3FA6]  }
0x2c: {  	s7 =	sld [smem:$0x3FA7]  }
0x2d: {  	s3 =	simm.s32 $0x108;
	s8 =	sld [smem:$0x3FA8]  }
0x2e: {  	s3 =	simm.s32 @!p0 $0x1082;
	s9 =	sld [smem:$0x3FA9]  }
0x2f: {  	lr =	sadd.s32 s0, s3;
	s0 =	sld [smem:$0x3FA0]  }
0x30: {  	s3 =	sld [smem:$0x3FA3]  }
0x31: {  	[smem:$0x3FAC] =	sst s10  }
0x32: {  	s10 =	sld [smem:$0x3FAA];
	_ =	sdelay $0x3  }
0x33: {  	p0 =	seq.s32 s10, $0x1;
	s10 =	sld [smem:$0x3FAC];
	_ =	sdelay $0x3  }
0x34: {  	[smem:$0x3FAC] =	sst s10  }
0x35: {  	s10 =	sld [smem:$0x3FAB];
	_ =	sdelay $0x3  }
0x36: {  	p1 =	seq.s32 s10, $0x1;
	s10 =	sld [smem:$0x3FAC];
	_ =	sdelay $0x3  }
0x37: {  	[smem:$0x3FAC] =	sst s10  }
0x38: {  	s10 =	sld [smem:$0x3FAD]  }
0x39: {  	_ = 	snop;
	(pc) =	sbr.ind lr, $3  }
0x3a: {  	_ = 	snop  }
0x3b: {  	_ = 	snop  }
0x3c: {  	p2 =	seq.s32 s10, $0x1;
	s10 =	sld [smem:$0x3FAC]  }
0x3d: {  	_ =	shalt  }
0x3e: {  	_ =	shalt  }
0x3f: {  	_ =	shalt  }
0x40: {  	_ =	shalt  }
0x41: {  	_ =	shalt  }
0x42: {  	_ =	shalt  }
0x43: {  	_ =	shalt  }
0x44: {  	_ =	shalt  }
0x45: {  	_ =	shalt  }
0x46: {  	_ =	shalt  }
0x47: {  	_ =	shalt  }
0x48: {  	_ =	shalt  }
0x49: {  	_ =	shalt  }
0x4a: {  	_ =	shalt  }
0x4b: {  	_ =	shalt  }
0x4c: {  	_ =	shalt  }
0x4d: {  	_ =	shalt  }
0x4e: {  	_ =	shalt  }
0x4f: {  	_ =	shalt  }
0x50: {  	_ =	shalt  }
0x51: {  	_ =	shalt  }
0x52: {  	_ =	shalt  }
0x53: {  	_ =	shalt  }
0x54: {  	_ =	shalt  }
0x55: {  	_ =	shalt  }
0x56: {  	_ =	shalt  }
0x57: {  	_ =	shalt  }
0x58: {  	_ =	shalt  }
0x59: {  	_ =	shalt  }
0x5a: {  	_ =	shalt  }
0x5b: {  	_ =	shalt  }
0x5c: {  	_ =	shalt  }
0x5d: {  	_ =	shalt  }
0x5e: {  	_ =	shalt  }
0x5f: {  	_ =	shalt  }
0x60: {  	_ =	shalt  }
0x61: {  	_ =	shalt  }
0x62: {  	_ =	shalt  }
0x63: {  	_ =	shalt  }
0x64: {  	_ =	shalt  }
0x65: {  	_ =	shalt  }
0x66: {  	_ =	shalt  }
0x67: {  	_ =	shalt  }
0x68: {  	_ =	shalt  }
0x69: {  	_ =	shalt  }
0x6a: {  	_ =	shalt  }
0x6b: {  	_ =	shalt  }
0x6c: {  	_ =	shalt  }
0x6d: {  	_ =	shalt  }
0x6e: {  	_ =	shalt  }
0x6f: {  	_ =	shalt  }
0x70: {  	_ =	shalt  }
0x71: {  	_ =	shalt  }
0x72: {  	_ =	shalt  }
0x73: {  	_ =	shalt  }
0x74: {  	_ =	shalt  }
0x75: {  	_ =	shalt  }
0x76: {  	_ =	shalt  }
0x77: {  	_ =	shalt  }
0x78: {  	_ =	shalt  }
0x79: {  	_ =	shalt  }
0x7a: {  	_ =	shalt  }
0x7b: {  	_ =	shalt  }
0x7c: {  	_ =	shalt  }
0x7d: {  	_ =	shalt  }
0x7e: {  	_ =	shalt  }
0x7f: {  	_ =	shalt  }
0x80: {  	_ =	shalt  }
0x81: {  	_ =	shalt  }
0x82: {  	_ =	shalt  }
0x83: {  	_ =	shalt  }
0x84: {  	_ =	shalt  }
0x85: {  	_ =	shalt  }
0x86: {  	_ =	shalt  }
0x87: {  	_ =	shalt  }
.Lfunc_end0:
.L_simem_size_0:
called_computation.3_lowered:
.L_overlay_start_0:
0x88: {  	s2 =	sld [smem:$0x3FD9]  }
0x89: {  	s3 =	sld [smem:$0x3FFE];
	_ =	sdelay $0x1  }
0x8a: {  	s1 =	srdreg.scid  }
0x8b: {  	s0 =	sand.u32 $0x1, s1  }
0x8c: {  	s17 =	sshll.u32 s0, $0xA;
	s2 =	sadd.s32 s3, s2  }
0x8d: {  	s2 =	sadd.s32 s2, s17  }
0x8e: {  	[smem:$0x3FB8] =	sst s2  }
0x8f: {  	_ = 	snop  }
0x90: {  	(tm) =	ssettm $0x1  }
0x91: {  	s18 =	sld [smem:$0x3FFB];
	_ =	sdelay $0x3  }
0x92: {  	_ =	strace s18  }
0x93: {  	s2 =	sld [smem:$0x3FFC];
	_ =	sdelay $0x3  }
0x94: {  	_ =	strace s2  }
0x95: {  	s2 =	sld [smem:$0x3FFD];
	_ =	sdelay $0x3  }
0x96: {  	_ =	strace s2  }
0x97: {  	_ =	strace $0x8FFFFFFF  }
0x98: {  	s19 =	sld [smem:$0x3FDB];
	_ =	sdelay $0x1  }
0x99: {  	s20 =	simm.s32 $_scs_section_size  }
0x9a: {  	s4 =	simm.s32 $_size__tile_overlayer_lowered;
	s5 =	simm.s32 $_tile_overlayer_lowered  }
0x9b: {  	s6 =	simm.s32 $0x1BFF;
	s21 =	sshll.u32 s5, $0x1;
	s3 =	sadd.s32 s20, s19  }
0x9c: {  	s22 =	simm.s32 $0x0;
	s4 =	sshll.u32 s4, $0x1;
	s5 =	sadd.s32 s21, s3  }
0x9d: {  	[timem:s22], [sflag:s6] =	dma.local [hbm:s5], s4  }
0x9e: {  	_ =	swait.ge [sflag:s6], s4  }
0x9f: {  	s4 =	ssub.s32 $0x0, s4;
	[sflag:s6] =	ssyncset.done $0x0  }
0xa0: {  	[sflag:s6] =	ssyncadd.s32 s4;
	_ =	sdelay $0x1  }
0xa1: {  	s23 =	simm.s32 $0x1B8B  }
0xa2: {  	_ =	swait.ge [sflag:s23], $0x1  }
0xa3: {  	[sflag:s23] =	ssyncset.done $0x0  }
0xa4: {  	[sflag:s23] =	ssyncadd.s32 $0xFFFFFFFF  }
0xa5: {  	s4 =	sld [smem:$0x0]  }
0xa6: {  	s5 =	sand.u32 $0xFFFFFFFE, s1  }
0xa7: {  	p0 =	sne.s32 s1, s5  }
0xa8: {  	s5 =	sshll.u32 @p0 s5, $0xE  }
0xa9: {  	s5 =	sadd.s32 @p0 $0x11B8D, s5;
	s6 =	sshll.u32 @p0 s4, $0x11  }
0xaa: {  	s5 =	sor.u32 @p0 s6, s5  }
0xab: {  	[sflag:s5] =	ssyncadd.remote.s32 @p0 $0x1;
	_ =	sdelay $0x1  }
0xac: {  	s5 =	simm.s32 @p0 $0x1B8D  }
0xad: {  	_ =	swait.eq @p0 [sflag:s5], $0x1  }
0xae: {  	[sflag:s5] =	ssyncadd.s32 @p0 $0xFFFFFFFF  }
0xaf: {  	s6 =	sshll.u32 @!p0 s1, $0xE  }
0xb0: {  	s6 =	sor.u32 @!p0 $0x4000, s6;
	s5 =	simm.s32 @!p0 $0x1B8D  }
0xb1: {  	s4 =	sshll.u32 @!p0 s4, $0x11;
	s6 =	sadd.s32 @!p0 $0x11B8D, s6;
	_ =	swait.eq @!p0 [sflag:s5], $0x1  }
0xb2: {  	s4 =	sor.u32 @!p0 s4, s6;
	[sflag:s5] =	ssyncadd.s32 @!p0 $0xFFFFFFFF  }
0xb3: {  	s25 =	simm.s32 $0x1B8E;
	s24 =	sld [smem:$0x3FFE];
	[sflag:s4] =	ssyncadd.remote.s32 @!p0 $0x1  }
0xb4: {  	s26 =	simm.s32 $execute0_lowered;
	[smem:$0x3FD2] =	sst s25  }
0xb5: {  	s5 =	sshll.u32 s26, $0x1;
	_ =	strace $0x8000004F;
	[dreg:$0x1] =	wrdreg $0xFFFFFFFF  }
0xb6: {  	s28 =	simm.s32 $_size_execute0_lowered;
	s3 =	sadd.s32 s3, s5;
	[dreg:$0x0] =	wrdreg $0x0  }
0xb7: {  	s5 =	sshll.u32 s28, $0x1;
	[dreg:$0x2] =	wrdreg s3  }
0xb8: {  	[dreg:$0x3] =	wrdreg s5  }
0xb9: {  	[dreg:$0x4] =	wrdreg $0xC0  }
0xba: {  	_ =	task [dreg:s22], $0x5FFFF  }
0xbb: {  	[dreg:$0x1] =	wrdreg $0xFFFFFFFF  }
0xbc: {  	[dreg:$0x0] =	wrdreg $0x60  }
0xbd: {  	[dreg:$0x2] =	wrdreg s24  }
0xbe: {  	[dreg:$0x3] =	wrdreg $0xA  }
0xbf: {  	_ =	task.clear_ibuf [dreg:s22], $0x4FFFF;
	_ =	strace $0x9000004F  }
0xc0: {  	s29 =	simm.s32 $0xA;
	_ =	strace $0x80000051  }
0xc1: {  	_ =	swait.ge [sflag:s29], $0x1  }
0xc2: {  	[sflag:s29] =	ssyncadd.s32 $0xFFFFFFFF  }
0xc3: {  	_ =	strace $0x90000051  }
0xc4: {  	_ =	sfence  }
0xc5: {  	s30 =	sld [smem:$0x0];
	_ =	sdelay $0x2  }
0xc6: {  	s31 =	sshll.u32 s1, $0xD;
	s1 =	sshrl.u32 s1, $0x2  }
0xc7: {  	s4 =	sand.u32 $0x4000, s31;
	s1 =	sadd.s32 s1, s30  }
0xc8: {  	s0 =	sor.u32 s4, s0;
	s1 =	sshll.u32 s1, $0x11  }
0xc9: {  	s0 =	sor.u32 s1, s0  }
0xca: {  	s0 =	sadd.s32 $0x8F2B, s0  }
0xcb: {  	[sflag:s0] =	ssyncadd.remote.s32 $0x1  }
0xcc: {  	_ =	sfence.sel $0xFFFF  }
0xcd: {  	[dreg:$0x0] =	wrdreg $0xFFFFFFFF;
	(pc) =	sbr.abs _section_cstart, $3  }
0xce: {  	[dreg:$0x1] =	wrdreg $0xFFFFFFFF  }
0xcf: {  	_ =	task.clear_ibuf [dreg:s22], $0x2FFFF;
	_ =	strace $0x9FFFFFFF  }
0xd0: {  	(tm) =	ssettm $0x7FFFFFFF  }
0xd1: {  	_ =	shalt  }
tec
execute0_lowered:
.L_overlay_start_1:
0x0: {  	(tag) =	ssettag $0x1  }
0x1: {  	s4 =	rddreg [dreg:$0x0]  }
0x2: {  	s0 =	rddreg [dreg:$0x1]  }
0x3: {  	s2 =	simm.s32 $0x0;
	s3 =	srdreg.scid;
	s1 =	stileid.u32  }
0x4: {  	s12 =	simm.s32 $0x3520;
	s13 =	simm.s32 $0x1;
	s14 =	simm.s32 $0x2  }
0x5: {  	s15 =	simm.s32 $0x3;
	s16 =	simm.s32 $0x4;
	s17 =	simm.s32 $0x0  }
0x6: {  	[smem:$0x7FF] =	sst s2;
	s5 =	sand.u32 $0x1, s3;
	s6 =	smul.u32 $0x2710, s1  }
0x7: {  	s8 =	sadd.s32 $0x7000, s4;
	s3 =	sadd.s32 $0x33400, s4;
	s11 =	smul.u32 $0x9C40, s1  }
0x8: {  	s9 =	sadd.s32 $0xD9600, s4;
	s7 =	smul.u32 $0x1388, s5;
	s29 =	ssub.s32 $0x2, s5  }
0x9: {  	_ =	strace $0x80000050;
	s5 =	smul.u32 $0x4E20, s5;
	s10 =	sshrl.u32 s29, $0x1  }
0xa: {  	s30 =	sadd.s32 s11, s9;
	s11 =	simm.s32 $0x320;
	s6 =	sadd.s32 s7, s6  }
0xb: {  	s4 =	ssub.s32 s29, s10;
	s5 =	sadd.s32 s5, s30;
	s7 =	sadd.s32 $0x190, s6  }
0xc: {  	s10 =	simm.s32 $0x190;
	s6 =	sshrl.u32 s6, $0x3;
	s31 =	sshrl.u32 s7, $0x3  }
0xd: {  	s4 =	smax.u32 s4, $0x1;
	s6 =	sadd.s32 s6, s8;
	s7 =	sshll.u32 s31, $0x5  }
0xe: {  	s8 =	sadd.s32 s31, s8;
	s7 =	sadd.s32 s7, s9;
	s9 =	simm.s32 $0x5  }
.LBB2_1:
0xf: {  	s18 =	sadd.s32 $0x0, s6  }
0x10: {  	[tilespmem:s2], [sflag:$0x5] =	stream.linear.gather [hbm4b:s18+s2], $0x190, $0x38;
	[tilespmem:$0x6720] =	vst v63  }
0x11: {  	_ =	swait.ge [sflag:s9], $0x190  }
0x12: {  	[sflag:s9] =	ssyncset.done $0x0  }
0x13: {  	[sflag:s9] =	ssyncadd.s32 $0xFFFFFE70  }
0x14: {  	[tilespmem:s11], [sflag:$0x1] =	stream.indirect.gather [hbm4b:s3+s10], $0x20, s2, s10, $0xb8;
	[tilespmem:$0x6720] =	vst v63  }
0x15: {  	s31 =	sadd.s32 $0x0, s8  }
0x16: {  	[tilespmem:s10], [sflag:$0x5] =	stream.linear.gather [hbm4b:s31+s2], $0x190, $0x38;
	[tilespmem:$0x6720] =	vst v63  }
0x17: {  	_ =	swait.ge [sflag:s9], $0x190  }
0x18: {  	[sflag:s9] =	ssyncset.done $0x0  }
0x19: {  	[sflag:s9] =	ssyncadd.s32 $0xFFFFFE70  }
0x1a: {  	[tilespmem:s12], [sflag:$0x2] =	stream.indirect.gather [hbm4b:s3+s10], $0x20, s10, s10, $0xb8;
	[tilespmem:$0x6720] =	vst v63  }
0x1b: {  	_ =	swait.ge [sflag:s13], $0x3200  }
0x1c: {  	[sflag:s13] =	ssyncset.done $0x0  }
0x1d: {  	[sflag:s13] =	ssyncadd.s32 $0xFFFFCE00  }
0x1e: {  	[hbm4b:s5+s2] =	stream.linear.scatter [tilespmem:s11], [sflag:$0x3], $0x3200, $0x38;
	[tilespmem:$0x6720] =	vst v63  }
0x1f: {  	_ =	swait.ge [sflag:s14], $0x3200  }
0x20: {  	[sflag:s14] =	ssyncset.done $0x0  }
0x21: {  	[sflag:s14] =	ssyncadd.s32 $0xFFFFCE00  }
0x22: {  	[hbm4b:s7+s2] =	stream.linear.scatter [tilespmem:s12], [sflag:$0x4], $0x3200, $0x38;
	[tilespmem:$0x6720] =	vst v63  }
0x23: {  	_ =	swait.ge [sflag:s15], $0x3200  }
0x24: {  	[sflag:s15] =	ssyncset.done $0x0  }
0x25: {  	[sflag:s15] =	ssyncadd.s32 $0xFFFFCE00  }
0x26: {  	s20 =	simm.s32 $0x64;
	s21 =	simm.s32 $0xC8;
	_ =	swait.ge [sflag:s16], $0x3200  }
0x27: {  	s19 =	sadd.s32 $0xC80, s5;
	s18 =	sadd.s32 $0xC80, s7;
	[sflag:s16] =	ssyncset.done $0x0  }
.LBB2_2:
0x28: {  	s22 =	sadd.s32 s20, s6  }
0x29: {  	[sflag:s16] =	ssyncadd.s32 $0xFFFFCE00;
	s23 =	smov.u32 s21;
	s24 =	sadd.s32 $0x64, s21  }
0x2a: {  	[tilespmem:s2], [sflag:$0x5] =	stream.linear.gather [hbm4b:s22+s2], $0x190, $0x38;
	[tilespmem:$0x6720] =	vst v63  }
0x2b: {  	p0 =	sne.s32 s21, $0x1F4;
	_ =	swait.ge [sflag:s9], $0x190  }
0x2c: {  	[sflag:s9] =	ssyncset.done $0x0  }
0x2d: {  	[sflag:s9] =	ssyncadd.s32 $0xFFFFFE70  }
0x2e: {  	[tilespmem:s11], [sflag:$0x1] =	stream.indirect.gather [hbm4b:s3+s10], $0x20, s2, s10, $0xb8;
	[tilespmem:$0x6720] =	vst v63  }
0x2f: {  	s21 =	sadd.s32 s20, s8;
	s20 =	smov.u32 s23  }
0x30: {  	[tilespmem:s10], [sflag:$0x5] =	stream.linear.gather [hbm4b:s21+s2], $0x190, $0x38;
	[tilespmem:$0x6720] =	vst v63  }
0x31: {  	_ =	swait.ge [sflag:s9], $0x190  }
0x32: {  	[sflag:s9] =	ssyncset.done $0x0  }
0x33: {  	[sflag:s9] =	ssyncadd.s32 $0xFFFFFE70  }
0x34: {  	[tilespmem:s12], [sflag:$0x2] =	stream.indirect.gather [hbm4b:s3+s10], $0x20, s10, s10, $0xb8;
	[tilespmem:$0x6720] =	vst v63  }
0x35: {  	_ =	swait.ge [sflag:s13], $0x3200  }
0x36: {  	[sflag:s13] =	ssyncset.done $0x0  }
0x37: {  	[sflag:s13] =	ssyncadd.s32 $0xFFFFCE00  }
0x38: {  	[hbm4b:s19+s2] =	stream.linear.scatter [tilespmem:s11], [sflag:$0x3], $0x3200, $0x38;
	[tilespmem:$0x6720] =	vst v63  }
0x39: {  	_ =	swait.ge [sflag:s14], $0x3200  }
0x3a: {  	[sflag:s14] =	ssyncset.done $0x0  }
0x3b: {  	[sflag:s14] =	ssyncadd.s32 $0xFFFFCE00  }
0x3c: {  	[hbm4b:s18+s2] =	stream.linear.scatter [tilespmem:s12], [sflag:$0x4], $0x3200, $0x38;
	[tilespmem:$0x6720] =	vst v63  }
.Ltmp0:
0x3d: {  	_ =	swait.ge [sflag:s15], $0x3200;
	(pc) =	sbr.rel @p0 .LBB2_2-.Ltmp0, $4  }
0x3e: {  	[sflag:s15] =	ssyncset.done $0x0  }
0x3f: {  	[sflag:s15] =	ssyncadd.s32 $0xFFFFCE00  }
0x40: {  	s21 =	smov.u32 s24;
	_ =	swait.ge [sflag:s16], $0x3200  }
0x41: {  	s19 =	sadd.s32 $0xC80, s19;
	s18 =	sadd.s32 $0xC80, s18;
	[sflag:s16] =	ssyncset.done $0x0  }
0x42: {  	s21 =	sadd.s32 s20, s6;
	[sflag:s16] =	ssyncadd.s32 $0xFFFFCE00  }
0x43: {  	[tilespmem:s2], [sflag:$0x5] =	stream.linear.gather [hbm4b:s21+s2], $0x190, $0x38;
	[tilespmem:$0x6720] =	vst v63  }
0x44: {  	_ =	swait.ge [sflag:s9], $0x190  }
0x45: {  	[sflag:s9] =	ssyncset.done $0x0  }
0x46: {  	[sflag:s9] =	ssyncadd.s32 $0xFFFFFE70  }
0x47: {  	[tilespmem:s11], [sflag:$0x1] =	stream.indirect.gather [hbm4b:s3+s10], $0x20, s2, s10, $0xb8;
	[tilespmem:$0x6720] =	vst v63  }
0x48: {  	s31 =	sadd.s32 s20, s8  }
0x49: {  	[tilespmem:s10], [sflag:$0x5] =	stream.linear.gather [hbm4b:s31+s2], $0x190, $0x38;
	[tilespmem:$0x6720] =	vst v63  }
0x4a: {  	_ =	swait.ge [sflag:s9], $0x190  }
0x4b: {  	[sflag:s9] =	ssyncset.done $0x0  }
0x4c: {  	[sflag:s9] =	ssyncadd.s32 $0xFFFFFE70  }
0x4d: {  	[tilespmem:s12], [sflag:$0x2] =	stream.indirect.gather [hbm4b:s3+s10], $0x20, s10, s10, $0xb8;
	[tilespmem:$0x6720] =	vst v63  }
0x4e: {  	_ =	swait.ge [sflag:s13], $0x3200  }
0x4f: {  	[sflag:s13] =	ssyncset.done $0x0  }
0x50: {  	[sflag:s13] =	ssyncadd.s32 $0xFFFFCE00  }
0x51: {  	[hbm4b:s19+s2] =	stream.linear.scatter [tilespmem:s11], [sflag:$0x3], $0x3200, $0x38;
	[tilespmem:$0x6720] =	vst v63  }
0x52: {  	_ =	swait.ge [sflag:s14], $0x3200  }
0x53: {  	[sflag:s14] =	ssyncset.done $0x0  }
0x54: {  	s17 =	sadd.s32 $0x1, s17;
	[sflag:s14] =	ssyncadd.s32 $0xFFFFCE00  }
0x55: {  	[hbm4b:s18+s2] =	stream.linear.scatter [tilespmem:s12], [sflag:$0x4], $0x3200, $0x38;
	[tilespmem:$0x6720] =	vst v63  }
0x56: {  	p0 =	sne.s32 s17, s4;
	_ =	swait.ge [sflag:s15], $0x3200  }
.Ltmp1:
0x57: {  	[sflag:s15] =	ssyncset.done $0x0;
	(pc) =	sbr.rel @p0 .LBB2_1-.Ltmp1, $4  }
0x58: {  	[sflag:s15] =	ssyncadd.s32 $0xFFFFCE00  }
0x59: {  	_ =	swait.ge [sflag:s16], $0x3200  }
0x5a: {  	[sflag:s16] =	ssyncset.done $0x0  }
0x5b: {  	[sflag:s16] =	ssyncadd.s32 $0xFFFFCE00  }
0x5c: {  	_ =	sfence.sel $0x180000  }
0x5d: {  	[bflag:$0x0] =	sbarrier.arrive $0xFFFF  }
0x5e: {  	p0 =	sne.s32 s1, $0x0;
	_ =	strace $0x90000050  }
0x5f: {  	s0 =	sadd.s32 @!p0 $0x100000, s0;
	[bflag:$0x2] =	sbarrier.arrive $0xFFFF  }
0x60: {  	[sflag:s0] =	ssyncadd.tile.s32 @!p0 $0x1;
	_ =	shalt  }
.Lfunc_end2:
_tile_overlayer_lowered:
.L_overlay_start_2:
0x61: {  	(tag) =	ssettag $0x2  }
0x62: {  	s0 =	rddreg [dreg:$0x0];
	s2 =	stileid.u32  }
0x63: {  	s1 =	rddreg [dreg:$0x1];
	p0 =	sne.s32 s2, $0x0  }
0x64: {  	s3 =	rddreg [dreg:$0x2];
	[bflag:$0x3] =	sbarrier.arrive $0xFFFF;
	s2 =	simm.s32 @!p0 $0x1C05  }
0x65: {  	[timem:s3], [sflag:s2] =	dma.local @!p0 [hbm:s0], s1  }
0x66: {  	s0 =	simm.s32 @!p0 $0x5  }
0x67: {  	_ =	swait.ge @!p0 [sflag:s0], s1  }
0x68: {  	s1 =	ssub.s32 @!p0 $0x0, s1;
	[sflag:s0] =	ssyncset.done @!p0 $0x0  }
0x69: {  	[sflag:s0] =	ssyncadd.s32 @!p0 s1  }
0x6a: {  	[bflag:$0x3] =	sbarrier.arrive $0xFFFF  }
0x6b: {  	_ =	shalt  }

</sc_bundles>
